<compile_context>
chip_gen: v7x
topology: tpu7x:2x2x1
jax: 0.10.2.dev20260603
libtpu: 0.0.44.dev20260713+nightly
codegen_flags: <defaults>
</compile_context>

<pallas_src>
import jax
import jax.numpy as jnp
from jax import lax
from jax.experimental import pallas as pl
from jax.experimental.pallas import tpu as pltpu
from jax.experimental.pallas import tpu_sc as plsc

N_BINS = 10
L = 16
NC = 2
NS = 16
NW = NC * NS
N_TOTAL = 64 * 512 * 512
PER_W = N_TOTAL // NW
CHUNK = 16384
CROWS = CHUNK // 512
SLABS_PER_W = PER_W // (512 * 512)
CHUNKS_PER_SLAB = 512 // CROWS
NCHUNKS = PER_W // CHUNK
UNROLL = 4
HSIZE = 3 * N_BINS * L
BIG = 16777216.0


def _make_kernel():
    mesh = plsc.VectorSubcoreMesh(core_axis_name="c", subcore_axis_name="s")

    @pl.kernel(
        out_type=jax.ShapeDtypeStruct((NC, HSIZE), jnp.float32),
        mesh=mesh,
        compiler_params=pltpu.CompilerParams(needs_layout_passes=False),
        scratch_types=[
            pltpu.VMEM((CROWS, 512), jnp.float32),
            pltpu.VMEM((CROWS, 512), jnp.float32),
            pltpu.VMEM((CROWS, 512), jnp.float32),
            pltpu.VMEM((CROWS, 512), jnp.float32),
            pltpu.VMEM((HSIZE,), jnp.float32),
            pltpu.VMEM((NS * HSIZE,), jnp.float32),
            pltpu.VMEM((HSIZE,), jnp.float32),
            pltpu.VMEM_SHARED((NS * HSIZE,), jnp.float32),
            pltpu.SemaphoreType.DMA,
            pltpu.SemaphoreType.DMA,
        ],
    )
    def ece_kernel(o_hbm, l_hbm, out_hbm, ob0, ob1, lb0, lb1,
                   hist, acc, res, shared, sem0, sem1):
        cid = lax.axis_index("c")
        sid = lax.axis_index("s")
        wid = sid * NC + cid

        zeros = jnp.zeros((L,), jnp.float32)
        for j in range(HSIZE // L):
            hist[pl.ds(j * L, L)] = zeros

        def issue(g, obuf, lbuf, sem):
            slab = wid * SLABS_PER_W + (g >> 4)
            row0 = (g & (CHUNKS_PER_SLAB - 1)) * CROWS
            pltpu.async_copy(o_hbm.at[slab, pl.ds(row0, CROWS)], obuf, sem)
            pltpu.async_copy(l_hbm.at[slab, pl.ds(row0, CROWS)], lbuf, sem)

        def wait(obuf, lbuf, sem):
            pltpu.make_async_copy(o_hbm.at[0, pl.ds(0, CROWS)], obuf, sem).wait()
            pltpu.make_async_copy(l_hbm.at[0, pl.ds(0, CROWS)], lbuf, sem).wait()

        def compute(obuf, lbuf):
            @plsc.parallel_loop(0, CHUNK // L, unroll=UNROLL,
                                carry=(zeros,) * 10)
            def accs(i, accs):
                tp, t6, t7, t8, t9, ye, c6, c7, c8, c9 = accs
                r = i >> 5
                coff = (i & 31) * L
                o = obuf[r, pl.ds(coff, L)]
                lv = lbuf[r, pl.ds(coff, L)]
                om = 1.0 - o
                p = jnp.maximum(o, om)
                pf = p * 10.0
                z = (o - 0.5) * (lv - 0.5)
                eqf = jnp.minimum(jnp.maximum(z * BIG, 0.0), 1.0)
                w = eqf * 4096.0 + 1.0
                d6 = jnp.maximum(pf - 6.0, 0.0)
                d7 = jnp.maximum(pf - 7.0, 0.0)
                d8 = jnp.maximum(pf - 8.0, 0.0)
                d9 = jnp.maximum(pf - 9.0, 0.0)
                tp = tp + pf
                ye = ye + w
                t6 = t6 + d6
                t7 = t7 + d7
                t8 = t8 + d8
                t9 = t9 + d9
                c6 = c6 + jnp.minimum(d6 * BIG, 1.0) * w
                c7 = c7 + jnp.minimum(d7 * BIG, 1.0) * w
                c8 = c8 + jnp.minimum(d8 * BIG, 1.0) * w
                c9 = c9 + jnp.minimum(d9 * BIG, 1.0) * w
                return tp, t6, t7, t8, t9, ye, c6, c7, c8, c9

            tp, t6, t7, t8, t9, ye, c6, c7, c8, c9 = accs

            def unpack(v):
                corr = (v * (1.0 / 4096.0)).astype(jnp.int32)
                corr = corr.astype(jnp.float32)
                return corr, v - corr * 4096.0

            nvec = float(CHUNK // L)
            ycum = [None] * 5
            ccum = [None] * 5
            ycum[0], ccum[0] = unpack(ye)
            ccum[0] = jnp.full((L,), nvec, jnp.float32)
            for k, yck in enumerate((c6, c7, c8, c9)):
                ycum[k + 1], ccum[k + 1] = unpack(yck)
            acum = [tp,
                    t6 + 6.0 * ccum[1],
                    t7 + 7.0 * ccum[2],
                    t8 + 8.0 * ccum[3],
                    t9 + 9.0 * ccum[4]]
            for j in range(5):
                b = 5 + j
                anext = acum[j + 1] if j < 4 else 0.0
                ynext = ycum[j + 1] if j < 4 else 0.0
                cnext = ccum[j + 1] if j < 4 else 0.0
                hist[pl.ds(b * L, L)] = (
                    hist[pl.ds(b * L, L)] + (acum[j] - anext) * 0.1)
                hist[pl.ds((N_BINS + b) * L, L)] = (
                    hist[pl.ds((N_BINS + b) * L, L)] + (ycum[j] - ynext))
                hist[pl.ds((2 * N_BINS + b) * L, L)] = (
                    hist[pl.ds((2 * N_BINS + b) * L, L)] + (ccum[j] - cnext))

        issue(0, ob0, lb0, sem0)
        issue(1, ob1, lb1, sem1)

        def pair(i, carry):
            g0 = 2 * i
            wait(ob0, lb0, sem0)
            compute(ob0, lb0)

            @pl.when(g0 + 2 < NCHUNKS)
            def _():
                issue(g0 + 2, ob0, lb0, sem0)

            wait(ob1, lb1, sem1)
            compute(ob1, lb1)

            @pl.when(g0 + 3 < NCHUNKS)
            def _():
                issue(g0 + 3, ob1, lb1, sem1)

            return carry

        lax.fori_loop(0, NCHUNKS // 2, pair, 0)

        pltpu.sync_copy(hist, shared.at[pl.ds(sid * HSIZE, HSIZE)])
        plsc.subcore_barrier()

        @pl.when(sid == 0)
        def _():
            pltpu.sync_copy(shared, acc)
            for j in range(HSIZE // L):
                v = acc[pl.ds(j * L, L)]
                for r in range(1, NS):
                    v = v + acc[pl.ds(r * HSIZE + j * L, L)]
                res[pl.ds(j * L, L)] = v
            pltpu.sync_copy(res, out_hbm.at[cid])

    return ece_kernel


_ECE = _make_kernel()


def kernel(outputs, labels):
    parts = _ECE(outputs, labels)
    tot = parts.sum(axis=0).reshape(3, N_BINS, L).sum(axis=-1)
    return (tot[0:1], tot[1:2], tot[2:3])

# --- scband reference (transcript-rebuilt; emitter-appended) ---
"""Pipeline reference for scband-ece-51041391345835 (READ-ONLY COPY).

The authoritative reference and input builder live on the scoring server;
editing this copy changes nothing except your own understanding.
"""

import jax, jax.numpy as jnp
import numpy as np

N_BINS = 10
THRESHOLD = 0.5
THRESHOLD_DISCARD = 0.0


def setup_inputs(seed: int = 0) -> dict:
    key = jax.random.key(seed)
    k1, k2 = jax.random.split(key)
    outputs = jax.random.uniform(k1, (64, 512, 512), dtype=jnp.float32)
    labels = jax.random.uniform(k2, (64, 512, 512), dtype=jnp.float32)
    return {"outputs": outputs, "labels": labels}


def reference(outputs, labels):
    # ECE.update with adaptive=False, max_prob=True, only_class=None,
    # class_conditional=False, threshold=0.5, threshold_discard=0.0, n_bins=10.
    # Forward runs under no_grad in torch and updates the (1, n_bins) buffers
    # prob_sum / correct_sum / count starting from zeros; we return those buffers.
    o = outputs.reshape(-1)
    l = labels.reshape(-1)
    # threshold_discard filtering expressed as a weight (avoids boolean gather)
    relevant = (o >= THRESHOLD_DISCARD).astype(jnp.float32)
    y_true = (l > THRESHOLD).astype(jnp.float32)
    pred = (o > THRESHOLD).astype(jnp.float32)
    prob = jnp.stack([1.0 - o, o])           # (2, N)
    pred2 = jnp.stack([1.0 - pred, pred])    # (2, N)
    y2 = jnp.stack([1.0 - y_true, y_true])   # (2, N)
    # max_prob: keep only the predicted class per element
    idx = jnp.argmax(pred2, axis=0)          # (N,)
    prob_sum = jnp.zeros((1, N_BINS), dtype=jnp.float32)
    correct_sum = jnp.zeros((1, N_BINS), dtype=jnp.float32)
    count = jnp.zeros((1, N_BINS), dtype=jnp.float32)
    for c in range(2):
        w = relevant * (idx == c).astype(jnp.float32)
        p = prob[c]
        y = y2[c]
        # equal-width binning of probabilities into [0, 1]
        bins = jnp.clip(jnp.floor(p * N_BINS).astype(jnp.int32), 0, N_BINS - 1)
        prob_sum = prob_sum.at[0].add(jax.ops.segment_sum(p * w, bins, num_segments=N_BINS))
        correct_sum = correct_sum.at[0].add(jax.ops.segment_sum(y * w, bins, num_segments=N_BINS))
        count = count.at[0].add(jax.ops.segment_sum(w, bins, num_segments=N_BINS))
    return (prob_sum, correct_sum, count)

if __name__ == "__main__":
    import jax
    _d = setup_inputs()
    print(jax.jit(kernel)(*tuple(_d.values())))

</pallas_src>

<mosaic_0001>
#map = affine_map<(d0, d1) -> (0, 0, 0)>
#map1 = affine_map<(d0, d1) -> (0, 0)>
module attributes {stable_mosaic.version = 14 : i64} {
  func.func @ece_kernel(%arg0: i32, %arg1: i32, %arg2: memref<64x512x512xf32, #tpu.memory_space<hbm>>, %arg3: memref<64x512x512xf32, #tpu.memory_space<hbm>>, %arg4: memref<2x480xf32, #tpu.memory_space<hbm>>, %arg5: memref<32x512xf32, #tpu.memory_space<vmem>>, %arg6: memref<32x512xf32, #tpu.memory_space<vmem>>, %arg7: memref<32x512xf32, #tpu.memory_space<vmem>>, %arg8: memref<32x512xf32, #tpu.memory_space<vmem>>, %arg9: memref<480xf32, #tpu.memory_space<vmem>>, %arg10: memref<7680xf32, #tpu.memory_space<vmem>>, %arg11: memref<480xf32, #tpu.memory_space<vmem>>, %arg12: memref<7680xf32, #tpu.memory_space<vmem_shared>>, %arg13: memref<!tpu.dma_semaphore, #tpu.memory_space<semaphore_mem>>, %arg14: memref<!tpu.dma_semaphore, #tpu.memory_space<semaphore_mem>>) attributes {dimension_semantics = [#tpu.dimension_semantics<core_parallel>, #tpu.dimension_semantics<subcore_parallel>], iteration_bounds = array<i64: 2, 16>, scalar_prefetch = 0 : i64, scratch_operands = 10 : i64, tpu.core_type = #tpu.core_type<sc_vector_subcore>, window_params = [{transform_indices = #map}, {transform_indices = #map}, {transform_indices = #map1}]} {
    %mul3A = arith.constant 2 : i32
    %mul3A_0 = arith.muli %arg1, %mul3A : i32
    %add3A = arith.addi %mul3A_0, %arg0 : i32
    %broadcast_in_dim3A = arith.constant 0.000000e+00 : f32
    %broadcast_in_dim3A_1 = vector.broadcast %broadcast_in_dim3A : f32 to vector<16xf32>
    %swap3A = arith.constant 0 : index
    %swap3A_2 = tpu.vector_load %arg9[%swap3A] {strides = array<i32>} : memref<480xf32, #tpu.memory_space<vmem>>, vector<16xf32>,
    tpu.vector_store %arg9[%swap3A], %broadcast_in_dim3A_1 {strides = array<i32>} : memref<480xf32, #tpu.memory_space<vmem>>, vector<16xf32>,
    %swap3A_3 = arith.constant 16 : index
    %swap3A_4 = tpu.vector_load %arg9[%swap3A_3] {strides = array<i32>} : memref<480xf32, #tpu.memory_space<vmem>>, vector<16xf32>,
    tpu.vector_store %arg9[%swap3A_3], %broadcast_in_dim3A_1 {strides = array<i32>} : memref<480xf32, #tpu.memory_space<vmem>>, vector<16xf32>,
    %swap3A_5 = arith.constant 32 : index
    %swap3A_6 = tpu.vector_load %arg9[%swap3A_5] {strides = array<i32>} : memref<480xf32, #tpu.memory_space<vmem>>, vector<16xf32>,
    tpu.vector_store %arg9[%swap3A_5], %broadcast_in_dim3A_1 {strides = array<i32>} : memref<480xf32, #tpu.memory_space<vmem>>, vector<16xf32>,
    %swap3A_7 = arith.constant 48 : index
    %swap3A_8 = tpu.vector_load %arg9[%swap3A_7] {strides = array<i32>} : memref<480xf32, #tpu.memory_space<vmem>>, vector<16xf32>,
    tpu.vector_store %arg9[%swap3A_7], %broadcast_in_dim3A_1 {strides = array<i32>} : memref<480xf32, #tpu.memory_space<vmem>>, vector<16xf32>,
    %swap3A_9 = arith.constant 64 : index
    %swap3A_10 = tpu.vector_load %arg9[%swap3A_9] {strides = array<i32>} : memref<480xf32, #tpu.memory_space<vmem>>, vector<16xf32>,
    tpu.vector_store %arg9[%swap3A_9], %broadcast_in_dim3A_1 {strides = array<i32>} : memref<480xf32, #tpu.memory_space<vmem>>, vector<16xf32>,
    %swap3A_11 = arith.constant 80 : index
    %swap3A_12 = tpu.vector_load %arg9[%swap3A_11] {strides = array<i32>} : memref<480xf32, #tpu.memory_space<vmem>>, vector<16xf32>,
    tpu.vector_store %arg9[%swap3A_11], %broadcast_in_dim3A_1 {strides = array<i32>} : memref<480xf32, #tpu.memory_space<vmem>>, vector<16xf32>,
    %swap3A_13 = arith.constant 96 : index
    %swap3A_14 = tpu.vector_load %arg9[%swap3A_13] {strides = array<i32>} : memref<480xf32, #tpu.memory_space<vmem>>, vector<16xf32>,
    tpu.vector_store %arg9[%swap3A_13], %broadcast_in_dim3A_1 {strides = array<i32>} : memref<480xf32, #tpu.memory_space<vmem>>, vector<16xf32>,
    %swap3A_15 = arith.constant 112 : index
    %swap3A_16 = tpu.vector_load %arg9[%swap3A_15] {strides = array<i32>} : memref<480xf32, #tpu.memory_space<vmem>>, vector<16xf32>,
    tpu.vector_store %arg9[%swap3A_15], %broadcast_in_dim3A_1 {strides = array<i32>} : memref<480xf32, #tpu.memory_space<vmem>>, vector<16xf32>,
    %swap3A_17 = arith.constant 128 : index
    %swap3A_18 = tpu.vector_load %arg9[%swap3A_17] {strides = array<i32>} : memref<480xf32, #tpu.memory_space<vmem>>, vector<16xf32>,
    tpu.vector_store %arg9[%swap3A_17], %broadcast_in_dim3A_1 {strides = array<i32>} : memref<480xf32, #tpu.memory_space<vmem>>, vector<16xf32>,
    %swap3A_19 = arith.constant 144 : index
    %swap3A_20 = tpu.vector_load %arg9[%swap3A_19] {strides = array<i32>} : memref<480xf32, #tpu.memory_space<vmem>>, vector<16xf32>,
    tpu.vector_store %arg9[%swap3A_19], %broadcast_in_dim3A_1 {strides = array<i32>} : memref<480xf32, #tpu.memory_space<vmem>>, vector<16xf32>,
    %swap3A_21 = arith.constant 160 : index
    %swap3A_22 = tpu.vector_load %arg9[%swap3A_21] {strides = array<i32>} : memref<480xf32, #tpu.memory_space<vmem>>, vector<16xf32>,
    tpu.vector_store %arg9[%swap3A_21], %broadcast_in_dim3A_1 {strides = array<i32>} : memref<480xf32, #tpu.memory_space<vmem>>, vector<16xf32>,
    %swap3A_23 = arith.constant 176 : index
    %swap3A_24 = tpu.vector_load %arg9[%swap3A_23] {strides = array<i32>} : memref<480xf32, #tpu.memory_space<vmem>>, vector<16xf32>,
    tpu.vector_store %arg9[%swap3A_23], %broadcast_in_dim3A_1 {strides = array<i32>} : memref<480xf32, #tpu.memory_space<vmem>>, vector<16xf32>,
    %swap3A_25 = arith.constant 192 : index
    %swap3A_26 = tpu.vector_load %arg9[%swap3A_25] {strides = array<i32>} : memref<480xf32, #tpu.memory_space<vmem>>, vector<16xf32>,
    tpu.vector_store %arg9[%swap3A_25], %broadcast_in_dim3A_1 {strides = array<i32>} : memref<480xf32, #tpu.memory_space<vmem>>, vector<16xf32>,
    %swap3A_27 = arith.constant 208 : index
    %swap3A_28 = tpu.vector_load %arg9[%swap3A_27] {strides = array<i32>} : memref<480xf32, #tpu.memory_space<vmem>>, vector<16xf32>,
    tpu.vector_store %arg9[%swap3A_27], %broadcast_in_dim3A_1 {strides = array<i32>} : memref<480xf32, #tpu.memory_space<vmem>>, vector<16xf32>,
    %swap3A_29 = arith.constant 224 : index
    %swap3A_30 = tpu.vector_load %arg9[%swap3A_29] {strides = array<i32>} : memref<480xf32, #tpu.memory_space<vmem>>, vector<16xf32>,
    tpu.vector_store %arg9[%swap3A_29], %broadcast_in_dim3A_1 {strides = array<i32>} : memref<480xf32, #tpu.memory_space<vmem>>, vector<16xf32>,
    %swap3A_31 = arith.constant 240 : index
    %swap3A_32 = tpu.vector_load %arg9[%swap3A_31] {strides = array<i32>} : memref<480xf32, #tpu.memory_space<vmem>>, vector<16xf32>,
    tpu.vector_store %arg9[%swap3A_31], %broadcast_in_dim3A_1 {strides = array<i32>} : memref<480xf32, #tpu.memory_space<vmem>>, vector<16xf32>,
    %swap3A_33 = arith.constant 256 : index
    %swap3A_34 = tpu.vector_load %arg9[%swap3A_33] {strides = array<i32>} : memref<480xf32, #tpu.memory_space<vmem>>, vector<16xf32>,
    tpu.vector_store %arg9[%swap3A_33], %broadcast_in_dim3A_1 {strides = array<i32>} : memref<480xf32, #tpu.memory_space<vmem>>, vector<16xf32>,
    %swap3A_35 = arith.constant 272 : index
    %swap3A_36 = tpu.vector_load %arg9[%swap3A_35] {strides = array<i32>} : memref<480xf32, #tpu.memory_space<vmem>>, vector<16xf32>,
    tpu.vector_store %arg9[%swap3A_35], %broadcast_in_dim3A_1 {strides = array<i32>} : memref<480xf32, #tpu.memory_space<vmem>>, vector<16xf32>,
    %swap3A_37 = arith.constant 288 : index
    %swap3A_38 = tpu.vector_load %arg9[%swap3A_37] {strides = array<i32>} : memref<480xf32, #tpu.memory_space<vmem>>, vector<16xf32>,
    tpu.vector_store %arg9[%swap3A_37], %broadcast_in_dim3A_1 {strides = array<i32>} : memref<480xf32, #tpu.memory_space<vmem>>, vector<16xf32>,
    %swap3A_39 = arith.constant 304 : index
    %swap3A_40 = tpu.vector_load %arg9[%swap3A_39] {strides = array<i32>} : memref<480xf32, #tpu.memory_space<vmem>>, vector<16xf32>,
    tpu.vector_store %arg9[%swap3A_39], %broadcast_in_dim3A_1 {strides = array<i32>} : memref<480xf32, #tpu.memory_space<vmem>>, vector<16xf32>,
    %swap3A_41 = arith.constant 320 : index
    %swap3A_42 = tpu.vector_load %arg9[%swap3A_41] {strides = array<i32>} : memref<480xf32, #tpu.memory_space<vmem>>, vector<16xf32>,
    tpu.vector_store %arg9[%swap3A_41], %broadcast_in_dim3A_1 {strides = array<i32>} : memref<480xf32, #tpu.memory_space<vmem>>, vector<16xf32>,
    %swap3A_43 = arith.constant 336 : index
    %swap3A_44 = tpu.vector_load %arg9[%swap3A_43] {strides = array<i32>} : memref<480xf32, #tpu.memory_space<vmem>>, vector<16xf32>,
    tpu.vector_store %arg9[%swap3A_43], %broadcast_in_dim3A_1 {strides = array<i32>} : memref<480xf32, #tpu.memory_space<vmem>>, vector<16xf32>,
    %swap3A_45 = arith.constant 352 : index
    %swap3A_46 = tpu.vector_load %arg9[%swap3A_45] {strides = array<i32>} : memref<480xf32, #tpu.memory_space<vmem>>, vector<16xf32>,
    tpu.vector_store %arg9[%swap3A_45], %broadcast_in_dim3A_1 {strides = array<i32>} : memref<480xf32, #tpu.memory_space<vmem>>, vector<16xf32>,
    %swap3A_47 = arith.constant 368 : index
    %swap3A_48 = tpu.vector_load %arg9[%swap3A_47] {strides = array<i32>} : memref<480xf32, #tpu.memory_space<vmem>>, vector<16xf32>,
    tpu.vector_store %arg9[%swap3A_47], %broadcast_in_dim3A_1 {strides = array<i32>} : memref<480xf32, #tpu.memory_space<vmem>>, vector<16xf32>,
    %swap3A_49 = arith.constant 384 : index
    %swap3A_50 = tpu.vector_load %arg9[%swap3A_49] {strides = array<i32>} : memref<480xf32, #tpu.memory_space<vmem>>, vector<16xf32>,
    tpu.vector_store %arg9[%swap3A_49], %broadcast_in_dim3A_1 {strides = array<i32>} : memref<480xf32, #tpu.memory_space<vmem>>, vector<16xf32>,
    %swap3A_51 = arith.constant 400 : index
    %swap3A_52 = tpu.vector_load %arg9[%swap3A_51] {strides = array<i32>} : memref<480xf32, #tpu.memory_space<vmem>>, vector<16xf32>,
    tpu.vector_store %arg9[%swap3A_51], %broadcast_in_dim3A_1 {strides = array<i32>} : memref<480xf32, #tpu.memory_space<vmem>>, vector<16xf32>,
    %swap3A_53 = arith.constant 416 : index
    %swap3A_54 = tpu.vector_load %arg9[%swap3A_53] {strides = array<i32>} : memref<480xf32, #tpu.memory_space<vmem>>, vector<16xf32>,
    tpu.vector_store %arg9[%swap3A_53], %broadcast_in_dim3A_1 {strides = array<i32>} : memref<480xf32, #tpu.memory_space<vmem>>, vector<16xf32>,
    %swap3A_55 = arith.constant 432 : index
    %swap3A_56 = tpu.vector_load %arg9[%swap3A_55] {strides = array<i32>} : memref<480xf32, #tpu.memory_space<vmem>>, vector<16xf32>,
    tpu.vector_store %arg9[%swap3A_55], %broadcast_in_dim3A_1 {strides = array<i32>} : memref<480xf32, #tpu.memory_space<vmem>>, vector<16xf32>,
    %swap3A_57 = arith.constant 448 : index
    %swap3A_58 = tpu.vector_load %arg9[%swap3A_57] {strides = array<i32>} : memref<480xf32, #tpu.memory_space<vmem>>, vector<16xf32>,
    tpu.vector_store %arg9[%swap3A_57], %broadcast_in_dim3A_1 {strides = array<i32>} : memref<480xf32, #tpu.memory_space<vmem>>, vector<16xf32>,
    %swap3A_59 = arith.constant 464 : index
    %swap3A_60 = tpu.vector_load %arg9[%swap3A_59] {strides = array<i32>} : memref<480xf32, #tpu.memory_space<vmem>>, vector<16xf32>,
    tpu.vector_store %arg9[%swap3A_59], %broadcast_in_dim3A_1 {strides = array<i32>} : memref<480xf32, #tpu.memory_space<vmem>>, vector<16xf32>,
    %mul3A_61 = arith.constant 2 : i32
    %mul3A_62 = arith.muli %add3A, %mul3A_61 : i32
    %add3A_63 = arith.constant 0 : i32
    %add3A_64 = arith.addi %mul3A_62, %add3A_63 : i32
    %dma_start3A = arith.constant 0 : i32
    %dma_start3A_65 = arith.constant 0 : i32
    %dma_start3A_66 = tpu.memref_slice %arg2[%add3A_64, %dma_start3A, %dma_start3A_65] : memref<64x512x512xf32, #tpu.memory_space<hbm>> -> memref<1x32x512xf32, #tpu.memory_space<hbm>>
    %dma_start3A_67 = tpu.memref_squeeze %dma_start3A_66 : memref<1x32x512xf32, #tpu.memory_space<hbm>> -> memref<32x512xf32, #tpu.memory_space<hbm>>
    %dma_start3A_68 = arith.constant 0 : i32
    %dma_start3A_69 = arith.constant 0 : i32
    %dma_start3A_70 = tpu.memref_slice %arg2[%add3A_64, %dma_start3A_68, %dma_start3A_69] : memref<64x512x512xf32, #tpu.memory_space<hbm>> -> memref<1x32x512xf32, #tpu.memory_space<hbm>>
    %dma_start3A_71 = tpu.memref_squeeze %dma_start3A_70 : memref<1x32x512xf32, #tpu.memory_space<hbm>> -> memref<32x512xf32, #tpu.memory_space<hbm>>
    tpu.enqueue_dma source(%dma_start3A_71 : memref<32x512xf32, #tpu.memory_space<hbm>>) target(%arg5 : memref<32x512xf32, #tpu.memory_space<vmem>>) target_semaphore(%arg13 : memref<!tpu.dma_semaphore, #tpu.memory_space<semaphore_mem>>)
    %dma_start3A_72 = arith.constant 0 : i32
    %dma_start3A_73 = arith.constant 0 : i32
    %dma_start3A_74 = tpu.memref_slice %arg3[%add3A_64, %dma_start3A_72, %dma_start3A_73] : memref<64x512x512xf32, #tpu.memory_space<hbm>> -> memref<1x32x512xf32, #tpu.memory_space<hbm>>
    %dma_start3A_75 = tpu.memref_squeeze %dma_start3A_74 : memref<1x32x512xf32, #tpu.memory_space<hbm>> -> memref<32x512xf32, #tpu.memory_space<hbm>>
    %dma_start3A_76 = arith.constant 0 : i32
    %dma_start3A_77 = arith.constant 0 : i32
    %dma_start3A_78 = tpu.memref_slice %arg3[%add3A_64, %dma_start3A_76, %dma_start3A_77] : memref<64x512x512xf32, #tpu.memory_space<hbm>> -> memref<1x32x512xf32, #tpu.memory_space<hbm>>
    %dma_start3A_79 = tpu.memref_squeeze %dma_start3A_78 : memref<1x32x512xf32, #tpu.memory_space<hbm>> -> memref<32x512xf32, #tpu.memory_space<hbm>>
    tpu.enqueue_dma source(%dma_start3A_79 : memref<32x512xf32, #tpu.memory_space<hbm>>) target(%arg7 : memref<32x512xf32, #tpu.memory_space<vmem>>) target_semaphore(%arg13 : memref<!tpu.dma_semaphore, #tpu.memory_space<semaphore_mem>>)
    %mul3A_80 = arith.constant 2 : i32
    %mul3A_81 = arith.muli %add3A, %mul3A_80 : i32
    %add3A_82 = arith.constant 0 : i32
    %add3A_83 = arith.addi %mul3A_81, %add3A_82 : i32
    %dma_start3A_84 = arith.constant 32 : i32
    %dma_start3A_85 = arith.constant 0 : i32
    %dma_start3A_86 = tpu.memref_slice %arg2[%add3A_83, %dma_start3A_84, %dma_start3A_85] : memref<64x512x512xf32, #tpu.memory_space<hbm>> -> memref<1x32x512xf32, #tpu.memory_space<hbm>>
    %dma_start3A_87 = tpu.memref_squeeze %dma_start3A_86 : memref<1x32x512xf32, #tpu.memory_space<hbm>> -> memref<32x512xf32, #tpu.memory_space<hbm>>
    %dma_start3A_88 = arith.constant 32 : i32
    %dma_start3A_89 = arith.constant 0 : i32
    %dma_start3A_90 = tpu.memref_slice %arg2[%add3A_83, %dma_start3A_88, %dma_start3A_89] : memref<64x512x512xf32, #tpu.memory_space<hbm>> -> memref<1x32x512xf32, #tpu.memory_space<hbm>>
    %dma_start3A_91 = tpu.memref_squeeze %dma_start3A_90 : memref<1x32x512xf32, #tpu.memory_space<hbm>> -> memref<32x512xf32, #tpu.memory_space<hbm>>
    tpu.enqueue_dma source(%dma_start3A_91 : memref<32x512xf32, #tpu.memory_space<hbm>>) target(%arg6 : memref<32x512xf32, #tpu.memory_space<vmem>>) target_semaphore(%arg14 : memref<!tpu.dma_semaphore, #tpu.memory_space<semaphore_mem>>)
    %dma_start3A_92 = arith.constant 32 : i32
    %dma_start3A_93 = arith.constant 0 : i32
    %dma_start3A_94 = tpu.memref_slice %arg3[%add3A_83, %dma_start3A_92, %dma_start3A_93] : memref<64x512x512xf32, #tpu.memory_space<hbm>> -> memref<1x32x512xf32, #tpu.memory_space<hbm>>
    %dma_start3A_95 = tpu.memref_squeeze %dma_start3A_94 : memref<1x32x512xf32, #tpu.memory_space<hbm>> -> memref<32x512xf32, #tpu.memory_space<hbm>>
    %dma_start3A_96 = arith.constant 32 : i32
    %dma_start3A_97 = arith.constant 0 : i32
    %dma_start3A_98 = tpu.memref_slice %arg3[%add3A_83, %dma_start3A_96, %dma_start3A_97] : memref<64x512x512xf32, #tpu.memory_space<hbm>> -> memref<1x32x512xf32, #tpu.memory_space<hbm>>
    %dma_start3A_99 = tpu.memref_squeeze %dma_start3A_98 : memref<1x32x512xf32, #tpu.memory_space<hbm>> -> memref<32x512xf32, #tpu.memory_space<hbm>>
    tpu.enqueue_dma source(%dma_start3A_99 : memref<32x512xf32, #tpu.memory_space<hbm>>) target(%arg8 : memref<32x512xf32, #tpu.memory_space<vmem>>) target_semaphore(%arg14 : memref<!tpu.dma_semaphore, #tpu.memory_space<semaphore_mem>>)
    %scan3A = arith.constant 0 : i32
    %scan3A_100 = arith.constant 0 : i32
    %scan3A_101 = arith.constant 16 : i32
    %scan3A_102 = arith.addi %scan3A_100, %scan3A_101 : i32
    %scan3A_103 = arith.constant 1 : i32
    scf.for %scan3A_109 = %scan3A_100 to %scan3A_102 step %scan3A_103  : i32 {
      %mul3A_110 = arith.constant 2 : i32
      %mul3A_111 = arith.muli %mul3A_110, %scan3A_109 : i32
      %dma_wait3A = arith.constant 0 : i32
      %dma_wait3A_112 = arith.constant 0 : i32
      %dma_wait3A_113 = arith.constant 0 : i32
      %dma_wait3A_114 = tpu.memref_slice %arg2[%dma_wait3A, %dma_wait3A_112, %dma_wait3A_113] : memref<64x512x512xf32, #tpu.memory_space<hbm>> -> memref<1x32x512xf32, #tpu.memory_space<hbm>>
      %dma_wait3A_115 = tpu.memref_squeeze %dma_wait3A_114 : memref<1x32x512xf32, #tpu.memory_space<hbm>> -> memref<32x512xf32, #tpu.memory_space<hbm>>
      %dma_wait3A_116 = arith.constant 0 : i32
      %dma_wait3A_117 = arith.constant 0 : i32
      %dma_wait3A_118 = tpu.memref_slice %arg2[%dma_wait3A, %dma_wait3A_116, %dma_wait3A_117] : memref<64x512x512xf32, #tpu.memory_space<hbm>> -> memref<1x32x512xf32, #tpu.memory_space<hbm>>
      %dma_wait3A_119 = tpu.memref_squeeze %dma_wait3A_118 : memref<1x32x512xf32, #tpu.memory_space<hbm>> -> memref<32x512xf32, #tpu.memory_space<hbm>>
      tpu.wait_dma2 semaphore(%arg13 : memref<!tpu.dma_semaphore, #tpu.memory_space<semaphore_mem>>) src(%dma_wait3A_119 : memref<32x512xf32, #tpu.memory_space<hbm>>) dst(%arg5 : memref<32x512xf32, #tpu.memory_space<vmem>>)
      %dma_wait3A_120 = arith.constant 0 : i32
      %dma_wait3A_121 = arith.constant 0 : i32
      %dma_wait3A_122 = arith.constant 0 : i32
      %dma_wait3A_123 = tpu.memref_slice %arg3[%dma_wait3A_120, %dma_wait3A_121, %dma_wait3A_122] : memref<64x512x512xf32, #tpu.memory_space<hbm>> -> memref<1x32x512xf32, #tpu.memory_space<hbm>>
      %dma_wait3A_124 = tpu.memref_squeeze %dma_wait3A_123 : memref<1x32x512xf32, #tpu.memory_space<hbm>> -> memref<32x512xf32, #tpu.memory_space<hbm>>
      %dma_wait3A_125 = arith.constant 0 : i32
      %dma_wait3A_126 = arith.constant 0 : i32
      %dma_wait3A_127 = tpu.memref_slice %arg3[%dma_wait3A_120, %dma_wait3A_125, %dma_wait3A_126] : memref<64x512x512xf32, #tpu.memory_space<hbm>> -> memref<1x32x512xf32, #tpu.memory_space<hbm>>
      %dma_wait3A_128 = tpu.memref_squeeze %dma_wait3A_127 : memref<1x32x512xf32, #tpu.memory_space<hbm>> -> memref<32x512xf32, #tpu.memory_space<hbm>>
      tpu.wait_dma2 semaphore(%arg13 : memref<!tpu.dma_semaphore, #tpu.memory_space<semaphore_mem>>) src(%dma_wait3A_128 : memref<32x512xf32, #tpu.memory_space<hbm>>) dst(%arg7 : memref<32x512xf32, #tpu.memory_space<vmem>>)
      %parallel_loop3A = arith.constant 0 : i32
      %parallel_loop3A_129 = arith.constant 1024 : i32
      %parallel_loop3A_130 = arith.constant 1 : i32
      %parallel_loop3A_131:10 = scf.for %parallel_loop3A_513 = %parallel_loop3A to %parallel_loop3A_129 step %parallel_loop3A_130 iter_args(%parallel_loop3A_514 = %broadcast_in_dim3A_1, %parallel_loop3A_515 = %broadcast_in_dim3A_1, %parallel_loop3A_516 = %broadcast_in_dim3A_1, %parallel_loop3A_517 = %broadcast_in_dim3A_1, %parallel_loop3A_518 = %broadcast_in_dim3A_1, %parallel_loop3A_519 = %broadcast_in_dim3A_1, %parallel_loop3A_520 = %broadcast_in_dim3A_1, %parallel_loop3A_521 = %broadcast_in_dim3A_1, %parallel_loop3A_522 = %broadcast_in_dim3A_1, %parallel_loop3A_523 = %broadcast_in_dim3A_1) -> (vector<16xf32>, vector<16xf32>, vector<16xf32>, vector<16xf32>, vector<16xf32>, vector<16xf32>, vector<16xf32>, vector<16xf32>, vector<16xf32>, vector<16xf32>)  : i32 {
        %parallel_loop3A_524 = arith.constant 5 : i32
        %parallel_loop3A_525 = arith.shrsi %parallel_loop3A_513, %parallel_loop3A_524 : i32
        %parallel_loop3A_526 = arith.constant 31 : i32
        %parallel_loop3A_527 = arith.andi %parallel_loop3A_513, %parallel_loop3A_526 : i32
        %parallel_loop3A_528 = arith.constant 16 : i32
        %parallel_loop3A_529 = arith.muli %parallel_loop3A_527, %parallel_loop3A_528 : i32
        %parallel_loop3A_530 = arith.index_cast %parallel_loop3A_525 : i32 to index
        %parallel_loop3A_531 = arith.index_cast %parallel_loop3A_529 : i32 to index
        %parallel_loop3A_532 = tpu.vector_load %arg5[%parallel_loop3A_530, %parallel_loop3A_531] {strides = array<i32>} : memref<32x512xf32, #tpu.memory_space<vmem>>, vector<16xf32>,
        %parallel_loop3A_533 = arith.index_cast %parallel_loop3A_525 : i32 to index
        %parallel_loop3A_534 = arith.index_cast %parallel_loop3A_529 : i32 to index
        %parallel_loop3A_535 = tpu.vector_load %arg7[%parallel_loop3A_533, %parallel_loop3A_534] {strides = array<i32>} : memref<32x512xf32, #tpu.memory_space<vmem>>, vector<16xf32>,
        %parallel_loop3A_536 = arith.constant 1.000000e+00 : f32
        %parallel_loop3A_537 = vector.broadcast %parallel_loop3A_536 : f32 to vector<16xf32>
        %parallel_loop3A_538 = arith.subf %parallel_loop3A_537, %parallel_loop3A_532 : vector<16xf32>
        %parallel_loop3A_539 = arith.maximumf %parallel_loop3A_532, %parallel_loop3A_538 : vector<16xf32>
        %parallel_loop3A_540 = arith.constant 1.000000e+01 : f32
        %parallel_loop3A_541 = vector.broadcast %parallel_loop3A_540 : f32 to vector<16xf32>
        %parallel_loop3A_542 = arith.mulf %parallel_loop3A_539, %parallel_loop3A_541 : vector<16xf32>
        %parallel_loop3A_543 = arith.constant 5.000000e-01 : f32
        %parallel_loop3A_544 = vector.broadcast %parallel_loop3A_543 : f32 to vector<16xf32>
        %parallel_loop3A_545 = arith.subf %parallel_loop3A_532, %parallel_loop3A_544 : vector<16xf32>
        %parallel_loop3A_546 = arith.constant 5.000000e-01 : f32
        %parallel_loop3A_547 = vector.broadcast %parallel_loop3A_546 : f32 to vector<16xf32>
        %parallel_loop3A_548 = arith.subf %parallel_loop3A_535, %parallel_loop3A_547 : vector<16xf32>
        %parallel_loop3A_549 = arith.mulf %parallel_loop3A_545, %parallel_loop3A_548 : vector<16xf32>
        %parallel_loop3A_550 = arith.constant 0x4B800000 : f32
        %parallel_loop3A_551 = vector.broadcast %parallel_loop3A_550 : f32 to vector<16xf32>
        %parallel_loop3A_552 = arith.mulf %parallel_loop3A_549, %parallel_loop3A_551 : vector<16xf32>
        %parallel_loop3A_553 = arith.constant 0.000000e+00 : f32
        %parallel_loop3A_554 = vector.broadcast %parallel_loop3A_553 : f32 to vector<16xf32>
        %parallel_loop3A_555 = arith.maximumf %parallel_loop3A_552, %parallel_loop3A_554 : vector<16xf32>
        %parallel_loop3A_556 = arith.constant 1.000000e+00 : f32
        %parallel_loop3A_557 = vector.broadcast %parallel_loop3A_556 : f32 to vector<16xf32>
        %parallel_loop3A_558 = arith.minimumf %parallel_loop3A_555, %parallel_loop3A_557 : vector<16xf32>
        %parallel_loop3A_559 = arith.constant 4.096000e+03 : f32
        %parallel_loop3A_560 = vector.broadcast %parallel_loop3A_559 : f32 to vector<16xf32>
        %parallel_loop3A_561 = arith.mulf %parallel_loop3A_558, %parallel_loop3A_560 : vector<16xf32>
        %parallel_loop3A_562 = arith.constant 1.000000e+00 : f32
        %parallel_loop3A_563 = vector.broadcast %parallel_loop3A_562 : f32 to vector<16xf32>
        %parallel_loop3A_564 = arith.addf %parallel_loop3A_561, %parallel_loop3A_563 : vector<16xf32>
        %parallel_loop3A_565 = arith.constant 6.000000e+00 : f32
        %parallel_loop3A_566 = vector.broadcast %parallel_loop3A_565 : f32 to vector<16xf32>
        %parallel_loop3A_567 = arith.subf %parallel_loop3A_542, %parallel_loop3A_566 : vector<16xf32>
        %parallel_loop3A_568 = arith.constant 0.000000e+00 : f32
        %parallel_loop3A_569 = vector.broadcast %parallel_loop3A_568 : f32 to vector<16xf32>
        %parallel_loop3A_570 = arith.maximumf %parallel_loop3A_567, %parallel_loop3A_569 : vector<16xf32>
        %parallel_loop3A_571 = arith.constant 7.000000e+00 : f32
        %parallel_loop3A_572 = vector.broadcast %parallel_loop3A_571 : f32 to vector<16xf32>
        %parallel_loop3A_573 = arith.subf %parallel_loop3A_542, %parallel_loop3A_572 : vector<16xf32>
        %parallel_loop3A_574 = arith.constant 0.000000e+00 : f32
        %parallel_loop3A_575 = vector.broadcast %parallel_loop3A_574 : f32 to vector<16xf32>
        %parallel_loop3A_576 = arith.maximumf %parallel_loop3A_573, %parallel_loop3A_575 : vector<16xf32>
        %parallel_loop3A_577 = arith.constant 8.000000e+00 : f32
        %parallel_loop3A_578 = vector.broadcast %parallel_loop3A_577 : f32 to vector<16xf32>
        %parallel_loop3A_579 = arith.subf %parallel_loop3A_542, %parallel_loop3A_578 : vector<16xf32>
        %parallel_loop3A_580 = arith.constant 0.000000e+00 : f32
        %parallel_loop3A_581 = vector.broadcast %parallel_loop3A_580 : f32 to vector<16xf32>
        %parallel_loop3A_582 = arith.maximumf %parallel_loop3A_579, %parallel_loop3A_581 : vector<16xf32>
        %parallel_loop3A_583 = arith.constant 9.000000e+00 : f32
        %parallel_loop3A_584 = vector.broadcast %parallel_loop3A_583 : f32 to vector<16xf32>
        %parallel_loop3A_585 = arith.subf %parallel_loop3A_542, %parallel_loop3A_584 : vector<16xf32>
        %parallel_loop3A_586 = arith.constant 0.000000e+00 : f32
        %parallel_loop3A_587 = vector.broadcast %parallel_loop3A_586 : f32 to vector<16xf32>
        %parallel_loop3A_588 = arith.maximumf %parallel_loop3A_585, %parallel_loop3A_587 : vector<16xf32>
        %parallel_loop3A_589 = arith.addf %parallel_loop3A_514, %parallel_loop3A_542 : vector<16xf32>
        %parallel_loop3A_590 = arith.addf %parallel_loop3A_519, %parallel_loop3A_564 : vector<16xf32>
        %parallel_loop3A_591 = arith.addf %parallel_loop3A_515, %parallel_loop3A_570 : vector<16xf32>
        %parallel_loop3A_592 = arith.addf %parallel_loop3A_516, %parallel_loop3A_576 : vector<16xf32>
        %parallel_loop3A_593 = arith.addf %parallel_loop3A_517, %parallel_loop3A_582 : vector<16xf32>
        %parallel_loop3A_594 = arith.addf %parallel_loop3A_518, %parallel_loop3A_588 : vector<16xf32>
        %parallel_loop3A_595 = arith.constant 0x4B800000 : f32
        %parallel_loop3A_596 = vector.broadcast %parallel_loop3A_595 : f32 to vector<16xf32>
        %parallel_loop3A_597 = arith.mulf %parallel_loop3A_570, %parallel_loop3A_596 : vector<16xf32>
        %parallel_loop3A_598 = arith.constant 1.000000e+00 : f32
        %parallel_loop3A_599 = vector.broadcast %parallel_loop3A_598 : f32 to vector<16xf32>
        %parallel_loop3A_600 = arith.minimumf %parallel_loop3A_597, %parallel_loop3A_599 : vector<16xf32>
        %parallel_loop3A_601 = arith.mulf %parallel_loop3A_600, %parallel_loop3A_564 : vector<16xf32>
        %parallel_loop3A_602 = arith.addf %parallel_loop3A_520, %parallel_loop3A_601 : vector<16xf32>
        %parallel_loop3A_603 = arith.constant 0x4B800000 : f32
        %parallel_loop3A_604 = vector.broadcast %parallel_loop3A_603 : f32 to vector<16xf32>
        %parallel_loop3A_605 = arith.mulf %parallel_loop3A_576, %parallel_loop3A_604 : vector<16xf32>
        %parallel_loop3A_606 = arith.constant 1.000000e+00 : f32
        %parallel_loop3A_607 = vector.broadcast %parallel_loop3A_606 : f32 to vector<16xf32>
        %parallel_loop3A_608 = arith.minimumf %parallel_loop3A_605, %parallel_loop3A_607 : vector<16xf32>
        %parallel_loop3A_609 = arith.mulf %parallel_loop3A_608, %parallel_loop3A_564 : vector<16xf32>
        %parallel_loop3A_610 = arith.addf %parallel_loop3A_521, %parallel_loop3A_609 : vector<16xf32>
        %parallel_loop3A_611 = arith.constant 0x4B800000 : f32
        %parallel_loop3A_612 = vector.broadcast %parallel_loop3A_611 : f32 to vector<16xf32>
        %parallel_loop3A_613 = arith.mulf %parallel_loop3A_582, %parallel_loop3A_612 : vector<16xf32>
        %parallel_loop3A_614 = arith.constant 1.000000e+00 : f32
        %parallel_loop3A_615 = vector.broadcast %parallel_loop3A_614 : f32 to vector<16xf32>
        %parallel_loop3A_616 = arith.minimumf %parallel_loop3A_613, %parallel_loop3A_615 : vector<16xf32>
        %parallel_loop3A_617 = arith.mulf %parallel_loop3A_616, %parallel_loop3A_564 : vector<16xf32>
        %parallel_loop3A_618 = arith.addf %parallel_loop3A_522, %parallel_loop3A_617 : vector<16xf32>
        %parallel_loop3A_619 = arith.constant 0x4B800000 : f32
        %parallel_loop3A_620 = vector.broadcast %parallel_loop3A_619 : f32 to vector<16xf32>
        %parallel_loop3A_621 = arith.mulf %parallel_loop3A_588, %parallel_loop3A_620 : vector<16xf32>
        %parallel_loop3A_622 = arith.constant 1.000000e+00 : f32
        %parallel_loop3A_623 = vector.broadcast %parallel_loop3A_622 : f32 to vector<16xf32>
        %parallel_loop3A_624 = arith.minimumf %parallel_loop3A_621, %parallel_loop3A_623 : vector<16xf32>
        %parallel_loop3A_625 = arith.mulf %parallel_loop3A_624, %parallel_loop3A_564 : vector<16xf32>
        %parallel_loop3A_626 = arith.addf %parallel_loop3A_523, %parallel_loop3A_625 : vector<16xf32>
        scf.yield %parallel_loop3A_589, %parallel_loop3A_591, %parallel_loop3A_592, %parallel_loop3A_593, %parallel_loop3A_594, %parallel_loop3A_590, %parallel_loop3A_602, %parallel_loop3A_610, %parallel_loop3A_618, %parallel_loop3A_626 : vector<16xf32>, vector<16xf32>, vector<16xf32>, vector<16xf32>, vector<16xf32>, vector<16xf32>, vector<16xf32>, vector<16xf32>, vector<16xf32>, vector<16xf32>
      } {sc.loop_unroll_factor = 4 : i64, sc.parallel_access}
      %mul3A_132 = arith.constant 2.44140625E-4 : f32
      %mul3A_133 = vector.broadcast %mul3A_132 : f32 to vector<16xf32>
      %mul3A_134 = arith.mulf %parallel_loop3A_131#5, %mul3A_133 : vector<16xf32>
      %convert_element_type3A_135 = arith.fptosi %mul3A_134 : vector<16xf32> to vector<16xi32>
      %convert_element_type3A_136 = arith.sitofp %convert_element_type3A_135 : vector<16xi32> to vector<16xf32>
      %mul3A_137 = arith.constant 4.096000e+03 : f32
      %mul3A_138 = vector.broadcast %mul3A_137 : f32 to vector<16xf32>
      %mul3A_139 = arith.mulf %convert_element_type3A_136, %mul3A_138 : vector<16xf32>
      %sub3A = arith.subf %parallel_loop3A_131#5, %mul3A_139 : vector<16xf32>
      %broadcast_in_dim3A_140 = arith.constant 1.024000e+03 : f32
      %broadcast_in_dim3A_141 = vector.broadcast %broadcast_in_dim3A_140 : f32 to vector<16xf32>
      %mul3A_142 = arith.constant 2.44140625E-4 : f32
      %mul3A_143 = vector.broadcast %mul3A_142 : f32 to vector<16xf32>
      %mul3A_144 = arith.mulf %parallel_loop3A_131#6, %mul3A_143 : vector<16xf32>
      %convert_element_type3A_145 = arith.fptosi %mul3A_144 : vector<16xf32> to vector<16xi32>
      %convert_element_type3A_146 = arith.sitofp %convert_element_type3A_145 : vector<16xi32> to vector<16xf32>
      %mul3A_147 = arith.constant 4.096000e+03 : f32
      %mul3A_148 = vector.broadcast %mul3A_147 : f32 to vector<16xf32>
      %mul3A_149 = arith.mulf %convert_element_type3A_146, %mul3A_148 : vector<16xf32>
      %sub3A_150 = arith.subf %parallel_loop3A_131#6, %mul3A_149 : vector<16xf32>
      %mul3A_151 = arith.constant 2.44140625E-4 : f32
      %mul3A_152 = vector.broadcast %mul3A_151 : f32 to vector<16xf32>
      %mul3A_153 = arith.mulf %parallel_loop3A_131#7, %mul3A_152 : vector<16xf32>
      %convert_element_type3A_154 = arith.fptosi %mul3A_153 : vector<16xf32> to vector<16xi32>
      %convert_element_type3A_155 = arith.sitofp %convert_element_type3A_154 : vector<16xi32> to vector<16xf32>
      %mul3A_156 = arith.constant 4.096000e+03 : f32
      %mul3A_157 = vector.broadcast %mul3A_156 : f32 to vector<16xf32>
      %mul3A_158 = arith.mulf %convert_element_type3A_155, %mul3A_157 : vector<16xf32>
      %sub3A_159 = arith.subf %parallel_loop3A_131#7, %mul3A_158 : vector<16xf32>
      %mul3A_160 = arith.constant 2.44140625E-4 : f32
      %mul3A_161 = vector.broadcast %mul3A_160 : f32 to vector<16xf32>
      %mul3A_162 = arith.mulf %parallel_loop3A_131#8, %mul3A_161 : vector<16xf32>
      %convert_element_type3A_163 = arith.fptosi %mul3A_162 : vector<16xf32> to vector<16xi32>
      %convert_element_type3A_164 = arith.sitofp %convert_element_type3A_163 : vector<16xi32> to vector<16xf32>
      %mul3A_165 = arith.constant 4.096000e+03 : f32
      %mul3A_166 = vector.broadcast %mul3A_165 : f32 to vector<16xf32>
      %mul3A_167 = arith.mulf %convert_element_type3A_164, %mul3A_166 : vector<16xf32>
      %sub3A_168 = arith.subf %parallel_loop3A_131#8, %mul3A_167 : vector<16xf32>
      %mul3A_169 = arith.constant 2.44140625E-4 : f32
      %mul3A_170 = vector.broadcast %mul3A_169 : f32 to vector<16xf32>
      %mul3A_171 = arith.mulf %parallel_loop3A_131#9, %mul3A_170 : vector<16xf32>
      %convert_element_type3A_172 = arith.fptosi %mul3A_171 : vector<16xf32> to vector<16xi32>
      %convert_element_type3A_173 = arith.sitofp %convert_element_type3A_172 : vector<16xi32> to vector<16xf32>
      %mul3A_174 = arith.constant 4.096000e+03 : f32
      %mul3A_175 = vector.broadcast %mul3A_174 : f32 to vector<16xf32>
      %mul3A_176 = arith.mulf %convert_element_type3A_173, %mul3A_175 : vector<16xf32>
      %sub3A_177 = arith.subf %parallel_loop3A_131#9, %mul3A_176 : vector<16xf32>
      %mul3A_178 = arith.constant 6.000000e+00 : f32
      %mul3A_179 = vector.broadcast %mul3A_178 : f32 to vector<16xf32>
      %mul3A_180 = arith.mulf %mul3A_179, %sub3A_150 : vector<16xf32>
      %add3A_181 = arith.addf %parallel_loop3A_131#1, %mul3A_180 : vector<16xf32>
      %mul3A_182 = arith.constant 7.000000e+00 : f32
      %mul3A_183 = vector.broadcast %mul3A_182 : f32 to vector<16xf32>
      %mul3A_184 = arith.mulf %mul3A_183, %sub3A_159 : vector<16xf32>
      %add3A_185 = arith.addf %parallel_loop3A_131#2, %mul3A_184 : vector<16xf32>
      %mul3A_186 = arith.constant 8.000000e+00 : f32
      %mul3A_187 = vector.broadcast %mul3A_186 : f32 to vector<16xf32>
      %mul3A_188 = arith.mulf %mul3A_187, %sub3A_168 : vector<16xf32>
      %add3A_189 = arith.addf %parallel_loop3A_131#3, %mul3A_188 : vector<16xf32>
      %mul3A_190 = arith.constant 9.000000e+00 : f32
      %mul3A_191 = vector.broadcast %mul3A_190 : f32 to vector<16xf32>
      %mul3A_192 = arith.mulf %mul3A_191, %sub3A_177 : vector<16xf32>
      %add3A_193 = arith.addf %parallel_loop3A_131#4, %mul3A_192 : vector<16xf32>
      %get3A = arith.constant 80 : index
      %get3A_194 = tpu.vector_load %arg9[%get3A] {strides = array<i32>} : memref<480xf32, #tpu.memory_space<vmem>>, vector<16xf32>,
      %sub3A_195 = arith.subf %parallel_loop3A_131#0, %add3A_181 : vector<16xf32>
      %mul3A_196 = arith.constant 1.000000e-01 : f32
      %mul3A_197 = vector.broadcast %mul3A_196 : f32 to vector<16xf32>
      %mul3A_198 = arith.mulf %sub3A_195, %mul3A_197 : vector<16xf32>
      %add3A_199 = arith.addf %get3A_194, %mul3A_198 : vector<16xf32>
      %swap3A_200 = arith.constant 80 : index
      %swap3A_201 = tpu.vector_load %arg9[%swap3A_200] {strides = array<i32>} : memref<480xf32, #tpu.memory_space<vmem>>, vector<16xf32>,
      tpu.vector_store %arg9[%swap3A_200], %add3A_199 {strides = array<i32>} : memref<480xf32, #tpu.memory_space<vmem>>, vector<16xf32>,
      %get3A_202 = arith.constant 240 : index
      %get3A_203 = tpu.vector_load %arg9[%get3A_202] {strides = array<i32>} : memref<480xf32, #tpu.memory_space<vmem>>, vector<16xf32>,
      %sub3A_204 = arith.subf %convert_element_type3A_136, %convert_element_type3A_146 : vector<16xf32>
      %add3A_205 = arith.addf %get3A_203, %sub3A_204 : vector<16xf32>
      %swap3A_206 = arith.constant 240 : index
      %swap3A_207 = tpu.vector_load %arg9[%swap3A_206] {strides = array<i32>} : memref<480xf32, #tpu.memory_space<vmem>>, vector<16xf32>,
      tpu.vector_store %arg9[%swap3A_206], %add3A_205 {strides = array<i32>} : memref<480xf32, #tpu.memory_space<vmem>>, vector<16xf32>,
      %get3A_208 = arith.constant 400 : index
      %get3A_209 = tpu.vector_load %arg9[%get3A_208] {strides = array<i32>} : memref<480xf32, #tpu.memory_space<vmem>>, vector<16xf32>,
      %sub3A_210 = arith.subf %broadcast_in_dim3A_141, %sub3A_150 : vector<16xf32>
      %add3A_211 = arith.addf %get3A_209, %sub3A_210 : vector<16xf32>
      %swap3A_212 = arith.constant 400 : index
      %swap3A_213 = tpu.vector_load %arg9[%swap3A_212] {strides = array<i32>} : memref<480xf32, #tpu.memory_space<vmem>>, vector<16xf32>,
      tpu.vector_store %arg9[%swap3A_212], %add3A_211 {strides = array<i32>} : memref<480xf32, #tpu.memory_space<vmem>>, vector<16xf32>,
      %get3A_214 = arith.constant 96 : index
      %get3A_215 = tpu.vector_load %arg9[%get3A_214] {strides = array<i32>} : memref<480xf32, #tpu.memory_space<vmem>>, vector<16xf32>,
      %sub3A_216 = arith.subf %add3A_181, %add3A_185 : vector<16xf32>
      %mul3A_217 = arith.constant 1.000000e-01 : f32
      %mul3A_218 = vector.broadcast %mul3A_217 : f32 to vector<16xf32>
      %mul3A_219 = arith.mulf %sub3A_216, %mul3A_218 : vector<16xf32>
      %add3A_220 = arith.addf %get3A_215, %mul3A_219 : vector<16xf32>
      %swap3A_221 = arith.constant 96 : index
      %swap3A_222 = tpu.vector_load %arg9[%swap3A_221] {strides = array<i32>} : memref<480xf32, #tpu.memory_space<vmem>>, vector<16xf32>,
      tpu.vector_store %arg9[%swap3A_221], %add3A_220 {strides = array<i32>} : memref<480xf32, #tpu.memory_space<vmem>>, vector<16xf32>,
      %get3A_223 = arith.constant 256 : index
      %get3A_224 = tpu.vector_load %arg9[%get3A_223] {strides = array<i32>} : memref<480xf32, #tpu.memory_space<vmem>>, vector<16xf32>,
      %sub3A_225 = arith.subf %convert_element_type3A_146, %convert_element_type3A_155 : vector<16xf32>
      %add3A_226 = arith.addf %get3A_224, %sub3A_225 : vector<16xf32>
      %swap3A_227 = arith.constant 256 : index
      %swap3A_228 = tpu.vector_load %arg9[%swap3A_227] {strides = array<i32>} : memref<480xf32, #tpu.memory_space<vmem>>, vector<16xf32>,
      tpu.vector_store %arg9[%swap3A_227], %add3A_226 {strides = array<i32>} : memref<480xf32, #tpu.memory_space<vmem>>, vector<16xf32>,
      %get3A_229 = arith.constant 416 : index
      %get3A_230 = tpu.vector_load %arg9[%get3A_229] {strides = array<i32>} : memref<480xf32, #tpu.memory_space<vmem>>, vector<16xf32>,
      %sub3A_231 = arith.subf %sub3A_150, %sub3A_159 : vector<16xf32>
      %add3A_232 = arith.addf %get3A_230, %sub3A_231 : vector<16xf32>
      %swap3A_233 = arith.constant 416 : index
      %swap3A_234 = tpu.vector_load %arg9[%swap3A_233] {strides = array<i32>} : memref<480xf32, #tpu.memory_space<vmem>>, vector<16xf32>,
      tpu.vector_store %arg9[%swap3A_233], %add3A_232 {strides = array<i32>} : memref<480xf32, #tpu.memory_space<vmem>>, vector<16xf32>,
      %get3A_235 = arith.constant 112 : index
      %get3A_236 = tpu.vector_load %arg9[%get3A_235] {strides = array<i32>} : memref<480xf32, #tpu.memory_space<vmem>>, vector<16xf32>,
      %sub3A_237 = arith.subf %add3A_185, %add3A_189 : vector<16xf32>
      %mul3A_238 = arith.constant 1.000000e-01 : f32
      %mul3A_239 = vector.broadcast %mul3A_238 : f32 to vector<16xf32>
      %mul3A_240 = arith.mulf %sub3A_237, %mul3A_239 : vector<16xf32>
      %add3A_241 = arith.addf %get3A_236, %mul3A_240 : vector<16xf32>
      %swap3A_242 = arith.constant 112 : index
      %swap3A_243 = tpu.vector_load %arg9[%swap3A_242] {strides = array<i32>} : memref<480xf32, #tpu.memory_space<vmem>>, vector<16xf32>,
      tpu.vector_store %arg9[%swap3A_242], %add3A_241 {strides = array<i32>} : memref<480xf32, #tpu.memory_space<vmem>>, vector<16xf32>,
      %get3A_244 = arith.constant 272 : index
      %get3A_245 = tpu.vector_load %arg9[%get3A_244] {strides = array<i32>} : memref<480xf32, #tpu.memory_space<vmem>>, vector<16xf32>,
      %sub3A_246 = arith.subf %convert_element_type3A_155, %convert_element_type3A_164 : vector<16xf32>
      %add3A_247 = arith.addf %get3A_245, %sub3A_246 : vector<16xf32>
      %swap3A_248 = arith.constant 272 : index
      %swap3A_249 = tpu.vector_load %arg9[%swap3A_248] {strides = array<i32>} : memref<480xf32, #tpu.memory_space<vmem>>, vector<16xf32>,
      tpu.vector_store %arg9[%swap3A_248], %add3A_247 {strides = array<i32>} : memref<480xf32, #tpu.memory_space<vmem>>, vector<16xf32>,
      %get3A_250 = arith.constant 432 : index
      %get3A_251 = tpu.vector_load %arg9[%get3A_250] {strides = array<i32>} : memref<480xf32, #tpu.memory_space<vmem>>, vector<16xf32>,
      %sub3A_252 = arith.subf %sub3A_159, %sub3A_168 : vector<16xf32>
      %add3A_253 = arith.addf %get3A_251, %sub3A_252 : vector<16xf32>
      %swap3A_254 = arith.constant 432 : index
      %swap3A_255 = tpu.vector_load %arg9[%swap3A_254] {strides = array<i32>} : memref<480xf32, #tpu.memory_space<vmem>>, vector<16xf32>,
      tpu.vector_store %arg9[%swap3A_254], %add3A_253 {strides = array<i32>} : memref<480xf32, #tpu.memory_space<vmem>>, vector<16xf32>,
      %get3A_256 = arith.constant 128 : index
      %get3A_257 = tpu.vector_load %arg9[%get3A_256] {strides = array<i32>} : memref<480xf32, #tpu.memory_space<vmem>>, vector<16xf32>,
      %sub3A_258 = arith.subf %add3A_189, %add3A_193 : vector<16xf32>
      %mul3A_259 = arith.constant 1.000000e-01 : f32
      %mul3A_260 = vector.broadcast %mul3A_259 : f32 to vector<16xf32>
      %mul3A_261 = arith.mulf %sub3A_258, %mul3A_260 : vector<16xf32>
      %add3A_262 = arith.addf %get3A_257, %mul3A_261 : vector<16xf32>
      %swap3A_263 = arith.constant 128 : index
      %swap3A_264 = tpu.vector_load %arg9[%swap3A_263] {strides = array<i32>} : memref<480xf32, #tpu.memory_space<vmem>>, vector<16xf32>,
      tpu.vector_store %arg9[%swap3A_263], %add3A_262 {strides = array<i32>} : memref<480xf32, #tpu.memory_space<vmem>>, vector<16xf32>,
      %get3A_265 = arith.constant 288 : index
      %get3A_266 = tpu.vector_load %arg9[%get3A_265] {strides = array<i32>} : memref<480xf32, #tpu.memory_space<vmem>>, vector<16xf32>,
      %sub3A_267 = arith.subf %convert_element_type3A_164, %convert_element_type3A_173 : vector<16xf32>
      %add3A_268 = arith.addf %get3A_266, %sub3A_267 : vector<16xf32>
      %swap3A_269 = arith.constant 288 : index
      %swap3A_270 = tpu.vector_load %arg9[%swap3A_269] {strides = array<i32>} : memref<480xf32, #tpu.memory_space<vmem>>, vector<16xf32>,
      tpu.vector_store %arg9[%swap3A_269], %add3A_268 {strides = array<i32>} : memref<480xf32, #tpu.memory_space<vmem>>, vector<16xf32>,
      %get3A_271 = arith.constant 448 : index
      %get3A_272 = tpu.vector_load %arg9[%get3A_271] {strides = array<i32>} : memref<480xf32, #tpu.memory_space<vmem>>, vector<16xf32>,
      %sub3A_273 = arith.subf %sub3A_168, %sub3A_177 : vector<16xf32>
      %add3A_274 = arith.addf %get3A_272, %sub3A_273 : vector<16xf32>
      %swap3A_275 = arith.constant 448 : index
      %swap3A_276 = tpu.vector_load %arg9[%swap3A_275] {strides = array<i32>} : memref<480xf32, #tpu.memory_space<vmem>>, vector<16xf32>,
      tpu.vector_store %arg9[%swap3A_275], %add3A_274 {strides = array<i32>} : memref<480xf32, #tpu.memory_space<vmem>>, vector<16xf32>,
      %get3A_277 = arith.constant 144 : index
      %get3A_278 = tpu.vector_load %arg9[%get3A_277] {strides = array<i32>} : memref<480xf32, #tpu.memory_space<vmem>>, vector<16xf32>,
      %sub3A_279 = arith.constant 0.000000e+00 : f32
      %sub3A_280 = vector.broadcast %sub3A_279 : f32 to vector<16xf32>
      %sub3A_281 = arith.subf %add3A_193, %sub3A_280 : vector<16xf32>
      %mul3A_282 = arith.constant 1.000000e-01 : f32
      %mul3A_283 = vector.broadcast %mul3A_282 : f32 to vector<16xf32>
      %mul3A_284 = arith.mulf %sub3A_281, %mul3A_283 : vector<16xf32>
      %add3A_285 = arith.addf %get3A_278, %mul3A_284 : vector<16xf32>
      %swap3A_286 = arith.constant 144 : index
      %swap3A_287 = tpu.vector_load %arg9[%swap3A_286] {strides = array<i32>} : memref<480xf32, #tpu.memory_space<vmem>>, vector<16xf32>,
      tpu.vector_store %arg9[%swap3A_286], %add3A_285 {strides = array<i32>} : memref<480xf32, #tpu.memory_space<vmem>>, vector<16xf32>,
      %get3A_288 = arith.constant 304 : index
      %get3A_289 = tpu.vector_load %arg9[%get3A_288] {strides = array<i32>} : memref<480xf32, #tpu.memory_space<vmem>>, vector<16xf32>,
      %sub3A_290 = arith.constant 0.000000e+00 : f32
      %sub3A_291 = vector.broadcast %sub3A_290 : f32 to vector<16xf32>
      %sub3A_292 = arith.subf %convert_element_type3A_173, %sub3A_291 : vector<16xf32>
      %add3A_293 = arith.addf %get3A_289, %sub3A_292 : vector<16xf32>
      %swap3A_294 = arith.constant 304 : index
      %swap3A_295 = tpu.vector_load %arg9[%swap3A_294] {strides = array<i32>} : memref<480xf32, #tpu.memory_space<vmem>>, vector<16xf32>,
      tpu.vector_store %arg9[%swap3A_294], %add3A_293 {strides = array<i32>} : memref<480xf32, #tpu.memory_space<vmem>>, vector<16xf32>,
      %get3A_296 = arith.constant 464 : index
      %get3A_297 = tpu.vector_load %arg9[%get3A_296] {strides = array<i32>} : memref<480xf32, #tpu.memory_space<vmem>>, vector<16xf32>,
      %sub3A_298 = arith.constant 0.000000e+00 : f32
      %sub3A_299 = vector.broadcast %sub3A_298 : f32 to vector<16xf32>
      %sub3A_300 = arith.subf %sub3A_177, %sub3A_299 : vector<16xf32>
      %add3A_301 = arith.addf %get3A_297, %sub3A_300 : vector<16xf32>
      %swap3A_302 = arith.constant 464 : index
      %swap3A_303 = tpu.vector_load %arg9[%swap3A_302] {strides = array<i32>} : memref<480xf32, #tpu.memory_space<vmem>>, vector<16xf32>,
      tpu.vector_store %arg9[%swap3A_302], %add3A_301 {strides = array<i32>} : memref<480xf32, #tpu.memory_space<vmem>>, vector<16xf32>,
      %add3A_304 = arith.constant 2 : i32
      %add3A_305 = arith.addi %mul3A_111, %add3A_304 : i32
      %lt3A = arith.constant 32 : i32
      %lt3A_306 = arith.cmpi slt, %add3A_305, %lt3A : i32
      %convert_element_type3A_307 = arith.extui %lt3A_306 : i1 to i32
      %cond3A_308 = arith.constant 0 : i32
      %cond3A_309 = arith.cmpi ne, %convert_element_type3A_307, %cond3A_308 : i32
      scf.if %cond3A_309 {
        %add3A_513 = arith.constant 2 : i32
        %add3A_514 = arith.addi %mul3A_111, %add3A_513 : i32
        %mul3A_515 = arith.constant 2 : i32
        %mul3A_516 = arith.muli %add3A, %mul3A_515 : i32
        %shift_right_arithmetic3A = arith.constant 4 : i32
        %shift_right_arithmetic3A_517 = arith.shrsi %add3A_514, %shift_right_arithmetic3A : i32
        %add3A_518 = arith.addi %mul3A_516, %shift_right_arithmetic3A_517 : i32
        %and3A = arith.constant 15 : i32
        %and3A_519 = arith.andi %add3A_514, %and3A : i32
        %mul3A_520 = arith.constant 32 : i32
        %mul3A_521 = arith.muli %and3A_519, %mul3A_520 : i32
        %dma_start3A_522 = arith.constant 0 : i32
        %dma_start3A_523 = tpu.memref_slice %arg2[%add3A_518, %mul3A_521, %dma_start3A_522] : memref<64x512x512xf32, #tpu.memory_space<hbm>> -> memref<1x32x512xf32, #tpu.memory_space<hbm>>
        %dma_start3A_524 = tpu.memref_squeeze %dma_start3A_523 : memref<1x32x512xf32, #tpu.memory_space<hbm>> -> memref<32x512xf32, #tpu.memory_space<hbm>>
        %dma_start3A_525 = arith.constant 0 : i32
        %dma_start3A_526 = tpu.memref_slice %arg2[%add3A_518, %mul3A_521, %dma_start3A_525] : memref<64x512x512xf32, #tpu.memory_space<hbm>> -> memref<1x32x512xf32, #tpu.memory_space<hbm>>
        %dma_start3A_527 = tpu.memref_squeeze %dma_start3A_526 : memref<1x32x512xf32, #tpu.memory_space<hbm>> -> memref<32x512xf32, #tpu.memory_space<hbm>>
        tpu.enqueue_dma source(%dma_start3A_527 : memref<32x512xf32, #tpu.memory_space<hbm>>) target(%arg5 : memref<32x512xf32, #tpu.memory_space<vmem>>) target_semaphore(%arg13 : memref<!tpu.dma_semaphore, #tpu.memory_space<semaphore_mem>>)
        %dma_start3A_528 = arith.constant 0 : i32
        %dma_start3A_529 = tpu.memref_slice %arg3[%add3A_518, %mul3A_521, %dma_start3A_528] : memref<64x512x512xf32, #tpu.memory_space<hbm>> -> memref<1x32x512xf32, #tpu.memory_space<hbm>>
        %dma_start3A_530 = tpu.memref_squeeze %dma_start3A_529 : memref<1x32x512xf32, #tpu.memory_space<hbm>> -> memref<32x512xf32, #tpu.memory_space<hbm>>
        %dma_start3A_531 = arith.constant 0 : i32
        %dma_start3A_532 = tpu.memref_slice %arg3[%add3A_518, %mul3A_521, %dma_start3A_531] : memref<64x512x512xf32, #tpu.memory_space<hbm>> -> memref<1x32x512xf32, #tpu.memory_space<hbm>>
        %dma_start3A_533 = tpu.memref_squeeze %dma_start3A_532 : memref<1x32x512xf32, #tpu.memory_space<hbm>> -> memref<32x512xf32, #tpu.memory_space<hbm>>
        tpu.enqueue_dma source(%dma_start3A_533 : memref<32x512xf32, #tpu.memory_space<hbm>>) target(%arg7 : memref<32x512xf32, #tpu.memory_space<vmem>>) target_semaphore(%arg13 : memref<!tpu.dma_semaphore, #tpu.memory_space<semaphore_mem>>)
      } else {
      }
      %dma_wait3A_310 = arith.constant 0 : i32
      %dma_wait3A_311 = arith.constant 0 : i32
      %dma_wait3A_312 = arith.constant 0 : i32
      %dma_wait3A_313 = tpu.memref_slice %arg2[%dma_wait3A_310, %dma_wait3A_311, %dma_wait3A_312] : memref<64x512x512xf32, #tpu.memory_space<hbm>> -> memref<1x32x512xf32, #tpu.memory_space<hbm>>
      %dma_wait3A_314 = tpu.memref_squeeze %dma_wait3A_313 : memref<1x32x512xf32, #tpu.memory_space<hbm>> -> memref<32x512xf32, #tpu.memory_space<hbm>>
      %dma_wait3A_315 = arith.constant 0 : i32
      %dma_wait3A_316 = arith.constant 0 : i32
      %dma_wait3A_317 = tpu.memref_slice %arg2[%dma_wait3A_310, %dma_wait3A_315, %dma_wait3A_316] : memref<64x512x512xf32, #tpu.memory_space<hbm>> -> memref<1x32x512xf32, #tpu.memory_space<hbm>>
      %dma_wait3A_318 = tpu.memref_squeeze %dma_wait3A_317 : memref<1x32x512xf32, #tpu.memory_space<hbm>> -> memref<32x512xf32, #tpu.memory_space<hbm>>
      tpu.wait_dma2 semaphore(%arg14 : memref<!tpu.dma_semaphore, #tpu.memory_space<semaphore_mem>>) src(%dma_wait3A_318 : memref<32x512xf32, #tpu.memory_space<hbm>>) dst(%arg6 : memref<32x512xf32, #tpu.memory_space<vmem>>)
      %dma_wait3A_319 = arith.constant 0 : i32
      %dma_wait3A_320 = arith.constant 0 : i32
      %dma_wait3A_321 = arith.constant 0 : i32
      %dma_wait3A_322 = tpu.memref_slice %arg3[%dma_wait3A_319, %dma_wait3A_320, %dma_wait3A_321] : memref<64x512x512xf32, #tpu.memory_space<hbm>> -> memref<1x32x512xf32, #tpu.memory_space<hbm>>
      %dma_wait3A_323 = tpu.memref_squeeze %dma_wait3A_322 : memref<1x32x512xf32, #tpu.memory_space<hbm>> -> memref<32x512xf32, #tpu.memory_space<hbm>>
      %dma_wait3A_324 = arith.constant 0 : i32
      %dma_wait3A_325 = arith.constant 0 : i32
      %dma_wait3A_326 = tpu.memref_slice %arg3[%dma_wait3A_319, %dma_wait3A_324, %dma_wait3A_325] : memref<64x512x512xf32, #tpu.memory_space<hbm>> -> memref<1x32x512xf32, #tpu.memory_space<hbm>>
      %dma_wait3A_327 = tpu.memref_squeeze %dma_wait3A_326 : memref<1x32x512xf32, #tpu.memory_space<hbm>> -> memref<32x512xf32, #tpu.memory_space<hbm>>
      tpu.wait_dma2 semaphore(%arg14 : memref<!tpu.dma_semaphore, #tpu.memory_space<semaphore_mem>>) src(%dma_wait3A_327 : memref<32x512xf32, #tpu.memory_space<hbm>>) dst(%arg8 : memref<32x512xf32, #tpu.memory_space<vmem>>)
      %parallel_loop3A_328 = arith.constant 0 : i32
      %parallel_loop3A_329 = arith.constant 1024 : i32
      %parallel_loop3A_330 = arith.constant 1 : i32
      %parallel_loop3A_331:10 = scf.for %parallel_loop3A_513 = %parallel_loop3A_328 to %parallel_loop3A_329 step %parallel_loop3A_330 iter_args(%parallel_loop3A_514 = %broadcast_in_dim3A_1, %parallel_loop3A_515 = %broadcast_in_dim3A_1, %parallel_loop3A_516 = %broadcast_in_dim3A_1, %parallel_loop3A_517 = %broadcast_in_dim3A_1, %parallel_loop3A_518 = %broadcast_in_dim3A_1, %parallel_loop3A_519 = %broadcast_in_dim3A_1, %parallel_loop3A_520 = %broadcast_in_dim3A_1, %parallel_loop3A_521 = %broadcast_in_dim3A_1, %parallel_loop3A_522 = %broadcast_in_dim3A_1, %parallel_loop3A_523 = %broadcast_in_dim3A_1) -> (vector<16xf32>, vector<16xf32>, vector<16xf32>, vector<16xf32>, vector<16xf32>, vector<16xf32>, vector<16xf32>, vector<16xf32>, vector<16xf32>, vector<16xf32>)  : i32 {
        %parallel_loop3A_524 = arith.constant 5 : i32
        %parallel_loop3A_525 = arith.shrsi %parallel_loop3A_513, %parallel_loop3A_524 : i32
        %parallel_loop3A_526 = arith.constant 31 : i32
        %parallel_loop3A_527 = arith.andi %parallel_loop3A_513, %parallel_loop3A_526 : i32
        %parallel_loop3A_528 = arith.constant 16 : i32
        %parallel_loop3A_529 = arith.muli %parallel_loop3A_527, %parallel_loop3A_528 : i32
        %parallel_loop3A_530 = arith.index_cast %parallel_loop3A_525 : i32 to index
        %parallel_loop3A_531 = arith.index_cast %parallel_loop3A_529 : i32 to index
        %parallel_loop3A_532 = tpu.vector_load %arg6[%parallel_loop3A_530, %parallel_loop3A_531] {strides = array<i32>} : memref<32x512xf32, #tpu.memory_space<vmem>>, vector<16xf32>,
        %parallel_loop3A_533 = arith.index_cast %parallel_loop3A_525 : i32 to index
        %parallel_loop3A_534 = arith.index_cast %parallel_loop3A_529 : i32 to index
        %parallel_loop3A_535 = tpu.vector_load %arg8[%parallel_loop3A_533, %parallel_loop3A_534] {strides = array<i32>} : memref<32x512xf32, #tpu.memory_space<vmem>>, vector<16xf32>,
        %parallel_loop3A_536 = arith.constant 1.000000e+00 : f32
        %parallel_loop3A_537 = vector.broadcast %parallel_loop3A_536 : f32 to vector<16xf32>
        %parallel_loop3A_538 = arith.subf %parallel_loop3A_537, %parallel_loop3A_532 : vector<16xf32>
        %parallel_loop3A_539 = arith.maximumf %parallel_loop3A_532, %parallel_loop3A_538 : vector<16xf32>
        %parallel_loop3A_540 = arith.constant 1.000000e+01 : f32
        %parallel_loop3A_541 = vector.broadcast %parallel_loop3A_540 : f32 to vector<16xf32>
        %parallel_loop3A_542 = arith.mulf %parallel_loop3A_539, %parallel_loop3A_541 : vector<16xf32>
        %parallel_loop3A_543 = arith.constant 5.000000e-01 : f32
        %parallel_loop3A_544 = vector.broadcast %parallel_loop3A_543 : f32 to vector<16xf32>
        %parallel_loop3A_545 = arith.subf %parallel_loop3A_532, %parallel_loop3A_544 : vector<16xf32>
        %parallel_loop3A_546 = arith.constant 5.000000e-01 : f32
        %parallel_loop3A_547 = vector.broadcast %parallel_loop3A_546 : f32 to vector<16xf32>
        %parallel_loop3A_548 = arith.subf %parallel_loop3A_535, %parallel_loop3A_547 : vector<16xf32>
        %parallel_loop3A_549 = arith.mulf %parallel_loop3A_545, %parallel_loop3A_548 : vector<16xf32>
        %parallel_loop3A_550 = arith.constant 0x4B800000 : f32
        %parallel_loop3A_551 = vector.broadcast %parallel_loop3A_550 : f32 to vector<16xf32>
        %parallel_loop3A_552 = arith.mulf %parallel_loop3A_549, %parallel_loop3A_551 : vector<16xf32>
        %parallel_loop3A_553 = arith.constant 0.000000e+00 : f32
        %parallel_loop3A_554 = vector.broadcast %parallel_loop3A_553 : f32 to vector<16xf32>
        %parallel_loop3A_555 = arith.maximumf %parallel_loop3A_552, %parallel_loop3A_554 : vector<16xf32>
        %parallel_loop3A_556 = arith.constant 1.000000e+00 : f32
        %parallel_loop3A_557 = vector.broadcast %parallel_loop3A_556 : f32 to vector<16xf32>
        %parallel_loop3A_558 = arith.minimumf %parallel_loop3A_555, %parallel_loop3A_557 : vector<16xf32>
        %parallel_loop3A_559 = arith.constant 4.096000e+03 : f32
        %parallel_loop3A_560 = vector.broadcast %parallel_loop3A_559 : f32 to vector<16xf32>
        %parallel_loop3A_561 = arith.mulf %parallel_loop3A_558, %parallel_loop3A_560 : vector<16xf32>
        %parallel_loop3A_562 = arith.constant 1.000000e+00 : f32
        %parallel_loop3A_563 = vector.broadcast %parallel_loop3A_562 : f32 to vector<16xf32>
        %parallel_loop3A_564 = arith.addf %parallel_loop3A_561, %parallel_loop3A_563 : vector<16xf32>
        %parallel_loop3A_565 = arith.constant 6.000000e+00 : f32
        %parallel_loop3A_566 = vector.broadcast %parallel_loop3A_565 : f32 to vector<16xf32>
        %parallel_loop3A_567 = arith.subf %parallel_loop3A_542, %parallel_loop3A_566 : vector<16xf32>
        %parallel_loop3A_568 = arith.constant 0.000000e+00 : f32
        %parallel_loop3A_569 = vector.broadcast %parallel_loop3A_568 : f32 to vector<16xf32>
        %parallel_loop3A_570 = arith.maximumf %parallel_loop3A_567, %parallel_loop3A_569 : vector<16xf32>
        %parallel_loop3A_571 = arith.constant 7.000000e+00 : f32
        %parallel_loop3A_572 = vector.broadcast %parallel_loop3A_571 : f32 to vector<16xf32>
        %parallel_loop3A_573 = arith.subf %parallel_loop3A_542, %parallel_loop3A_572 : vector<16xf32>
        %parallel_loop3A_574 = arith.constant 0.000000e+00 : f32
        %parallel_loop3A_575 = vector.broadcast %parallel_loop3A_574 : f32 to vector<16xf32>
        %parallel_loop3A_576 = arith.maximumf %parallel_loop3A_573, %parallel_loop3A_575 : vector<16xf32>
        %parallel_loop3A_577 = arith.constant 8.000000e+00 : f32
        %parallel_loop3A_578 = vector.broadcast %parallel_loop3A_577 : f32 to vector<16xf32>
        %parallel_loop3A_579 = arith.subf %parallel_loop3A_542, %parallel_loop3A_578 : vector<16xf32>
        %parallel_loop3A_580 = arith.constant 0.000000e+00 : f32
        %parallel_loop3A_581 = vector.broadcast %parallel_loop3A_580 : f32 to vector<16xf32>
        %parallel_loop3A_582 = arith.maximumf %parallel_loop3A_579, %parallel_loop3A_581 : vector<16xf32>
        %parallel_loop3A_583 = arith.constant 9.000000e+00 : f32
        %parallel_loop3A_584 = vector.broadcast %parallel_loop3A_583 : f32 to vector<16xf32>
        %parallel_loop3A_585 = arith.subf %parallel_loop3A_542, %parallel_loop3A_584 : vector<16xf32>
        %parallel_loop3A_586 = arith.constant 0.000000e+00 : f32
        %parallel_loop3A_587 = vector.broadcast %parallel_loop3A_586 : f32 to vector<16xf32>
        %parallel_loop3A_588 = arith.maximumf %parallel_loop3A_585, %parallel_loop3A_587 : vector<16xf32>
        %parallel_loop3A_589 = arith.addf %parallel_loop3A_514, %parallel_loop3A_542 : vector<16xf32>
        %parallel_loop3A_590 = arith.addf %parallel_loop3A_519, %parallel_loop3A_564 : vector<16xf32>
        %parallel_loop3A_591 = arith.addf %parallel_loop3A_515, %parallel_loop3A_570 : vector<16xf32>
        %parallel_loop3A_592 = arith.addf %parallel_loop3A_516, %parallel_loop3A_576 : vector<16xf32>
        %parallel_loop3A_593 = arith.addf %parallel_loop3A_517, %parallel_loop3A_582 : vector<16xf32>
        %parallel_loop3A_594 = arith.addf %parallel_loop3A_518, %parallel_loop3A_588 : vector<16xf32>
        %parallel_loop3A_595 = arith.constant 0x4B800000 : f32
        %parallel_loop3A_596 = vector.broadcast %parallel_loop3A_595 : f32 to vector<16xf32>
        %parallel_loop3A_597 = arith.mulf %parallel_loop3A_570, %parallel_loop3A_596 : vector<16xf32>
        %parallel_loop3A_598 = arith.constant 1.000000e+00 : f32
        %parallel_loop3A_599 = vector.broadcast %parallel_loop3A_598 : f32 to vector<16xf32>
        %parallel_loop3A_600 = arith.minimumf %parallel_loop3A_597, %parallel_loop3A_599 : vector<16xf32>
        %parallel_loop3A_601 = arith.mulf %parallel_loop3A_600, %parallel_loop3A_564 : vector<16xf32>
        %parallel_loop3A_602 = arith.addf %parallel_loop3A_520, %parallel_loop3A_601 : vector<16xf32>
        %parallel_loop3A_603 = arith.constant 0x4B800000 : f32
        %parallel_loop3A_604 = vector.broadcast %parallel_loop3A_603 : f32 to vector<16xf32>
        %parallel_loop3A_605 = arith.mulf %parallel_loop3A_576, %parallel_loop3A_604 : vector<16xf32>
        %parallel_loop3A_606 = arith.constant 1.000000e+00 : f32
        %parallel_loop3A_607 = vector.broadcast %parallel_loop3A_606 : f32 to vector<16xf32>
        %parallel_loop3A_608 = arith.minimumf %parallel_loop3A_605, %parallel_loop3A_607 : vector<16xf32>
        %parallel_loop3A_609 = arith.mulf %parallel_loop3A_608, %parallel_loop3A_564 : vector<16xf32>
        %parallel_loop3A_610 = arith.addf %parallel_loop3A_521, %parallel_loop3A_609 : vector<16xf32>
        %parallel_loop3A_611 = arith.constant 0x4B800000 : f32
        %parallel_loop3A_612 = vector.broadcast %parallel_loop3A_611 : f32 to vector<16xf32>
        %parallel_loop3A_613 = arith.mulf %parallel_loop3A_582, %parallel_loop3A_612 : vector<16xf32>
        %parallel_loop3A_614 = arith.constant 1.000000e+00 : f32
        %parallel_loop3A_615 = vector.broadcast %parallel_loop3A_614 : f32 to vector<16xf32>
        %parallel_loop3A_616 = arith.minimumf %parallel_loop3A_613, %parallel_loop3A_615 : vector<16xf32>
        %parallel_loop3A_617 = arith.mulf %parallel_loop3A_616, %parallel_loop3A_564 : vector<16xf32>
        %parallel_loop3A_618 = arith.addf %parallel_loop3A_522, %parallel_loop3A_617 : vector<16xf32>
        %parallel_loop3A_619 = arith.constant 0x4B800000 : f32
        %parallel_loop3A_620 = vector.broadcast %parallel_loop3A_619 : f32 to vector<16xf32>
        %parallel_loop3A_621 = arith.mulf %parallel_loop3A_588, %parallel_loop3A_620 : vector<16xf32>
        %parallel_loop3A_622 = arith.constant 1.000000e+00 : f32
        %parallel_loop3A_623 = vector.broadcast %parallel_loop3A_622 : f32 to vector<16xf32>
        %parallel_loop3A_624 = arith.minimumf %parallel_loop3A_621, %parallel_loop3A_623 : vector<16xf32>
        %parallel_loop3A_625 = arith.mulf %parallel_loop3A_624, %parallel_loop3A_564 : vector<16xf32>
        %parallel_loop3A_626 = arith.addf %parallel_loop3A_523, %parallel_loop3A_625 : vector<16xf32>
        scf.yield %parallel_loop3A_589, %parallel_loop3A_591, %parallel_loop3A_592, %parallel_loop3A_593, %parallel_loop3A_594, %parallel_loop3A_590, %parallel_loop3A_602, %parallel_loop3A_610, %parallel_loop3A_618, %parallel_loop3A_626 : vector<16xf32>, vector<16xf32>, vector<16xf32>, vector<16xf32>, vector<16xf32>, vector<16xf32>, vector<16xf32>, vector<16xf32>, vector<16xf32>, vector<16xf32>
      } {sc.loop_unroll_factor = 4 : i64, sc.parallel_access}
      %mul3A_332 = arith.constant 2.44140625E-4 : f32
      %mul3A_333 = vector.broadcast %mul3A_332 : f32 to vector<16xf32>
      %mul3A_334 = arith.mulf %parallel_loop3A_331#5, %mul3A_333 : vector<16xf32>
      %convert_element_type3A_335 = arith.fptosi %mul3A_334 : vector<16xf32> to vector<16xi32>
      %convert_element_type3A_336 = arith.sitofp %convert_element_type3A_335 : vector<16xi32> to vector<16xf32>
      %mul3A_337 = arith.constant 4.096000e+03 : f32
      %mul3A_338 = vector.broadcast %mul3A_337 : f32 to vector<16xf32>
      %mul3A_339 = arith.mulf %convert_element_type3A_336, %mul3A_338 : vector<16xf32>
      %sub3A_340 = arith.subf %parallel_loop3A_331#5, %mul3A_339 : vector<16xf32>
      %broadcast_in_dim3A_341 = arith.constant 1.024000e+03 : f32
      %broadcast_in_dim3A_342 = vector.broadcast %broadcast_in_dim3A_341 : f32 to vector<16xf32>
      %mul3A_343 = arith.constant 2.44140625E-4 : f32
      %mul3A_344 = vector.broadcast %mul3A_343 : f32 to vector<16xf32>
      %mul3A_345 = arith.mulf %parallel_loop3A_331#6, %mul3A_344 : vector<16xf32>
      %convert_element_type3A_346 = arith.fptosi %mul3A_345 : vector<16xf32> to vector<16xi32>
      %convert_element_type3A_347 = arith.sitofp %convert_element_type3A_346 : vector<16xi32> to vector<16xf32>
      %mul3A_348 = arith.constant 4.096000e+03 : f32
      %mul3A_349 = vector.broadcast %mul3A_348 : f32 to vector<16xf32>
      %mul3A_350 = arith.mulf %convert_element_type3A_347, %mul3A_349 : vector<16xf32>
      %sub3A_351 = arith.subf %parallel_loop3A_331#6, %mul3A_350 : vector<16xf32>
      %mul3A_352 = arith.constant 2.44140625E-4 : f32
      %mul3A_353 = vector.broadcast %mul3A_352 : f32 to vector<16xf32>
      %mul3A_354 = arith.mulf %parallel_loop3A_331#7, %mul3A_353 : vector<16xf32>
      %convert_element_type3A_355 = arith.fptosi %mul3A_354 : vector<16xf32> to vector<16xi32>
      %convert_element_type3A_356 = arith.sitofp %convert_element_type3A_355 : vector<16xi32> to vector<16xf32>
      %mul3A_357 = arith.constant 4.096000e+03 : f32
      %mul3A_358 = vector.broadcast %mul3A_357 : f32 to vector<16xf32>
      %mul3A_359 = arith.mulf %convert_element_type3A_356, %mul3A_358 : vector<16xf32>
      %sub3A_360 = arith.subf %parallel_loop3A_331#7, %mul3A_359 : vector<16xf32>
      %mul3A_361 = arith.constant 2.44140625E-4 : f32
      %mul3A_362 = vector.broadcast %mul3A_361 : f32 to vector<16xf32>
      %mul3A_363 = arith.mulf %parallel_loop3A_331#8, %mul3A_362 : vector<16xf32>
      %convert_element_type3A_364 = arith.fptosi %mul3A_363 : vector<16xf32> to vector<16xi32>
      %convert_element_type3A_365 = arith.sitofp %convert_element_type3A_364 : vector<16xi32> to vector<16xf32>
      %mul3A_366 = arith.constant 4.096000e+03 : f32
      %mul3A_367 = vector.broadcast %mul3A_366 : f32 to vector<16xf32>
      %mul3A_368 = arith.mulf %convert_element_type3A_365, %mul3A_367 : vector<16xf32>
      %sub3A_369 = arith.subf %parallel_loop3A_331#8, %mul3A_368 : vector<16xf32>
      %mul3A_370 = arith.constant 2.44140625E-4 : f32
      %mul3A_371 = vector.broadcast %mul3A_370 : f32 to vector<16xf32>
      %mul3A_372 = arith.mulf %parallel_loop3A_331#9, %mul3A_371 : vector<16xf32>
      %convert_element_type3A_373 = arith.fptosi %mul3A_372 : vector<16xf32> to vector<16xi32>
      %convert_element_type3A_374 = arith.sitofp %convert_element_type3A_373 : vector<16xi32> to vector<16xf32>
      %mul3A_375 = arith.constant 4.096000e+03 : f32
      %mul3A_376 = vector.broadcast %mul3A_375 : f32 to vector<16xf32>
      %mul3A_377 = arith.mulf %convert_element_type3A_374, %mul3A_376 : vector<16xf32>
      %sub3A_378 = arith.subf %parallel_loop3A_331#9, %mul3A_377 : vector<16xf32>
      %mul3A_379 = arith.constant 6.000000e+00 : f32
      %mul3A_380 = vector.broadcast %mul3A_379 : f32 to vector<16xf32>
      %mul3A_381 = arith.mulf %mul3A_380, %sub3A_351 : vector<16xf32>
      %add3A_382 = arith.addf %parallel_loop3A_331#1, %mul3A_381 : vector<16xf32>
      %mul3A_383 = arith.constant 7.000000e+00 : f32
      %mul3A_384 = vector.broadcast %mul3A_383 : f32 to vector<16xf32>
      %mul3A_385 = arith.mulf %mul3A_384, %sub3A_360 : vector<16xf32>
      %add3A_386 = arith.addf %parallel_loop3A_331#2, %mul3A_385 : vector<16xf32>
      %mul3A_387 = arith.constant 8.000000e+00 : f32
      %mul3A_388 = vector.broadcast %mul3A_387 : f32 to vector<16xf32>
      %mul3A_389 = arith.mulf %mul3A_388, %sub3A_369 : vector<16xf32>
      %add3A_390 = arith.addf %parallel_loop3A_331#3, %mul3A_389 : vector<16xf32>
      %mul3A_391 = arith.constant 9.000000e+00 : f32
      %mul3A_392 = vector.broadcast %mul3A_391 : f32 to vector<16xf32>
      %mul3A_393 = arith.mulf %mul3A_392, %sub3A_378 : vector<16xf32>
      %add3A_394 = arith.addf %parallel_loop3A_331#4, %mul3A_393 : vector<16xf32>
      %get3A_395 = arith.constant 80 : index
      %get3A_396 = tpu.vector_load %arg9[%get3A_395] {strides = array<i32>} : memref<480xf32, #tpu.memory_space<vmem>>, vector<16xf32>,
      %sub3A_397 = arith.subf %parallel_loop3A_331#0, %add3A_382 : vector<16xf32>
      %mul3A_398 = arith.constant 1.000000e-01 : f32
      %mul3A_399 = vector.broadcast %mul3A_398 : f32 to vector<16xf32>
      %mul3A_400 = arith.mulf %sub3A_397, %mul3A_399 : vector<16xf32>
      %add3A_401 = arith.addf %get3A_396, %mul3A_400 : vector<16xf32>
      %swap3A_402 = arith.constant 80 : index
      %swap3A_403 = tpu.vector_load %arg9[%swap3A_402] {strides = array<i32>} : memref<480xf32, #tpu.memory_space<vmem>>, vector<16xf32>,
      tpu.vector_store %arg9[%swap3A_402], %add3A_401 {strides = array<i32>} : memref<480xf32, #tpu.memory_space<vmem>>, vector<16xf32>,
      %get3A_404 = arith.constant 240 : index
      %get3A_405 = tpu.vector_load %arg9[%get3A_404] {strides = array<i32>} : memref<480xf32, #tpu.memory_space<vmem>>, vector<16xf32>,
      %sub3A_406 = arith.subf %convert_element_type3A_336, %convert_element_type3A_347 : vector<16xf32>
      %add3A_407 = arith.addf %get3A_405, %sub3A_406 : vector<16xf32>
      %swap3A_408 = arith.constant 240 : index
      %swap3A_409 = tpu.vector_load %arg9[%swap3A_408] {strides = array<i32>} : memref<480xf32, #tpu.memory_space<vmem>>, vector<16xf32>,
      tpu.vector_store %arg9[%swap3A_408], %add3A_407 {strides = array<i32>} : memref<480xf32, #tpu.memory_space<vmem>>, vector<16xf32>,
      %get3A_410 = arith.constant 400 : index
      %get3A_411 = tpu.vector_load %arg9[%get3A_410] {strides = array<i32>} : memref<480xf32, #tpu.memory_space<vmem>>, vector<16xf32>,
      %sub3A_412 = arith.subf %broadcast_in_dim3A_342, %sub3A_351 : vector<16xf32>
      %add3A_413 = arith.addf %get3A_411, %sub3A_412 : vector<16xf32>
      %swap3A_414 = arith.constant 400 : index
      %swap3A_415 = tpu.vector_load %arg9[%swap3A_414] {strides = array<i32>} : memref<480xf32, #tpu.memory_space<vmem>>, vector<16xf32>,
      tpu.vector_store %arg9[%swap3A_414], %add3A_413 {strides = array<i32>} : memref<480xf32, #tpu.memory_space<vmem>>, vector<16xf32>,
      %get3A_416 = arith.constant 96 : index
      %get3A_417 = tpu.vector_load %arg9[%get3A_416] {strides = array<i32>} : memref<480xf32, #tpu.memory_space<vmem>>, vector<16xf32>,
      %sub3A_418 = arith.subf %add3A_382, %add3A_386 : vector<16xf32>
      %mul3A_419 = arith.constant 1.000000e-01 : f32
      %mul3A_420 = vector.broadcast %mul3A_419 : f32 to vector<16xf32>
      %mul3A_421 = arith.mulf %sub3A_418, %mul3A_420 : vector<16xf32>
      %add3A_422 = arith.addf %get3A_417, %mul3A_421 : vector<16xf32>
      %swap3A_423 = arith.constant 96 : index
      %swap3A_424 = tpu.vector_load %arg9[%swap3A_423] {strides = array<i32>} : memref<480xf32, #tpu.memory_space<vmem>>, vector<16xf32>,
      tpu.vector_store %arg9[%swap3A_423], %add3A_422 {strides = array<i32>} : memref<480xf32, #tpu.memory_space<vmem>>, vector<16xf32>,
      %get3A_425 = arith.constant 256 : index
      %get3A_426 = tpu.vector_load %arg9[%get3A_425] {strides = array<i32>} : memref<480xf32, #tpu.memory_space<vmem>>, vector<16xf32>,
      %sub3A_427 = arith.subf %convert_element_type3A_347, %convert_element_type3A_356 : vector<16xf32>
      %add3A_428 = arith.addf %get3A_426, %sub3A_427 : vector<16xf32>
      %swap3A_429 = arith.constant 256 : index
      %swap3A_430 = tpu.vector_load %arg9[%swap3A_429] {strides = array<i32>} : memref<480xf32, #tpu.memory_space<vmem>>, vector<16xf32>,
      tpu.vector_store %arg9[%swap3A_429], %add3A_428 {strides = array<i32>} : memref<480xf32, #tpu.memory_space<vmem>>, vector<16xf32>,
      %get3A_431 = arith.constant 416 : index
      %get3A_432 = tpu.vector_load %arg9[%get3A_431] {strides = array<i32>} : memref<480xf32, #tpu.memory_space<vmem>>, vector<16xf32>,
      %sub3A_433 = arith.subf %sub3A_351, %sub3A_360 : vector<16xf32>
      %add3A_434 = arith.addf %get3A_432, %sub3A_433 : vector<16xf32>
      %swap3A_435 = arith.constant 416 : index
      %swap3A_436 = tpu.vector_load %arg9[%swap3A_435] {strides = array<i32>} : memref<480xf32, #tpu.memory_space<vmem>>, vector<16xf32>,
      tpu.vector_store %arg9[%swap3A_435], %add3A_434 {strides = array<i32>} : memref<480xf32, #tpu.memory_space<vmem>>, vector<16xf32>,
      %get3A_437 = arith.constant 112 : index
      %get3A_438 = tpu.vector_load %arg9[%get3A_437] {strides = array<i32>} : memref<480xf32, #tpu.memory_space<vmem>>, vector<16xf32>,
      %sub3A_439 = arith.subf %add3A_386, %add3A_390 : vector<16xf32>
      %mul3A_440 = arith.constant 1.000000e-01 : f32
      %mul3A_441 = vector.broadcast %mul3A_440 : f32 to vector<16xf32>
      %mul3A_442 = arith.mulf %sub3A_439, %mul3A_441 : vector<16xf32>
      %add3A_443 = arith.addf %get3A_438, %mul3A_442 : vector<16xf32>
      %swap3A_444 = arith.constant 112 : index
      %swap3A_445 = tpu.vector_load %arg9[%swap3A_444] {strides = array<i32>} : memref<480xf32, #tpu.memory_space<vmem>>, vector<16xf32>,
      tpu.vector_store %arg9[%swap3A_444], %add3A_443 {strides = array<i32>} : memref<480xf32, #tpu.memory_space<vmem>>, vector<16xf32>,
      %get3A_446 = arith.constant 272 : index
      %get3A_447 = tpu.vector_load %arg9[%get3A_446] {strides = array<i32>} : memref<480xf32, #tpu.memory_space<vmem>>, vector<16xf32>,
      %sub3A_448 = arith.subf %convert_element_type3A_356, %convert_element_type3A_365 : vector<16xf32>
      %add3A_449 = arith.addf %get3A_447, %sub3A_448 : vector<16xf32>
      %swap3A_450 = arith.constant 272 : index
      %swap3A_451 = tpu.vector_load %arg9[%swap3A_450] {strides = array<i32>} : memref<480xf32, #tpu.memory_space<vmem>>, vector<16xf32>,
      tpu.vector_store %arg9[%swap3A_450], %add3A_449 {strides = array<i32>} : memref<480xf32, #tpu.memory_space<vmem>>, vector<16xf32>,
      %get3A_452 = arith.constant 432 : index
      %get3A_453 = tpu.vector_load %arg9[%get3A_452] {strides = array<i32>} : memref<480xf32, #tpu.memory_space<vmem>>, vector<16xf32>,
      %sub3A_454 = arith.subf %sub3A_360, %sub3A_369 : vector<16xf32>
      %add3A_455 = arith.addf %get3A_453, %sub3A_454 : vector<16xf32>
      %swap3A_456 = arith.constant 432 : index
      %swap3A_457 = tpu.vector_load %arg9[%swap3A_456] {strides = array<i32>} : memref<480xf32, #tpu.memory_space<vmem>>, vector<16xf32>,
      tpu.vector_store %arg9[%swap3A_456], %add3A_455 {strides = array<i32>} : memref<480xf32, #tpu.memory_space<vmem>>, vector<16xf32>,
      %get3A_458 = arith.constant 128 : index
      %get3A_459 = tpu.vector_load %arg9[%get3A_458] {strides = array<i32>} : memref<480xf32, #tpu.memory_space<vmem>>, vector<16xf32>,
      %sub3A_460 = arith.subf %add3A_390, %add3A_394 : vector<16xf32>
      %mul3A_461 = arith.constant 1.000000e-01 : f32
      %mul3A_462 = vector.broadcast %mul3A_461 : f32 to vector<16xf32>
      %mul3A_463 = arith.mulf %sub3A_460, %mul3A_462 : vector<16xf32>
      %add3A_464 = arith.addf %get3A_459, %mul3A_463 : vector<16xf32>
      %swap3A_465 = arith.constant 128 : index
      %swap3A_466 = tpu.vector_load %arg9[%swap3A_465] {strides = array<i32>} : memref<480xf32, #tpu.memory_space<vmem>>, vector<16xf32>,
      tpu.vector_store %arg9[%swap3A_465], %add3A_464 {strides = array<i32>} : memref<480xf32, #tpu.memory_space<vmem>>, vector<16xf32>,
      %get3A_467 = arith.constant 288 : index
      %get3A_468 = tpu.vector_load %arg9[%get3A_467] {strides = array<i32>} : memref<480xf32, #tpu.memory_space<vmem>>, vector<16xf32>,
      %sub3A_469 = arith.subf %convert_element_type3A_365, %convert_element_type3A_374 : vector<16xf32>
      %add3A_470 = arith.addf %get3A_468, %sub3A_469 : vector<16xf32>
      %swap3A_471 = arith.constant 288 : index
      %swap3A_472 = tpu.vector_load %arg9[%swap3A_471] {strides = array<i32>} : memref<480xf32, #tpu.memory_space<vmem>>, vector<16xf32>,
      tpu.vector_store %arg9[%swap3A_471], %add3A_470 {strides = array<i32>} : memref<480xf32, #tpu.memory_space<vmem>>, vector<16xf32>,
      %get3A_473 = arith.constant 448 : index
      %get3A_474 = tpu.vector_load %arg9[%get3A_473] {strides = array<i32>} : memref<480xf32, #tpu.memory_space<vmem>>, vector<16xf32>,
      %sub3A_475 = arith.subf %sub3A_369, %sub3A_378 : vector<16xf32>
      %add3A_476 = arith.addf %get3A_474, %sub3A_475 : vector<16xf32>
      %swap3A_477 = arith.constant 448 : index
      %swap3A_478 = tpu.vector_load %arg9[%swap3A_477] {strides = array<i32>} : memref<480xf32, #tpu.memory_space<vmem>>, vector<16xf32>,
      tpu.vector_store %arg9[%swap3A_477], %add3A_476 {strides = array<i32>} : memref<480xf32, #tpu.memory_space<vmem>>, vector<16xf32>,
      %get3A_479 = arith.constant 144 : index
      %get3A_480 = tpu.vector_load %arg9[%get3A_479] {strides = array<i32>} : memref<480xf32, #tpu.memory_space<vmem>>, vector<16xf32>,
      %sub3A_481 = arith.constant 0.000000e+00 : f32
      %sub3A_482 = vector.broadcast %sub3A_481 : f32 to vector<16xf32>
      %sub3A_483 = arith.subf %add3A_394, %sub3A_482 : vector<16xf32>
      %mul3A_484 = arith.constant 1.000000e-01 : f32
      %mul3A_485 = vector.broadcast %mul3A_484 : f32 to vector<16xf32>
      %mul3A_486 = arith.mulf %sub3A_483, %mul3A_485 : vector<16xf32>
      %add3A_487 = arith.addf %get3A_480, %mul3A_486 : vector<16xf32>
      %swap3A_488 = arith.constant 144 : index
      %swap3A_489 = tpu.vector_load %arg9[%swap3A_488] {strides = array<i32>} : memref<480xf32, #tpu.memory_space<vmem>>, vector<16xf32>,
      tpu.vector_store %arg9[%swap3A_488], %add3A_487 {strides = array<i32>} : memref<480xf32, #tpu.memory_space<vmem>>, vector<16xf32>,
      %get3A_490 = arith.constant 304 : index
      %get3A_491 = tpu.vector_load %arg9[%get3A_490] {strides = array<i32>} : memref<480xf32, #tpu.memory_space<vmem>>, vector<16xf32>,
      %sub3A_492 = arith.constant 0.000000e+00 : f32
      %sub3A_493 = vector.broadcast %sub3A_492 : f32 to vector<16xf32>
      %sub3A_494 = arith.subf %convert_element_type3A_374, %sub3A_493 : vector<16xf32>
      %add3A_495 = arith.addf %get3A_491, %sub3A_494 : vector<16xf32>
      %swap3A_496 = arith.constant 304 : index
      %swap3A_497 = tpu.vector_load %arg9[%swap3A_496] {strides = array<i32>} : memref<480xf32, #tpu.memory_space<vmem>>, vector<16xf32>,
      tpu.vector_store %arg9[%swap3A_496], %add3A_495 {strides = array<i32>} : memref<480xf32, #tpu.memory_space<vmem>>, vector<16xf32>,
      %get3A_498 = arith.constant 464 : index
      %get3A_499 = tpu.vector_load %arg9[%get3A_498] {strides = array<i32>} : memref<480xf32, #tpu.memory_space<vmem>>, vector<16xf32>,
      %sub3A_500 = arith.constant 0.000000e+00 : f32
      %sub3A_501 = vector.broadcast %sub3A_500 : f32 to vector<16xf32>
      %sub3A_502 = arith.subf %sub3A_378, %sub3A_501 : vector<16xf32>
      %add3A_503 = arith.addf %get3A_499, %sub3A_502 : vector<16xf32>
      %swap3A_504 = arith.constant 464 : index
      %swap3A_505 = tpu.vector_load %arg9[%swap3A_504] {strides = array<i32>} : memref<480xf32, #tpu.memory_space<vmem>>, vector<16xf32>,
      tpu.vector_store %arg9[%swap3A_504], %add3A_503 {strides = array<i32>} : memref<480xf32, #tpu.memory_space<vmem>>, vector<16xf32>,
      %add3A_506 = arith.constant 3 : i32
      %add3A_507 = arith.addi %mul3A_111, %add3A_506 : i32
      %lt3A_508 = arith.constant 32 : i32
      %lt3A_509 = arith.cmpi slt, %add3A_507, %lt3A_508 : i32
      %convert_element_type3A_510 = arith.extui %lt3A_509 : i1 to i32
      %cond3A_511 = arith.constant 0 : i32
      %cond3A_512 = arith.cmpi ne, %convert_element_type3A_510, %cond3A_511 : i32
      scf.if %cond3A_512 {
        %add3A_513 = arith.constant 3 : i32
        %add3A_514 = arith.addi %mul3A_111, %add3A_513 : i32
        %mul3A_515 = arith.constant 2 : i32
        %mul3A_516 = arith.muli %add3A, %mul3A_515 : i32
        %shift_right_arithmetic3A = arith.constant 4 : i32
        %shift_right_arithmetic3A_517 = arith.shrsi %add3A_514, %shift_right_arithmetic3A : i32
        %add3A_518 = arith.addi %mul3A_516, %shift_right_arithmetic3A_517 : i32
        %and3A = arith.constant 15 : i32
        %and3A_519 = arith.andi %add3A_514, %and3A : i32
        %mul3A_520 = arith.constant 32 : i32
        %mul3A_521 = arith.muli %and3A_519, %mul3A_520 : i32
        %dma_start3A_522 = arith.constant 0 : i32
        %dma_start3A_523 = tpu.memref_slice %arg2[%add3A_518, %mul3A_521, %dma_start3A_522] : memref<64x512x512xf32, #tpu.memory_space<hbm>> -> memref<1x32x512xf32, #tpu.memory_space<hbm>>
        %dma_start3A_524 = tpu.memref_squeeze %dma_start3A_523 : memref<1x32x512xf32, #tpu.memory_space<hbm>> -> memref<32x512xf32, #tpu.memory_space<hbm>>
        %dma_start3A_525 = arith.constant 0 : i32
        %dma_start3A_526 = tpu.memref_slice %arg2[%add3A_518, %mul3A_521, %dma_start3A_525] : memref<64x512x512xf32, #tpu.memory_space<hbm>> -> memref<1x32x512xf32, #tpu.memory_space<hbm>>
        %dma_start3A_527 = tpu.memref_squeeze %dma_start3A_526 : memref<1x32x512xf32, #tpu.memory_space<hbm>> -> memref<32x512xf32, #tpu.memory_space<hbm>>
        tpu.enqueue_dma source(%dma_start3A_527 : memref<32x512xf32, #tpu.memory_space<hbm>>) target(%arg6 : memref<32x512xf32, #tpu.memory_space<vmem>>) target_semaphore(%arg14 : memref<!tpu.dma_semaphore, #tpu.memory_space<semaphore_mem>>)
        %dma_start3A_528 = arith.constant 0 : i32
        %dma_start3A_529 = tpu.memref_slice %arg3[%add3A_518, %mul3A_521, %dma_start3A_528] : memref<64x512x512xf32, #tpu.memory_space<hbm>> -> memref<1x32x512xf32, #tpu.memory_space<hbm>>
        %dma_start3A_530 = tpu.memref_squeeze %dma_start3A_529 : memref<1x32x512xf32, #tpu.memory_space<hbm>> -> memref<32x512xf32, #tpu.memory_space<hbm>>
        %dma_start3A_531 = arith.constant 0 : i32
        %dma_start3A_532 = tpu.memref_slice %arg3[%add3A_518, %mul3A_521, %dma_start3A_531] : memref<64x512x512xf32, #tpu.memory_space<hbm>> -> memref<1x32x512xf32, #tpu.memory_space<hbm>>
        %dma_start3A_533 = tpu.memref_squeeze %dma_start3A_532 : memref<1x32x512xf32, #tpu.memory_space<hbm>> -> memref<32x512xf32, #tpu.memory_space<hbm>>
        tpu.enqueue_dma source(%dma_start3A_533 : memref<32x512xf32, #tpu.memory_space<hbm>>) target(%arg8 : memref<32x512xf32, #tpu.memory_space<vmem>>) target_semaphore(%arg14 : memref<!tpu.dma_semaphore, #tpu.memory_space<semaphore_mem>>)
      } else {
      }
    }
    %scan3A_104 = arith.constant 16 : i32
    %mul3A_105 = arith.constant 480 : i32
    %mul3A_106 = arith.muli %arg1, %mul3A_105 : i32
    "tpu.region"() ({
      %run_scoped3A = tpu.sem_alloc : memref<!tpu.dma_semaphore, #tpu.memory_space<semaphore_mem>>
      %dma_start3A_109 = tpu.memref_slice %arg12[%mul3A_106] : memref<7680xf32, #tpu.memory_space<vmem_shared>> -> memref<480xf32, #tpu.memory_space<vmem_shared>>
      %dma_start3A_110 = tpu.memref_slice %arg12[%mul3A_106] : memref<7680xf32, #tpu.memory_space<vmem_shared>> -> memref<480xf32, #tpu.memory_space<vmem_shared>>
      tpu.enqueue_dma source(%arg9 : memref<480xf32, #tpu.memory_space<vmem>>) target(%dma_start3A_110 : memref<480xf32, #tpu.memory_space<vmem_shared>>) target_semaphore(%run_scoped3A : memref<!tpu.dma_semaphore, #tpu.memory_space<semaphore_mem>>)
      %dma_wait3A = tpu.memref_slice %arg12[%mul3A_106] : memref<7680xf32, #tpu.memory_space<vmem_shared>> -> memref<480xf32, #tpu.memory_space<vmem_shared>>
      %dma_wait3A_111 = tpu.memref_slice %arg12[%mul3A_106] : memref<7680xf32, #tpu.memory_space<vmem_shared>> -> memref<480xf32, #tpu.memory_space<vmem_shared>>
      tpu.wait_dma2 semaphore(%run_scoped3A : memref<!tpu.dma_semaphore, #tpu.memory_space<semaphore_mem>>) src(%arg9 : memref<480xf32, #tpu.memory_space<vmem>>) dst(%dma_wait3A_111 : memref<480xf32, #tpu.memory_space<vmem_shared>>)
      tpu.yield
    }) : () -> ()
    %barrier3A = arith.constant 0 : index
    tpu.barrier barrier_id(%barrier3A)
    %eq3A = arith.constant 0 : i32
    %eq3A_107 = arith.cmpi eq, %arg1, %eq3A : i32
    %convert_element_type3A = arith.extui %eq3A_107 : i1 to i32
    %cond3A = arith.constant 0 : i32
    %cond3A_108 = arith.cmpi ne, %convert_element_type3A, %cond3A : i32
    scf.if %cond3A_108 {
      "tpu.region"() ({
        %run_scoped3A = tpu.sem_alloc : memref<!tpu.dma_semaphore, #tpu.memory_space<semaphore_mem>>
        tpu.enqueue_dma source(%arg12 : memref<7680xf32, #tpu.memory_space<vmem_shared>>) target(%arg10 : memref<7680xf32, #tpu.memory_space<vmem>>) target_semaphore(%run_scoped3A : memref<!tpu.dma_semaphore, #tpu.memory_space<semaphore_mem>>)
        tpu.wait_dma2 semaphore(%run_scoped3A : memref<!tpu.dma_semaphore, #tpu.memory_space<semaphore_mem>>) src(%arg12 : memref<7680xf32, #tpu.memory_space<vmem_shared>>) dst(%arg10 : memref<7680xf32, #tpu.memory_space<vmem>>)
        tpu.yield
      }) : () -> ()
      %get3A = arith.constant 0 : index
      %get3A_109 = tpu.vector_load %arg10[%get3A] {strides = array<i32>} : memref<7680xf32, #tpu.memory_space<vmem>>, vector<16xf32>,
      %get3A_110 = arith.constant 480 : index
      %get3A_111 = tpu.vector_load %arg10[%get3A_110] {strides = array<i32>} : memref<7680xf32, #tpu.memory_space<vmem>>, vector<16xf32>,
      %add3A_112 = arith.addf %get3A_109, %get3A_111 : vector<16xf32>
      %get3A_113 = arith.constant 960 : index
      %get3A_114 = tpu.vector_load %arg10[%get3A_113] {strides = array<i32>} : memref<7680xf32, #tpu.memory_space<vmem>>, vector<16xf32>,
      %add3A_115 = arith.addf %add3A_112, %get3A_114 : vector<16xf32>
      %get3A_116 = arith.constant 1440 : index
      %get3A_117 = tpu.vector_load %arg10[%get3A_116] {strides = array<i32>} : memref<7680xf32, #tpu.memory_space<vmem>>, vector<16xf32>,
      %add3A_118 = arith.addf %add3A_115, %get3A_117 : vector<16xf32>
      %get3A_119 = arith.constant 1920 : index
      %get3A_120 = tpu.vector_load %arg10[%get3A_119] {strides = array<i32>} : memref<7680xf32, #tpu.memory_space<vmem>>, vector<16xf32>,
      %add3A_121 = arith.addf %add3A_118, %get3A_120 : vector<16xf32>
      %get3A_122 = arith.constant 2400 : index
      %get3A_123 = tpu.vector_load %arg10[%get3A_122] {strides = array<i32>} : memref<7680xf32, #tpu.memory_space<vmem>>, vector<16xf32>,
      %add3A_124 = arith.addf %add3A_121, %get3A_123 : vector<16xf32>
      %get3A_125 = arith.constant 2880 : index
      %get3A_126 = tpu.vector_load %arg10[%get3A_125] {strides = array<i32>} : memref<7680xf32, #tpu.memory_space<vmem>>, vector<16xf32>,
      %add3A_127 = arith.addf %add3A_124, %get3A_126 : vector<16xf32>
      %get3A_128 = arith.constant 3360 : index
      %get3A_129 = tpu.vector_load %arg10[%get3A_128] {strides = array<i32>} : memref<7680xf32, #tpu.memory_space<vmem>>, vector<16xf32>,
      %add3A_130 = arith.addf %add3A_127, %get3A_129 : vector<16xf32>
      %get3A_131 = arith.constant 3840 : index
      %get3A_132 = tpu.vector_load %arg10[%get3A_131] {strides = array<i32>} : memref<7680xf32, #tpu.memory_space<vmem>>, vector<16xf32>,
      %add3A_133 = arith.addf %add3A_130, %get3A_132 : vector<16xf32>
      %get3A_134 = arith.constant 4320 : index
      %get3A_135 = tpu.vector_load %arg10[%get3A_134] {strides = array<i32>} : memref<7680xf32, #tpu.memory_space<vmem>>, vector<16xf32>,
      %add3A_136 = arith.addf %add3A_133, %get3A_135 : vector<16xf32>
      %get3A_137 = arith.constant 4800 : index
      %get3A_138 = tpu.vector_load %arg10[%get3A_137] {strides = array<i32>} : memref<7680xf32, #tpu.memory_space<vmem>>, vector<16xf32>,
      %add3A_139 = arith.addf %add3A_136, %get3A_138 : vector<16xf32>
      %get3A_140 = arith.constant 5280 : index
      %get3A_141 = tpu.vector_load %arg10[%get3A_140] {strides = array<i32>} : memref<7680xf32, #tpu.memory_space<vmem>>, vector<16xf32>,
      %add3A_142 = arith.addf %add3A_139, %get3A_141 : vector<16xf32>
      %get3A_143 = arith.constant 5760 : index
      %get3A_144 = tpu.vector_load %arg10[%get3A_143] {strides = array<i32>} : memref<7680xf32, #tpu.memory_space<vmem>>, vector<16xf32>,
      %add3A_145 = arith.addf %add3A_142, %get3A_144 : vector<16xf32>
      %get3A_146 = arith.constant 6240 : index
      %get3A_147 = tpu.vector_load %arg10[%get3A_146] {strides = array<i32>} : memref<7680xf32, #tpu.memory_space<vmem>>, vector<16xf32>,
      %add3A_148 = arith.addf %add3A_145, %get3A_147 : vector<16xf32>
      %get3A_149 = arith.constant 6720 : index
      %get3A_150 = tpu.vector_load %arg10[%get3A_149] {strides = array<i32>} : memref<7680xf32, #tpu.memory_space<vmem>>, vector<16xf32>,
      %add3A_151 = arith.addf %add3A_148, %get3A_150 : vector<16xf32>
      %get3A_152 = arith.constant 7200 : index
      %get3A_153 = tpu.vector_load %arg10[%get3A_152] {strides = array<i32>} : memref<7680xf32, #tpu.memory_space<vmem>>, vector<16xf32>,
      %add3A_154 = arith.addf %add3A_151, %get3A_153 : vector<16xf32>
      %swap3A_155 = arith.constant 0 : index
      %swap3A_156 = tpu.vector_load %arg11[%swap3A_155] {strides = array<i32>} : memref<480xf32, #tpu.memory_space<vmem>>, vector<16xf32>,
      tpu.vector_store %arg11[%swap3A_155], %add3A_154 {strides = array<i32>} : memref<480xf32, #tpu.memory_space<vmem>>, vector<16xf32>,
      %get3A_157 = arith.constant 16 : index
      %get3A_158 = tpu.vector_load %arg10[%get3A_157] {strides = array<i32>} : memref<7680xf32, #tpu.memory_space<vmem>>, vector<16xf32>,
      %get3A_159 = arith.constant 496 : index
      %get3A_160 = tpu.vector_load %arg10[%get3A_159] {strides = array<i32>} : memref<7680xf32, #tpu.memory_space<vmem>>, vector<16xf32>,
      %add3A_161 = arith.addf %get3A_158, %get3A_160 : vector<16xf32>
      %get3A_162 = arith.constant 976 : index
      %get3A_163 = tpu.vector_load %arg10[%get3A_162] {strides = array<i32>} : memref<7680xf32, #tpu.memory_space<vmem>>, vector<16xf32>,
      %add3A_164 = arith.addf %add3A_161, %get3A_163 : vector<16xf32>
      %get3A_165 = arith.constant 1456 : index
      %get3A_166 = tpu.vector_load %arg10[%get3A_165] {strides = array<i32>} : memref<7680xf32, #tpu.memory_space<vmem>>, vector<16xf32>,
      %add3A_167 = arith.addf %add3A_164, %get3A_166 : vector<16xf32>
      %get3A_168 = arith.constant 1936 : index
      %get3A_169 = tpu.vector_load %arg10[%get3A_168] {strides = array<i32>} : memref<7680xf32, #tpu.memory_space<vmem>>, vector<16xf32>,
      %add3A_170 = arith.addf %add3A_167, %get3A_169 : vector<16xf32>
      %get3A_171 = arith.constant 2416 : index
      %get3A_172 = tpu.vector_load %arg10[%get3A_171] {strides = array<i32>} : memref<7680xf32, #tpu.memory_space<vmem>>, vector<16xf32>,
      %add3A_173 = arith.addf %add3A_170, %get3A_172 : vector<16xf32>
      %get3A_174 = arith.constant 2896 : index
      %get3A_175 = tpu.vector_load %arg10[%get3A_174] {strides = array<i32>} : memref<7680xf32, #tpu.memory_space<vmem>>, vector<16xf32>,
      %add3A_176 = arith.addf %add3A_173, %get3A_175 : vector<16xf32>
      %get3A_177 = arith.constant 3376 : index
      %get3A_178 = tpu.vector_load %arg10[%get3A_177] {strides = array<i32>} : memref<7680xf32, #tpu.memory_space<vmem>>, vector<16xf32>,
      %add3A_179 = arith.addf %add3A_176, %get3A_178 : vector<16xf32>
      %get3A_180 = arith.constant 3856 : index
      %get3A_181 = tpu.vector_load %arg10[%get3A_180] {strides = array<i32>} : memref<7680xf32, #tpu.memory_space<vmem>>, vector<16xf32>,
      %add3A_182 = arith.addf %add3A_179, %get3A_181 : vector<16xf32>
      %get3A_183 = arith.constant 4336 : index
      %get3A_184 = tpu.vector_load %arg10[%get3A_183] {strides = array<i32>} : memref<7680xf32, #tpu.memory_space<vmem>>, vector<16xf32>,
      %add3A_185 = arith.addf %add3A_182, %get3A_184 : vector<16xf32>
      %get3A_186 = arith.constant 4816 : index
      %get3A_187 = tpu.vector_load %arg10[%get3A_186] {strides = array<i32>} : memref<7680xf32, #tpu.memory_space<vmem>>, vector<16xf32>,
      %add3A_188 = arith.addf %add3A_185, %get3A_187 : vector<16xf32>
      %get3A_189 = arith.constant 5296 : index
      %get3A_190 = tpu.vector_load %arg10[%get3A_189] {strides = array<i32>} : memref<7680xf32, #tpu.memory_space<vmem>>, vector<16xf32>,
      %add3A_191 = arith.addf %add3A_188, %get3A_190 : vector<16xf32>
      %get3A_192 = arith.constant 5776 : index
      %get3A_193 = tpu.vector_load %arg10[%get3A_192] {strides = array<i32>} : memref<7680xf32, #tpu.memory_space<vmem>>, vector<16xf32>,
      %add3A_194 = arith.addf %add3A_191, %get3A_193 : vector<16xf32>
      %get3A_195 = arith.constant 6256 : index
      %get3A_196 = tpu.vector_load %arg10[%get3A_195] {strides = array<i32>} : memref<7680xf32, #tpu.memory_space<vmem>>, vector<16xf32>,
      %add3A_197 = arith.addf %add3A_194, %get3A_196 : vector<16xf32>
      %get3A_198 = arith.constant 6736 : index
      %get3A_199 = tpu.vector_load %arg10[%get3A_198] {strides = array<i32>} : memref<7680xf32, #tpu.memory_space<vmem>>, vector<16xf32>,
      %add3A_200 = arith.addf %add3A_197, %get3A_199 : vector<16xf32>
      %get3A_201 = arith.constant 7216 : index
      %get3A_202 = tpu.vector_load %arg10[%get3A_201] {strides = array<i32>} : memref<7680xf32, #tpu.memory_space<vmem>>, vector<16xf32>,
      %add3A_203 = arith.addf %add3A_200, %get3A_202 : vector<16xf32>
      %swap3A_204 = arith.constant 16 : index
      %swap3A_205 = tpu.vector_load %arg11[%swap3A_204] {strides = array<i32>} : memref<480xf32, #tpu.memory_space<vmem>>, vector<16xf32>,
      tpu.vector_store %arg11[%swap3A_204], %add3A_203 {strides = array<i32>} : memref<480xf32, #tpu.memory_space<vmem>>, vector<16xf32>,
      %get3A_206 = arith.constant 32 : index
      %get3A_207 = tpu.vector_load %arg10[%get3A_206] {strides = array<i32>} : memref<7680xf32, #tpu.memory_space<vmem>>, vector<16xf32>,
      %get3A_208 = arith.constant 512 : index
      %get3A_209 = tpu.vector_load %arg10[%get3A_208] {strides = array<i32>} : memref<7680xf32, #tpu.memory_space<vmem>>, vector<16xf32>,
      %add3A_210 = arith.addf %get3A_207, %get3A_209 : vector<16xf32>
      %get3A_211 = arith.constant 992 : index
      %get3A_212 = tpu.vector_load %arg10[%get3A_211] {strides = array<i32>} : memref<7680xf32, #tpu.memory_space<vmem>>, vector<16xf32>,
      %add3A_213 = arith.addf %add3A_210, %get3A_212 : vector<16xf32>
      %get3A_214 = arith.constant 1472 : index
      %get3A_215 = tpu.vector_load %arg10[%get3A_214] {strides = array<i32>} : memref<7680xf32, #tpu.memory_space<vmem>>, vector<16xf32>,
      %add3A_216 = arith.addf %add3A_213, %get3A_215 : vector<16xf32>
      %get3A_217 = arith.constant 1952 : index
      %get3A_218 = tpu.vector_load %arg10[%get3A_217] {strides = array<i32>} : memref<7680xf32, #tpu.memory_space<vmem>>, vector<16xf32>,
      %add3A_219 = arith.addf %add3A_216, %get3A_218 : vector<16xf32>
      %get3A_220 = arith.constant 2432 : index
      %get3A_221 = tpu.vector_load %arg10[%get3A_220] {strides = array<i32>} : memref<7680xf32, #tpu.memory_space<vmem>>, vector<16xf32>,
      %add3A_222 = arith.addf %add3A_219, %get3A_221 : vector<16xf32>
      %get3A_223 = arith.constant 2912 : index
      %get3A_224 = tpu.vector_load %arg10[%get3A_223] {strides = array<i32>} : memref<7680xf32, #tpu.memory_space<vmem>>, vector<16xf32>,
      %add3A_225 = arith.addf %add3A_222, %get3A_224 : vector<16xf32>
      %get3A_226 = arith.constant 3392 : index
      %get3A_227 = tpu.vector_load %arg10[%get3A_226] {strides = array<i32>} : memref<7680xf32, #tpu.memory_space<vmem>>, vector<16xf32>,
      %add3A_228 = arith.addf %add3A_225, %get3A_227 : vector<16xf32>
      %get3A_229 = arith.constant 3872 : index
      %get3A_230 = tpu.vector_load %arg10[%get3A_229] {strides = array<i32>} : memref<7680xf32, #tpu.memory_space<vmem>>, vector<16xf32>,
      %add3A_231 = arith.addf %add3A_228, %get3A_230 : vector<16xf32>
      %get3A_232 = arith.constant 4352 : index
      %get3A_233 = tpu.vector_load %arg10[%get3A_232] {strides = array<i32>} : memref<7680xf32, #tpu.memory_space<vmem>>, vector<16xf32>,
      %add3A_234 = arith.addf %add3A_231, %get3A_233 : vector<16xf32>
      %get3A_235 = arith.constant 4832 : index
      %get3A_236 = tpu.vector_load %arg10[%get3A_235] {strides = array<i32>} : memref<7680xf32, #tpu.memory_space<vmem>>, vector<16xf32>,
      %add3A_237 = arith.addf %add3A_234, %get3A_236 : vector<16xf32>
      %get3A_238 = arith.constant 5312 : index
      %get3A_239 = tpu.vector_load %arg10[%get3A_238] {strides = array<i32>} : memref<7680xf32, #tpu.memory_space<vmem>>, vector<16xf32>,
      %add3A_240 = arith.addf %add3A_237, %get3A_239 : vector<16xf32>
      %get3A_241 = arith.constant 5792 : index
      %get3A_242 = tpu.vector_load %arg10[%get3A_241] {strides = array<i32>} : memref<7680xf32, #tpu.memory_space<vmem>>, vector<16xf32>,
      %add3A_243 = arith.addf %add3A_240, %get3A_242 : vector<16xf32>
      %get3A_244 = arith.constant 6272 : index
      %get3A_245 = tpu.vector_load %arg10[%get3A_244] {strides = array<i32>} : memref<7680xf32, #tpu.memory_space<vmem>>, vector<16xf32>,
      %add3A_246 = arith.addf %add3A_243, %get3A_245 : vector<16xf32>
      %get3A_247 = arith.constant 6752 : index
      %get3A_248 = tpu.vector_load %arg10[%get3A_247] {strides = array<i32>} : memref<7680xf32, #tpu.memory_space<vmem>>, vector<16xf32>,
      %add3A_249 = arith.addf %add3A_246, %get3A_248 : vector<16xf32>
      %get3A_250 = arith.constant 7232 : index
      %get3A_251 = tpu.vector_load %arg10[%get3A_250] {strides = array<i32>} : memref<7680xf32, #tpu.memory_space<vmem>>, vector<16xf32>,
      %add3A_252 = arith.addf %add3A_249, %get3A_251 : vector<16xf32>
      %swap3A_253 = arith.constant 32 : index
      %swap3A_254 = tpu.vector_load %arg11[%swap3A_253] {strides = array<i32>} : memref<480xf32, #tpu.memory_space<vmem>>, vector<16xf32>,
      tpu.vector_store %arg11[%swap3A_253], %add3A_252 {strides = array<i32>} : memref<480xf32, #tpu.memory_space<vmem>>, vector<16xf32>,
      %get3A_255 = arith.constant 48 : index
      %get3A_256 = tpu.vector_load %arg10[%get3A_255] {strides = array<i32>} : memref<7680xf32, #tpu.memory_space<vmem>>, vector<16xf32>,
      %get3A_257 = arith.constant 528 : index
      %get3A_258 = tpu.vector_load %arg10[%get3A_257] {strides = array<i32>} : memref<7680xf32, #tpu.memory_space<vmem>>, vector<16xf32>,
      %add3A_259 = arith.addf %get3A_256, %get3A_258 : vector<16xf32>
      %get3A_260 = arith.constant 1008 : index
      %get3A_261 = tpu.vector_load %arg10[%get3A_260] {strides = array<i32>} : memref<7680xf32, #tpu.memory_space<vmem>>, vector<16xf32>,
      %add3A_262 = arith.addf %add3A_259, %get3A_261 : vector<16xf32>
      %get3A_263 = arith.constant 1488 : index
      %get3A_264 = tpu.vector_load %arg10[%get3A_263] {strides = array<i32>} : memref<7680xf32, #tpu.memory_space<vmem>>, vector<16xf32>,
      %add3A_265 = arith.addf %add3A_262, %get3A_264 : vector<16xf32>
      %get3A_266 = arith.constant 1968 : index
      %get3A_267 = tpu.vector_load %arg10[%get3A_266] {strides = array<i32>} : memref<7680xf32, #tpu.memory_space<vmem>>, vector<16xf32>,
      %add3A_268 = arith.addf %add3A_265, %get3A_267 : vector<16xf32>
      %get3A_269 = arith.constant 2448 : index
      %get3A_270 = tpu.vector_load %arg10[%get3A_269] {strides = array<i32>} : memref<7680xf32, #tpu.memory_space<vmem>>, vector<16xf32>,
      %add3A_271 = arith.addf %add3A_268, %get3A_270 : vector<16xf32>
      %get3A_272 = arith.constant 2928 : index
      %get3A_273 = tpu.vector_load %arg10[%get3A_272] {strides = array<i32>} : memref<7680xf32, #tpu.memory_space<vmem>>, vector<16xf32>,
      %add3A_274 = arith.addf %add3A_271, %get3A_273 : vector<16xf32>
      %get3A_275 = arith.constant 3408 : index
      %get3A_276 = tpu.vector_load %arg10[%get3A_275] {strides = array<i32>} : memref<7680xf32, #tpu.memory_space<vmem>>, vector<16xf32>,
      %add3A_277 = arith.addf %add3A_274, %get3A_276 : vector<16xf32>
      %get3A_278 = arith.constant 3888 : index
      %get3A_279 = tpu.vector_load %arg10[%get3A_278] {strides = array<i32>} : memref<7680xf32, #tpu.memory_space<vmem>>, vector<16xf32>,
      %add3A_280 = arith.addf %add3A_277, %get3A_279 : vector<16xf32>
      %get3A_281 = arith.constant 4368 : index
      %get3A_282 = tpu.vector_load %arg10[%get3A_281] {strides = array<i32>} : memref<7680xf32, #tpu.memory_space<vmem>>, vector<16xf32>,
      %add3A_283 = arith.addf %add3A_280, %get3A_282 : vector<16xf32>
      %get3A_284 = arith.constant 4848 : index
      %get3A_285 = tpu.vector_load %arg10[%get3A_284] {strides = array<i32>} : memref<7680xf32, #tpu.memory_space<vmem>>, vector<16xf32>,
      %add3A_286 = arith.addf %add3A_283, %get3A_285 : vector<16xf32>
      %get3A_287 = arith.constant 5328 : index
      %get3A_288 = tpu.vector_load %arg10[%get3A_287] {strides = array<i32>} : memref<7680xf32, #tpu.memory_space<vmem>>, vector<16xf32>,
      %add3A_289 = arith.addf %add3A_286, %get3A_288 : vector<16xf32>
      %get3A_290 = arith.constant 5808 : index
      %get3A_291 = tpu.vector_load %arg10[%get3A_290] {strides = array<i32>} : memref<7680xf32, #tpu.memory_space<vmem>>, vector<16xf32>,
      %add3A_292 = arith.addf %add3A_289, %get3A_291 : vector<16xf32>
      %get3A_293 = arith.constant 6288 : index
      %get3A_294 = tpu.vector_load %arg10[%get3A_293] {strides = array<i32>} : memref<7680xf32, #tpu.memory_space<vmem>>, vector<16xf32>,
      %add3A_295 = arith.addf %add3A_292, %get3A_294 : vector<16xf32>
      %get3A_296 = arith.constant 6768 : index
      %get3A_297 = tpu.vector_load %arg10[%get3A_296] {strides = array<i32>} : memref<7680xf32, #tpu.memory_space<vmem>>, vector<16xf32>,
      %add3A_298 = arith.addf %add3A_295, %get3A_297 : vector<16xf32>
      %get3A_299 = arith.constant 7248 : index
      %get3A_300 = tpu.vector_load %arg10[%get3A_299] {strides = array<i32>} : memref<7680xf32, #tpu.memory_space<vmem>>, vector<16xf32>,
      %add3A_301 = arith.addf %add3A_298, %get3A_300 : vector<16xf32>
      %swap3A_302 = arith.constant 48 : index
      %swap3A_303 = tpu.vector_load %arg11[%swap3A_302] {strides = array<i32>} : memref<480xf32, #tpu.memory_space<vmem>>, vector<16xf32>,
      tpu.vector_store %arg11[%swap3A_302], %add3A_301 {strides = array<i32>} : memref<480xf32, #tpu.memory_space<vmem>>, vector<16xf32>,
      %get3A_304 = arith.constant 64 : index
      %get3A_305 = tpu.vector_load %arg10[%get3A_304] {strides = array<i32>} : memref<7680xf32, #tpu.memory_space<vmem>>, vector<16xf32>,
      %get3A_306 = arith.constant 544 : index
      %get3A_307 = tpu.vector_load %arg10[%get3A_306] {strides = array<i32>} : memref<7680xf32, #tpu.memory_space<vmem>>, vector<16xf32>,
      %add3A_308 = arith.addf %get3A_305, %get3A_307 : vector<16xf32>
      %get3A_309 = arith.constant 1024 : index
      %get3A_310 = tpu.vector_load %arg10[%get3A_309] {strides = array<i32>} : memref<7680xf32, #tpu.memory_space<vmem>>, vector<16xf32>,
      %add3A_311 = arith.addf %add3A_308, %get3A_310 : vector<16xf32>
      %get3A_312 = arith.constant 1504 : index
      %get3A_313 = tpu.vector_load %arg10[%get3A_312] {strides = array<i32>} : memref<7680xf32, #tpu.memory_space<vmem>>, vector<16xf32>,
      %add3A_314 = arith.addf %add3A_311, %get3A_313 : vector<16xf32>
      %get3A_315 = arith.constant 1984 : index
      %get3A_316 = tpu.vector_load %arg10[%get3A_315] {strides = array<i32>} : memref<7680xf32, #tpu.memory_space<vmem>>, vector<16xf32>,
      %add3A_317 = arith.addf %add3A_314, %get3A_316 : vector<16xf32>
      %get3A_318 = arith.constant 2464 : index
      %get3A_319 = tpu.vector_load %arg10[%get3A_318] {strides = array<i32>} : memref<7680xf32, #tpu.memory_space<vmem>>, vector<16xf32>,
      %add3A_320 = arith.addf %add3A_317, %get3A_319 : vector<16xf32>
      %get3A_321 = arith.constant 2944 : index
      %get3A_322 = tpu.vector_load %arg10[%get3A_321] {strides = array<i32>} : memref<7680xf32, #tpu.memory_space<vmem>>, vector<16xf32>,
      %add3A_323 = arith.addf %add3A_320, %get3A_322 : vector<16xf32>
      %get3A_324 = arith.constant 3424 : index
      %get3A_325 = tpu.vector_load %arg10[%get3A_324] {strides = array<i32>} : memref<7680xf32, #tpu.memory_space<vmem>>, vector<16xf32>,
      %add3A_326 = arith.addf %add3A_323, %get3A_325 : vector<16xf32>
      %get3A_327 = arith.constant 3904 : index
      %get3A_328 = tpu.vector_load %arg10[%get3A_327] {strides = array<i32>} : memref<7680xf32, #tpu.memory_space<vmem>>, vector<16xf32>,
      %add3A_329 = arith.addf %add3A_326, %get3A_328 : vector<16xf32>
      %get3A_330 = arith.constant 4384 : index
      %get3A_331 = tpu.vector_load %arg10[%get3A_330] {strides = array<i32>} : memref<7680xf32, #tpu.memory_space<vmem>>, vector<16xf32>,
      %add3A_332 = arith.addf %add3A_329, %get3A_331 : vector<16xf32>
      %get3A_333 = arith.constant 4864 : index
      %get3A_334 = tpu.vector_load %arg10[%get3A_333] {strides = array<i32>} : memref<7680xf32, #tpu.memory_space<vmem>>, vector<16xf32>,
      %add3A_335 = arith.addf %add3A_332, %get3A_334 : vector<16xf32>
      %get3A_336 = arith.constant 5344 : index
      %get3A_337 = tpu.vector_load %arg10[%get3A_336] {strides = array<i32>} : memref<7680xf32, #tpu.memory_space<vmem>>, vector<16xf32>,
      %add3A_338 = arith.addf %add3A_335, %get3A_337 : vector<16xf32>
      %get3A_339 = arith.constant 5824 : index
      %get3A_340 = tpu.vector_load %arg10[%get3A_339] {strides = array<i32>} : memref<7680xf32, #tpu.memory_space<vmem>>, vector<16xf32>,
      %add3A_341 = arith.addf %add3A_338, %get3A_340 : vector<16xf32>
      %get3A_342 = arith.constant 6304 : index
      %get3A_343 = tpu.vector_load %arg10[%get3A_342] {strides = array<i32>} : memref<7680xf32, #tpu.memory_space<vmem>>, vector<16xf32>,
      %add3A_344 = arith.addf %add3A_341, %get3A_343 : vector<16xf32>
      %get3A_345 = arith.constant 6784 : index
      %get3A_346 = tpu.vector_load %arg10[%get3A_345] {strides = array<i32>} : memref<7680xf32, #tpu.memory_space<vmem>>, vector<16xf32>,
      %add3A_347 = arith.addf %add3A_344, %get3A_346 : vector<16xf32>
      %get3A_348 = arith.constant 7264 : index
      %get3A_349 = tpu.vector_load %arg10[%get3A_348] {strides = array<i32>} : memref<7680xf32, #tpu.memory_space<vmem>>, vector<16xf32>,
      %add3A_350 = arith.addf %add3A_347, %get3A_349 : vector<16xf32>
      %swap3A_351 = arith.constant 64 : index
      %swap3A_352 = tpu.vector_load %arg11[%swap3A_351] {strides = array<i32>} : memref<480xf32, #tpu.memory_space<vmem>>, vector<16xf32>,
      tpu.vector_store %arg11[%swap3A_351], %add3A_350 {strides = array<i32>} : memref<480xf32, #tpu.memory_space<vmem>>, vector<16xf32>,
      %get3A_353 = arith.constant 80 : index
      %get3A_354 = tpu.vector_load %arg10[%get3A_353] {strides = array<i32>} : memref<7680xf32, #tpu.memory_space<vmem>>, vector<16xf32>,
      %get3A_355 = arith.constant 560 : index
      %get3A_356 = tpu.vector_load %arg10[%get3A_355] {strides = array<i32>} : memref<7680xf32, #tpu.memory_space<vmem>>, vector<16xf32>,
      %add3A_357 = arith.addf %get3A_354, %get3A_356 : vector<16xf32>
      %get3A_358 = arith.constant 1040 : index
      %get3A_359 = tpu.vector_load %arg10[%get3A_358] {strides = array<i32>} : memref<7680xf32, #tpu.memory_space<vmem>>, vector<16xf32>,
      %add3A_360 = arith.addf %add3A_357, %get3A_359 : vector<16xf32>
      %get3A_361 = arith.constant 1520 : index
      %get3A_362 = tpu.vector_load %arg10[%get3A_361] {strides = array<i32>} : memref<7680xf32, #tpu.memory_space<vmem>>, vector<16xf32>,
      %add3A_363 = arith.addf %add3A_360, %get3A_362 : vector<16xf32>
      %get3A_364 = arith.constant 2000 : index
      %get3A_365 = tpu.vector_load %arg10[%get3A_364] {strides = array<i32>} : memref<7680xf32, #tpu.memory_space<vmem>>, vector<16xf32>,
      %add3A_366 = arith.addf %add3A_363, %get3A_365 : vector<16xf32>
      %get3A_367 = arith.constant 2480 : index
      %get3A_368 = tpu.vector_load %arg10[%get3A_367] {strides = array<i32>} : memref<7680xf32, #tpu.memory_space<vmem>>, vector<16xf32>,
      %add3A_369 = arith.addf %add3A_366, %get3A_368 : vector<16xf32>
      %get3A_370 = arith.constant 2960 : index
      %get3A_371 = tpu.vector_load %arg10[%get3A_370] {strides = array<i32>} : memref<7680xf32, #tpu.memory_space<vmem>>, vector<16xf32>,
      %add3A_372 = arith.addf %add3A_369, %get3A_371 : vector<16xf32>
      %get3A_373 = arith.constant 3440 : index
      %get3A_374 = tpu.vector_load %arg10[%get3A_373] {strides = array<i32>} : memref<7680xf32, #tpu.memory_space<vmem>>, vector<16xf32>,
      %add3A_375 = arith.addf %add3A_372, %get3A_374 : vector<16xf32>
      %get3A_376 = arith.constant 3920 : index
      %get3A_377 = tpu.vector_load %arg10[%get3A_376] {strides = array<i32>} : memref<7680xf32, #tpu.memory_space<vmem>>, vector<16xf32>,
      %add3A_378 = arith.addf %add3A_375, %get3A_377 : vector<16xf32>
      %get3A_379 = arith.constant 4400 : index
      %get3A_380 = tpu.vector_load %arg10[%get3A_379] {strides = array<i32>} : memref<7680xf32, #tpu.memory_space<vmem>>, vector<16xf32>,
      %add3A_381 = arith.addf %add3A_378, %get3A_380 : vector<16xf32>
      %get3A_382 = arith.constant 4880 : index
      %get3A_383 = tpu.vector_load %arg10[%get3A_382] {strides = array<i32>} : memref<7680xf32, #tpu.memory_space<vmem>>, vector<16xf32>,
      %add3A_384 = arith.addf %add3A_381, %get3A_383 : vector<16xf32>
      %get3A_385 = arith.constant 5360 : index
      %get3A_386 = tpu.vector_load %arg10[%get3A_385] {strides = array<i32>} : memref<7680xf32, #tpu.memory_space<vmem>>, vector<16xf32>,
      %add3A_387 = arith.addf %add3A_384, %get3A_386 : vector<16xf32>
      %get3A_388 = arith.constant 5840 : index
      %get3A_389 = tpu.vector_load %arg10[%get3A_388] {strides = array<i32>} : memref<7680xf32, #tpu.memory_space<vmem>>, vector<16xf32>,
      %add3A_390 = arith.addf %add3A_387, %get3A_389 : vector<16xf32>
      %get3A_391 = arith.constant 6320 : index
      %get3A_392 = tpu.vector_load %arg10[%get3A_391] {strides = array<i32>} : memref<7680xf32, #tpu.memory_space<vmem>>, vector<16xf32>,
      %add3A_393 = arith.addf %add3A_390, %get3A_392 : vector<16xf32>
      %get3A_394 = arith.constant 6800 : index
      %get3A_395 = tpu.vector_load %arg10[%get3A_394] {strides = array<i32>} : memref<7680xf32, #tpu.memory_space<vmem>>, vector<16xf32>,
      %add3A_396 = arith.addf %add3A_393, %get3A_395 : vector<16xf32>
      %get3A_397 = arith.constant 7280 : index
      %get3A_398 = tpu.vector_load %arg10[%get3A_397] {strides = array<i32>} : memref<7680xf32, #tpu.memory_space<vmem>>, vector<16xf32>,
      %add3A_399 = arith.addf %add3A_396, %get3A_398 : vector<16xf32>
      %swap3A_400 = arith.constant 80 : index
      %swap3A_401 = tpu.vector_load %arg11[%swap3A_400] {strides = array<i32>} : memref<480xf32, #tpu.memory_space<vmem>>, vector<16xf32>,
      tpu.vector_store %arg11[%swap3A_400], %add3A_399 {strides = array<i32>} : memref<480xf32, #tpu.memory_space<vmem>>, vector<16xf32>,
      %get3A_402 = arith.constant 96 : index
      %get3A_403 = tpu.vector_load %arg10[%get3A_402] {strides = array<i32>} : memref<7680xf32, #tpu.memory_space<vmem>>, vector<16xf32>,
      %get3A_404 = arith.constant 576 : index
      %get3A_405 = tpu.vector_load %arg10[%get3A_404] {strides = array<i32>} : memref<7680xf32, #tpu.memory_space<vmem>>, vector<16xf32>,
      %add3A_406 = arith.addf %get3A_403, %get3A_405 : vector<16xf32>
      %get3A_407 = arith.constant 1056 : index
      %get3A_408 = tpu.vector_load %arg10[%get3A_407] {strides = array<i32>} : memref<7680xf32, #tpu.memory_space<vmem>>, vector<16xf32>,
      %add3A_409 = arith.addf %add3A_406, %get3A_408 : vector<16xf32>
      %get3A_410 = arith.constant 1536 : index
      %get3A_411 = tpu.vector_load %arg10[%get3A_410] {strides = array<i32>} : memref<7680xf32, #tpu.memory_space<vmem>>, vector<16xf32>,
      %add3A_412 = arith.addf %add3A_409, %get3A_411 : vector<16xf32>
      %get3A_413 = arith.constant 2016 : index
      %get3A_414 = tpu.vector_load %arg10[%get3A_413] {strides = array<i32>} : memref<7680xf32, #tpu.memory_space<vmem>>, vector<16xf32>,
      %add3A_415 = arith.addf %add3A_412, %get3A_414 : vector<16xf32>
      %get3A_416 = arith.constant 2496 : index
      %get3A_417 = tpu.vector_load %arg10[%get3A_416] {strides = array<i32>} : memref<7680xf32, #tpu.memory_space<vmem>>, vector<16xf32>,
      %add3A_418 = arith.addf %add3A_415, %get3A_417 : vector<16xf32>
      %get3A_419 = arith.constant 2976 : index
      %get3A_420 = tpu.vector_load %arg10[%get3A_419] {strides = array<i32>} : memref<7680xf32, #tpu.memory_space<vmem>>, vector<16xf32>,
      %add3A_421 = arith.addf %add3A_418, %get3A_420 : vector<16xf32>
      %get3A_422 = arith.constant 3456 : index
      %get3A_423 = tpu.vector_load %arg10[%get3A_422] {strides = array<i32>} : memref<7680xf32, #tpu.memory_space<vmem>>, vector<16xf32>,
      %add3A_424 = arith.addf %add3A_421, %get3A_423 : vector<16xf32>
      %get3A_425 = arith.constant 3936 : index
      %get3A_426 = tpu.vector_load %arg10[%get3A_425] {strides = array<i32>} : memref<7680xf32, #tpu.memory_space<vmem>>, vector<16xf32>,
      %add3A_427 = arith.addf %add3A_424, %get3A_426 : vector<16xf32>
      %get3A_428 = arith.constant 4416 : index
      %get3A_429 = tpu.vector_load %arg10[%get3A_428] {strides = array<i32>} : memref<7680xf32, #tpu.memory_space<vmem>>, vector<16xf32>,
      %add3A_430 = arith.addf %add3A_427, %get3A_429 : vector<16xf32>
      %get3A_431 = arith.constant 4896 : index
      %get3A_432 = tpu.vector_load %arg10[%get3A_431] {strides = array<i32>} : memref<7680xf32, #tpu.memory_space<vmem>>, vector<16xf32>,
      %add3A_433 = arith.addf %add3A_430, %get3A_432 : vector<16xf32>
      %get3A_434 = arith.constant 5376 : index
      %get3A_435 = tpu.vector_load %arg10[%get3A_434] {strides = array<i32>} : memref<7680xf32, #tpu.memory_space<vmem>>, vector<16xf32>,
      %add3A_436 = arith.addf %add3A_433, %get3A_435 : vector<16xf32>
      %get3A_437 = arith.constant 5856 : index
      %get3A_438 = tpu.vector_load %arg10[%get3A_437] {strides = array<i32>} : memref<7680xf32, #tpu.memory_space<vmem>>, vector<16xf32>,
      %add3A_439 = arith.addf %add3A_436, %get3A_438 : vector<16xf32>
      %get3A_440 = arith.constant 6336 : index
      %get3A_441 = tpu.vector_load %arg10[%get3A_440] {strides = array<i32>} : memref<7680xf32, #tpu.memory_space<vmem>>, vector<16xf32>,
      %add3A_442 = arith.addf %add3A_439, %get3A_441 : vector<16xf32>
      %get3A_443 = arith.constant 6816 : index
      %get3A_444 = tpu.vector_load %arg10[%get3A_443] {strides = array<i32>} : memref<7680xf32, #tpu.memory_space<vmem>>, vector<16xf32>,
      %add3A_445 = arith.addf %add3A_442, %get3A_444 : vector<16xf32>
      %get3A_446 = arith.constant 7296 : index
      %get3A_447 = tpu.vector_load %arg10[%get3A_446] {strides = array<i32>} : memref<7680xf32, #tpu.memory_space<vmem>>, vector<16xf32>,
      %add3A_448 = arith.addf %add3A_445, %get3A_447 : vector<16xf32>
      %swap3A_449 = arith.constant 96 : index
      %swap3A_450 = tpu.vector_load %arg11[%swap3A_449] {strides = array<i32>} : memref<480xf32, #tpu.memory_space<vmem>>, vector<16xf32>,
      tpu.vector_store %arg11[%swap3A_449], %add3A_448 {strides = array<i32>} : memref<480xf32, #tpu.memory_space<vmem>>, vector<16xf32>,
      %get3A_451 = arith.constant 112 : index
      %get3A_452 = tpu.vector_load %arg10[%get3A_451] {strides = array<i32>} : memref<7680xf32, #tpu.memory_space<vmem>>, vector<16xf32>,
      %get3A_453 = arith.constant 592 : index
      %get3A_454 = tpu.vector_load %arg10[%get3A_453] {strides = array<i32>} : memref<7680xf32, #tpu.memory_space<vmem>>, vector<16xf32>,
      %add3A_455 = arith.addf %get3A_452, %get3A_454 : vector<16xf32>
      %get3A_456 = arith.constant 1072 : index
      %get3A_457 = tpu.vector_load %arg10[%get3A_456] {strides = array<i32>} : memref<7680xf32, #tpu.memory_space<vmem>>, vector<16xf32>,
      %add3A_458 = arith.addf %add3A_455, %get3A_457 : vector<16xf32>
      %get3A_459 = arith.constant 1552 : index
      %get3A_460 = tpu.vector_load %arg10[%get3A_459] {strides = array<i32>} : memref<7680xf32, #tpu.memory_space<vmem>>, vector<16xf32>,
      %add3A_461 = arith.addf %add3A_458, %get3A_460 : vector<16xf32>
      %get3A_462 = arith.constant 2032 : index
      %get3A_463 = tpu.vector_load %arg10[%get3A_462] {strides = array<i32>} : memref<7680xf32, #tpu.memory_space<vmem>>, vector<16xf32>,
      %add3A_464 = arith.addf %add3A_461, %get3A_463 : vector<16xf32>
      %get3A_465 = arith.constant 2512 : index
      %get3A_466 = tpu.vector_load %arg10[%get3A_465] {strides = array<i32>} : memref<7680xf32, #tpu.memory_space<vmem>>, vector<16xf32>,
      %add3A_467 = arith.addf %add3A_464, %get3A_466 : vector<16xf32>
      %get3A_468 = arith.constant 2992 : index
      %get3A_469 = tpu.vector_load %arg10[%get3A_468] {strides = array<i32>} : memref<7680xf32, #tpu.memory_space<vmem>>, vector<16xf32>,
      %add3A_470 = arith.addf %add3A_467, %get3A_469 : vector<16xf32>
      %get3A_471 = arith.constant 3472 : index
      %get3A_472 = tpu.vector_load %arg10[%get3A_471] {strides = array<i32>} : memref<7680xf32, #tpu.memory_space<vmem>>, vector<16xf32>,
      %add3A_473 = arith.addf %add3A_470, %get3A_472 : vector<16xf32>
      %get3A_474 = arith.constant 3952 : index
      %get3A_475 = tpu.vector_load %arg10[%get3A_474] {strides = array<i32>} : memref<7680xf32, #tpu.memory_space<vmem>>, vector<16xf32>,
      %add3A_476 = arith.addf %add3A_473, %get3A_475 : vector<16xf32>
      %get3A_477 = arith.constant 4432 : index
      %get3A_478 = tpu.vector_load %arg10[%get3A_477] {strides = array<i32>} : memref<7680xf32, #tpu.memory_space<vmem>>, vector<16xf32>,
      %add3A_479 = arith.addf %add3A_476, %get3A_478 : vector<16xf32>
      %get3A_480 = arith.constant 4912 : index
      %get3A_481 = tpu.vector_load %arg10[%get3A_480] {strides = array<i32>} : memref<7680xf32, #tpu.memory_space<vmem>>, vector<16xf32>,
      %add3A_482 = arith.addf %add3A_479, %get3A_481 : vector<16xf32>
      %get3A_483 = arith.constant 5392 : index
      %get3A_484 = tpu.vector_load %arg10[%get3A_483] {strides = array<i32>} : memref<7680xf32, #tpu.memory_space<vmem>>, vector<16xf32>,
      %add3A_485 = arith.addf %add3A_482, %get3A_484 : vector<16xf32>
      %get3A_486 = arith.constant 5872 : index
      %get3A_487 = tpu.vector_load %arg10[%get3A_486] {strides = array<i32>} : memref<7680xf32, #tpu.memory_space<vmem>>, vector<16xf32>,
      %add3A_488 = arith.addf %add3A_485, %get3A_487 : vector<16xf32>
      %get3A_489 = arith.constant 6352 : index
      %get3A_490 = tpu.vector_load %arg10[%get3A_489] {strides = array<i32>} : memref<7680xf32, #tpu.memory_space<vmem>>, vector<16xf32>,
      %add3A_491 = arith.addf %add3A_488, %get3A_490 : vector<16xf32>
      %get3A_492 = arith.constant 6832 : index
      %get3A_493 = tpu.vector_load %arg10[%get3A_492] {strides = array<i32>} : memref<7680xf32, #tpu.memory_space<vmem>>, vector<16xf32>,
      %add3A_494 = arith.addf %add3A_491, %get3A_493 : vector<16xf32>
      %get3A_495 = arith.constant 7312 : index
      %get3A_496 = tpu.vector_load %arg10[%get3A_495] {strides = array<i32>} : memref<7680xf32, #tpu.memory_space<vmem>>, vector<16xf32>,
      %add3A_497 = arith.addf %add3A_494, %get3A_496 : vector<16xf32>
      %swap3A_498 = arith.constant 112 : index
      %swap3A_499 = tpu.vector_load %arg11[%swap3A_498] {strides = array<i32>} : memref<480xf32, #tpu.memory_space<vmem>>, vector<16xf32>,
      tpu.vector_store %arg11[%swap3A_498], %add3A_497 {strides = array<i32>} : memref<480xf32, #tpu.memory_space<vmem>>, vector<16xf32>,
      %get3A_500 = arith.constant 128 : index
      %get3A_501 = tpu.vector_load %arg10[%get3A_500] {strides = array<i32>} : memref<7680xf32, #tpu.memory_space<vmem>>, vector<16xf32>,
      %get3A_502 = arith.constant 608 : index
      %get3A_503 = tpu.vector_load %arg10[%get3A_502] {strides = array<i32>} : memref<7680xf32, #tpu.memory_space<vmem>>, vector<16xf32>,
      %add3A_504 = arith.addf %get3A_501, %get3A_503 : vector<16xf32>
      %get3A_505 = arith.constant 1088 : index
      %get3A_506 = tpu.vector_load %arg10[%get3A_505] {strides = array<i32>} : memref<7680xf32, #tpu.memory_space<vmem>>, vector<16xf32>,
      %add3A_507 = arith.addf %add3A_504, %get3A_506 : vector<16xf32>
      %get3A_508 = arith.constant 1568 : index
      %get3A_509 = tpu.vector_load %arg10[%get3A_508] {strides = array<i32>} : memref<7680xf32, #tpu.memory_space<vmem>>, vector<16xf32>,
      %add3A_510 = arith.addf %add3A_507, %get3A_509 : vector<16xf32>
      %get3A_511 = arith.constant 2048 : index
      %get3A_512 = tpu.vector_load %arg10[%get3A_511] {strides = array<i32>} : memref<7680xf32, #tpu.memory_space<vmem>>, vector<16xf32>,
      %add3A_513 = arith.addf %add3A_510, %get3A_512 : vector<16xf32>
      %get3A_514 = arith.constant 2528 : index
      %get3A_515 = tpu.vector_load %arg10[%get3A_514] {strides = array<i32>} : memref<7680xf32, #tpu.memory_space<vmem>>, vector<16xf32>,
      %add3A_516 = arith.addf %add3A_513, %get3A_515 : vector<16xf32>
      %get3A_517 = arith.constant 3008 : index
      %get3A_518 = tpu.vector_load %arg10[%get3A_517] {strides = array<i32>} : memref<7680xf32, #tpu.memory_space<vmem>>, vector<16xf32>,
      %add3A_519 = arith.addf %add3A_516, %get3A_518 : vector<16xf32>
      %get3A_520 = arith.constant 3488 : index
      %get3A_521 = tpu.vector_load %arg10[%get3A_520] {strides = array<i32>} : memref<7680xf32, #tpu.memory_space<vmem>>, vector<16xf32>,
      %add3A_522 = arith.addf %add3A_519, %get3A_521 : vector<16xf32>
      %get3A_523 = arith.constant 3968 : index
      %get3A_524 = tpu.vector_load %arg10[%get3A_523] {strides = array<i32>} : memref<7680xf32, #tpu.memory_space<vmem>>, vector<16xf32>,
      %add3A_525 = arith.addf %add3A_522, %get3A_524 : vector<16xf32>
      %get3A_526 = arith.constant 4448 : index
      %get3A_527 = tpu.vector_load %arg10[%get3A_526] {strides = array<i32>} : memref<7680xf32, #tpu.memory_space<vmem>>, vector<16xf32>,
      %add3A_528 = arith.addf %add3A_525, %get3A_527 : vector<16xf32>
      %get3A_529 = arith.constant 4928 : index
      %get3A_530 = tpu.vector_load %arg10[%get3A_529] {strides = array<i32>} : memref<7680xf32, #tpu.memory_space<vmem>>, vector<16xf32>,
      %add3A_531 = arith.addf %add3A_528, %get3A_530 : vector<16xf32>
      %get3A_532 = arith.constant 5408 : index
      %get3A_533 = tpu.vector_load %arg10[%get3A_532] {strides = array<i32>} : memref<7680xf32, #tpu.memory_space<vmem>>, vector<16xf32>,
      %add3A_534 = arith.addf %add3A_531, %get3A_533 : vector<16xf32>
      %get3A_535 = arith.constant 5888 : index
      %get3A_536 = tpu.vector_load %arg10[%get3A_535] {strides = array<i32>} : memref<7680xf32, #tpu.memory_space<vmem>>, vector<16xf32>,
      %add3A_537 = arith.addf %add3A_534, %get3A_536 : vector<16xf32>
      %get3A_538 = arith.constant 6368 : index
      %get3A_539 = tpu.vector_load %arg10[%get3A_538] {strides = array<i32>} : memref<7680xf32, #tpu.memory_space<vmem>>, vector<16xf32>,
      %add3A_540 = arith.addf %add3A_537, %get3A_539 : vector<16xf32>
      %get3A_541 = arith.constant 6848 : index
      %get3A_542 = tpu.vector_load %arg10[%get3A_541] {strides = array<i32>} : memref<7680xf32, #tpu.memory_space<vmem>>, vector<16xf32>,
      %add3A_543 = arith.addf %add3A_540, %get3A_542 : vector<16xf32>
      %get3A_544 = arith.constant 7328 : index
      %get3A_545 = tpu.vector_load %arg10[%get3A_544] {strides = array<i32>} : memref<7680xf32, #tpu.memory_space<vmem>>, vector<16xf32>,
      %add3A_546 = arith.addf %add3A_543, %get3A_545 : vector<16xf32>
      %swap3A_547 = arith.constant 128 : index
      %swap3A_548 = tpu.vector_load %arg11[%swap3A_547] {strides = array<i32>} : memref<480xf32, #tpu.memory_space<vmem>>, vector<16xf32>,
      tpu.vector_store %arg11[%swap3A_547], %add3A_546 {strides = array<i32>} : memref<480xf32, #tpu.memory_space<vmem>>, vector<16xf32>,
      %get3A_549 = arith.constant 144 : index
      %get3A_550 = tpu.vector_load %arg10[%get3A_549] {strides = array<i32>} : memref<7680xf32, #tpu.memory_space<vmem>>, vector<16xf32>,
      %get3A_551 = arith.constant 624 : index
      %get3A_552 = tpu.vector_load %arg10[%get3A_551] {strides = array<i32>} : memref<7680xf32, #tpu.memory_space<vmem>>, vector<16xf32>,
      %add3A_553 = arith.addf %get3A_550, %get3A_552 : vector<16xf32>
      %get3A_554 = arith.constant 1104 : index
      %get3A_555 = tpu.vector_load %arg10[%get3A_554] {strides = array<i32>} : memref<7680xf32, #tpu.memory_space<vmem>>, vector<16xf32>,
      %add3A_556 = arith.addf %add3A_553, %get3A_555 : vector<16xf32>
      %get3A_557 = arith.constant 1584 : index
      %get3A_558 = tpu.vector_load %arg10[%get3A_557] {strides = array<i32>} : memref<7680xf32, #tpu.memory_space<vmem>>, vector<16xf32>,
      %add3A_559 = arith.addf %add3A_556, %get3A_558 : vector<16xf32>
      %get3A_560 = arith.constant 2064 : index
      %get3A_561 = tpu.vector_load %arg10[%get3A_560] {strides = array<i32>} : memref<7680xf32, #tpu.memory_space<vmem>>, vector<16xf32>,
      %add3A_562 = arith.addf %add3A_559, %get3A_561 : vector<16xf32>
      %get3A_563 = arith.constant 2544 : index
      %get3A_564 = tpu.vector_load %arg10[%get3A_563] {strides = array<i32>} : memref<7680xf32, #tpu.memory_space<vmem>>, vector<16xf32>,
      %add3A_565 = arith.addf %add3A_562, %get3A_564 : vector<16xf32>
      %get3A_566 = arith.constant 3024 : index
      %get3A_567 = tpu.vector_load %arg10[%get3A_566] {strides = array<i32>} : memref<7680xf32, #tpu.memory_space<vmem>>, vector<16xf32>,
      %add3A_568 = arith.addf %add3A_565, %get3A_567 : vector<16xf32>
      %get3A_569 = arith.constant 3504 : index
      %get3A_570 = tpu.vector_load %arg10[%get3A_569] {strides = array<i32>} : memref<7680xf32, #tpu.memory_space<vmem>>, vector<16xf32>,
      %add3A_571 = arith.addf %add3A_568, %get3A_570 : vector<16xf32>
      %get3A_572 = arith.constant 3984 : index
      %get3A_573 = tpu.vector_load %arg10[%get3A_572] {strides = array<i32>} : memref<7680xf32, #tpu.memory_space<vmem>>, vector<16xf32>,
      %add3A_574 = arith.addf %add3A_571, %get3A_573 : vector<16xf32>
      %get3A_575 = arith.constant 4464 : index
      %get3A_576 = tpu.vector_load %arg10[%get3A_575] {strides = array<i32>} : memref<7680xf32, #tpu.memory_space<vmem>>, vector<16xf32>,
      %add3A_577 = arith.addf %add3A_574, %get3A_576 : vector<16xf32>
      %get3A_578 = arith.constant 4944 : index
      %get3A_579 = tpu.vector_load %arg10[%get3A_578] {strides = array<i32>} : memref<7680xf32, #tpu.memory_space<vmem>>, vector<16xf32>,
      %add3A_580 = arith.addf %add3A_577, %get3A_579 : vector<16xf32>
      %get3A_581 = arith.constant 5424 : index
      %get3A_582 = tpu.vector_load %arg10[%get3A_581] {strides = array<i32>} : memref<7680xf32, #tpu.memory_space<vmem>>, vector<16xf32>,
      %add3A_583 = arith.addf %add3A_580, %get3A_582 : vector<16xf32>
      %get3A_584 = arith.constant 5904 : index
      %get3A_585 = tpu.vector_load %arg10[%get3A_584] {strides = array<i32>} : memref<7680xf32, #tpu.memory_space<vmem>>, vector<16xf32>,
      %add3A_586 = arith.addf %add3A_583, %get3A_585 : vector<16xf32>
      %get3A_587 = arith.constant 6384 : index
      %get3A_588 = tpu.vector_load %arg10[%get3A_587] {strides = array<i32>} : memref<7680xf32, #tpu.memory_space<vmem>>, vector<16xf32>,
      %add3A_589 = arith.addf %add3A_586, %get3A_588 : vector<16xf32>
      %get3A_590 = arith.constant 6864 : index
      %get3A_591 = tpu.vector_load %arg10[%get3A_590] {strides = array<i32>} : memref<7680xf32, #tpu.memory_space<vmem>>, vector<16xf32>,
      %add3A_592 = arith.addf %add3A_589, %get3A_591 : vector<16xf32>
      %get3A_593 = arith.constant 7344 : index
      %get3A_594 = tpu.vector_load %arg10[%get3A_593] {strides = array<i32>} : memref<7680xf32, #tpu.memory_space<vmem>>, vector<16xf32>,
      %add3A_595 = arith.addf %add3A_592, %get3A_594 : vector<16xf32>
      %swap3A_596 = arith.constant 144 : index
      %swap3A_597 = tpu.vector_load %arg11[%swap3A_596] {strides = array<i32>} : memref<480xf32, #tpu.memory_space<vmem>>, vector<16xf32>,
      tpu.vector_store %arg11[%swap3A_596], %add3A_595 {strides = array<i32>} : memref<480xf32, #tpu.memory_space<vmem>>, vector<16xf32>,
      %get3A_598 = arith.constant 160 : index
      %get3A_599 = tpu.vector_load %arg10[%get3A_598] {strides = array<i32>} : memref<7680xf32, #tpu.memory_space<vmem>>, vector<16xf32>,
      %get3A_600 = arith.constant 640 : index
      %get3A_601 = tpu.vector_load %arg10[%get3A_600] {strides = array<i32>} : memref<7680xf32, #tpu.memory_space<vmem>>, vector<16xf32>,
      %add3A_602 = arith.addf %get3A_599, %get3A_601 : vector<16xf32>
      %get3A_603 = arith.constant 1120 : index
      %get3A_604 = tpu.vector_load %arg10[%get3A_603] {strides = array<i32>} : memref<7680xf32, #tpu.memory_space<vmem>>, vector<16xf32>,
      %add3A_605 = arith.addf %add3A_602, %get3A_604 : vector<16xf32>
      %get3A_606 = arith.constant 1600 : index
      %get3A_607 = tpu.vector_load %arg10[%get3A_606] {strides = array<i32>} : memref<7680xf32, #tpu.memory_space<vmem>>, vector<16xf32>,
      %add3A_608 = arith.addf %add3A_605, %get3A_607 : vector<16xf32>
      %get3A_609 = arith.constant 2080 : index
      %get3A_610 = tpu.vector_load %arg10[%get3A_609] {strides = array<i32>} : memref<7680xf32, #tpu.memory_space<vmem>>, vector<16xf32>,
      %add3A_611 = arith.addf %add3A_608, %get3A_610 : vector<16xf32>
      %get3A_612 = arith.constant 2560 : index
      %get3A_613 = tpu.vector_load %arg10[%get3A_612] {strides = array<i32>} : memref<7680xf32, #tpu.memory_space<vmem>>, vector<16xf32>,
      %add3A_614 = arith.addf %add3A_611, %get3A_613 : vector<16xf32>
      %get3A_615 = arith.constant 3040 : index
      %get3A_616 = tpu.vector_load %arg10[%get3A_615] {strides = array<i32>} : memref<7680xf32, #tpu.memory_space<vmem>>, vector<16xf32>,
      %add3A_617 = arith.addf %add3A_614, %get3A_616 : vector<16xf32>
      %get3A_618 = arith.constant 3520 : index
      %get3A_619 = tpu.vector_load %arg10[%get3A_618] {strides = array<i32>} : memref<7680xf32, #tpu.memory_space<vmem>>, vector<16xf32>,
      %add3A_620 = arith.addf %add3A_617, %get3A_619 : vector<16xf32>
      %get3A_621 = arith.constant 4000 : index
      %get3A_622 = tpu.vector_load %arg10[%get3A_621] {strides = array<i32>} : memref<7680xf32, #tpu.memory_space<vmem>>, vector<16xf32>,
      %add3A_623 = arith.addf %add3A_620, %get3A_622 : vector<16xf32>
      %get3A_624 = arith.constant 4480 : index
      %get3A_625 = tpu.vector_load %arg10[%get3A_624] {strides = array<i32>} : memref<7680xf32, #tpu.memory_space<vmem>>, vector<16xf32>,
      %add3A_626 = arith.addf %add3A_623, %get3A_625 : vector<16xf32>
      %get3A_627 = arith.constant 4960 : index
      %get3A_628 = tpu.vector_load %arg10[%get3A_627] {strides = array<i32>} : memref<7680xf32, #tpu.memory_space<vmem>>, vector<16xf32>,
      %add3A_629 = arith.addf %add3A_626, %get3A_628 : vector<16xf32>
      %get3A_630 = arith.constant 5440 : index
      %get3A_631 = tpu.vector_load %arg10[%get3A_630] {strides = array<i32>} : memref<7680xf32, #tpu.memory_space<vmem>>, vector<16xf32>,
      %add3A_632 = arith.addf %add3A_629, %get3A_631 : vector<16xf32>
      %get3A_633 = arith.constant 5920 : index
      %get3A_634 = tpu.vector_load %arg10[%get3A_633] {strides = array<i32>} : memref<7680xf32, #tpu.memory_space<vmem>>, vector<16xf32>,
      %add3A_635 = arith.addf %add3A_632, %get3A_634 : vector<16xf32>
      %get3A_636 = arith.constant 6400 : index
      %get3A_637 = tpu.vector_load %arg10[%get3A_636] {strides = array<i32>} : memref<7680xf32, #tpu.memory_space<vmem>>, vector<16xf32>,
      %add3A_638 = arith.addf %add3A_635, %get3A_637 : vector<16xf32>
      %get3A_639 = arith.constant 6880 : index
      %get3A_640 = tpu.vector_load %arg10[%get3A_639] {strides = array<i32>} : memref<7680xf32, #tpu.memory_space<vmem>>, vector<16xf32>,
      %add3A_641 = arith.addf %add3A_638, %get3A_640 : vector<16xf32>
      %get3A_642 = arith.constant 7360 : index
      %get3A_643 = tpu.vector_load %arg10[%get3A_642] {strides = array<i32>} : memref<7680xf32, #tpu.memory_space<vmem>>, vector<16xf32>,
      %add3A_644 = arith.addf %add3A_641, %get3A_643 : vector<16xf32>
      %swap3A_645 = arith.constant 160 : index
      %swap3A_646 = tpu.vector_load %arg11[%swap3A_645] {strides = array<i32>} : memref<480xf32, #tpu.memory_space<vmem>>, vector<16xf32>,
      tpu.vector_store %arg11[%swap3A_645], %add3A_644 {strides = array<i32>} : memref<480xf32, #tpu.memory_space<vmem>>, vector<16xf32>,
      %get3A_647 = arith.constant 176 : index
      %get3A_648 = tpu.vector_load %arg10[%get3A_647] {strides = array<i32>} : memref<7680xf32, #tpu.memory_space<vmem>>, vector<16xf32>,
      %get3A_649 = arith.constant 656 : index
      %get3A_650 = tpu.vector_load %arg10[%get3A_649] {strides = array<i32>} : memref<7680xf32, #tpu.memory_space<vmem>>, vector<16xf32>,
      %add3A_651 = arith.addf %get3A_648, %get3A_650 : vector<16xf32>
      %get3A_652 = arith.constant 1136 : index
      %get3A_653 = tpu.vector_load %arg10[%get3A_652] {strides = array<i32>} : memref<7680xf32, #tpu.memory_space<vmem>>, vector<16xf32>,
      %add3A_654 = arith.addf %add3A_651, %get3A_653 : vector<16xf32>
      %get3A_655 = arith.constant 1616 : index
      %get3A_656 = tpu.vector_load %arg10[%get3A_655] {strides = array<i32>} : memref<7680xf32, #tpu.memory_space<vmem>>, vector<16xf32>,
      %add3A_657 = arith.addf %add3A_654, %get3A_656 : vector<16xf32>
      %get3A_658 = arith.constant 2096 : index
      %get3A_659 = tpu.vector_load %arg10[%get3A_658] {strides = array<i32>} : memref<7680xf32, #tpu.memory_space<vmem>>, vector<16xf32>,
      %add3A_660 = arith.addf %add3A_657, %get3A_659 : vector<16xf32>
      %get3A_661 = arith.constant 2576 : index
      %get3A_662 = tpu.vector_load %arg10[%get3A_661] {strides = array<i32>} : memref<7680xf32, #tpu.memory_space<vmem>>, vector<16xf32>,
      %add3A_663 = arith.addf %add3A_660, %get3A_662 : vector<16xf32>
      %get3A_664 = arith.constant 3056 : index
      %get3A_665 = tpu.vector_load %arg10[%get3A_664] {strides = array<i32>} : memref<7680xf32, #tpu.memory_space<vmem>>, vector<16xf32>,
      %add3A_666 = arith.addf %add3A_663, %get3A_665 : vector<16xf32>
      %get3A_667 = arith.constant 3536 : index
      %get3A_668 = tpu.vector_load %arg10[%get3A_667] {strides = array<i32>} : memref<7680xf32, #tpu.memory_space<vmem>>, vector<16xf32>,
      %add3A_669 = arith.addf %add3A_666, %get3A_668 : vector<16xf32>
      %get3A_670 = arith.constant 4016 : index
      %get3A_671 = tpu.vector_load %arg10[%get3A_670] {strides = array<i32>} : memref<7680xf32, #tpu.memory_space<vmem>>, vector<16xf32>,
      %add3A_672 = arith.addf %add3A_669, %get3A_671 : vector<16xf32>
      %get3A_673 = arith.constant 4496 : index
      %get3A_674 = tpu.vector_load %arg10[%get3A_673] {strides = array<i32>} : memref<7680xf32, #tpu.memory_space<vmem>>, vector<16xf32>,
      %add3A_675 = arith.addf %add3A_672, %get3A_674 : vector<16xf32>
      %get3A_676 = arith.constant 4976 : index
      %get3A_677 = tpu.vector_load %arg10[%get3A_676] {strides = array<i32>} : memref<7680xf32, #tpu.memory_space<vmem>>, vector<16xf32>,
      %add3A_678 = arith.addf %add3A_675, %get3A_677 : vector<16xf32>
      %get3A_679 = arith.constant 5456 : index
      %get3A_680 = tpu.vector_load %arg10[%get3A_679] {strides = array<i32>} : memref<7680xf32, #tpu.memory_space<vmem>>, vector<16xf32>,
      %add3A_681 = arith.addf %add3A_678, %get3A_680 : vector<16xf32>
      %get3A_682 = arith.constant 5936 : index
      %get3A_683 = tpu.vector_load %arg10[%get3A_682] {strides = array<i32>} : memref<7680xf32, #tpu.memory_space<vmem>>, vector<16xf32>,
      %add3A_684 = arith.addf %add3A_681, %get3A_683 : vector<16xf32>
      %get3A_685 = arith.constant 6416 : index
      %get3A_686 = tpu.vector_load %arg10[%get3A_685] {strides = array<i32>} : memref<7680xf32, #tpu.memory_space<vmem>>, vector<16xf32>,
      %add3A_687 = arith.addf %add3A_684, %get3A_686 : vector<16xf32>
      %get3A_688 = arith.constant 6896 : index
      %get3A_689 = tpu.vector_load %arg10[%get3A_688] {strides = array<i32>} : memref<7680xf32, #tpu.memory_space<vmem>>, vector<16xf32>,
      %add3A_690 = arith.addf %add3A_687, %get3A_689 : vector<16xf32>
      %get3A_691 = arith.constant 7376 : index
      %get3A_692 = tpu.vector_load %arg10[%get3A_691] {strides = array<i32>} : memref<7680xf32, #tpu.memory_space<vmem>>, vector<16xf32>,
      %add3A_693 = arith.addf %add3A_690, %get3A_692 : vector<16xf32>
      %swap3A_694 = arith.constant 176 : index
      %swap3A_695 = tpu.vector_load %arg11[%swap3A_694] {strides = array<i32>} : memref<480xf32, #tpu.memory_space<vmem>>, vector<16xf32>,
      tpu.vector_store %arg11[%swap3A_694], %add3A_693 {strides = array<i32>} : memref<480xf32, #tpu.memory_space<vmem>>, vector<16xf32>,
      %get3A_696 = arith.constant 192 : index
      %get3A_697 = tpu.vector_load %arg10[%get3A_696] {strides = array<i32>} : memref<7680xf32, #tpu.memory_space<vmem>>, vector<16xf32>,
      %get3A_698 = arith.constant 672 : index
      %get3A_699 = tpu.vector_load %arg10[%get3A_698] {strides = array<i32>} : memref<7680xf32, #tpu.memory_space<vmem>>, vector<16xf32>,
      %add3A_700 = arith.addf %get3A_697, %get3A_699 : vector<16xf32>
      %get3A_701 = arith.constant 1152 : index
      %get3A_702 = tpu.vector_load %arg10[%get3A_701] {strides = array<i32>} : memref<7680xf32, #tpu.memory_space<vmem>>, vector<16xf32>,
      %add3A_703 = arith.addf %add3A_700, %get3A_702 : vector<16xf32>
      %get3A_704 = arith.constant 1632 : index
      %get3A_705 = tpu.vector_load %arg10[%get3A_704] {strides = array<i32>} : memref<7680xf32, #tpu.memory_space<vmem>>, vector<16xf32>,
      %add3A_706 = arith.addf %add3A_703, %get3A_705 : vector<16xf32>
      %get3A_707 = arith.constant 2112 : index
      %get3A_708 = tpu.vector_load %arg10[%get3A_707] {strides = array<i32>} : memref<7680xf32, #tpu.memory_space<vmem>>, vector<16xf32>,
      %add3A_709 = arith.addf %add3A_706, %get3A_708 : vector<16xf32>
      %get3A_710 = arith.constant 2592 : index
      %get3A_711 = tpu.vector_load %arg10[%get3A_710] {strides = array<i32>} : memref<7680xf32, #tpu.memory_space<vmem>>, vector<16xf32>,
      %add3A_712 = arith.addf %add3A_709, %get3A_711 : vector<16xf32>
      %get3A_713 = arith.constant 3072 : index
      %get3A_714 = tpu.vector_load %arg10[%get3A_713] {strides = array<i32>} : memref<7680xf32, #tpu.memory_space<vmem>>, vector<16xf32>,
      %add3A_715 = arith.addf %add3A_712, %get3A_714 : vector<16xf32>
      %get3A_716 = arith.constant 3552 : index
      %get3A_717 = tpu.vector_load %arg10[%get3A_716] {strides = array<i32>} : memref<7680xf32, #tpu.memory_space<vmem>>, vector<16xf32>,
      %add3A_718 = arith.addf %add3A_715, %get3A_717 : vector<16xf32>
      %get3A_719 = arith.constant 4032 : index
      %get3A_720 = tpu.vector_load %arg10[%get3A_719] {strides = array<i32>} : memref<7680xf32, #tpu.memory_space<vmem>>, vector<16xf32>,
      %add3A_721 = arith.addf %add3A_718, %get3A_720 : vector<16xf32>
      %get3A_722 = arith.constant 4512 : index
      %get3A_723 = tpu.vector_load %arg10[%get3A_722] {strides = array<i32>} : memref<7680xf32, #tpu.memory_space<vmem>>, vector<16xf32>,
      %add3A_724 = arith.addf %add3A_721, %get3A_723 : vector<16xf32>
      %get3A_725 = arith.constant 4992 : index
      %get3A_726 = tpu.vector_load %arg10[%get3A_725] {strides = array<i32>} : memref<7680xf32, #tpu.memory_space<vmem>>, vector<16xf32>,
      %add3A_727 = arith.addf %add3A_724, %get3A_726 : vector<16xf32>
      %get3A_728 = arith.constant 5472 : index
      %get3A_729 = tpu.vector_load %arg10[%get3A_728] {strides = array<i32>} : memref<7680xf32, #tpu.memory_space<vmem>>, vector<16xf32>,
      %add3A_730 = arith.addf %add3A_727, %get3A_729 : vector<16xf32>
      %get3A_731 = arith.constant 5952 : index
      %get3A_732 = tpu.vector_load %arg10[%get3A_731] {strides = array<i32>} : memref<7680xf32, #tpu.memory_space<vmem>>, vector<16xf32>,
      %add3A_733 = arith.addf %add3A_730, %get3A_732 : vector<16xf32>
      %get3A_734 = arith.constant 6432 : index
      %get3A_735 = tpu.vector_load %arg10[%get3A_734] {strides = array<i32>} : memref<7680xf32, #tpu.memory_space<vmem>>, vector<16xf32>,
      %add3A_736 = arith.addf %add3A_733, %get3A_735 : vector<16xf32>
      %get3A_737 = arith.constant 6912 : index
      %get3A_738 = tpu.vector_load %arg10[%get3A_737] {strides = array<i32>} : memref<7680xf32, #tpu.memory_space<vmem>>, vector<16xf32>,
      %add3A_739 = arith.addf %add3A_736, %get3A_738 : vector<16xf32>
      %get3A_740 = arith.constant 7392 : index
      %get3A_741 = tpu.vector_load %arg10[%get3A_740] {strides = array<i32>} : memref<7680xf32, #tpu.memory_space<vmem>>, vector<16xf32>,
      %add3A_742 = arith.addf %add3A_739, %get3A_741 : vector<16xf32>
      %swap3A_743 = arith.constant 192 : index
      %swap3A_744 = tpu.vector_load %arg11[%swap3A_743] {strides = array<i32>} : memref<480xf32, #tpu.memory_space<vmem>>, vector<16xf32>,
      tpu.vector_store %arg11[%swap3A_743], %add3A_742 {strides = array<i32>} : memref<480xf32, #tpu.memory_space<vmem>>, vector<16xf32>,
      %get3A_745 = arith.constant 208 : index
      %get3A_746 = tpu.vector_load %arg10[%get3A_745] {strides = array<i32>} : memref<7680xf32, #tpu.memory_space<vmem>>, vector<16xf32>,
      %get3A_747 = arith.constant 688 : index
      %get3A_748 = tpu.vector_load %arg10[%get3A_747] {strides = array<i32>} : memref<7680xf32, #tpu.memory_space<vmem>>, vector<16xf32>,
      %add3A_749 = arith.addf %get3A_746, %get3A_748 : vector<16xf32>
      %get3A_750 = arith.constant 1168 : index
      %get3A_751 = tpu.vector_load %arg10[%get3A_750] {strides = array<i32>} : memref<7680xf32, #tpu.memory_space<vmem>>, vector<16xf32>,
      %add3A_752 = arith.addf %add3A_749, %get3A_751 : vector<16xf32>
      %get3A_753 = arith.constant 1648 : index
      %get3A_754 = tpu.vector_load %arg10[%get3A_753] {strides = array<i32>} : memref<7680xf32, #tpu.memory_space<vmem>>, vector<16xf32>,
      %add3A_755 = arith.addf %add3A_752, %get3A_754 : vector<16xf32>
      %get3A_756 = arith.constant 2128 : index
      %get3A_757 = tpu.vector_load %arg10[%get3A_756] {strides = array<i32>} : memref<7680xf32, #tpu.memory_space<vmem>>, vector<16xf32>,
      %add3A_758 = arith.addf %add3A_755, %get3A_757 : vector<16xf32>
      %get3A_759 = arith.constant 2608 : index
      %get3A_760 = tpu.vector_load %arg10[%get3A_759] {strides = array<i32>} : memref<7680xf32, #tpu.memory_space<vmem>>, vector<16xf32>,
      %add3A_761 = arith.addf %add3A_758, %get3A_760 : vector<16xf32>
      %get3A_762 = arith.constant 3088 : index
      %get3A_763 = tpu.vector_load %arg10[%get3A_762] {strides = array<i32>} : memref<7680xf32, #tpu.memory_space<vmem>>, vector<16xf32>,
      %add3A_764 = arith.addf %add3A_761, %get3A_763 : vector<16xf32>
      %get3A_765 = arith.constant 3568 : index
      %get3A_766 = tpu.vector_load %arg10[%get3A_765] {strides = array<i32>} : memref<7680xf32, #tpu.memory_space<vmem>>, vector<16xf32>,
      %add3A_767 = arith.addf %add3A_764, %get3A_766 : vector<16xf32>
      %get3A_768 = arith.constant 4048 : index
      %get3A_769 = tpu.vector_load %arg10[%get3A_768] {strides = array<i32>} : memref<7680xf32, #tpu.memory_space<vmem>>, vector<16xf32>,
      %add3A_770 = arith.addf %add3A_767, %get3A_769 : vector<16xf32>
      %get3A_771 = arith.constant 4528 : index
      %get3A_772 = tpu.vector_load %arg10[%get3A_771] {strides = array<i32>} : memref<7680xf32, #tpu.memory_space<vmem>>, vector<16xf32>,
      %add3A_773 = arith.addf %add3A_770, %get3A_772 : vector<16xf32>
      %get3A_774 = arith.constant 5008 : index
      %get3A_775 = tpu.vector_load %arg10[%get3A_774] {strides = array<i32>} : memref<7680xf32, #tpu.memory_space<vmem>>, vector<16xf32>,
      %add3A_776 = arith.addf %add3A_773, %get3A_775 : vector<16xf32>
      %get3A_777 = arith.constant 5488 : index
      %get3A_778 = tpu.vector_load %arg10[%get3A_777] {strides = array<i32>} : memref<7680xf32, #tpu.memory_space<vmem>>, vector<16xf32>,
      %add3A_779 = arith.addf %add3A_776, %get3A_778 : vector<16xf32>
      %get3A_780 = arith.constant 5968 : index
      %get3A_781 = tpu.vector_load %arg10[%get3A_780] {strides = array<i32>} : memref<7680xf32, #tpu.memory_space<vmem>>, vector<16xf32>,
      %add3A_782 = arith.addf %add3A_779, %get3A_781 : vector<16xf32>
      %get3A_783 = arith.constant 6448 : index
      %get3A_784 = tpu.vector_load %arg10[%get3A_783] {strides = array<i32>} : memref<7680xf32, #tpu.memory_space<vmem>>, vector<16xf32>,
      %add3A_785 = arith.addf %add3A_782, %get3A_784 : vector<16xf32>
      %get3A_786 = arith.constant 6928 : index
      %get3A_787 = tpu.vector_load %arg10[%get3A_786] {strides = array<i32>} : memref<7680xf32, #tpu.memory_space<vmem>>, vector<16xf32>,
      %add3A_788 = arith.addf %add3A_785, %get3A_787 : vector<16xf32>
      %get3A_789 = arith.constant 7408 : index
      %get3A_790 = tpu.vector_load %arg10[%get3A_789] {strides = array<i32>} : memref<7680xf32, #tpu.memory_space<vmem>>, vector<16xf32>,
      %add3A_791 = arith.addf %add3A_788, %get3A_790 : vector<16xf32>
      %swap3A_792 = arith.constant 208 : index
      %swap3A_793 = tpu.vector_load %arg11[%swap3A_792] {strides = array<i32>} : memref<480xf32, #tpu.memory_space<vmem>>, vector<16xf32>,
      tpu.vector_store %arg11[%swap3A_792], %add3A_791 {strides = array<i32>} : memref<480xf32, #tpu.memory_space<vmem>>, vector<16xf32>,
      %get3A_794 = arith.constant 224 : index
      %get3A_795 = tpu.vector_load %arg10[%get3A_794] {strides = array<i32>} : memref<7680xf32, #tpu.memory_space<vmem>>, vector<16xf32>,
      %get3A_796 = arith.constant 704 : index
      %get3A_797 = tpu.vector_load %arg10[%get3A_796] {strides = array<i32>} : memref<7680xf32, #tpu.memory_space<vmem>>, vector<16xf32>,
      %add3A_798 = arith.addf %get3A_795, %get3A_797 : vector<16xf32>
      %get3A_799 = arith.constant 1184 : index
      %get3A_800 = tpu.vector_load %arg10[%get3A_799] {strides = array<i32>} : memref<7680xf32, #tpu.memory_space<vmem>>, vector<16xf32>,
      %add3A_801 = arith.addf %add3A_798, %get3A_800 : vector<16xf32>
      %get3A_802 = arith.constant 1664 : index
      %get3A_803 = tpu.vector_load %arg10[%get3A_802] {strides = array<i32>} : memref<7680xf32, #tpu.memory_space<vmem>>, vector<16xf32>,
      %add3A_804 = arith.addf %add3A_801, %get3A_803 : vector<16xf32>
      %get3A_805 = arith.constant 2144 : index
      %get3A_806 = tpu.vector_load %arg10[%get3A_805] {strides = array<i32>} : memref<7680xf32, #tpu.memory_space<vmem>>, vector<16xf32>,
      %add3A_807 = arith.addf %add3A_804, %get3A_806 : vector<16xf32>
      %get3A_808 = arith.constant 2624 : index
      %get3A_809 = tpu.vector_load %arg10[%get3A_808] {strides = array<i32>} : memref<7680xf32, #tpu.memory_space<vmem>>, vector<16xf32>,
      %add3A_810 = arith.addf %add3A_807, %get3A_809 : vector<16xf32>
      %get3A_811 = arith.constant 3104 : index
      %get3A_812 = tpu.vector_load %arg10[%get3A_811] {strides = array<i32>} : memref<7680xf32, #tpu.memory_space<vmem>>, vector<16xf32>,
      %add3A_813 = arith.addf %add3A_810, %get3A_812 : vector<16xf32>
      %get3A_814 = arith.constant 3584 : index
      %get3A_815 = tpu.vector_load %arg10[%get3A_814] {strides = array<i32>} : memref<7680xf32, #tpu.memory_space<vmem>>, vector<16xf32>,
      %add3A_816 = arith.addf %add3A_813, %get3A_815 : vector<16xf32>
      %get3A_817 = arith.constant 4064 : index
      %get3A_818 = tpu.vector_load %arg10[%get3A_817] {strides = array<i32>} : memref<7680xf32, #tpu.memory_space<vmem>>, vector<16xf32>,
      %add3A_819 = arith.addf %add3A_816, %get3A_818 : vector<16xf32>
      %get3A_820 = arith.constant 4544 : index
      %get3A_821 = tpu.vector_load %arg10[%get3A_820] {strides = array<i32>} : memref<7680xf32, #tpu.memory_space<vmem>>, vector<16xf32>,
      %add3A_822 = arith.addf %add3A_819, %get3A_821 : vector<16xf32>
      %get3A_823 = arith.constant 5024 : index
      %get3A_824 = tpu.vector_load %arg10[%get3A_823] {strides = array<i32>} : memref<7680xf32, #tpu.memory_space<vmem>>, vector<16xf32>,
      %add3A_825 = arith.addf %add3A_822, %get3A_824 : vector<16xf32>
      %get3A_826 = arith.constant 5504 : index
      %get3A_827 = tpu.vector_load %arg10[%get3A_826] {strides = array<i32>} : memref<7680xf32, #tpu.memory_space<vmem>>, vector<16xf32>,
      %add3A_828 = arith.addf %add3A_825, %get3A_827 : vector<16xf32>
      %get3A_829 = arith.constant 5984 : index
      %get3A_830 = tpu.vector_load %arg10[%get3A_829] {strides = array<i32>} : memref<7680xf32, #tpu.memory_space<vmem>>, vector<16xf32>,
      %add3A_831 = arith.addf %add3A_828, %get3A_830 : vector<16xf32>
      %get3A_832 = arith.constant 6464 : index
      %get3A_833 = tpu.vector_load %arg10[%get3A_832] {strides = array<i32>} : memref<7680xf32, #tpu.memory_space<vmem>>, vector<16xf32>,
      %add3A_834 = arith.addf %add3A_831, %get3A_833 : vector<16xf32>
      %get3A_835 = arith.constant 6944 : index
      %get3A_836 = tpu.vector_load %arg10[%get3A_835] {strides = array<i32>} : memref<7680xf32, #tpu.memory_space<vmem>>, vector<16xf32>,
      %add3A_837 = arith.addf %add3A_834, %get3A_836 : vector<16xf32>
      %get3A_838 = arith.constant 7424 : index
      %get3A_839 = tpu.vector_load %arg10[%get3A_838] {strides = array<i32>} : memref<7680xf32, #tpu.memory_space<vmem>>, vector<16xf32>,
      %add3A_840 = arith.addf %add3A_837, %get3A_839 : vector<16xf32>
      %swap3A_841 = arith.constant 224 : index
      %swap3A_842 = tpu.vector_load %arg11[%swap3A_841] {strides = array<i32>} : memref<480xf32, #tpu.memory_space<vmem>>, vector<16xf32>,
      tpu.vector_store %arg11[%swap3A_841], %add3A_840 {strides = array<i32>} : memref<480xf32, #tpu.memory_space<vmem>>, vector<16xf32>,
      %get3A_843 = arith.constant 240 : index
      %get3A_844 = tpu.vector_load %arg10[%get3A_843] {strides = array<i32>} : memref<7680xf32, #tpu.memory_space<vmem>>, vector<16xf32>,
      %get3A_845 = arith.constant 720 : index
      %get3A_846 = tpu.vector_load %arg10[%get3A_845] {strides = array<i32>} : memref<7680xf32, #tpu.memory_space<vmem>>, vector<16xf32>,
      %add3A_847 = arith.addf %get3A_844, %get3A_846 : vector<16xf32>
      %get3A_848 = arith.constant 1200 : index
      %get3A_849 = tpu.vector_load %arg10[%get3A_848] {strides = array<i32>} : memref<7680xf32, #tpu.memory_space<vmem>>, vector<16xf32>,
      %add3A_850 = arith.addf %add3A_847, %get3A_849 : vector<16xf32>
      %get3A_851 = arith.constant 1680 : index
      %get3A_852 = tpu.vector_load %arg10[%get3A_851] {strides = array<i32>} : memref<7680xf32, #tpu.memory_space<vmem>>, vector<16xf32>,
      %add3A_853 = arith.addf %add3A_850, %get3A_852 : vector<16xf32>
      %get3A_854 = arith.constant 2160 : index
      %get3A_855 = tpu.vector_load %arg10[%get3A_854] {strides = array<i32>} : memref<7680xf32, #tpu.memory_space<vmem>>, vector<16xf32>,
      %add3A_856 = arith.addf %add3A_853, %get3A_855 : vector<16xf32>
      %get3A_857 = arith.constant 2640 : index
      %get3A_858 = tpu.vector_load %arg10[%get3A_857] {strides = array<i32>} : memref<7680xf32, #tpu.memory_space<vmem>>, vector<16xf32>,
      %add3A_859 = arith.addf %add3A_856, %get3A_858 : vector<16xf32>
      %get3A_860 = arith.constant 3120 : index
      %get3A_861 = tpu.vector_load %arg10[%get3A_860] {strides = array<i32>} : memref<7680xf32, #tpu.memory_space<vmem>>, vector<16xf32>,
      %add3A_862 = arith.addf %add3A_859, %get3A_861 : vector<16xf32>
      %get3A_863 = arith.constant 3600 : index
      %get3A_864 = tpu.vector_load %arg10[%get3A_863] {strides = array<i32>} : memref<7680xf32, #tpu.memory_space<vmem>>, vector<16xf32>,
      %add3A_865 = arith.addf %add3A_862, %get3A_864 : vector<16xf32>
      %get3A_866 = arith.constant 4080 : index
      %get3A_867 = tpu.vector_load %arg10[%get3A_866] {strides = array<i32>} : memref<7680xf32, #tpu.memory_space<vmem>>, vector<16xf32>,
      %add3A_868 = arith.addf %add3A_865, %get3A_867 : vector<16xf32>
      %get3A_869 = arith.constant 4560 : index
      %get3A_870 = tpu.vector_load %arg10[%get3A_869] {strides = array<i32>} : memref<7680xf32, #tpu.memory_space<vmem>>, vector<16xf32>,
      %add3A_871 = arith.addf %add3A_868, %get3A_870 : vector<16xf32>
      %get3A_872 = arith.constant 5040 : index
      %get3A_873 = tpu.vector_load %arg10[%get3A_872] {strides = array<i32>} : memref<7680xf32, #tpu.memory_space<vmem>>, vector<16xf32>,
      %add3A_874 = arith.addf %add3A_871, %get3A_873 : vector<16xf32>
      %get3A_875 = arith.constant 5520 : index
      %get3A_876 = tpu.vector_load %arg10[%get3A_875] {strides = array<i32>} : memref<7680xf32, #tpu.memory_space<vmem>>, vector<16xf32>,
      %add3A_877 = arith.addf %add3A_874, %get3A_876 : vector<16xf32>
      %get3A_878 = arith.constant 6000 : index
      %get3A_879 = tpu.vector_load %arg10[%get3A_878] {strides = array<i32>} : memref<7680xf32, #tpu.memory_space<vmem>>, vector<16xf32>,
      %add3A_880 = arith.addf %add3A_877, %get3A_879 : vector<16xf32>
      %get3A_881 = arith.constant 6480 : index
      %get3A_882 = tpu.vector_load %arg10[%get3A_881] {strides = array<i32>} : memref<7680xf32, #tpu.memory_space<vmem>>, vector<16xf32>,
      %add3A_883 = arith.addf %add3A_880, %get3A_882 : vector<16xf32>
      %get3A_884 = arith.constant 6960 : index
      %get3A_885 = tpu.vector_load %arg10[%get3A_884] {strides = array<i32>} : memref<7680xf32, #tpu.memory_space<vmem>>, vector<16xf32>,
      %add3A_886 = arith.addf %add3A_883, %get3A_885 : vector<16xf32>
      %get3A_887 = arith.constant 7440 : index
      %get3A_888 = tpu.vector_load %arg10[%get3A_887] {strides = array<i32>} : memref<7680xf32, #tpu.memory_space<vmem>>, vector<16xf32>,
      %add3A_889 = arith.addf %add3A_886, %get3A_888 : vector<16xf32>
      %swap3A_890 = arith.constant 240 : index
      %swap3A_891 = tpu.vector_load %arg11[%swap3A_890] {strides = array<i32>} : memref<480xf32, #tpu.memory_space<vmem>>, vector<16xf32>,
      tpu.vector_store %arg11[%swap3A_890], %add3A_889 {strides = array<i32>} : memref<480xf32, #tpu.memory_space<vmem>>, vector<16xf32>,
      %get3A_892 = arith.constant 256 : index
      %get3A_893 = tpu.vector_load %arg10[%get3A_892] {strides = array<i32>} : memref<7680xf32, #tpu.memory_space<vmem>>, vector<16xf32>,
      %get3A_894 = arith.constant 736 : index
      %get3A_895 = tpu.vector_load %arg10[%get3A_894] {strides = array<i32>} : memref<7680xf32, #tpu.memory_space<vmem>>, vector<16xf32>,
      %add3A_896 = arith.addf %get3A_893, %get3A_895 : vector<16xf32>
      %get3A_897 = arith.constant 1216 : index
      %get3A_898 = tpu.vector_load %arg10[%get3A_897] {strides = array<i32>} : memref<7680xf32, #tpu.memory_space<vmem>>, vector<16xf32>,
      %add3A_899 = arith.addf %add3A_896, %get3A_898 : vector<16xf32>
      %get3A_900 = arith.constant 1696 : index
      %get3A_901 = tpu.vector_load %arg10[%get3A_900] {strides = array<i32>} : memref<7680xf32, #tpu.memory_space<vmem>>, vector<16xf32>,
      %add3A_902 = arith.addf %add3A_899, %get3A_901 : vector<16xf32>
      %get3A_903 = arith.constant 2176 : index
      %get3A_904 = tpu.vector_load %arg10[%get3A_903] {strides = array<i32>} : memref<7680xf32, #tpu.memory_space<vmem>>, vector<16xf32>,
      %add3A_905 = arith.addf %add3A_902, %get3A_904 : vector<16xf32>
      %get3A_906 = arith.constant 2656 : index
      %get3A_907 = tpu.vector_load %arg10[%get3A_906] {strides = array<i32>} : memref<7680xf32, #tpu.memory_space<vmem>>, vector<16xf32>,
      %add3A_908 = arith.addf %add3A_905, %get3A_907 : vector<16xf32>
      %get3A_909 = arith.constant 3136 : index
      %get3A_910 = tpu.vector_load %arg10[%get3A_909] {strides = array<i32>} : memref<7680xf32, #tpu.memory_space<vmem>>, vector<16xf32>,
      %add3A_911 = arith.addf %add3A_908, %get3A_910 : vector<16xf32>
      %get3A_912 = arith.constant 3616 : index
      %get3A_913 = tpu.vector_load %arg10[%get3A_912] {strides = array<i32>} : memref<7680xf32, #tpu.memory_space<vmem>>, vector<16xf32>,
      %add3A_914 = arith.addf %add3A_911, %get3A_913 : vector<16xf32>
      %get3A_915 = arith.constant 4096 : index
      %get3A_916 = tpu.vector_load %arg10[%get3A_915] {strides = array<i32>} : memref<7680xf32, #tpu.memory_space<vmem>>, vector<16xf32>,
      %add3A_917 = arith.addf %add3A_914, %get3A_916 : vector<16xf32>
      %get3A_918 = arith.constant 4576 : index
      %get3A_919 = tpu.vector_load %arg10[%get3A_918] {strides = array<i32>} : memref<7680xf32, #tpu.memory_space<vmem>>, vector<16xf32>,
      %add3A_920 = arith.addf %add3A_917, %get3A_919 : vector<16xf32>
      %get3A_921 = arith.constant 5056 : index
      %get3A_922 = tpu.vector_load %arg10[%get3A_921] {strides = array<i32>} : memref<7680xf32, #tpu.memory_space<vmem>>, vector<16xf32>,
      %add3A_923 = arith.addf %add3A_920, %get3A_922 : vector<16xf32>
      %get3A_924 = arith.constant 5536 : index
      %get3A_925 = tpu.vector_load %arg10[%get3A_924] {strides = array<i32>} : memref<7680xf32, #tpu.memory_space<vmem>>, vector<16xf32>,
      %add3A_926 = arith.addf %add3A_923, %get3A_925 : vector<16xf32>
      %get3A_927 = arith.constant 6016 : index
      %get3A_928 = tpu.vector_load %arg10[%get3A_927] {strides = array<i32>} : memref<7680xf32, #tpu.memory_space<vmem>>, vector<16xf32>,
      %add3A_929 = arith.addf %add3A_926, %get3A_928 : vector<16xf32>
      %get3A_930 = arith.constant 6496 : index
      %get3A_931 = tpu.vector_load %arg10[%get3A_930] {strides = array<i32>} : memref<7680xf32, #tpu.memory_space<vmem>>, vector<16xf32>,
      %add3A_932 = arith.addf %add3A_929, %get3A_931 : vector<16xf32>
      %get3A_933 = arith.constant 6976 : index
      %get3A_934 = tpu.vector_load %arg10[%get3A_933] {strides = array<i32>} : memref<7680xf32, #tpu.memory_space<vmem>>, vector<16xf32>,
      %add3A_935 = arith.addf %add3A_932, %get3A_934 : vector<16xf32>
      %get3A_936 = arith.constant 7456 : index
      %get3A_937 = tpu.vector_load %arg10[%get3A_936] {strides = array<i32>} : memref<7680xf32, #tpu.memory_space<vmem>>, vector<16xf32>,
      %add3A_938 = arith.addf %add3A_935, %get3A_937 : vector<16xf32>
      %swap3A_939 = arith.constant 256 : index
      %swap3A_940 = tpu.vector_load %arg11[%swap3A_939] {strides = array<i32>} : memref<480xf32, #tpu.memory_space<vmem>>, vector<16xf32>,
      tpu.vector_store %arg11[%swap3A_939], %add3A_938 {strides = array<i32>} : memref<480xf32, #tpu.memory_space<vmem>>, vector<16xf32>,
      %get3A_941 = arith.constant 272 : index
      %get3A_942 = tpu.vector_load %arg10[%get3A_941] {strides = array<i32>} : memref<7680xf32, #tpu.memory_space<vmem>>, vector<16xf32>,
      %get3A_943 = arith.constant 752 : index
      %get3A_944 = tpu.vector_load %arg10[%get3A_943] {strides = array<i32>} : memref<7680xf32, #tpu.memory_space<vmem>>, vector<16xf32>,
      %add3A_945 = arith.addf %get3A_942, %get3A_944 : vector<16xf32>
      %get3A_946 = arith.constant 1232 : index
      %get3A_947 = tpu.vector_load %arg10[%get3A_946] {strides = array<i32>} : memref<7680xf32, #tpu.memory_space<vmem>>, vector<16xf32>,
      %add3A_948 = arith.addf %add3A_945, %get3A_947 : vector<16xf32>
      %get3A_949 = arith.constant 1712 : index
      %get3A_950 = tpu.vector_load %arg10[%get3A_949] {strides = array<i32>} : memref<7680xf32, #tpu.memory_space<vmem>>, vector<16xf32>,
      %add3A_951 = arith.addf %add3A_948, %get3A_950 : vector<16xf32>
      %get3A_952 = arith.constant 2192 : index
      %get3A_953 = tpu.vector_load %arg10[%get3A_952] {strides = array<i32>} : memref<7680xf32, #tpu.memory_space<vmem>>, vector<16xf32>,
      %add3A_954 = arith.addf %add3A_951, %get3A_953 : vector<16xf32>
      %get3A_955 = arith.constant 2672 : index
      %get3A_956 = tpu.vector_load %arg10[%get3A_955] {strides = array<i32>} : memref<7680xf32, #tpu.memory_space<vmem>>, vector<16xf32>,
      %add3A_957 = arith.addf %add3A_954, %get3A_956 : vector<16xf32>
      %get3A_958 = arith.constant 3152 : index
      %get3A_959 = tpu.vector_load %arg10[%get3A_958] {strides = array<i32>} : memref<7680xf32, #tpu.memory_space<vmem>>, vector<16xf32>,
      %add3A_960 = arith.addf %add3A_957, %get3A_959 : vector<16xf32>
      %get3A_961 = arith.constant 3632 : index
      %get3A_962 = tpu.vector_load %arg10[%get3A_961] {strides = array<i32>} : memref<7680xf32, #tpu.memory_space<vmem>>, vector<16xf32>,
      %add3A_963 = arith.addf %add3A_960, %get3A_962 : vector<16xf32>
      %get3A_964 = arith.constant 4112 : index
      %get3A_965 = tpu.vector_load %arg10[%get3A_964] {strides = array<i32>} : memref<7680xf32, #tpu.memory_space<vmem>>, vector<16xf32>,
      %add3A_966 = arith.addf %add3A_963, %get3A_965 : vector<16xf32>
      %get3A_967 = arith.constant 4592 : index
      %get3A_968 = tpu.vector_load %arg10[%get3A_967] {strides = array<i32>} : memref<7680xf32, #tpu.memory_space<vmem>>, vector<16xf32>,
      %add3A_969 = arith.addf %add3A_966, %get3A_968 : vector<16xf32>
      %get3A_970 = arith.constant 5072 : index
      %get3A_971 = tpu.vector_load %arg10[%get3A_970] {strides = array<i32>} : memref<7680xf32, #tpu.memory_space<vmem>>, vector<16xf32>,
      %add3A_972 = arith.addf %add3A_969, %get3A_971 : vector<16xf32>
      %get3A_973 = arith.constant 5552 : index
      %get3A_974 = tpu.vector_load %arg10[%get3A_973] {strides = array<i32>} : memref<7680xf32, #tpu.memory_space<vmem>>, vector<16xf32>,
      %add3A_975 = arith.addf %add3A_972, %get3A_974 : vector<16xf32>
      %get3A_976 = arith.constant 6032 : index
      %get3A_977 = tpu.vector_load %arg10[%get3A_976] {strides = array<i32>} : memref<7680xf32, #tpu.memory_space<vmem>>, vector<16xf32>,
      %add3A_978 = arith.addf %add3A_975, %get3A_977 : vector<16xf32>
      %get3A_979 = arith.constant 6512 : index
      %get3A_980 = tpu.vector_load %arg10[%get3A_979] {strides = array<i32>} : memref<7680xf32, #tpu.memory_space<vmem>>, vector<16xf32>,
      %add3A_981 = arith.addf %add3A_978, %get3A_980 : vector<16xf32>
      %get3A_982 = arith.constant 6992 : index
      %get3A_983 = tpu.vector_load %arg10[%get3A_982] {strides = array<i32>} : memref<7680xf32, #tpu.memory_space<vmem>>, vector<16xf32>,
      %add3A_984 = arith.addf %add3A_981, %get3A_983 : vector<16xf32>
      %get3A_985 = arith.constant 7472 : index
      %get3A_986 = tpu.vector_load %arg10[%get3A_985] {strides = array<i32>} : memref<7680xf32, #tpu.memory_space<vmem>>, vector<16xf32>,
      %add3A_987 = arith.addf %add3A_984, %get3A_986 : vector<16xf32>
      %swap3A_988 = arith.constant 272 : index
      %swap3A_989 = tpu.vector_load %arg11[%swap3A_988] {strides = array<i32>} : memref<480xf32, #tpu.memory_space<vmem>>, vector<16xf32>,
      tpu.vector_store %arg11[%swap3A_988], %add3A_987 {strides = array<i32>} : memref<480xf32, #tpu.memory_space<vmem>>, vector<16xf32>,
      %get3A_990 = arith.constant 288 : index
      %get3A_991 = tpu.vector_load %arg10[%get3A_990] {strides = array<i32>} : memref<7680xf32, #tpu.memory_space<vmem>>, vector<16xf32>,
      %get3A_992 = arith.constant 768 : index
      %get3A_993 = tpu.vector_load %arg10[%get3A_992] {strides = array<i32>} : memref<7680xf32, #tpu.memory_space<vmem>>, vector<16xf32>,
      %add3A_994 = arith.addf %get3A_991, %get3A_993 : vector<16xf32>
      %get3A_995 = arith.constant 1248 : index
      %get3A_996 = tpu.vector_load %arg10[%get3A_995] {strides = array<i32>} : memref<7680xf32, #tpu.memory_space<vmem>>, vector<16xf32>,
      %add3A_997 = arith.addf %add3A_994, %get3A_996 : vector<16xf32>
      %get3A_998 = arith.constant 1728 : index
      %get3A_999 = tpu.vector_load %arg10[%get3A_998] {strides = array<i32>} : memref<7680xf32, #tpu.memory_space<vmem>>, vector<16xf32>,
      %add3A_1000 = arith.addf %add3A_997, %get3A_999 : vector<16xf32>
      %get3A_1001 = arith.constant 2208 : index
      %get3A_1002 = tpu.vector_load %arg10[%get3A_1001] {strides = array<i32>} : memref<7680xf32, #tpu.memory_space<vmem>>, vector<16xf32>,
      %add3A_1003 = arith.addf %add3A_1000, %get3A_1002 : vector<16xf32>
      %get3A_1004 = arith.constant 2688 : index
      %get3A_1005 = tpu.vector_load %arg10[%get3A_1004] {strides = array<i32>} : memref<7680xf32, #tpu.memory_space<vmem>>, vector<16xf32>,
      %add3A_1006 = arith.addf %add3A_1003, %get3A_1005 : vector<16xf32>
      %get3A_1007 = arith.constant 3168 : index
      %get3A_1008 = tpu.vector_load %arg10[%get3A_1007] {strides = array<i32>} : memref<7680xf32, #tpu.memory_space<vmem>>, vector<16xf32>,
      %add3A_1009 = arith.addf %add3A_1006, %get3A_1008 : vector<16xf32>
      %get3A_1010 = arith.constant 3648 : index
      %get3A_1011 = tpu.vector_load %arg10[%get3A_1010] {strides = array<i32>} : memref<7680xf32, #tpu.memory_space<vmem>>, vector<16xf32>,
      %add3A_1012 = arith.addf %add3A_1009, %get3A_1011 : vector<16xf32>
      %get3A_1013 = arith.constant 4128 : index
      %get3A_1014 = tpu.vector_load %arg10[%get3A_1013] {strides = array<i32>} : memref<7680xf32, #tpu.memory_space<vmem>>, vector<16xf32>,
      %add3A_1015 = arith.addf %add3A_1012, %get3A_1014 : vector<16xf32>
      %get3A_1016 = arith.constant 4608 : index
      %get3A_1017 = tpu.vector_load %arg10[%get3A_1016] {strides = array<i32>} : memref<7680xf32, #tpu.memory_space<vmem>>, vector<16xf32>,
      %add3A_1018 = arith.addf %add3A_1015, %get3A_1017 : vector<16xf32>
      %get3A_1019 = arith.constant 5088 : index
      %get3A_1020 = tpu.vector_load %arg10[%get3A_1019] {strides = array<i32>} : memref<7680xf32, #tpu.memory_space<vmem>>, vector<16xf32>,
      %add3A_1021 = arith.addf %add3A_1018, %get3A_1020 : vector<16xf32>
      %get3A_1022 = arith.constant 5568 : index
      %get3A_1023 = tpu.vector_load %arg10[%get3A_1022] {strides = array<i32>} : memref<7680xf32, #tpu.memory_space<vmem>>, vector<16xf32>,
      %add3A_1024 = arith.addf %add3A_1021, %get3A_1023 : vector<16xf32>
      %get3A_1025 = arith.constant 6048 : index
      %get3A_1026 = tpu.vector_load %arg10[%get3A_1025] {strides = array<i32>} : memref<7680xf32, #tpu.memory_space<vmem>>, vector<16xf32>,
      %add3A_1027 = arith.addf %add3A_1024, %get3A_1026 : vector<16xf32>
      %get3A_1028 = arith.constant 6528 : index
      %get3A_1029 = tpu.vector_load %arg10[%get3A_1028] {strides = array<i32>} : memref<7680xf32, #tpu.memory_space<vmem>>, vector<16xf32>,
      %add3A_1030 = arith.addf %add3A_1027, %get3A_1029 : vector<16xf32>
      %get3A_1031 = arith.constant 7008 : index
      %get3A_1032 = tpu.vector_load %arg10[%get3A_1031] {strides = array<i32>} : memref<7680xf32, #tpu.memory_space<vmem>>, vector<16xf32>,
      %add3A_1033 = arith.addf %add3A_1030, %get3A_1032 : vector<16xf32>
      %get3A_1034 = arith.constant 7488 : index
      %get3A_1035 = tpu.vector_load %arg10[%get3A_1034] {strides = array<i32>} : memref<7680xf32, #tpu.memory_space<vmem>>, vector<16xf32>,
      %add3A_1036 = arith.addf %add3A_1033, %get3A_1035 : vector<16xf32>
      %swap3A_1037 = arith.constant 288 : index
      %swap3A_1038 = tpu.vector_load %arg11[%swap3A_1037] {strides = array<i32>} : memref<480xf32, #tpu.memory_space<vmem>>, vector<16xf32>,
      tpu.vector_store %arg11[%swap3A_1037], %add3A_1036 {strides = array<i32>} : memref<480xf32, #tpu.memory_space<vmem>>, vector<16xf32>,
      %get3A_1039 = arith.constant 304 : index
      %get3A_1040 = tpu.vector_load %arg10[%get3A_1039] {strides = array<i32>} : memref<7680xf32, #tpu.memory_space<vmem>>, vector<16xf32>,
      %get3A_1041 = arith.constant 784 : index
      %get3A_1042 = tpu.vector_load %arg10[%get3A_1041] {strides = array<i32>} : memref<7680xf32, #tpu.memory_space<vmem>>, vector<16xf32>,
      %add3A_1043 = arith.addf %get3A_1040, %get3A_1042 : vector<16xf32>
      %get3A_1044 = arith.constant 1264 : index
      %get3A_1045 = tpu.vector_load %arg10[%get3A_1044] {strides = array<i32>} : memref<7680xf32, #tpu.memory_space<vmem>>, vector<16xf32>,
      %add3A_1046 = arith.addf %add3A_1043, %get3A_1045 : vector<16xf32>
      %get3A_1047 = arith.constant 1744 : index
      %get3A_1048 = tpu.vector_load %arg10[%get3A_1047] {strides = array<i32>} : memref<7680xf32, #tpu.memory_space<vmem>>, vector<16xf32>,
      %add3A_1049 = arith.addf %add3A_1046, %get3A_1048 : vector<16xf32>
      %get3A_1050 = arith.constant 2224 : index
      %get3A_1051 = tpu.vector_load %arg10[%get3A_1050] {strides = array<i32>} : memref<7680xf32, #tpu.memory_space<vmem>>, vector<16xf32>,
      %add3A_1052 = arith.addf %add3A_1049, %get3A_1051 : vector<16xf32>
      %get3A_1053 = arith.constant 2704 : index
      %get3A_1054 = tpu.vector_load %arg10[%get3A_1053] {strides = array<i32>} : memref<7680xf32, #tpu.memory_space<vmem>>, vector<16xf32>,
      %add3A_1055 = arith.addf %add3A_1052, %get3A_1054 : vector<16xf32>
      %get3A_1056 = arith.constant 3184 : index
      %get3A_1057 = tpu.vector_load %arg10[%get3A_1056] {strides = array<i32>} : memref<7680xf32, #tpu.memory_space<vmem>>, vector<16xf32>,
      %add3A_1058 = arith.addf %add3A_1055, %get3A_1057 : vector<16xf32>
      %get3A_1059 = arith.constant 3664 : index
      %get3A_1060 = tpu.vector_load %arg10[%get3A_1059] {strides = array<i32>} : memref<7680xf32, #tpu.memory_space<vmem>>, vector<16xf32>,
      %add3A_1061 = arith.addf %add3A_1058, %get3A_1060 : vector<16xf32>
      %get3A_1062 = arith.constant 4144 : index
      %get3A_1063 = tpu.vector_load %arg10[%get3A_1062] {strides = array<i32>} : memref<7680xf32, #tpu.memory_space<vmem>>, vector<16xf32>,
      %add3A_1064 = arith.addf %add3A_1061, %get3A_1063 : vector<16xf32>
      %get3A_1065 = arith.constant 4624 : index
      %get3A_1066 = tpu.vector_load %arg10[%get3A_1065] {strides = array<i32>} : memref<7680xf32, #tpu.memory_space<vmem>>, vector<16xf32>,
      %add3A_1067 = arith.addf %add3A_1064, %get3A_1066 : vector<16xf32>
      %get3A_1068 = arith.constant 5104 : index
      %get3A_1069 = tpu.vector_load %arg10[%get3A_1068] {strides = array<i32>} : memref<7680xf32, #tpu.memory_space<vmem>>, vector<16xf32>,
      %add3A_1070 = arith.addf %add3A_1067, %get3A_1069 : vector<16xf32>
      %get3A_1071 = arith.constant 5584 : index
      %get3A_1072 = tpu.vector_load %arg10[%get3A_1071] {strides = array<i32>} : memref<7680xf32, #tpu.memory_space<vmem>>, vector<16xf32>,
      %add3A_1073 = arith.addf %add3A_1070, %get3A_1072 : vector<16xf32>
      %get3A_1074 = arith.constant 6064 : index
      %get3A_1075 = tpu.vector_load %arg10[%get3A_1074] {strides = array<i32>} : memref<7680xf32, #tpu.memory_space<vmem>>, vector<16xf32>,
      %add3A_1076 = arith.addf %add3A_1073, %get3A_1075 : vector<16xf32>
      %get3A_1077 = arith.constant 6544 : index
      %get3A_1078 = tpu.vector_load %arg10[%get3A_1077] {strides = array<i32>} : memref<7680xf32, #tpu.memory_space<vmem>>, vector<16xf32>,
      %add3A_1079 = arith.addf %add3A_1076, %get3A_1078 : vector<16xf32>
      %get3A_1080 = arith.constant 7024 : index
      %get3A_1081 = tpu.vector_load %arg10[%get3A_1080] {strides = array<i32>} : memref<7680xf32, #tpu.memory_space<vmem>>, vector<16xf32>,
      %add3A_1082 = arith.addf %add3A_1079, %get3A_1081 : vector<16xf32>
      %get3A_1083 = arith.constant 7504 : index
      %get3A_1084 = tpu.vector_load %arg10[%get3A_1083] {strides = array<i32>} : memref<7680xf32, #tpu.memory_space<vmem>>, vector<16xf32>,
      %add3A_1085 = arith.addf %add3A_1082, %get3A_1084 : vector<16xf32>
      %swap3A_1086 = arith.constant 304 : index
      %swap3A_1087 = tpu.vector_load %arg11[%swap3A_1086] {strides = array<i32>} : memref<480xf32, #tpu.memory_space<vmem>>, vector<16xf32>,
      tpu.vector_store %arg11[%swap3A_1086], %add3A_1085 {strides = array<i32>} : memref<480xf32, #tpu.memory_space<vmem>>, vector<16xf32>,
      %get3A_1088 = arith.constant 320 : index
      %get3A_1089 = tpu.vector_load %arg10[%get3A_1088] {strides = array<i32>} : memref<7680xf32, #tpu.memory_space<vmem>>, vector<16xf32>,
      %get3A_1090 = arith.constant 800 : index
      %get3A_1091 = tpu.vector_load %arg10[%get3A_1090] {strides = array<i32>} : memref<7680xf32, #tpu.memory_space<vmem>>, vector<16xf32>,
      %add3A_1092 = arith.addf %get3A_1089, %get3A_1091 : vector<16xf32>
      %get3A_1093 = arith.constant 1280 : index
      %get3A_1094 = tpu.vector_load %arg10[%get3A_1093] {strides = array<i32>} : memref<7680xf32, #tpu.memory_space<vmem>>, vector<16xf32>,
      %add3A_1095 = arith.addf %add3A_1092, %get3A_1094 : vector<16xf32>
      %get3A_1096 = arith.constant 1760 : index
      %get3A_1097 = tpu.vector_load %arg10[%get3A_1096] {strides = array<i32>} : memref<7680xf32, #tpu.memory_space<vmem>>, vector<16xf32>,
      %add3A_1098 = arith.addf %add3A_1095, %get3A_1097 : vector<16xf32>
      %get3A_1099 = arith.constant 2240 : index
      %get3A_1100 = tpu.vector_load %arg10[%get3A_1099] {strides = array<i32>} : memref<7680xf32, #tpu.memory_space<vmem>>, vector<16xf32>,
      %add3A_1101 = arith.addf %add3A_1098, %get3A_1100 : vector<16xf32>
      %get3A_1102 = arith.constant 2720 : index
      %get3A_1103 = tpu.vector_load %arg10[%get3A_1102] {strides = array<i32>} : memref<7680xf32, #tpu.memory_space<vmem>>, vector<16xf32>,
      %add3A_1104 = arith.addf %add3A_1101, %get3A_1103 : vector<16xf32>
      %get3A_1105 = arith.constant 3200 : index
      %get3A_1106 = tpu.vector_load %arg10[%get3A_1105] {strides = array<i32>} : memref<7680xf32, #tpu.memory_space<vmem>>, vector<16xf32>,
      %add3A_1107 = arith.addf %add3A_1104, %get3A_1106 : vector<16xf32>
      %get3A_1108 = arith.constant 3680 : index
      %get3A_1109 = tpu.vector_load %arg10[%get3A_1108] {strides = array<i32>} : memref<7680xf32, #tpu.memory_space<vmem>>, vector<16xf32>,
      %add3A_1110 = arith.addf %add3A_1107, %get3A_1109 : vector<16xf32>
      %get3A_1111 = arith.constant 4160 : index
      %get3A_1112 = tpu.vector_load %arg10[%get3A_1111] {strides = array<i32>} : memref<7680xf32, #tpu.memory_space<vmem>>, vector<16xf32>,
      %add3A_1113 = arith.addf %add3A_1110, %get3A_1112 : vector<16xf32>
      %get3A_1114 = arith.constant 4640 : index
      %get3A_1115 = tpu.vector_load %arg10[%get3A_1114] {strides = array<i32>} : memref<7680xf32, #tpu.memory_space<vmem>>, vector<16xf32>,
      %add3A_1116 = arith.addf %add3A_1113, %get3A_1115 : vector<16xf32>
      %get3A_1117 = arith.constant 5120 : index
      %get3A_1118 = tpu.vector_load %arg10[%get3A_1117] {strides = array<i32>} : memref<7680xf32, #tpu.memory_space<vmem>>, vector<16xf32>,
      %add3A_1119 = arith.addf %add3A_1116, %get3A_1118 : vector<16xf32>
      %get3A_1120 = arith.constant 5600 : index
      %get3A_1121 = tpu.vector_load %arg10[%get3A_1120] {strides = array<i32>} : memref<7680xf32, #tpu.memory_space<vmem>>, vector<16xf32>,
      %add3A_1122 = arith.addf %add3A_1119, %get3A_1121 : vector<16xf32>
      %get3A_1123 = arith.constant 6080 : index
      %get3A_1124 = tpu.vector_load %arg10[%get3A_1123] {strides = array<i32>} : memref<7680xf32, #tpu.memory_space<vmem>>, vector<16xf32>,
      %add3A_1125 = arith.addf %add3A_1122, %get3A_1124 : vector<16xf32>
      %get3A_1126 = arith.constant 6560 : index
      %get3A_1127 = tpu.vector_load %arg10[%get3A_1126] {strides = array<i32>} : memref<7680xf32, #tpu.memory_space<vmem>>, vector<16xf32>,
      %add3A_1128 = arith.addf %add3A_1125, %get3A_1127 : vector<16xf32>
      %get3A_1129 = arith.constant 7040 : index
      %get3A_1130 = tpu.vector_load %arg10[%get3A_1129] {strides = array<i32>} : memref<7680xf32, #tpu.memory_space<vmem>>, vector<16xf32>,
      %add3A_1131 = arith.addf %add3A_1128, %get3A_1130 : vector<16xf32>
      %get3A_1132 = arith.constant 7520 : index
      %get3A_1133 = tpu.vector_load %arg10[%get3A_1132] {strides = array<i32>} : memref<7680xf32, #tpu.memory_space<vmem>>, vector<16xf32>,
      %add3A_1134 = arith.addf %add3A_1131, %get3A_1133 : vector<16xf32>
      %swap3A_1135 = arith.constant 320 : index
      %swap3A_1136 = tpu.vector_load %arg11[%swap3A_1135] {strides = array<i32>} : memref<480xf32, #tpu.memory_space<vmem>>, vector<16xf32>,
      tpu.vector_store %arg11[%swap3A_1135], %add3A_1134 {strides = array<i32>} : memref<480xf32, #tpu.memory_space<vmem>>, vector<16xf32>,
      %get3A_1137 = arith.constant 336 : index
      %get3A_1138 = tpu.vector_load %arg10[%get3A_1137] {strides = array<i32>} : memref<7680xf32, #tpu.memory_space<vmem>>, vector<16xf32>,
      %get3A_1139 = arith.constant 816 : index
      %get3A_1140 = tpu.vector_load %arg10[%get3A_1139] {strides = array<i32>} : memref<7680xf32, #tpu.memory_space<vmem>>, vector<16xf32>,
      %add3A_1141 = arith.addf %get3A_1138, %get3A_1140 : vector<16xf32>
      %get3A_1142 = arith.constant 1296 : index
      %get3A_1143 = tpu.vector_load %arg10[%get3A_1142] {strides = array<i32>} : memref<7680xf32, #tpu.memory_space<vmem>>, vector<16xf32>,
      %add3A_1144 = arith.addf %add3A_1141, %get3A_1143 : vector<16xf32>
      %get3A_1145 = arith.constant 1776 : index
      %get3A_1146 = tpu.vector_load %arg10[%get3A_1145] {strides = array<i32>} : memref<7680xf32, #tpu.memory_space<vmem>>, vector<16xf32>,
      %add3A_1147 = arith.addf %add3A_1144, %get3A_1146 : vector<16xf32>
      %get3A_1148 = arith.constant 2256 : index
      %get3A_1149 = tpu.vector_load %arg10[%get3A_1148] {strides = array<i32>} : memref<7680xf32, #tpu.memory_space<vmem>>, vector<16xf32>,
      %add3A_1150 = arith.addf %add3A_1147, %get3A_1149 : vector<16xf32>
      %get3A_1151 = arith.constant 2736 : index
      %get3A_1152 = tpu.vector_load %arg10[%get3A_1151] {strides = array<i32>} : memref<7680xf32, #tpu.memory_space<vmem>>, vector<16xf32>,
      %add3A_1153 = arith.addf %add3A_1150, %get3A_1152 : vector<16xf32>
      %get3A_1154 = arith.constant 3216 : index
      %get3A_1155 = tpu.vector_load %arg10[%get3A_1154] {strides = array<i32>} : memref<7680xf32, #tpu.memory_space<vmem>>, vector<16xf32>,
      %add3A_1156 = arith.addf %add3A_1153, %get3A_1155 : vector<16xf32>
      %get3A_1157 = arith.constant 3696 : index
      %get3A_1158 = tpu.vector_load %arg10[%get3A_1157] {strides = array<i32>} : memref<7680xf32, #tpu.memory_space<vmem>>, vector<16xf32>,
      %add3A_1159 = arith.addf %add3A_1156, %get3A_1158 : vector<16xf32>
      %get3A_1160 = arith.constant 4176 : index
      %get3A_1161 = tpu.vector_load %arg10[%get3A_1160] {strides = array<i32>} : memref<7680xf32, #tpu.memory_space<vmem>>, vector<16xf32>,
      %add3A_1162 = arith.addf %add3A_1159, %get3A_1161 : vector<16xf32>
      %get3A_1163 = arith.constant 4656 : index
      %get3A_1164 = tpu.vector_load %arg10[%get3A_1163] {strides = array<i32>} : memref<7680xf32, #tpu.memory_space<vmem>>, vector<16xf32>,
      %add3A_1165 = arith.addf %add3A_1162, %get3A_1164 : vector<16xf32>
      %get3A_1166 = arith.constant 5136 : index
      %get3A_1167 = tpu.vector_load %arg10[%get3A_1166] {strides = array<i32>} : memref<7680xf32, #tpu.memory_space<vmem>>, vector<16xf32>,
      %add3A_1168 = arith.addf %add3A_1165, %get3A_1167 : vector<16xf32>
      %get3A_1169 = arith.constant 5616 : index
      %get3A_1170 = tpu.vector_load %arg10[%get3A_1169] {strides = array<i32>} : memref<7680xf32, #tpu.memory_space<vmem>>, vector<16xf32>,
      %add3A_1171 = arith.addf %add3A_1168, %get3A_1170 : vector<16xf32>
      %get3A_1172 = arith.constant 6096 : index
      %get3A_1173 = tpu.vector_load %arg10[%get3A_1172] {strides = array<i32>} : memref<7680xf32, #tpu.memory_space<vmem>>, vector<16xf32>,
      %add3A_1174 = arith.addf %add3A_1171, %get3A_1173 : vector<16xf32>
      %get3A_1175 = arith.constant 6576 : index
      %get3A_1176 = tpu.vector_load %arg10[%get3A_1175] {strides = array<i32>} : memref<7680xf32, #tpu.memory_space<vmem>>, vector<16xf32>,
      %add3A_1177 = arith.addf %add3A_1174, %get3A_1176 : vector<16xf32>
      %get3A_1178 = arith.constant 7056 : index
      %get3A_1179 = tpu.vector_load %arg10[%get3A_1178] {strides = array<i32>} : memref<7680xf32, #tpu.memory_space<vmem>>, vector<16xf32>,
      %add3A_1180 = arith.addf %add3A_1177, %get3A_1179 : vector<16xf32>
      %get3A_1181 = arith.constant 7536 : index
      %get3A_1182 = tpu.vector_load %arg10[%get3A_1181] {strides = array<i32>} : memref<7680xf32, #tpu.memory_space<vmem>>, vector<16xf32>,
      %add3A_1183 = arith.addf %add3A_1180, %get3A_1182 : vector<16xf32>
      %swap3A_1184 = arith.constant 336 : index
      %swap3A_1185 = tpu.vector_load %arg11[%swap3A_1184] {strides = array<i32>} : memref<480xf32, #tpu.memory_space<vmem>>, vector<16xf32>,
      tpu.vector_store %arg11[%swap3A_1184], %add3A_1183 {strides = array<i32>} : memref<480xf32, #tpu.memory_space<vmem>>, vector<16xf32>,
      %get3A_1186 = arith.constant 352 : index
      %get3A_1187 = tpu.vector_load %arg10[%get3A_1186] {strides = array<i32>} : memref<7680xf32, #tpu.memory_space<vmem>>, vector<16xf32>,
      %get3A_1188 = arith.constant 832 : index
      %get3A_1189 = tpu.vector_load %arg10[%get3A_1188] {strides = array<i32>} : memref<7680xf32, #tpu.memory_space<vmem>>, vector<16xf32>,
      %add3A_1190 = arith.addf %get3A_1187, %get3A_1189 : vector<16xf32>
      %get3A_1191 = arith.constant 1312 : index
      %get3A_1192 = tpu.vector_load %arg10[%get3A_1191] {strides = array<i32>} : memref<7680xf32, #tpu.memory_space<vmem>>, vector<16xf32>,
      %add3A_1193 = arith.addf %add3A_1190, %get3A_1192 : vector<16xf32>
      %get3A_1194 = arith.constant 1792 : index
      %get3A_1195 = tpu.vector_load %arg10[%get3A_1194] {strides = array<i32>} : memref<7680xf32, #tpu.memory_space<vmem>>, vector<16xf32>,
      %add3A_1196 = arith.addf %add3A_1193, %get3A_1195 : vector<16xf32>
      %get3A_1197 = arith.constant 2272 : index
      %get3A_1198 = tpu.vector_load %arg10[%get3A_1197] {strides = array<i32>} : memref<7680xf32, #tpu.memory_space<vmem>>, vector<16xf32>,
      %add3A_1199 = arith.addf %add3A_1196, %get3A_1198 : vector<16xf32>
      %get3A_1200 = arith.constant 2752 : index
      %get3A_1201 = tpu.vector_load %arg10[%get3A_1200] {strides = array<i32>} : memref<7680xf32, #tpu.memory_space<vmem>>, vector<16xf32>,
      %add3A_1202 = arith.addf %add3A_1199, %get3A_1201 : vector<16xf32>
      %get3A_1203 = arith.constant 3232 : index
      %get3A_1204 = tpu.vector_load %arg10[%get3A_1203] {strides = array<i32>} : memref<7680xf32, #tpu.memory_space<vmem>>, vector<16xf32>,
      %add3A_1205 = arith.addf %add3A_1202, %get3A_1204 : vector<16xf32>
      %get3A_1206 = arith.constant 3712 : index
      %get3A_1207 = tpu.vector_load %arg10[%get3A_1206] {strides = array<i32>} : memref<7680xf32, #tpu.memory_space<vmem>>, vector<16xf32>,
      %add3A_1208 = arith.addf %add3A_1205, %get3A_1207 : vector<16xf32>
      %get3A_1209 = arith.constant 4192 : index
      %get3A_1210 = tpu.vector_load %arg10[%get3A_1209] {strides = array<i32>} : memref<7680xf32, #tpu.memory_space<vmem>>, vector<16xf32>,
      %add3A_1211 = arith.addf %add3A_1208, %get3A_1210 : vector<16xf32>
      %get3A_1212 = arith.constant 4672 : index
      %get3A_1213 = tpu.vector_load %arg10[%get3A_1212] {strides = array<i32>} : memref<7680xf32, #tpu.memory_space<vmem>>, vector<16xf32>,
      %add3A_1214 = arith.addf %add3A_1211, %get3A_1213 : vector<16xf32>
      %get3A_1215 = arith.constant 5152 : index
      %get3A_1216 = tpu.vector_load %arg10[%get3A_1215] {strides = array<i32>} : memref<7680xf32, #tpu.memory_space<vmem>>, vector<16xf32>,
      %add3A_1217 = arith.addf %add3A_1214, %get3A_1216 : vector<16xf32>
      %get3A_1218 = arith.constant 5632 : index
      %get3A_1219 = tpu.vector_load %arg10[%get3A_1218] {strides = array<i32>} : memref<7680xf32, #tpu.memory_space<vmem>>, vector<16xf32>,
      %add3A_1220 = arith.addf %add3A_1217, %get3A_1219 : vector<16xf32>
      %get3A_1221 = arith.constant 6112 : index
      %get3A_1222 = tpu.vector_load %arg10[%get3A_1221] {strides = array<i32>} : memref<7680xf32, #tpu.memory_space<vmem>>, vector<16xf32>,
      %add3A_1223 = arith.addf %add3A_1220, %get3A_1222 : vector<16xf32>
      %get3A_1224 = arith.constant 6592 : index
      %get3A_1225 = tpu.vector_load %arg10[%get3A_1224] {strides = array<i32>} : memref<7680xf32, #tpu.memory_space<vmem>>, vector<16xf32>,
      %add3A_1226 = arith.addf %add3A_1223, %get3A_1225 : vector<16xf32>
      %get3A_1227 = arith.constant 7072 : index
      %get3A_1228 = tpu.vector_load %arg10[%get3A_1227] {strides = array<i32>} : memref<7680xf32, #tpu.memory_space<vmem>>, vector<16xf32>,
      %add3A_1229 = arith.addf %add3A_1226, %get3A_1228 : vector<16xf32>
      %get3A_1230 = arith.constant 7552 : index
      %get3A_1231 = tpu.vector_load %arg10[%get3A_1230] {strides = array<i32>} : memref<7680xf32, #tpu.memory_space<vmem>>, vector<16xf32>,
      %add3A_1232 = arith.addf %add3A_1229, %get3A_1231 : vector<16xf32>
      %swap3A_1233 = arith.constant 352 : index
      %swap3A_1234 = tpu.vector_load %arg11[%swap3A_1233] {strides = array<i32>} : memref<480xf32, #tpu.memory_space<vmem>>, vector<16xf32>,
      tpu.vector_store %arg11[%swap3A_1233], %add3A_1232 {strides = array<i32>} : memref<480xf32, #tpu.memory_space<vmem>>, vector<16xf32>,
      %get3A_1235 = arith.constant 368 : index
      %get3A_1236 = tpu.vector_load %arg10[%get3A_1235] {strides = array<i32>} : memref<7680xf32, #tpu.memory_space<vmem>>, vector<16xf32>,
      %get3A_1237 = arith.constant 848 : index
      %get3A_1238 = tpu.vector_load %arg10[%get3A_1237] {strides = array<i32>} : memref<7680xf32, #tpu.memory_space<vmem>>, vector<16xf32>,
      %add3A_1239 = arith.addf %get3A_1236, %get3A_1238 : vector<16xf32>
      %get3A_1240 = arith.constant 1328 : index
      %get3A_1241 = tpu.vector_load %arg10[%get3A_1240] {strides = array<i32>} : memref<7680xf32, #tpu.memory_space<vmem>>, vector<16xf32>,
      %add3A_1242 = arith.addf %add3A_1239, %get3A_1241 : vector<16xf32>
      %get3A_1243 = arith.constant 1808 : index
      %get3A_1244 = tpu.vector_load %arg10[%get3A_1243] {strides = array<i32>} : memref<7680xf32, #tpu.memory_space<vmem>>, vector<16xf32>,
      %add3A_1245 = arith.addf %add3A_1242, %get3A_1244 : vector<16xf32>
      %get3A_1246 = arith.constant 2288 : index
      %get3A_1247 = tpu.vector_load %arg10[%get3A_1246] {strides = array<i32>} : memref<7680xf32, #tpu.memory_space<vmem>>, vector<16xf32>,
      %add3A_1248 = arith.addf %add3A_1245, %get3A_1247 : vector<16xf32>
      %get3A_1249 = arith.constant 2768 : index
      %get3A_1250 = tpu.vector_load %arg10[%get3A_1249] {strides = array<i32>} : memref<7680xf32, #tpu.memory_space<vmem>>, vector<16xf32>,
      %add3A_1251 = arith.addf %add3A_1248, %get3A_1250 : vector<16xf32>
      %get3A_1252 = arith.constant 3248 : index
      %get3A_1253 = tpu.vector_load %arg10[%get3A_1252] {strides = array<i32>} : memref<7680xf32, #tpu.memory_space<vmem>>, vector<16xf32>,
      %add3A_1254 = arith.addf %add3A_1251, %get3A_1253 : vector<16xf32>
      %get3A_1255 = arith.constant 3728 : index
      %get3A_1256 = tpu.vector_load %arg10[%get3A_1255] {strides = array<i32>} : memref<7680xf32, #tpu.memory_space<vmem>>, vector<16xf32>,
      %add3A_1257 = arith.addf %add3A_1254, %get3A_1256 : vector<16xf32>
      %get3A_1258 = arith.constant 4208 : index
      %get3A_1259 = tpu.vector_load %arg10[%get3A_1258] {strides = array<i32>} : memref<7680xf32, #tpu.memory_space<vmem>>, vector<16xf32>,
      %add3A_1260 = arith.addf %add3A_1257, %get3A_1259 : vector<16xf32>
      %get3A_1261 = arith.constant 4688 : index
      %get3A_1262 = tpu.vector_load %arg10[%get3A_1261] {strides = array<i32>} : memref<7680xf32, #tpu.memory_space<vmem>>, vector<16xf32>,
      %add3A_1263 = arith.addf %add3A_1260, %get3A_1262 : vector<16xf32>
      %get3A_1264 = arith.constant 5168 : index
      %get3A_1265 = tpu.vector_load %arg10[%get3A_1264] {strides = array<i32>} : memref<7680xf32, #tpu.memory_space<vmem>>, vector<16xf32>,
      %add3A_1266 = arith.addf %add3A_1263, %get3A_1265 : vector<16xf32>
      %get3A_1267 = arith.constant 5648 : index
      %get3A_1268 = tpu.vector_load %arg10[%get3A_1267] {strides = array<i32>} : memref<7680xf32, #tpu.memory_space<vmem>>, vector<16xf32>,
      %add3A_1269 = arith.addf %add3A_1266, %get3A_1268 : vector<16xf32>
      %get3A_1270 = arith.constant 6128 : index
      %get3A_1271 = tpu.vector_load %arg10[%get3A_1270] {strides = array<i32>} : memref<7680xf32, #tpu.memory_space<vmem>>, vector<16xf32>,
      %add3A_1272 = arith.addf %add3A_1269, %get3A_1271 : vector<16xf32>
      %get3A_1273 = arith.constant 6608 : index
      %get3A_1274 = tpu.vector_load %arg10[%get3A_1273] {strides = array<i32>} : memref<7680xf32, #tpu.memory_space<vmem>>, vector<16xf32>,
      %add3A_1275 = arith.addf %add3A_1272, %get3A_1274 : vector<16xf32>
      %get3A_1276 = arith.constant 7088 : index
      %get3A_1277 = tpu.vector_load %arg10[%get3A_1276] {strides = array<i32>} : memref<7680xf32, #tpu.memory_space<vmem>>, vector<16xf32>,
      %add3A_1278 = arith.addf %add3A_1275, %get3A_1277 : vector<16xf32>
      %get3A_1279 = arith.constant 7568 : index
      %get3A_1280 = tpu.vector_load %arg10[%get3A_1279] {strides = array<i32>} : memref<7680xf32, #tpu.memory_space<vmem>>, vector<16xf32>,
      %add3A_1281 = arith.addf %add3A_1278, %get3A_1280 : vector<16xf32>
      %swap3A_1282 = arith.constant 368 : index
      %swap3A_1283 = tpu.vector_load %arg11[%swap3A_1282] {strides = array<i32>} : memref<480xf32, #tpu.memory_space<vmem>>, vector<16xf32>,
      tpu.vector_store %arg11[%swap3A_1282], %add3A_1281 {strides = array<i32>} : memref<480xf32, #tpu.memory_space<vmem>>, vector<16xf32>,
      %get3A_1284 = arith.constant 384 : index
      %get3A_1285 = tpu.vector_load %arg10[%get3A_1284] {strides = array<i32>} : memref<7680xf32, #tpu.memory_space<vmem>>, vector<16xf32>,
      %get3A_1286 = arith.constant 864 : index
      %get3A_1287 = tpu.vector_load %arg10[%get3A_1286] {strides = array<i32>} : memref<7680xf32, #tpu.memory_space<vmem>>, vector<16xf32>,
      %add3A_1288 = arith.addf %get3A_1285, %get3A_1287 : vector<16xf32>
      %get3A_1289 = arith.constant 1344 : index
      %get3A_1290 = tpu.vector_load %arg10[%get3A_1289] {strides = array<i32>} : memref<7680xf32, #tpu.memory_space<vmem>>, vector<16xf32>,
      %add3A_1291 = arith.addf %add3A_1288, %get3A_1290 : vector<16xf32>
      %get3A_1292 = arith.constant 1824 : index
      %get3A_1293 = tpu.vector_load %arg10[%get3A_1292] {strides = array<i32>} : memref<7680xf32, #tpu.memory_space<vmem>>, vector<16xf32>,
      %add3A_1294 = arith.addf %add3A_1291, %get3A_1293 : vector<16xf32>
      %get3A_1295 = arith.constant 2304 : index
      %get3A_1296 = tpu.vector_load %arg10[%get3A_1295] {strides = array<i32>} : memref<7680xf32, #tpu.memory_space<vmem>>, vector<16xf32>,
      %add3A_1297 = arith.addf %add3A_1294, %get3A_1296 : vector<16xf32>
      %get3A_1298 = arith.constant 2784 : index
      %get3A_1299 = tpu.vector_load %arg10[%get3A_1298] {strides = array<i32>} : memref<7680xf32, #tpu.memory_space<vmem>>, vector<16xf32>,
      %add3A_1300 = arith.addf %add3A_1297, %get3A_1299 : vector<16xf32>
      %get3A_1301 = arith.constant 3264 : index
      %get3A_1302 = tpu.vector_load %arg10[%get3A_1301] {strides = array<i32>} : memref<7680xf32, #tpu.memory_space<vmem>>, vector<16xf32>,
      %add3A_1303 = arith.addf %add3A_1300, %get3A_1302 : vector<16xf32>
      %get3A_1304 = arith.constant 3744 : index
      %get3A_1305 = tpu.vector_load %arg10[%get3A_1304] {strides = array<i32>} : memref<7680xf32, #tpu.memory_space<vmem>>, vector<16xf32>,
      %add3A_1306 = arith.addf %add3A_1303, %get3A_1305 : vector<16xf32>
      %get3A_1307 = arith.constant 4224 : index
      %get3A_1308 = tpu.vector_load %arg10[%get3A_1307] {strides = array<i32>} : memref<7680xf32, #tpu.memory_space<vmem>>, vector<16xf32>,
      %add3A_1309 = arith.addf %add3A_1306, %get3A_1308 : vector<16xf32>
      %get3A_1310 = arith.constant 4704 : index
      %get3A_1311 = tpu.vector_load %arg10[%get3A_1310] {strides = array<i32>} : memref<7680xf32, #tpu.memory_space<vmem>>, vector<16xf32>,
      %add3A_1312 = arith.addf %add3A_1309, %get3A_1311 : vector<16xf32>
      %get3A_1313 = arith.constant 5184 : index
      %get3A_1314 = tpu.vector_load %arg10[%get3A_1313] {strides = array<i32>} : memref<7680xf32, #tpu.memory_space<vmem>>, vector<16xf32>,
      %add3A_1315 = arith.addf %add3A_1312, %get3A_1314 : vector<16xf32>
      %get3A_1316 = arith.constant 5664 : index
      %get3A_1317 = tpu.vector_load %arg10[%get3A_1316] {strides = array<i32>} : memref<7680xf32, #tpu.memory_space<vmem>>, vector<16xf32>,
      %add3A_1318 = arith.addf %add3A_1315, %get3A_1317 : vector<16xf32>
      %get3A_1319 = arith.constant 6144 : index
      %get3A_1320 = tpu.vector_load %arg10[%get3A_1319] {strides = array<i32>} : memref<7680xf32, #tpu.memory_space<vmem>>, vector<16xf32>,
      %add3A_1321 = arith.addf %add3A_1318, %get3A_1320 : vector<16xf32>
      %get3A_1322 = arith.constant 6624 : index
      %get3A_1323 = tpu.vector_load %arg10[%get3A_1322] {strides = array<i32>} : memref<7680xf32, #tpu.memory_space<vmem>>, vector<16xf32>,
      %add3A_1324 = arith.addf %add3A_1321, %get3A_1323 : vector<16xf32>
      %get3A_1325 = arith.constant 7104 : index
      %get3A_1326 = tpu.vector_load %arg10[%get3A_1325] {strides = array<i32>} : memref<7680xf32, #tpu.memory_space<vmem>>, vector<16xf32>,
      %add3A_1327 = arith.addf %add3A_1324, %get3A_1326 : vector<16xf32>
      %get3A_1328 = arith.constant 7584 : index
      %get3A_1329 = tpu.vector_load %arg10[%get3A_1328] {strides = array<i32>} : memref<7680xf32, #tpu.memory_space<vmem>>, vector<16xf32>,
      %add3A_1330 = arith.addf %add3A_1327, %get3A_1329 : vector<16xf32>
      %swap3A_1331 = arith.constant 384 : index
      %swap3A_1332 = tpu.vector_load %arg11[%swap3A_1331] {strides = array<i32>} : memref<480xf32, #tpu.memory_space<vmem>>, vector<16xf32>,
      tpu.vector_store %arg11[%swap3A_1331], %add3A_1330 {strides = array<i32>} : memref<480xf32, #tpu.memory_space<vmem>>, vector<16xf32>,
      %get3A_1333 = arith.constant 400 : index
      %get3A_1334 = tpu.vector_load %arg10[%get3A_1333] {strides = array<i32>} : memref<7680xf32, #tpu.memory_space<vmem>>, vector<16xf32>,
      %get3A_1335 = arith.constant 880 : index
      %get3A_1336 = tpu.vector_load %arg10[%get3A_1335] {strides = array<i32>} : memref<7680xf32, #tpu.memory_space<vmem>>, vector<16xf32>,
      %add3A_1337 = arith.addf %get3A_1334, %get3A_1336 : vector<16xf32>
      %get3A_1338 = arith.constant 1360 : index
      %get3A_1339 = tpu.vector_load %arg10[%get3A_1338] {strides = array<i32>} : memref<7680xf32, #tpu.memory_space<vmem>>, vector<16xf32>,
      %add3A_1340 = arith.addf %add3A_1337, %get3A_1339 : vector<16xf32>
      %get3A_1341 = arith.constant 1840 : index
      %get3A_1342 = tpu.vector_load %arg10[%get3A_1341] {strides = array<i32>} : memref<7680xf32, #tpu.memory_space<vmem>>, vector<16xf32>,
      %add3A_1343 = arith.addf %add3A_1340, %get3A_1342 : vector<16xf32>
      %get3A_1344 = arith.constant 2320 : index
      %get3A_1345 = tpu.vector_load %arg10[%get3A_1344] {strides = array<i32>} : memref<7680xf32, #tpu.memory_space<vmem>>, vector<16xf32>,
      %add3A_1346 = arith.addf %add3A_1343, %get3A_1345 : vector<16xf32>
      %get3A_1347 = arith.constant 2800 : index
      %get3A_1348 = tpu.vector_load %arg10[%get3A_1347] {strides = array<i32>} : memref<7680xf32, #tpu.memory_space<vmem>>, vector<16xf32>,
      %add3A_1349 = arith.addf %add3A_1346, %get3A_1348 : vector<16xf32>
      %get3A_1350 = arith.constant 3280 : index
      %get3A_1351 = tpu.vector_load %arg10[%get3A_1350] {strides = array<i32>} : memref<7680xf32, #tpu.memory_space<vmem>>, vector<16xf32>,
      %add3A_1352 = arith.addf %add3A_1349, %get3A_1351 : vector<16xf32>
      %get3A_1353 = arith.constant 3760 : index
      %get3A_1354 = tpu.vector_load %arg10[%get3A_1353] {strides = array<i32>} : memref<7680xf32, #tpu.memory_space<vmem>>, vector<16xf32>,
      %add3A_1355 = arith.addf %add3A_1352, %get3A_1354 : vector<16xf32>
      %get3A_1356 = arith.constant 4240 : index
      %get3A_1357 = tpu.vector_load %arg10[%get3A_1356] {strides = array<i32>} : memref<7680xf32, #tpu.memory_space<vmem>>, vector<16xf32>,
      %add3A_1358 = arith.addf %add3A_1355, %get3A_1357 : vector<16xf32>
      %get3A_1359 = arith.constant 4720 : index
      %get3A_1360 = tpu.vector_load %arg10[%get3A_1359] {strides = array<i32>} : memref<7680xf32, #tpu.memory_space<vmem>>, vector<16xf32>,
      %add3A_1361 = arith.addf %add3A_1358, %get3A_1360 : vector<16xf32>
      %get3A_1362 = arith.constant 5200 : index
      %get3A_1363 = tpu.vector_load %arg10[%get3A_1362] {strides = array<i32>} : memref<7680xf32, #tpu.memory_space<vmem>>, vector<16xf32>,
      %add3A_1364 = arith.addf %add3A_1361, %get3A_1363 : vector<16xf32>
      %get3A_1365 = arith.constant 5680 : index
      %get3A_1366 = tpu.vector_load %arg10[%get3A_1365] {strides = array<i32>} : memref<7680xf32, #tpu.memory_space<vmem>>, vector<16xf32>,
      %add3A_1367 = arith.addf %add3A_1364, %get3A_1366 : vector<16xf32>
      %get3A_1368 = arith.constant 6160 : index
      %get3A_1369 = tpu.vector_load %arg10[%get3A_1368] {strides = array<i32>} : memref<7680xf32, #tpu.memory_space<vmem>>, vector<16xf32>,
      %add3A_1370 = arith.addf %add3A_1367, %get3A_1369 : vector<16xf32>
      %get3A_1371 = arith.constant 6640 : index
      %get3A_1372 = tpu.vector_load %arg10[%get3A_1371] {strides = array<i32>} : memref<7680xf32, #tpu.memory_space<vmem>>, vector<16xf32>,
      %add3A_1373 = arith.addf %add3A_1370, %get3A_1372 : vector<16xf32>
      %get3A_1374 = arith.constant 7120 : index
      %get3A_1375 = tpu.vector_load %arg10[%get3A_1374] {strides = array<i32>} : memref<7680xf32, #tpu.memory_space<vmem>>, vector<16xf32>,
      %add3A_1376 = arith.addf %add3A_1373, %get3A_1375 : vector<16xf32>
      %get3A_1377 = arith.constant 7600 : index
      %get3A_1378 = tpu.vector_load %arg10[%get3A_1377] {strides = array<i32>} : memref<7680xf32, #tpu.memory_space<vmem>>, vector<16xf32>,
      %add3A_1379 = arith.addf %add3A_1376, %get3A_1378 : vector<16xf32>
      %swap3A_1380 = arith.constant 400 : index
      %swap3A_1381 = tpu.vector_load %arg11[%swap3A_1380] {strides = array<i32>} : memref<480xf32, #tpu.memory_space<vmem>>, vector<16xf32>,
      tpu.vector_store %arg11[%swap3A_1380], %add3A_1379 {strides = array<i32>} : memref<480xf32, #tpu.memory_space<vmem>>, vector<16xf32>,
      %get3A_1382 = arith.constant 416 : index
      %get3A_1383 = tpu.vector_load %arg10[%get3A_1382] {strides = array<i32>} : memref<7680xf32, #tpu.memory_space<vmem>>, vector<16xf32>,
      %get3A_1384 = arith.constant 896 : index
      %get3A_1385 = tpu.vector_load %arg10[%get3A_1384] {strides = array<i32>} : memref<7680xf32, #tpu.memory_space<vmem>>, vector<16xf32>,
      %add3A_1386 = arith.addf %get3A_1383, %get3A_1385 : vector<16xf32>
      %get3A_1387 = arith.constant 1376 : index
      %get3A_1388 = tpu.vector_load %arg10[%get3A_1387] {strides = array<i32>} : memref<7680xf32, #tpu.memory_space<vmem>>, vector<16xf32>,
      %add3A_1389 = arith.addf %add3A_1386, %get3A_1388 : vector<16xf32>
      %get3A_1390 = arith.constant 1856 : index
      %get3A_1391 = tpu.vector_load %arg10[%get3A_1390] {strides = array<i32>} : memref<7680xf32, #tpu.memory_space<vmem>>, vector<16xf32>,
      %add3A_1392 = arith.addf %add3A_1389, %get3A_1391 : vector<16xf32>
      %get3A_1393 = arith.constant 2336 : index
      %get3A_1394 = tpu.vector_load %arg10[%get3A_1393] {strides = array<i32>} : memref<7680xf32, #tpu.memory_space<vmem>>, vector<16xf32>,
      %add3A_1395 = arith.addf %add3A_1392, %get3A_1394 : vector<16xf32>
      %get3A_1396 = arith.constant 2816 : index
      %get3A_1397 = tpu.vector_load %arg10[%get3A_1396] {strides = array<i32>} : memref<7680xf32, #tpu.memory_space<vmem>>, vector<16xf32>,
      %add3A_1398 = arith.addf %add3A_1395, %get3A_1397 : vector<16xf32>
      %get3A_1399 = arith.constant 3296 : index
      %get3A_1400 = tpu.vector_load %arg10[%get3A_1399] {strides = array<i32>} : memref<7680xf32, #tpu.memory_space<vmem>>, vector<16xf32>,
      %add3A_1401 = arith.addf %add3A_1398, %get3A_1400 : vector<16xf32>
      %get3A_1402 = arith.constant 3776 : index
      %get3A_1403 = tpu.vector_load %arg10[%get3A_1402] {strides = array<i32>} : memref<7680xf32, #tpu.memory_space<vmem>>, vector<16xf32>,
      %add3A_1404 = arith.addf %add3A_1401, %get3A_1403 : vector<16xf32>
      %get3A_1405 = arith.constant 4256 : index
      %get3A_1406 = tpu.vector_load %arg10[%get3A_1405] {strides = array<i32>} : memref<7680xf32, #tpu.memory_space<vmem>>, vector<16xf32>,
      %add3A_1407 = arith.addf %add3A_1404, %get3A_1406 : vector<16xf32>
      %get3A_1408 = arith.constant 4736 : index
      %get3A_1409 = tpu.vector_load %arg10[%get3A_1408] {strides = array<i32>} : memref<7680xf32, #tpu.memory_space<vmem>>, vector<16xf32>,
      %add3A_1410 = arith.addf %add3A_1407, %get3A_1409 : vector<16xf32>
      %get3A_1411 = arith.constant 5216 : index
      %get3A_1412 = tpu.vector_load %arg10[%get3A_1411] {strides = array<i32>} : memref<7680xf32, #tpu.memory_space<vmem>>, vector<16xf32>,
      %add3A_1413 = arith.addf %add3A_1410, %get3A_1412 : vector<16xf32>
      %get3A_1414 = arith.constant 5696 : index
      %get3A_1415 = tpu.vector_load %arg10[%get3A_1414] {strides = array<i32>} : memref<7680xf32, #tpu.memory_space<vmem>>, vector<16xf32>,
      %add3A_1416 = arith.addf %add3A_1413, %get3A_1415 : vector<16xf32>
      %get3A_1417 = arith.constant 6176 : index
      %get3A_1418 = tpu.vector_load %arg10[%get3A_1417] {strides = array<i32>} : memref<7680xf32, #tpu.memory_space<vmem>>, vector<16xf32>,
      %add3A_1419 = arith.addf %add3A_1416, %get3A_1418 : vector<16xf32>
      %get3A_1420 = arith.constant 6656 : index
      %get3A_1421 = tpu.vector_load %arg10[%get3A_1420] {strides = array<i32>} : memref<7680xf32, #tpu.memory_space<vmem>>, vector<16xf32>,
      %add3A_1422 = arith.addf %add3A_1419, %get3A_1421 : vector<16xf32>
      %get3A_1423 = arith.constant 7136 : index
      %get3A_1424 = tpu.vector_load %arg10[%get3A_1423] {strides = array<i32>} : memref<7680xf32, #tpu.memory_space<vmem>>, vector<16xf32>,
      %add3A_1425 = arith.addf %add3A_1422, %get3A_1424 : vector<16xf32>
      %get3A_1426 = arith.constant 7616 : index
      %get3A_1427 = tpu.vector_load %arg10[%get3A_1426] {strides = array<i32>} : memref<7680xf32, #tpu.memory_space<vmem>>, vector<16xf32>,
      %add3A_1428 = arith.addf %add3A_1425, %get3A_1427 : vector<16xf32>
      %swap3A_1429 = arith.constant 416 : index
      %swap3A_1430 = tpu.vector_load %arg11[%swap3A_1429] {strides = array<i32>} : memref<480xf32, #tpu.memory_space<vmem>>, vector<16xf32>,
      tpu.vector_store %arg11[%swap3A_1429], %add3A_1428 {strides = array<i32>} : memref<480xf32, #tpu.memory_space<vmem>>, vector<16xf32>,
      %get3A_1431 = arith.constant 432 : index
      %get3A_1432 = tpu.vector_load %arg10[%get3A_1431] {strides = array<i32>} : memref<7680xf32, #tpu.memory_space<vmem>>, vector<16xf32>,
      %get3A_1433 = arith.constant 912 : index
      %get3A_1434 = tpu.vector_load %arg10[%get3A_1433] {strides = array<i32>} : memref<7680xf32, #tpu.memory_space<vmem>>, vector<16xf32>,
      %add3A_1435 = arith.addf %get3A_1432, %get3A_1434 : vector<16xf32>
      %get3A_1436 = arith.constant 1392 : index
      %get3A_1437 = tpu.vector_load %arg10[%get3A_1436] {strides = array<i32>} : memref<7680xf32, #tpu.memory_space<vmem>>, vector<16xf32>,
      %add3A_1438 = arith.addf %add3A_1435, %get3A_1437 : vector<16xf32>
      %get3A_1439 = arith.constant 1872 : index
      %get3A_1440 = tpu.vector_load %arg10[%get3A_1439] {strides = array<i32>} : memref<7680xf32, #tpu.memory_space<vmem>>, vector<16xf32>,
      %add3A_1441 = arith.addf %add3A_1438, %get3A_1440 : vector<16xf32>
      %get3A_1442 = arith.constant 2352 : index
      %get3A_1443 = tpu.vector_load %arg10[%get3A_1442] {strides = array<i32>} : memref<7680xf32, #tpu.memory_space<vmem>>, vector<16xf32>,
      %add3A_1444 = arith.addf %add3A_1441, %get3A_1443 : vector<16xf32>
      %get3A_1445 = arith.constant 2832 : index
      %get3A_1446 = tpu.vector_load %arg10[%get3A_1445] {strides = array<i32>} : memref<7680xf32, #tpu.memory_space<vmem>>, vector<16xf32>,
      %add3A_1447 = arith.addf %add3A_1444, %get3A_1446 : vector<16xf32>
      %get3A_1448 = arith.constant 3312 : index
      %get3A_1449 = tpu.vector_load %arg10[%get3A_1448] {strides = array<i32>} : memref<7680xf32, #tpu.memory_space<vmem>>, vector<16xf32>,
      %add3A_1450 = arith.addf %add3A_1447, %get3A_1449 : vector<16xf32>
      %get3A_1451 = arith.constant 3792 : index
      %get3A_1452 = tpu.vector_load %arg10[%get3A_1451] {strides = array<i32>} : memref<7680xf32, #tpu.memory_space<vmem>>, vector<16xf32>,
      %add3A_1453 = arith.addf %add3A_1450, %get3A_1452 : vector<16xf32>
      %get3A_1454 = arith.constant 4272 : index
      %get3A_1455 = tpu.vector_load %arg10[%get3A_1454] {strides = array<i32>} : memref<7680xf32, #tpu.memory_space<vmem>>, vector<16xf32>,
      %add3A_1456 = arith.addf %add3A_1453, %get3A_1455 : vector<16xf32>
      %get3A_1457 = arith.constant 4752 : index
      %get3A_1458 = tpu.vector_load %arg10[%get3A_1457] {strides = array<i32>} : memref<7680xf32, #tpu.memory_space<vmem>>, vector<16xf32>,
      %add3A_1459 = arith.addf %add3A_1456, %get3A_1458 : vector<16xf32>
      %get3A_1460 = arith.constant 5232 : index
      %get3A_1461 = tpu.vector_load %arg10[%get3A_1460] {strides = array<i32>} : memref<7680xf32, #tpu.memory_space<vmem>>, vector<16xf32>,
      %add3A_1462 = arith.addf %add3A_1459, %get3A_1461 : vector<16xf32>
      %get3A_1463 = arith.constant 5712 : index
      %get3A_1464 = tpu.vector_load %arg10[%get3A_1463] {strides = array<i32>} : memref<7680xf32, #tpu.memory_space<vmem>>, vector<16xf32>,
      %add3A_1465 = arith.addf %add3A_1462, %get3A_1464 : vector<16xf32>
      %get3A_1466 = arith.constant 6192 : index
      %get3A_1467 = tpu.vector_load %arg10[%get3A_1466] {strides = array<i32>} : memref<7680xf32, #tpu.memory_space<vmem>>, vector<16xf32>,
      %add3A_1468 = arith.addf %add3A_1465, %get3A_1467 : vector<16xf32>
      %get3A_1469 = arith.constant 6672 : index
      %get3A_1470 = tpu.vector_load %arg10[%get3A_1469] {strides = array<i32>} : memref<7680xf32, #tpu.memory_space<vmem>>, vector<16xf32>,
      %add3A_1471 = arith.addf %add3A_1468, %get3A_1470 : vector<16xf32>
      %get3A_1472 = arith.constant 7152 : index
      %get3A_1473 = tpu.vector_load %arg10[%get3A_1472] {strides = array<i32>} : memref<7680xf32, #tpu.memory_space<vmem>>, vector<16xf32>,
      %add3A_1474 = arith.addf %add3A_1471, %get3A_1473 : vector<16xf32>
      %get3A_1475 = arith.constant 7632 : index
      %get3A_1476 = tpu.vector_load %arg10[%get3A_1475] {strides = array<i32>} : memref<7680xf32, #tpu.memory_space<vmem>>, vector<16xf32>,
      %add3A_1477 = arith.addf %add3A_1474, %get3A_1476 : vector<16xf32>
      %swap3A_1478 = arith.constant 432 : index
      %swap3A_1479 = tpu.vector_load %arg11[%swap3A_1478] {strides = array<i32>} : memref<480xf32, #tpu.memory_space<vmem>>, vector<16xf32>,
      tpu.vector_store %arg11[%swap3A_1478], %add3A_1477 {strides = array<i32>} : memref<480xf32, #tpu.memory_space<vmem>>, vector<16xf32>,
      %get3A_1480 = arith.constant 448 : index
      %get3A_1481 = tpu.vector_load %arg10[%get3A_1480] {strides = array<i32>} : memref<7680xf32, #tpu.memory_space<vmem>>, vector<16xf32>,
      %get3A_1482 = arith.constant 928 : index
      %get3A_1483 = tpu.vector_load %arg10[%get3A_1482] {strides = array<i32>} : memref<7680xf32, #tpu.memory_space<vmem>>, vector<16xf32>,
      %add3A_1484 = arith.addf %get3A_1481, %get3A_1483 : vector<16xf32>
      %get3A_1485 = arith.constant 1408 : index
      %get3A_1486 = tpu.vector_load %arg10[%get3A_1485] {strides = array<i32>} : memref<7680xf32, #tpu.memory_space<vmem>>, vector<16xf32>,
      %add3A_1487 = arith.addf %add3A_1484, %get3A_1486 : vector<16xf32>
      %get3A_1488 = arith.constant 1888 : index
      %get3A_1489 = tpu.vector_load %arg10[%get3A_1488] {strides = array<i32>} : memref<7680xf32, #tpu.memory_space<vmem>>, vector<16xf32>,
      %add3A_1490 = arith.addf %add3A_1487, %get3A_1489 : vector<16xf32>
      %get3A_1491 = arith.constant 2368 : index
      %get3A_1492 = tpu.vector_load %arg10[%get3A_1491] {strides = array<i32>} : memref<7680xf32, #tpu.memory_space<vmem>>, vector<16xf32>,
      %add3A_1493 = arith.addf %add3A_1490, %get3A_1492 : vector<16xf32>
      %get3A_1494 = arith.constant 2848 : index
      %get3A_1495 = tpu.vector_load %arg10[%get3A_1494] {strides = array<i32>} : memref<7680xf32, #tpu.memory_space<vmem>>, vector<16xf32>,
      %add3A_1496 = arith.addf %add3A_1493, %get3A_1495 : vector<16xf32>
      %get3A_1497 = arith.constant 3328 : index
      %get3A_1498 = tpu.vector_load %arg10[%get3A_1497] {strides = array<i32>} : memref<7680xf32, #tpu.memory_space<vmem>>, vector<16xf32>,
      %add3A_1499 = arith.addf %add3A_1496, %get3A_1498 : vector<16xf32>
      %get3A_1500 = arith.constant 3808 : index
      %get3A_1501 = tpu.vector_load %arg10[%get3A_1500] {strides = array<i32>} : memref<7680xf32, #tpu.memory_space<vmem>>, vector<16xf32>,
      %add3A_1502 = arith.addf %add3A_1499, %get3A_1501 : vector<16xf32>
      %get3A_1503 = arith.constant 4288 : index
      %get3A_1504 = tpu.vector_load %arg10[%get3A_1503] {strides = array<i32>} : memref<7680xf32, #tpu.memory_space<vmem>>, vector<16xf32>,
      %add3A_1505 = arith.addf %add3A_1502, %get3A_1504 : vector<16xf32>
      %get3A_1506 = arith.constant 4768 : index
      %get3A_1507 = tpu.vector_load %arg10[%get3A_1506] {strides = array<i32>} : memref<7680xf32, #tpu.memory_space<vmem>>, vector<16xf32>,
      %add3A_1508 = arith.addf %add3A_1505, %get3A_1507 : vector<16xf32>
      %get3A_1509 = arith.constant 5248 : index
      %get3A_1510 = tpu.vector_load %arg10[%get3A_1509] {strides = array<i32>} : memref<7680xf32, #tpu.memory_space<vmem>>, vector<16xf32>,
      %add3A_1511 = arith.addf %add3A_1508, %get3A_1510 : vector<16xf32>
      %get3A_1512 = arith.constant 5728 : index
      %get3A_1513 = tpu.vector_load %arg10[%get3A_1512] {strides = array<i32>} : memref<7680xf32, #tpu.memory_space<vmem>>, vector<16xf32>,
      %add3A_1514 = arith.addf %add3A_1511, %get3A_1513 : vector<16xf32>
      %get3A_1515 = arith.constant 6208 : index
      %get3A_1516 = tpu.vector_load %arg10[%get3A_1515] {strides = array<i32>} : memref<7680xf32, #tpu.memory_space<vmem>>, vector<16xf32>,
      %add3A_1517 = arith.addf %add3A_1514, %get3A_1516 : vector<16xf32>
      %get3A_1518 = arith.constant 6688 : index
      %get3A_1519 = tpu.vector_load %arg10[%get3A_1518] {strides = array<i32>} : memref<7680xf32, #tpu.memory_space<vmem>>, vector<16xf32>,
      %add3A_1520 = arith.addf %add3A_1517, %get3A_1519 : vector<16xf32>
      %get3A_1521 = arith.constant 7168 : index
      %get3A_1522 = tpu.vector_load %arg10[%get3A_1521] {strides = array<i32>} : memref<7680xf32, #tpu.memory_space<vmem>>, vector<16xf32>,
      %add3A_1523 = arith.addf %add3A_1520, %get3A_1522 : vector<16xf32>
      %get3A_1524 = arith.constant 7648 : index
      %get3A_1525 = tpu.vector_load %arg10[%get3A_1524] {strides = array<i32>} : memref<7680xf32, #tpu.memory_space<vmem>>, vector<16xf32>,
      %add3A_1526 = arith.addf %add3A_1523, %get3A_1525 : vector<16xf32>
      %swap3A_1527 = arith.constant 448 : index
      %swap3A_1528 = tpu.vector_load %arg11[%swap3A_1527] {strides = array<i32>} : memref<480xf32, #tpu.memory_space<vmem>>, vector<16xf32>,
      tpu.vector_store %arg11[%swap3A_1527], %add3A_1526 {strides = array<i32>} : memref<480xf32, #tpu.memory_space<vmem>>, vector<16xf32>,
      %get3A_1529 = arith.constant 464 : index
      %get3A_1530 = tpu.vector_load %arg10[%get3A_1529] {strides = array<i32>} : memref<7680xf32, #tpu.memory_space<vmem>>, vector<16xf32>,
      %get3A_1531 = arith.constant 944 : index
      %get3A_1532 = tpu.vector_load %arg10[%get3A_1531] {strides = array<i32>} : memref<7680xf32, #tpu.memory_space<vmem>>, vector<16xf32>,
      %add3A_1533 = arith.addf %get3A_1530, %get3A_1532 : vector<16xf32>
      %get3A_1534 = arith.constant 1424 : index
      %get3A_1535 = tpu.vector_load %arg10[%get3A_1534] {strides = array<i32>} : memref<7680xf32, #tpu.memory_space<vmem>>, vector<16xf32>,
      %add3A_1536 = arith.addf %add3A_1533, %get3A_1535 : vector<16xf32>
      %get3A_1537 = arith.constant 1904 : index
      %get3A_1538 = tpu.vector_load %arg10[%get3A_1537] {strides = array<i32>} : memref<7680xf32, #tpu.memory_space<vmem>>, vector<16xf32>,
      %add3A_1539 = arith.addf %add3A_1536, %get3A_1538 : vector<16xf32>
      %get3A_1540 = arith.constant 2384 : index
      %get3A_1541 = tpu.vector_load %arg10[%get3A_1540] {strides = array<i32>} : memref<7680xf32, #tpu.memory_space<vmem>>, vector<16xf32>,
      %add3A_1542 = arith.addf %add3A_1539, %get3A_1541 : vector<16xf32>
      %get3A_1543 = arith.constant 2864 : index
      %get3A_1544 = tpu.vector_load %arg10[%get3A_1543] {strides = array<i32>} : memref<7680xf32, #tpu.memory_space<vmem>>, vector<16xf32>,
      %add3A_1545 = arith.addf %add3A_1542, %get3A_1544 : vector<16xf32>
      %get3A_1546 = arith.constant 3344 : index
      %get3A_1547 = tpu.vector_load %arg10[%get3A_1546] {strides = array<i32>} : memref<7680xf32, #tpu.memory_space<vmem>>, vector<16xf32>,
      %add3A_1548 = arith.addf %add3A_1545, %get3A_1547 : vector<16xf32>
      %get3A_1549 = arith.constant 3824 : index
      %get3A_1550 = tpu.vector_load %arg10[%get3A_1549] {strides = array<i32>} : memref<7680xf32, #tpu.memory_space<vmem>>, vector<16xf32>,
      %add3A_1551 = arith.addf %add3A_1548, %get3A_1550 : vector<16xf32>
      %get3A_1552 = arith.constant 4304 : index
      %get3A_1553 = tpu.vector_load %arg10[%get3A_1552] {strides = array<i32>} : memref<7680xf32, #tpu.memory_space<vmem>>, vector<16xf32>,
      %add3A_1554 = arith.addf %add3A_1551, %get3A_1553 : vector<16xf32>
      %get3A_1555 = arith.constant 4784 : index
      %get3A_1556 = tpu.vector_load %arg10[%get3A_1555] {strides = array<i32>} : memref<7680xf32, #tpu.memory_space<vmem>>, vector<16xf32>,
      %add3A_1557 = arith.addf %add3A_1554, %get3A_1556 : vector<16xf32>
      %get3A_1558 = arith.constant 5264 : index
      %get3A_1559 = tpu.vector_load %arg10[%get3A_1558] {strides = array<i32>} : memref<7680xf32, #tpu.memory_space<vmem>>, vector<16xf32>,
      %add3A_1560 = arith.addf %add3A_1557, %get3A_1559 : vector<16xf32>
      %get3A_1561 = arith.constant 5744 : index
      %get3A_1562 = tpu.vector_load %arg10[%get3A_1561] {strides = array<i32>} : memref<7680xf32, #tpu.memory_space<vmem>>, vector<16xf32>,
      %add3A_1563 = arith.addf %add3A_1560, %get3A_1562 : vector<16xf32>
      %get3A_1564 = arith.constant 6224 : index
      %get3A_1565 = tpu.vector_load %arg10[%get3A_1564] {strides = array<i32>} : memref<7680xf32, #tpu.memory_space<vmem>>, vector<16xf32>,
      %add3A_1566 = arith.addf %add3A_1563, %get3A_1565 : vector<16xf32>
      %get3A_1567 = arith.constant 6704 : index
      %get3A_1568 = tpu.vector_load %arg10[%get3A_1567] {strides = array<i32>} : memref<7680xf32, #tpu.memory_space<vmem>>, vector<16xf32>,
      %add3A_1569 = arith.addf %add3A_1566, %get3A_1568 : vector<16xf32>
      %get3A_1570 = arith.constant 7184 : index
      %get3A_1571 = tpu.vector_load %arg10[%get3A_1570] {strides = array<i32>} : memref<7680xf32, #tpu.memory_space<vmem>>, vector<16xf32>,
      %add3A_1572 = arith.addf %add3A_1569, %get3A_1571 : vector<16xf32>
      %get3A_1573 = arith.constant 7664 : index
      %get3A_1574 = tpu.vector_load %arg10[%get3A_1573] {strides = array<i32>} : memref<7680xf32, #tpu.memory_space<vmem>>, vector<16xf32>,
      %add3A_1575 = arith.addf %add3A_1572, %get3A_1574 : vector<16xf32>
      %swap3A_1576 = arith.constant 464 : index
      %swap3A_1577 = tpu.vector_load %arg11[%swap3A_1576] {strides = array<i32>} : memref<480xf32, #tpu.memory_space<vmem>>, vector<16xf32>,
      tpu.vector_store %arg11[%swap3A_1576], %add3A_1575 {strides = array<i32>} : memref<480xf32, #tpu.memory_space<vmem>>, vector<16xf32>,
      "tpu.region"() ({
        %run_scoped3A = tpu.sem_alloc : memref<!tpu.dma_semaphore, #tpu.memory_space<semaphore_mem>>
        %dma_start3A_1578 = arith.constant 0 : i32
        %dma_start3A_1579 = tpu.memref_slice %arg4[%arg0, %dma_start3A_1578] : memref<2x480xf32, #tpu.memory_space<hbm>> -> memref<1x480xf32, #tpu.memory_space<hbm>>
        %dma_start3A_1580 = tpu.memref_squeeze %dma_start3A_1579 : memref<1x480xf32, #tpu.memory_space<hbm>> -> memref<480xf32, #tpu.memory_space<hbm>>
        %dma_start3A_1581 = arith.constant 0 : i32
        %dma_start3A_1582 = tpu.memref_slice %arg4[%arg0, %dma_start3A_1581] : memref<2x480xf32, #tpu.memory_space<hbm>> -> memref<1x480xf32, #tpu.memory_space<hbm>>
        %dma_start3A_1583 = tpu.memref_squeeze %dma_start3A_1582 : memref<1x480xf32, #tpu.memory_space<hbm>> -> memref<480xf32, #tpu.memory_space<hbm>>
        tpu.enqueue_dma source(%arg11 : memref<480xf32, #tpu.memory_space<vmem>>) target(%dma_start3A_1583 : memref<480xf32, #tpu.memory_space<hbm>>) target_semaphore(%run_scoped3A : memref<!tpu.dma_semaphore, #tpu.memory_space<semaphore_mem>>)
        %dma_wait3A = arith.constant 0 : i32
        %dma_wait3A_1584 = tpu.memref_slice %arg4[%arg0, %dma_wait3A] : memref<2x480xf32, #tpu.memory_space<hbm>> -> memref<1x480xf32, #tpu.memory_space<hbm>>
        %dma_wait3A_1585 = tpu.memref_squeeze %dma_wait3A_1584 : memref<1x480xf32, #tpu.memory_space<hbm>> -> memref<480xf32, #tpu.memory_space<hbm>>
        %dma_wait3A_1586 = arith.constant 0 : i32
        %dma_wait3A_1587 = tpu.memref_slice %arg4[%arg0, %dma_wait3A_1586] : memref<2x480xf32, #tpu.memory_space<hbm>> -> memref<1x480xf32, #tpu.memory_space<hbm>>
        %dma_wait3A_1588 = tpu.memref_squeeze %dma_wait3A_1587 : memref<1x480xf32, #tpu.memory_space<hbm>> -> memref<480xf32, #tpu.memory_space<hbm>>
        tpu.wait_dma2 semaphore(%run_scoped3A : memref<!tpu.dma_semaphore, #tpu.memory_space<semaphore_mem>>) src(%arg11 : memref<480xf32, #tpu.memory_space<vmem>>) dst(%dma_wait3A_1588 : memref<480xf32, #tpu.memory_space<hbm>>)
        tpu.yield
      }) : () -> ()
    } else {
    }
    return
  }
}

</mosaic_0001>

<sc_bundles>
// kernel: kernel.3.cloned.1.call-start
scs
__scs_entry_jumppad:
0x0: {  	(pc) =	sbr.rel $0x88, $3  }
0x1: {  	(tag) =	ssettag $0x0;
	lr =	simm.s32 $0x1  }
0x2: {  	[smem:$0x3F9F] =	sst lr;
	_ =	strace $0xD0000000  }
0x3: {  	_ = 	snop  }
0x4: {  	_ = 	snop  }
0x5: {  	_ = 	snop  }
0x6: {  	_ = 	snop  }
0x7: {  	_ = 	snop  }
__scs_overlays_trampoline_lowered:
0x8: {  	[smem:$0x3FAE] =	sst s0  }
0x9: {  	[smem:$0x3FAF] =	sst s1  }
0xa: {  	[smem:$0x3FB0] =	sst s2  }
0xb: {  	[smem:$0x3FB1] =	sst s3  }
0xc: {  	[smem:$0x3FB2] =	sst s4  }
0xd: {  	[smem:$0x3FB3] =	sst s5  }
0xe: {  	[smem:$0x3FB4] =	sst s6  }
0xf: {  	[smem:$0x3FB5] =	sst s7  }
0x10: {  	[smem:$0x3FB6] =	sst s8  }
0x11: {  	[smem:$0x3FB7] =	sst s9;
	s0 =	simm.s32 @!p0 $0x0  }
0x12: {  	s1 =	sld [smem:$0x3F9D];
	s0 =	simm.s32 @p0 $0x1  }
0x13: {  	[smem:$0x3FB8] =	sst s0;
	s0 =	simm.s32 @!p1 $0x0  }
0x14: {  	s2 =	sld [smem:$0x3F9C];
	s0 =	simm.s32 @p1 $0x1  }
0x15: {  	[smem:$0x3FB9] =	sst s0;
	s0 =	simm.s32 @!p2 $0x0  }
0x16: {  	s3 =	sld [smem:$0x3FDB];
	s0 =	simm.s32 @p2 $0x1  }
0x17: {  	s4 =	simm.s32 $0x1BF5;
	[smem:$0x3FBB] =	sst s0  }
0x18: {  	s0 =	sld [smem:$0x3F9E];
	_ =	swait.ge [sflag:s4], $0x0  }
0x19: {  	s7 =	sld [smem:$0x3F9F]  }
0x1a: {  	s8 =	sadd.s32 $0xFFFFE003, lr  }
0x1b: {  	s9 =	sadd.s32 $0xFFFFFEF7, lr;
	s5 =	simm.s32 $0xFFFFFFFF;
	p2 =	slt.u32 s8, $0xFFFFF086  }
0x1c: {  	p1 =	slt.u32 s9, $0xF7A;
	s5 =	simm.s32 @!p2 $0x0  }
0x1d: {  	s5 =	simm.s32 @p1 $0x1;
	p0 =	seq.s32 s7, s2  }
0x1e: {  	s7 =	smul.u32 @!p0 $0xF7A, s2;
	p2 =	seq.s32 @!p0 s5, $0x0  }
0x1f: {  	s9 =	smul.u32 $0xF7A, s1;
	s8 =	simm.s32 @!p0 $0x1BF5;
	p2 =	por !p2, p0  }
0x20: {  	[sflag:s8] =	ssyncset.s32 @!p0 $0xFFFFF086;
	s6 =	sadd.s32 @!p0 s3, s7;
	s7 =	simm.s32 @!p0 $0x108  }
0x21: {  	s3 =	sadd.s32 s3, s9;
	s6 =	sadd.s32 @!p0 $0x88, s6;
	s7 =	simm.s32 @p2 $0x1082  }
0x22: {  	[simem:s7], [sflag:s8] =	dma.local @!p0 [hbm:s6], $0xF7A  }
0x23: {  	s9 =	sor.u32 $0xD0000000, s2;
	s6 =	simm.s32 $0x108;
	_ =	swait.ge @!p0 [sflag:s8], $0x0  }
0x24: {  	s3 =	sadd.s32 $0x88, s3;
	s6 =	simm.s32 @!p1 $0x1082;
	[sflag:s4] =	ssyncset.s32 $0xFFFFF086  }
0x25: {  	[simem:s6], [sflag:s4] =	dma.local [hbm:s3], $0xF7A  }
0x26: {  	[smem:$0x3F9F] =	sst s1;
	(tag) =	ssettag s2;
	_ =	strace s9  }
0x27: {  	s1 =	sld [smem:$0x3FAF]  }
0x28: {  	s2 =	sld [smem:$0x3FB0]  }
0x29: {  	s4 =	sld [smem:$0x3FB2]  }
0x2a: {  	p0 =	seq.s32 s5, $0x0;
	s5 =	sld [smem:$0x3FB3]  }
0x2b: {  	s6 =	sld [smem:$0x3FB4]  }
0x2c: {  	s7 =	sld [smem:$0x3FB5]  }
0x2d: {  	s3 =	simm.s32 $0x108;
	s8 =	sld [smem:$0x3FB6]  }
0x2e: {  	s3 =	simm.s32 @!p0 $0x1082;
	s9 =	sld [smem:$0x3FB7]  }
0x2f: {  	lr =	sadd.s32 s0, s3;
	s0 =	sld [smem:$0x3FAE]  }
0x30: {  	s3 =	sld [smem:$0x3FB1]  }
0x31: {  	[smem:$0x3FBA] =	sst s10  }
0x32: {  	s10 =	sld [smem:$0x3FB8];
	_ =	sdelay $0x3  }
0x33: {  	p0 =	seq.s32 s10, $0x1;
	s10 =	sld [smem:$0x3FBA];
	_ =	sdelay $0x3  }
0x34: {  	[smem:$0x3FBA] =	sst s10  }
0x35: {  	s10 =	sld [smem:$0x3FB9];
	_ =	sdelay $0x3  }
0x36: {  	p1 =	seq.s32 s10, $0x1;
	s10 =	sld [smem:$0x3FBA];
	_ =	sdelay $0x3  }
0x37: {  	[smem:$0x3FBA] =	sst s10  }
0x38: {  	s10 =	sld [smem:$0x3FBB]  }
0x39: {  	_ = 	snop;
	(pc) =	sbr.ind lr, $3  }
0x3a: {  	_ = 	snop  }
0x3b: {  	_ = 	snop  }
0x3c: {  	p2 =	seq.s32 s10, $0x1;
	s10 =	sld [smem:$0x3FBA]  }
0x3d: {  	_ =	shalt  }
0x3e: {  	_ =	shalt  }
0x3f: {  	_ =	shalt  }
0x40: {  	_ =	shalt  }
0x41: {  	_ =	shalt  }
0x42: {  	_ =	shalt  }
0x43: {  	_ =	shalt  }
0x44: {  	_ =	shalt  }
0x45: {  	_ =	shalt  }
0x46: {  	_ =	shalt  }
0x47: {  	_ =	shalt  }
0x48: {  	_ =	shalt  }
0x49: {  	_ =	shalt  }
0x4a: {  	_ =	shalt  }
0x4b: {  	_ =	shalt  }
0x4c: {  	_ =	shalt  }
0x4d: {  	_ =	shalt  }
0x4e: {  	_ =	shalt  }
0x4f: {  	_ =	shalt  }
0x50: {  	_ =	shalt  }
0x51: {  	_ =	shalt  }
0x52: {  	_ =	shalt  }
0x53: {  	_ =	shalt  }
0x54: {  	_ =	shalt  }
0x55: {  	_ =	shalt  }
0x56: {  	_ =	shalt  }
0x57: {  	_ =	shalt  }
0x58: {  	_ =	shalt  }
0x59: {  	_ =	shalt  }
0x5a: {  	_ =	shalt  }
0x5b: {  	_ =	shalt  }
0x5c: {  	_ =	shalt  }
0x5d: {  	_ =	shalt  }
0x5e: {  	_ =	shalt  }
0x5f: {  	_ =	shalt  }
0x60: {  	_ =	shalt  }
0x61: {  	_ =	shalt  }
0x62: {  	_ =	shalt  }
0x63: {  	_ =	shalt  }
0x64: {  	_ =	shalt  }
0x65: {  	_ =	shalt  }
0x66: {  	_ =	shalt  }
0x67: {  	_ =	shalt  }
0x68: {  	_ =	shalt  }
0x69: {  	_ =	shalt  }
0x6a: {  	_ =	shalt  }
0x6b: {  	_ =	shalt  }
0x6c: {  	_ =	shalt  }
0x6d: {  	_ =	shalt  }
0x6e: {  	_ =	shalt  }
0x6f: {  	_ =	shalt  }
0x70: {  	_ =	shalt  }
0x71: {  	_ =	shalt  }
0x72: {  	_ =	shalt  }
0x73: {  	_ =	shalt  }
0x74: {  	_ =	shalt  }
0x75: {  	_ =	shalt  }
0x76: {  	_ =	shalt  }
0x77: {  	_ =	shalt  }
0x78: {  	_ =	shalt  }
0x79: {  	_ =	shalt  }
0x7a: {  	_ =	shalt  }
0x7b: {  	_ =	shalt  }
0x7c: {  	_ =	shalt  }
0x7d: {  	_ =	shalt  }
0x7e: {  	_ =	shalt  }
0x7f: {  	_ =	shalt  }
0x80: {  	_ =	shalt  }
0x81: {  	_ =	shalt  }
0x82: {  	_ =	shalt  }
0x83: {  	_ =	shalt  }
0x84: {  	_ =	shalt  }
0x85: {  	_ =	shalt  }
0x86: {  	_ =	shalt  }
0x87: {  	_ =	shalt  }
.Lfunc_end0:
.L_simem_size_0:
called_computation_lowered:
.L_overlay_start_0:
0x88: {  	s2 =	sld [smem:$0x3FD9]  }
0x89: {  	s3 =	sld [smem:$0x3FFE];
	_ =	sdelay $0x1  }
0x8a: {  	s1 =	srdreg.scid  }
0x8b: {  	s0 =	sand.u32 $0x1, s1  }
0x8c: {  	s17 =	sshll.u32 s0, $0xA;
	s2 =	sadd.s32 s3, s2  }
0x8d: {  	s2 =	sadd.s32 s2, s17  }
0x8e: {  	[smem:$0x3FC6] =	sst s2  }
0x8f: {  	_ = 	snop  }
0x90: {  	s2 =	sld [smem:$0x3FC9]  }
0x91: {  	s18 =	sld [smem:$0x3FC8];
	(tm) =	ssettm $0x1  }
0x92: {  	s4 =	sld [smem:$0x3FFB];
	_ =	sdelay $0x3  }
0x93: {  	_ =	strace s4  }
0x94: {  	s4 =	sld [smem:$0x3FFC];
	_ =	sdelay $0x3  }
0x95: {  	_ =	strace s4  }
0x96: {  	s4 =	sld [smem:$0x3FFD];
	_ =	sdelay $0x3  }
0x97: {  	_ =	strace s4  }
0x98: {  	_ =	strace $0x8FFFFFFF  }
0x99: {  	s19 =	sld [smem:$0x3FDB];
	_ =	sdelay $0x1  }
0x9a: {  	s5 =	simm.s32 $_scs_section_size  }
0x9b: {  	s6 =	simm.s32 $_size__tile_overlayer_lowered;
	s7 =	simm.s32 $_tile_overlayer_lowered  }
0x9c: {  	s22 =	simm.s32 $0x1BFF;
	s21 =	sshll.u32 s7, $0x1;
	s4 =	sadd.s32 s5, s19  }
0x9d: {  	s8 =	simm.s32 $0x0;
	s20 =	sshll.u32 s6, $0x1;
	s6 =	sadd.s32 s21, s4  }
0x9e: {  	[timem:s8], [sflag:s22] =	dma.local [hbm:s6], s20  }
0x9f: {  	_ =	swait.ge [sflag:s22], s20  }
0xa0: {  	s5 =	ssub.s32 $0x0, s20;
	[sflag:s22] =	ssyncset.done $0x0  }
0xa1: {  	[sflag:s22] =	ssyncadd.s32 s5;
	_ =	sdelay $0x1  }
0xa2: {  	s23 =	simm.s32 $0x1B8B  }
0xa3: {  	_ =	swait.ge [sflag:s23], $0x1  }
0xa4: {  	[sflag:s23] =	ssyncset.done $0x0  }
0xa5: {  	s25 =	simm.s32 $0x1B8E;
	s24 =	sld [smem:$0x3FFE];
	[sflag:s23] =	ssyncadd.s32 $0xFFFFFFFF  }
0xa6: {  	s26 =	simm.s32 $execute0_lowered;
	[smem:$0x3FD2] =	sst s25  }
0xa7: {  	s6 =	sshll.u32 s26, $0x1;
	_ =	strace $0x80000046;
	[dreg:$0x1] =	wrdreg $0xFFFFFFFF  }
0xa8: {  	s28 =	simm.s32 $_size_execute0_lowered;
	s4 =	sadd.s32 s4, s6;
	[dreg:$0x0] =	wrdreg $0x0  }
0xa9: {  	s6 =	sshll.u32 s28, $0x1;
	[dreg:$0x2] =	wrdreg s4  }
0xaa: {  	[dreg:$0x3] =	wrdreg s6  }
0xab: {  	[dreg:$0x4] =	wrdreg $0xC0  }
0xac: {  	_ =	task [dreg:s8], $0x5FFFF  }
0xad: {  	[dreg:$0x1] =	wrdreg $0xFFFFFFFF  }
0xae: {  	[dreg:$0x0] =	wrdreg $0x60  }
0xaf: {  	[dreg:$0x2] =	wrdreg s2  }
0xb0: {  	[dreg:$0x3] =	wrdreg s18  }
0xb1: {  	[dreg:$0x4] =	wrdreg s24  }
0xb2: {  	[dreg:$0x5] =	wrdreg $0x122000  }
0xb3: {  	[dreg:$0x6] =	wrdreg $0x9  }
0xb4: {  	_ =	task.clear_ibuf [dreg:s8], $0x7FFFF;
	_ =	strace $0x90000046  }
0xb5: {  	s29 =	simm.s32 $0x9;
	_ =	strace $0x80000048  }
0xb6: {  	_ =	swait.ge [sflag:s29], $0x1  }
0xb7: {  	[sflag:s29] =	ssyncadd.s32 $0xFFFFFFFF  }
0xb8: {  	_ =	strace $0x90000048  }
0xb9: {  	_ =	sfence  }
0xba: {  	s30 =	sld [smem:$0x0];
	_ =	sdelay $0x2  }
0xbb: {  	s31 =	sshll.u32 s1, $0xD;
	s1 =	sshrl.u32 s1, $0x2  }
0xbc: {  	s3 =	sand.u32 $0x4000, s31;
	s1 =	sadd.s32 s1, s30  }
0xbd: {  	s0 =	sor.u32 s3, s0;
	s1 =	sshll.u32 s1, $0x11  }
0xbe: {  	s0 =	sor.u32 s1, s0  }
0xbf: {  	s0 =	sadd.s32 $0x8F2B, s0  }
0xc0: {  	[sflag:s0] =	ssyncadd.remote.s32 $0x1  }
0xc1: {  	_ =	sfence.sel $0xFFFF  }
0xc2: {  	[dreg:$0x0] =	wrdreg $0xFFFFFFFF;
	(pc) =	sbr.abs _section_cstart, $3  }
0xc3: {  	[dreg:$0x1] =	wrdreg $0xFFFFFFFF  }
0xc4: {  	_ =	task.clear_ibuf [dreg:s8], $0x2FFFF;
	_ =	strace $0x9FFFFFFF  }
0xc5: {  	(tm) =	ssettm $0x7FFFFFFF  }
tec
execute0_lowered:
.L_overlay_start_1:
0x0: {  	(tag) =	ssettag $0x1  }
0x1: {  	s1 =	rddreg [dreg:$0x0]  }
0x2: {  	s2 =	rddreg [dreg:$0x1]  }
0x3: {  	s11 =	rddreg [dreg:$0x2]  }
0x4: {  	s3 =	rddreg [dreg:$0x3];
	s5 =	srdreg.scid  }
0x5: {  	s4 =	simm.s32 $0x0;
	s18 =	stileid.u32;
	s15 =	simm.s32 $0xC000  }
0x6: {  	s16 =	simm.s32 $0x1;
	s17 =	simm.s32 $0x2;
	s19 =	simm.s32 $0x3  }
0x7: {  	s21 =	simm.s32 $0x80;
	s22 =	simm.s32 $0x100;
	s23 =	simm.s32 $0x12000  }
0x8: {  	s24 =	simm.s32 $0x0;
	s12 =	sand.u32 $0x1, s5;
	[smem:$0x7FF] =	sst s4  }
0x9: {  	s30 =	sshll.u32 s18, $0x2;
	s9 =	smul.u32 $0x780, s18;
	p0 =	sne.s32 s18, $0x0  }
0xa: {  	s18 =	simm.s32 $0x10000;
	s6 =	sshll.u32 s12, $0x1;
	_ =	strace $0x80000047  }
0xb: {  	s7 =	ssub.s32 $0x2, s12;
	s12 =	sshll.u32 s12, $0x4;
	s5 =	sor.u32 s6, s30  }
.Ltmp0:
0xc: {  	s31 =	sshrl.u32 s7, $0x1;
	s14 =	sshrl.u32 s9, $0x2;
	(pc) =	sbr.rel .LBB2_1-.Ltmp0, $4  }
0xd: {  	s11 =	sadd.s32 s11, s12;
	s8 =	sshll.u32 s5, $0xF;
	s13 =	ssub.s32 s7, s31  }
0xe: {  	s6 =	sadd.s32 s1, s8;
	s10 =	sor.u32 $0x800, s8;
	s7 =	sadd.s32 s2, s8  }
0xf: {  	s12 =	smax.u32 s13, $0x1;
	s13 =	simm.s32 $0x8000;
	s8 =	sadd.s32 s1, s10  }
0x10: {  	v60 =	vimm.f32 $0.0e+00;
	s9 =	sadd.s32 s2, s10;
	s10 =	sadd.s32 s14, s3;
	s14 =	simm.s32 $0x4000  }
.LBB2_8:
0x11: {  	[spmem:s10] =	stream.linear.scatter [tilespmem:s18], [sflag:$0x3], $0x1E0, $0x38;
	[tilespmem:$0x123E0] =	vst v63  }
.Ltmp1:
0x12: {  	_ =	swait.ge [sflag:s19], $0x1E0;
	(pc) =	sbr.rel @!p0 .LBB2_9-.Ltmp1, $3  }
0x13: {  	[sflag:s19] =	ssyncset.done $0x0  }
0x14: {  	[sflag:s19] =	ssyncadd.s32 $0xFFFFFE20  }
0x15: {  	[bflag:$0x0] =	sbarrier.arrive $0xFFFF;
	_ =	sdelay $0x1  }
.LBB2_10:
0x16: {  	s24 =	sadd.s32 $0x1, s24  }
0x17: {  	p1 =	sne.s32 s24, s12  }
.Ltmp2:
0x18: {  	_ = 	snop;
	(pc) =	sbr.rel @!p1 .LBB2_11-.Ltmp2, $1  }
0x19: {  	_ =	sdelay $0x3  }
.LBB2_1:
0x1a: {  	[tilespmem:$0x10000] =	vst v60  }
0x1b: {  	[tilespmem:$0x10010] =	vst v60  }
0x1c: {  	[tilespmem:$0x10020] =	vst v60  }
0x1d: {  	[tilespmem:$0x10030] =	vst v60  }
0x1e: {  	[tilespmem:$0x10040] =	vst v60  }
0x1f: {  	[tilespmem:$0x10050] =	vst v60  }
0x20: {  	[tilespmem:$0x10060] =	vst v60  }
0x21: {  	[tilespmem:$0x10070] =	vst v60  }
0x22: {  	[tilespmem:$0x10080] =	vst v60  }
0x23: {  	[tilespmem:$0x10090] =	vst v60  }
0x24: {  	[tilespmem:$0x100A0] =	vst v60  }
0x25: {  	[tilespmem:$0x100B0] =	vst v60  }
0x26: {  	[tilespmem:$0x100C0] =	vst v60  }
0x27: {  	[tilespmem:$0x100D0] =	vst v60  }
0x28: {  	[tilespmem:$0x100E0] =	vst v60  }
0x29: {  	[tilespmem:$0x100F0] =	vst v60  }
0x2a: {  	[tilespmem:$0x10100] =	vst v60  }
0x2b: {  	[tilespmem:$0x10110] =	vst v60  }
0x2c: {  	[tilespmem:$0x10120] =	vst v60  }
0x2d: {  	[tilespmem:$0x10130] =	vst v60  }
0x2e: {  	[tilespmem:$0x10140] =	vst v60  }
0x2f: {  	[tilespmem:$0x10150] =	vst v60  }
0x30: {  	[tilespmem:$0x10160] =	vst v60  }
0x31: {  	[tilespmem:$0x10170] =	vst v60  }
0x32: {  	[tilespmem:$0x10180] =	vst v60  }
0x33: {  	[tilespmem:$0x10190] =	vst v60  }
0x34: {  	[tilespmem:$0x101A0] =	vst v60  }
0x35: {  	[tilespmem:$0x101B0] =	vst v60  }
0x36: {  	[tilespmem:$0x101C0] =	vst v60  }
0x37: {  	[tilespmem:$0x101D0] =	vst v60  }
0x38: {  	[tilespmem:s4], [sflag:$0x1] =	stream.linear.gather [hbm4b:s6+s4], $0x4000, $0x38;
	[tilespmem:$0x123E0] =	vst v63  }
0x39: {  	_ = 	snop  }
0x3a: {  	[tilespmem:s13], [sflag:$0x1] =	stream.linear.gather [hbm4b:s7+s4], $0x4000, $0x38;
	[tilespmem:$0x123E0] =	vst v63  }
0x3b: {  	_ = 	snop  }
0x3c: {  	[tilespmem:s14], [sflag:$0x2] =	stream.linear.gather [hbm4b:s8+s4], $0x4000, $0x38;
	[tilespmem:$0x123E0] =	vst v63  }
0x3d: {  	s25 =	simm.s32 $0x0  }
0x3e: {  	[tilespmem:s15], [sflag:$0x2] =	stream.linear.gather [hbm4b:s9+s4], $0x4000, $0x38;
	[tilespmem:$0x123E0] =	vst v63  }
.LBB2_2:
0x3f: {  	_ =	swait.ge [sflag:s16], $0x4000;
	s26 =	simm.s32 $0x0  }
0x40: {  	s28 =	simm.s32 $0x0;
	s29 =	simm.s32 $0x0;
	[sflag:s16] =	ssyncset.done $0x0  }
0x41: {  	s28 =	sand.u32 $0x3000, s28;
	s30 =	sand.u32 $0xC00, s26;
	[sflag:s16] =	ssyncadd.s32 $0xFFFFC000  }
0x42: {  	s29 =	sand.u32 $0x380, s29;
	s28 =	sor.u32 s30, s28;
	_ =	swait.ge [sflag:s16], $0x4000  }
0x43: {  	s31 =	sand.u32 $0x40, s26;
	s28 =	sor.u32 s29, s28;
	[sflag:s16] =	ssyncset.done $0x0  }
0x44: {  	s28 =	sor.u32 s31, s28;
	[sflag:s16] =	ssyncadd.s32 $0xFFFFC000  }
0x45: {  	v2 =	vld [tilespmem:s28+$0x20]  }
0x46: {  	v1 =	vld [tilespmem:s28+$0x8020]  }
0x47: {  	v3 =	vld [tilespmem:s28+$0x10]  }
0x48: {  	v4 =	vld [tilespmem:s28+$0x30]  }
0x49: {  	v6 =	vld [tilespmem:s28+$0x8010]  }
0x4a: {  	v7 =	vld [tilespmem:s28+$0x0];
	_ =	sdelay $0x2  }
0x4b: {  	v5 =	vsub.f32 $1.000000000e+00, v2;
	v8 =	vsub.f32 $1.000000000e+00, v3  }
0x4c: {  	v10 =	vadd.f32 $-5.000000000e-01, v1;
	v1 =	vsub.f32 $1.000000000e+00, v4  }
0x4d: {  	v11 =	vld [tilespmem:s28+$0x8000];
	v6 =	vadd.f32 $-5.000000000e-01, v6;
	v13 =	vadd.f32 $-5.000000000e-01, v7;
	v5 =	vmax.f32 v2, v5  }
0x4e: {  	v8 =	vmax.f32 v3, v8;
	v14 =	vmax.f32 v4, v1;
	v3 =	vadd.f32 $-5.000000000e-01, v3  }
0x4f: {  	v2 =	vadd.f32 $-5.000000000e-01, v2;
	v9 =	vmul.f32 $1.000000000e+01, v5;
	v5 =	vimm.f32 $0.0e+00  }
0x50: {  	v15 =	vmul.f32 $1.000000000e+01, v8;
	v16 =	vmul.f32 $1.000000000e+01, v14;
	v14 =	vsub.f32 $1.000000000e+00, v7  }
0x51: {  	v3 =	vmul.f32 v6, v3;
	v12 =	vadd.f32 $-6.000000000e+00, v9;
	v8 =	vadd.f32 $-8.000000000e+00, v9  }
0x52: {  	v18 =	vadd.f32 $-7.000000000e+00, v15;
	v6 =	vmax.f32 v7, v14;
	v7 =	vadd.f32 $-5.000000000e-01, v11  }
0x53: {  	v2 =	vmul.f32 v10, v2;
	v36 =	vadd.f32 $-7.000000000e+00, v16;
	v10 =	vadd.f32 $-9.000000000e+00, v16  }
0x54: {  	v11 =	vadd.f32 $-5.000000000e-01, v4;
	v21 =	vadd.f32 $-6.000000000e+00, v16;
	v1 =	vmax.f32 v12, $0.0e+00;
	v12 =	vld [tilespmem:s28+$0x8030]  }
0x55: {  	v24 =	vadd.f32 $-9.000000000e+00, v15;
	v3 =	vmul.f32 $1.677721600e+07, v3;
	v2 =	vmul.f32 $1.677721600e+07, v2  }
0x56: {  	v23 =	vmax.f32 v8, $0.0e+00;
	v7 =	vmul.f32 v7, v13;
	v13 =	vadd.f32 $-6.000000000e+00, v15  }
0x57: {  	v18 =	vmax.f32 v18, $0.0e+00;
	v17 =	vmul.f32 $1.677721600e+07, v1;
	v8 =	vmul.f32 $1.677721600e+07, v23  }
0x58: {  	v2 =	vmax.f32 v2, $0.0e+00;
	v3 =	vmax.f32 v3, $0.0e+00;
	v7 =	vmul.f32 $1.677721600e+07, v7  }
0x59: {  	v2 =	vmin.f32 v2, $1.000000000e+00;
	v22 =	vmax.f32 v13, $0.0e+00;
	v12 =	vadd.f32 $-5.000000000e-01, v12  }
0x5a: {  	v20 =	vmin.f32 v17, $1.000000000e+00;
	v4 =	vmin.f32 v8, $1.000000000e+00;
	v2 =	vmul.f32 $4.096000000e+03, v2  }
0x5b: {  	v8 =	vadd.f32 $-8.000000000e+00, v16;
	v11 =	vmul.f32 v12, v11;
	v12 =	vmul.f32 $1.000000000e+01, v6  }
0x5c: {  	v17 =	vadd.f32 $-9.000000000e+00, v9;
	v6 =	vmax.f32 v7, $0.0e+00;
	v7 =	vadd.f32 $-7.000000000e+00, v9  }
0x5d: {  	v33 =	vmul.f32 $1.677721600e+07, v22;
	v6 =	vmin.f32 v6, $1.000000000e+00;
	v14 =	vadd.f32 v12, v5  }
0x5e: {  	v25 =	vmax.f32 v7, $0.0e+00;
	v11 =	vmul.f32 $1.677721600e+07, v11;
	v6 =	vmul.f32 $4.096000000e+03, v6  }
0x5f: {  	v7 =	vmax.f32 v17, $0.0e+00;
	v26 =	vadd.f32 $-6.000000000e+00, v12;
	v17 =	vmul.f32 $1.677721600e+07, v25  }
0x60: {  	v14 =	vadd.f32 v15, v14;
	v32 =	vmax.f32 v11, $0.0e+00;
	v19 =	vadd.f32 $1.000000000e+00, v6  }
0x61: {  	v6 =	vadd.f32 $1.000000000e+00, v2;
	v2 =	vmul.f32 $1.677721600e+07, v7;
	v15 =	vadd.f32 $-8.000000000e+00, v15  }
0x62: {  	v32 =	vmin.f32 v32, $1.000000000e+00;
	v13 =	vadd.f32 v9, v14;
	v14 =	vadd.f32 $-9.000000000e+00, v12  }
0x63: {  	v9 =	vmin.f32 v17, $1.000000000e+00;
	v11 =	vmin.f32 v2, $1.000000000e+00;
	v17 =	vmax.f32 v8, $0.0e+00  }
0x64: {  	v8 =	vmax.f32 v10, $0.0e+00;
	v10 =	vmax.f32 v26, $0.0e+00;
	v2 =	vadd.f32 $-7.000000000e+00, v12  }
0x65: {  	v12 =	vadd.f32 $-8.000000000e+00, v12;
	v15 =	vmax.f32 v15, $0.0e+00;
	v9 =	vmul.f32 v6, v9  }
0x66: {  	v37 =	vmul.f32 $1.677721600e+07, v8;
	v30 =	vmul.f32 $1.677721600e+07, v10;
	v34 =	vadd.f32 v10, v5  }
0x67: {  	v10 =	vimm.f32 $0.0e+00;
	v26 =	vmax.f32 v14, $0.0e+00;
	v14 =	vmax.f32 v24, $0.0e+00  }
0x68: {  	v2 =	vmax.f32 v2, $0.0e+00;
	v12 =	vmax.f32 v12, $0.0e+00;
	v24 =	vmul.f32 $1.677721600e+07, v14  }
0x69: {  	v28 =	vadd.f32 v2, v5;
	v27 =	vmul.f32 $1.677721600e+07, v2;
	v2 =	vadd.f32 v16, v13  }
0x6a: {  	v13 =	vmul.f32 $1.677721600e+07, v26;
	v29 =	vadd.f32 v12, v5;
	v12 =	vmul.f32 $1.677721600e+07, v12  }
0x6b: {  	v30 =	vmin.f32 v30, $1.000000000e+00;
	v16 =	vmin.f32 v27, $1.000000000e+00;
	v27 =	vmul.f32 $1.677721600e+07, v18  }
0x6c: {  	v28 =	vadd.f32 v18, v28;
	v31 =	vmin.f32 v13, $1.000000000e+00;
	v13 =	vmax.f32 v21, $0.0e+00  }
0x6d: {  	v12 =	vmin.f32 v12, $1.000000000e+00;
	v29 =	vadd.f32 v15, v29;
	v18 =	vmul.f32 v6, v20  }
0x6e: {  	v20 =	vadd.f32 v26, v5;
	v15 =	vmul.f32 $1.677721600e+07, v15;
	v35 =	vmul.f32 v19, v31  }
0x6f: {  	v31 =	vmul.f32 v19, v16;
	v26 =	vmul.f32 $1.677721600e+07, v13;
	v16 =	vimm.f32 $0.0e+00  }
0x70: {  	v21 =	vadd.f32 v25, v28;
	v23 =	vadd.f32 v23, v29;
	v28 =	vmul.f32 v19, v30  }
0x71: {  	v30 =	vmul.f32 v19, v12;
	v12 =	vmin.f32 v3, $1.000000000e+00;
	v29 =	vmin.f32 v15, $1.000000000e+00  }
0x72: {  	v15 =	vmax.f32 v36, $0.0e+00;
	v25 =	vadd.f32 v35, v5;
	v35 =	vmul.f32 $4.096000000e+03, v12  }
0x73: {  	s29 =	simm.s32 $0x0;
	s28 =	simm.s32 $0x0;
	v12 =	vimm.f32 $0.0e+00;
	v3 =	vadd.f32 v17, v23;
	v23 =	vmin.f32 v37, $1.000000000e+00  }
.LBB2_3:
0x74: {  	s28 =	sadd.s32 $0x4, s28;
	v35 =	vadd.f32 $1.000000000e+00, v35;
	v22 =	vadd.f32 v22, v34;
	v33 =	vmin.f32 v33, $1.000000000e+00;
	s26 =	sadd.s32 $0x200, s26;
	s29 =	sadd.s32 $0x40, s29  }
0x75: {  	v5 =	vadd.f32 v19, v5;
	v10 =	vadd.f32 v30, v10;
	v19 =	vmin.f32 v27, $1.000000000e+00;
	s30 =	sshll.u32 s28, $0x4;
	s31 =	sshll.u32 s28, $0x2;
	p1 =	slt.u32 s28, $0x3FC  }
0x76: {  	v12 =	vadd.f32 v31, v12;
	v24 =	vmin.f32 v24, $1.000000000e+00;
	s0 =	sand.u32 $0xC00, s26;
	s30 =	sand.u32 $0x3000, s30;
	v27 =	vmul.f32 v35, v29  }
0x77: {  	v16 =	vadd.f32 v28, v16;
	v17 =	vmul.f32 $1.677721600e+07, v17;
	v19 =	vmul.f32 v35, v19;
	s0 =	sor.u32 s0, s30;
	s30 =	sand.u32 $0x380, s31  }
0x78: {  	v24 =	vmul.f32 v35, v24;
	v1 =	vadd.f32 v1, v22;
	v22 =	vmul.f32 $4.096000000e+03, v32;
	s31 =	sand.u32 $0x40, s29;
	s0 =	sor.u32 s30, s0  }
0x79: {  	v14 =	vadd.f32 v14, v20;
	v20 =	vmul.f32 v35, v33;
	v12 =	vadd.f32 v19, v12;
	s0 =	sor.u32 s31, s0  }
0x7a: {  	v11 =	vmul.f32 v6, v11;
	v10 =	vadd.f32 v27, v10;
	v27 =	vmul.f32 $1.677721600e+07, v15;
	v19 =	vld [tilespmem:s0+$0x8020]  }
0x7b: {  	v4 =	vmul.f32 v6, v4;
	v21 =	vadd.f32 v15, v21;
	v7 =	vadd.f32 v7, v14;
	v28 =	vld [tilespmem:s0+$0x20]  }
0x7c: {  	v16 =	vadd.f32 v20, v16;
	v22 =	vadd.f32 $1.000000000e+00, v22;
	v27 =	vmin.f32 v27, $1.000000000e+00;
	v14 =	vld [tilespmem:s0+$0x8030]  }
0x7d: {  	v24 =	vadd.f32 v24, v25;
	v20 =	vadd.f32 v8, v7;
	v7 =	vmin.f32 v17, $1.000000000e+00;
	v29 =	vld [tilespmem:s0+$0x30]  }
0x7e: {  	v15 =	vadd.f32 v13, v1;
	v4 =	vadd.f32 v4, v10;
	v1 =	vmul.f32 v22, v7;
	v8 =	vld [tilespmem:s0+$0x8010]  }
0x7f: {  	v5 =	vadd.f32 v35, v5;
	v11 =	vadd.f32 v11, v24;
	v13 =	vmul.f32 v22, v27;
	v7 =	vld [tilespmem:s0+$0x10]  }
0x80: {  	v24 =	vmin.f32 v26, $1.000000000e+00;
	v10 =	vadd.f32 v1, v4;
	v19 =	vadd.f32 $-5.000000000e-01, v19;
	v17 =	vld [tilespmem:s0+$0x0]  }
0x81: {  	v9 =	vadd.f32 v9, v12;
	v23 =	vmul.f32 v22, v23;
	v1 =	vsub.f32 $1.000000000e+00, v28;
	v4 =	vld [tilespmem:s0+$0x8000]  }
0x82: {  	v5 =	vadd.f32 v6, v5;
	v25 =	vsub.f32 $1.000000000e+00, v29  }
0x83: {  	v12 =	vadd.f32 v13, v9;
	v1 =	vmax.f32 v28, v1;
	v6 =	vadd.f32 $-5.000000000e-01, v8  }
0x84: {  	v13 =	vmul.f32 v22, v24;
	v9 =	vmul.f32 $1.000000000e+01, v1;
	v8 =	vsub.f32 $1.000000000e+00, v7  }
0x85: {  	v16 =	vadd.f32 v18, v16;
	v1 =	vmax.f32 v29, v25;
	v24 =	vadd.f32 $-5.000000000e-01, v17  }
0x86: {  	v23 =	vadd.f32 v23, v11;
	v18 =	vadd.f32 $-6.000000000e+00, v9;
	v8 =	vmax.f32 v7, v8  }
0x87: {  	v26 =	vmul.f32 $1.000000000e+01, v1;
	v25 =	vmul.f32 $1.000000000e+01, v8;
	v8 =	vadd.f32 $-8.000000000e+00, v9  }
0x88: {  	v16 =	vadd.f32 v13, v16;
	v7 =	vadd.f32 $-5.000000000e-01, v7;
	v1 =	vmax.f32 v18, $0.0e+00  }
0x89: {  	v13 =	vadd.f32 $-5.000000000e-01, v28;
	v11 =	vsub.f32 $1.000000000e+00, v17;
	v18 =	vmul.f32 $1.677721600e+07, v1  }
0x8a: {  	v5 =	vadd.f32 v22, v5;
	v6 =	vmul.f32 v6, v7;
	v27 =	vadd.f32 $-7.000000000e+00, v25  }
0x8b: {  	v4 =	vadd.f32 $-5.000000000e-01, v4;
	v7 =	vmax.f32 v17, v11;
	v18 =	vmin.f32 v18, $1.000000000e+00  }
0x8c: {  	v36 =	vadd.f32 $-7.000000000e+00, v26;
	v28 =	vmax.f32 v8, $0.0e+00;
	v31 =	vmul.f32 $1.677721600e+07, v6  }
0x8d: {  	v6 =	vmul.f32 v19, v13;
	v8 =	vmul.f32 $1.677721600e+07, v28;
	v13 =	vadd.f32 $-9.000000000e+00, v26  }
0x8e: {  	v14 =	vadd.f32 $-5.000000000e-01, v14;
	v11 =	vmul.f32 v4, v24;
	v17 =	vadd.f32 $-5.000000000e-01, v29  }
0x8f: {  	v6 =	vmul.f32 $1.677721600e+07, v6;
	v4 =	vmin.f32 v8, $1.000000000e+00;
	v8 =	vadd.f32 $-8.000000000e+00, v26  }
0x90: {  	v22 =	vadd.f32 $-6.000000000e+00, v25;
	v11 =	vmul.f32 $1.677721600e+07, v11;
	v14 =	vmul.f32 v14, v17  }
0x91: {  	v29 =	vadd.f32 $-6.000000000e+00, v26;
	v24 =	vmul.f32 $1.000000000e+01, v7;
	v6 =	vmax.f32 v6, $0.0e+00  }
0x92: {  	v7 =	vmax.f32 v11, $0.0e+00;
	v11 =	vadd.f32 $-7.000000000e+00, v9;
	v6 =	vmin.f32 v6, $1.000000000e+00  }
0x93: {  	v17 =	vadd.f32 $-9.000000000e+00, v9;
	v2 =	vadd.f32 v24, v2;
	v6 =	vmul.f32 $4.096000000e+03, v6  }
0x94: {  	v7 =	vmin.f32 v7, $1.000000000e+00;
	v30 =	vmax.f32 v11, $0.0e+00;
	v11 =	vmul.f32 $1.677721600e+07, v14  }
0x95: {  	v14 =	vmul.f32 $4.096000000e+03, v7;
	v7 =	vmax.f32 v17, $0.0e+00;
	v17 =	vmul.f32 $1.677721600e+07, v30  }
0x96: {  	v32 =	vadd.f32 $-9.000000000e+00, v25;
	v2 =	vadd.f32 v25, v2;
	v37 =	vmax.f32 v11, $0.0e+00  }
0x97: {  	v19 =	vadd.f32 $1.000000000e+00, v14;
	v11 =	vmul.f32 $1.677721600e+07, v7;
	v6 =	vadd.f32 $1.000000000e+00, v6  }
0x98: {  	v22 =	vmax.f32 v22, $0.0e+00;
	v2 =	vadd.f32 v9, v2;
	v14 =	vadd.f32 $-6.000000000e+00, v24  }
0x99: {  	v33 =	vadd.f32 $-9.000000000e+00, v24;
	v9 =	vmin.f32 v17, $1.000000000e+00;
	v11 =	vmin.f32 v11, $1.000000000e+00  }
0x9a: {  	v17 =	vmax.f32 v8, $0.0e+00;
	v8 =	vmax.f32 v13, $0.0e+00;
	v9 =	vmul.f32 v6, v9  }
0x9b: {  	v33 =	vmax.f32 v33, $0.0e+00;
	v13 =	vadd.f32 $-7.000000000e+00, v24;
	v34 =	vmax.f32 v14, $0.0e+00  }
0x9c: {  	v35 =	vmax.f32 v27, $0.0e+00;
	v25 =	vadd.f32 $-8.000000000e+00, v25;
	v14 =	vmax.f32 v32, $0.0e+00  }
0x9d: {  	v27 =	vadd.f32 $-8.000000000e+00, v24;
	v13 =	vmax.f32 v13, $0.0e+00;
	v24 =	vmul.f32 $1.677721600e+07, v14  }
0x9e: {  	v2 =	vadd.f32 v26, v2;
	v21 =	vadd.f32 v13, v21;
	v13 =	vmul.f32 $1.677721600e+07, v13  }
0x9f: {  	v25 =	vmax.f32 v25, $0.0e+00;
	v26 =	vmax.f32 v27, $0.0e+00;
	v32 =	vmul.f32 $1.677721600e+07, v33  }
0xa0: {  	v27 =	vmul.f32 $1.677721600e+07, v35;
	v39 =	vmul.f32 $1.677721600e+07, v8;
	v38 =	vmin.f32 v13, $1.000000000e+00  }
0xa1: {  	v3 =	vadd.f32 v26, v3;
	v26 =	vmul.f32 $1.677721600e+07, v26;
	v21 =	vadd.f32 v35, v21  }
0xa2: {  	v32 =	vmin.f32 v32, $1.000000000e+00;
	v35 =	vmul.f32 $1.677721600e+07, v34;
	v13 =	vmax.f32 v29, $0.0e+00  }
0xa3: {  	v26 =	vmin.f32 v26, $1.000000000e+00;
	v3 =	vadd.f32 v25, v3;
	v18 =	vmul.f32 v6, v18  }
0xa4: {  	v32 =	vmul.f32 v19, v32;
	v29 =	vmin.f32 v35, $1.000000000e+00;
	v21 =	vadd.f32 v30, v21  }
0xa5: {  	v20 =	vadd.f32 v33, v20;
	v25 =	vmul.f32 $1.677721600e+07, v25;
	v3 =	vadd.f32 v28, v3  }
.Ltmp3:
0xa6: {  	v30 =	vmul.f32 v19, v26;
	v26 =	vmax.f32 v31, $0.0e+00;
	v28 =	vmul.f32 v19, v29;
	(pc) =	sbr.rel @p1 .LBB2_3-.Ltmp3, $4  }
0xa7: {  	v33 =	vmul.f32 $1.677721600e+07, v22;
	v35 =	vmin.f32 v26, $1.000000000e+00;
	v29 =	vmin.f32 v25, $1.000000000e+00  }
0xa8: {  	v31 =	vmul.f32 v19, v38;
	v3 =	vadd.f32 v17, v3;
	v26 =	vmul.f32 $1.677721600e+07, v13  }
0xa9: {  	v34 =	vadd.f32 v34, v15;
	v25 =	vadd.f32 v32, v23;
	v35 =	vmul.f32 $4.096000000e+03, v35  }
0xaa: {  	v15 =	vmax.f32 v36, $0.0e+00;
	v32 =	vmin.f32 v37, $1.000000000e+00;
	v23 =	vmin.f32 v39, $1.000000000e+00  }
0xab: {  	v35 =	vadd.f32 $1.000000000e+00, v35  }
0xac: {  	v33 =	vmin.f32 v33, $1.000000000e+00;
	v16 =	vadd.f32 v28, v16;
	v28 =	vmul.f32 $4.096000000e+03, v32  }
0xad: {  	v5 =	vadd.f32 v19, v5;
	v10 =	vadd.f32 v30, v10;
	v27 =	vmin.f32 v27, $1.000000000e+00  }
0xae: {  	v12 =	vadd.f32 v31, v12;
	v26 =	vmin.f32 v26, $1.000000000e+00;
	v61 =	vmul.f32 v35, v33  }
0xaf: {  	v17 =	vmul.f32 $1.677721600e+07, v17;
	v19 =	vadd.f32 $1.000000000e+00, v28;
	v28 =	vmul.f32 v35, v29  }
0xb0: {  	v11 =	vmul.f32 v6, v11;
	v4 =	vmul.f32 v6, v4;
	v16 =	vadd.f32 v61, v16  }
0xb1: {  	v17 =	vmin.f32 v17, $1.000000000e+00;
	v5 =	vadd.f32 v35, v5;
	v10 =	vadd.f32 v28, v10  }
0xb2: {  	v16 =	vadd.f32 v18, v16;
	v18 =	vmin.f32 v24, $1.000000000e+00;
	v24 =	vmul.f32 v35, v27  }
0xb3: {  	v26 =	vmul.f32 v19, v26;
	v5 =	vadd.f32 v6, v5;
	v27 =	vmul.f32 $1.677721600e+07, v15  }
0xb4: {  	v4 =	vadd.f32 v4, v10;
	v10 =	vmul.f32 v19, v17;
	v12 =	vadd.f32 v24, v12  }
0xb5: {  	v5 =	vadd.f32 v19, v5;
	v16 =	vadd.f32 v26, v16;
	v24 =	vmin.f32 v27, $1.000000000e+00  }
0xb6: {  	v18 =	vmul.f32 v35, v18;
	v24 =	vmul.f32 v19, v24;
	v9 =	vadd.f32 v9, v12  }
0xb7: {  	v4 =	vadd.f32 v10, v4;
	v10 =	vmul.f32 v19, v23;
	v26 =	vmul.f32 $2.441406250e-04, v16  }
0xb8: {  	v5 =	vmul.f32 $2.441406250e-04, v5;
	v17 =	vadd.f32 v18, v25;
	v9 =	vadd.f32 v24, v9  }
0xb9: {  	v6 =	vmul.f32 $2.441406250e-04, v4;
	v12 =	vtrunc.f32 v26  }
0xba: {  	v11 =	vadd.f32 v11, v17;
	v12 =	vcvt.f32.s32 v12;
	v17 =	vmul.f32 $2.441406250e-04, v9  }
0xbb: {  	v22 =	vadd.f32 v22, v34;
	v5 =	vtrunc.f32 v5;
	v6 =	vtrunc.f32 v6  }
0xbc: {  	v10 =	vadd.f32 v10, v11;
	v12 =	vcvt.s32.f32 v12;
	v17 =	vtrunc.f32 v17  }
0xbd: {  	v14 =	vadd.f32 v14, v20;
	v6 =	vcvt.f32.s32 v6;
	v17 =	vcvt.f32.s32 v17  }
0xbe: {  	v1 =	vadd.f32 v1, v22;
	v18 =	vmul.f32 $2.441406250e-04, v10;
	v11 =	vmul.f32 $4.096000000e+03, v12  }
0xbf: {  	v7 =	vadd.f32 v7, v14;
	v5 =	vcvt.f32.s32 v5;
	v14 =	vcvt.s32.f32 v17  }
0xc0: {  	v6 =	vcvt.s32.f32 v6;
	v11 =	vsub.f32 v16, v11;
	v16 =	vtrunc.f32 v18  }
0xc1: {  	v16 =	vcvt.f32.s32 v16;
	v17 =	vmul.f32 $4.096000000e+03, v14  }
0xc2: {  	v1 =	vadd.f32 v13, v1;
	v13 =	vmul.f32 $4.096000000e+03, v6;
	v18 =	vmul.f32 $6.000000000e+00, v11  }
0xc3: {  	v7 =	vadd.f32 v8, v7;
	v16 =	vcvt.s32.f32 v16;
	v9 =	vsub.f32 v9, v17  }
0xc4: {  	v5 =	vcvt.s32.f32 v5;
	v4 =	vsub.f32 v4, v13;
	v13 =	vld [tilespmem:$0x10050];
	v1 =	vadd.f32 v18, v1  }
0xc5: {  	v15 =	vadd.f32 v15, v21;
	v18 =	vld [tilespmem:$0x100F0];
	v8 =	vmul.f32 $4.096000000e+03, v16;
	v17 =	vmul.f32 $7.000000000e+00, v9  }
0xc6: {  	v20 =	vld [tilespmem:$0x10190];
	v5 =	vsub.f32 v5, v12;
	v19 =	vmul.f32 $8.000000000e+00, v4;
	v2 =	vsub.f32 v2, v1  }
0xc7: {  	v8 =	vsub.f32 v10, v8;
	v10 =	vadd.f32 v17, v15  }
0xc8: {  	v12 =	vsub.f32 v12, v14;
	v3 =	vadd.f32 v19, v3;
	v15 =	vld [tilespmem:$0x10060];
	v2 =	vmul.f32 $1.000000010e-01, v2  }
0xc9: {  	v19 =	vsub.f32 $1.024000000e+03, v11;
	v17 =	vld [tilespmem:$0x10100];
	v1 =	vsub.f32 v1, v10  }
0xca: {  	v21 =	vld [tilespmem:$0x101A0];
	v22 =	vmul.f32 $9.000000000e+00, v8;
	v5 =	vadd.f32 v18, v5;
	v2 =	vadd.f32 v13, v2  }
0xcb: {  	v18 =	vld [tilespmem:$0x10070];
	v13 =	vadd.f32 v20, v19;
	v10 =	vsub.f32 v10, v3;
	v1 =	vmul.f32 $1.000000010e-01, v1  }
0xcc: {  	v7 =	vadd.f32 v22, v7;
	[tilespmem:$0x10050] =	vst v2;
	v2 =	vsub.f32 v11, v9;
	v11 =	vld [tilespmem:$0x10110]  }
0xcd: {  	[tilespmem:$0x100F0] =	vst v5;
	v5 =	vld [tilespmem:$0x101B0];
	v1 =	vadd.f32 v15, v1  }
0xce: {  	[tilespmem:$0x10190] =	vst v13;
	v10 =	vmul.f32 $1.000000010e-01, v10;
	v13 =	vld [tilespmem:$0x10080];
	v12 =	vadd.f32 v17, v12;
	v3 =	vsub.f32 v3, v7  }
0xcf: {  	v2 =	vadd.f32 v21, v2;
	[tilespmem:$0x10060] =	vst v1;
	v1 =	vsub.f32 v14, v6;
	v14 =	vld [tilespmem:$0x10120]  }
0xd0: {  	v9 =	vsub.f32 v9, v4;
	v10 =	vadd.f32 v18, v10;
	[tilespmem:$0x10100] =	vst v12;
	v12 =	vld [tilespmem:$0x101C0]  }
0xd1: {  	[tilespmem:$0x101A0] =	vst v2;
	v2 =	vmul.f32 $1.000000010e-01, v3;
	v3 =	vld [tilespmem:$0x10090];
	v1 =	vadd.f32 v11, v1  }
0xd2: {  	[tilespmem:$0x10070] =	vst v10;
	v5 =	vadd.f32 v5, v9;
	v6 =	vsub.f32 v6, v16;
	v9 =	vld [tilespmem:$0x10130]  }
0xd3: {  	[tilespmem:$0x10110] =	vst v1;
	v1 =	vadd.f32 v13, v2;
	v2 =	vsub.f32 v4, v8;
	v4 =	vld [tilespmem:$0x101D0]  }
0xd4: {  	s26 =	sshll.u32 s25, $0x1;
	p1 =	seq.s32 s25, $0xF;
	[tilespmem:$0x101B0] =	vst v5;
	v5 =	vadd.f32 v14, v6;
	v6 =	vmul.f32 $1.000000010e-01, v7  }
0xd5: {  	s0 =	sadd.s32 @!p1 $0x2, s26;
	[tilespmem:$0x10080] =	vst v1;
	v1 =	vadd.f32 v12, v2  }
0xd6: {  	s28 =	sshrl.u32 @!p1 s0, $0x4;
	[tilespmem:$0x10120] =	vst v5;
	v2 =	vadd.f32 v3, v6  }
0xd7: {  	s0 =	sshll.u32 @!p1 s0, $0xB;
	s28 =	sadd.s32 @!p1 s5, s28;
	[tilespmem:$0x101C0] =	vst v1;
	v1 =	vadd.f32 v16, v9  }
0xd8: {  	s0 =	sand.u32 @!p1 $0x7000, s0;
	s28 =	sshll.u32 @!p1 s28, $0xF;
	[tilespmem:$0x10090] =	vst v2;
	v2 =	vadd.f32 v4, v8  }
0xd9: {  	s0 =	sor.u32 @!p1 s0, s28;
	[tilespmem:$0x10130] =	vst v1  }
0xda: {  	s29 =	simm.s32 @!p1 $0x0;
	s28 =	sadd.s32 @!p1 s1, s0;
	[tilespmem:$0x101D0] =	vst v2  }
0xdb: {  	[tilespmem:s29], [sflag:$0x1] =	stream.linear.gather @!p1 [hbm4b:s28+s29], $0x4000, $0x38;
	[tilespmem:$0x123E0] =	vst v63  }
0xdc: {  	s0 =	sadd.s32 @!p1 s2, s0;
	s28 =	simm.s32 @!p1 $0x8000  }
0xdd: {  	[tilespmem:s28], [sflag:$0x1] =	stream.linear.gather @!p1 [hbm4b:s0+s29], $0x4000, $0x38;
	[tilespmem:$0x123E0] =	vst v63  }
0xde: {  	s31 =	simm.s32 $0x0;
	_ =	swait.ge [sflag:s17], $0x4000  }
0xdf: {  	s28 =	simm.s32 $0x0;
	s29 =	simm.s32 $0x0;
	[sflag:s17] =	ssyncset.done $0x0  }
0xe0: {  	s0 =	sand.u32 $0x3000, s31;
	s30 =	sand.u32 $0xC00, s28;
	[sflag:s17] =	ssyncadd.s32 $0xFFFFC000  }
0xe1: {  	s29 =	sand.u32 $0x380, s29;
	s0 =	sor.u32 s30, s0;
	_ =	swait.ge [sflag:s17], $0x4000  }
0xe2: {  	s30 =	sand.u32 $0x40, s28;
	s0 =	sor.u32 s29, s0;
	[sflag:s17] =	ssyncset.done $0x0  }
0xe3: {  	s0 =	sor.u32 s30, s0;
	[sflag:s17] =	ssyncadd.s32 $0xFFFFC000  }
0xe4: {  	v2 =	vld [tilespmem:s0+$0x4020]  }
0xe5: {  	v1 =	vld [tilespmem:s0+$0xC020]  }
0xe6: {  	v3 =	vld [tilespmem:s0+$0x4010]  }
0xe7: {  	v4 =	vld [tilespmem:s0+$0x4030]  }
0xe8: {  	v6 =	vld [tilespmem:s0+$0xC010]  }
0xe9: {  	v7 =	vld [tilespmem:s0+$0x4000];
	_ =	sdelay $0x2  }
0xea: {  	v5 =	vsub.f32 $1.000000000e+00, v2;
	v8 =	vsub.f32 $1.000000000e+00, v3  }
0xeb: {  	v10 =	vadd.f32 $-5.000000000e-01, v1;
	v1 =	vsub.f32 $1.000000000e+00, v4  }
0xec: {  	v11 =	vld [tilespmem:s0+$0xC000];
	v6 =	vadd.f32 $-5.000000000e-01, v6;
	v13 =	vadd.f32 $-5.000000000e-01, v7;
	v5 =	vmax.f32 v2, v5  }
0xed: {  	v8 =	vmax.f32 v3, v8;
	v14 =	vmax.f32 v4, v1;
	v3 =	vadd.f32 $-5.000000000e-01, v3  }
0xee: {  	v2 =	vadd.f32 $-5.000000000e-01, v2;
	v9 =	vmul.f32 $1.000000000e+01, v5;
	v5 =	vimm.f32 $0.0e+00  }
0xef: {  	v15 =	vmul.f32 $1.000000000e+01, v8;
	v16 =	vmul.f32 $1.000000000e+01, v14;
	v14 =	vsub.f32 $1.000000000e+00, v7  }
0xf0: {  	v3 =	vmul.f32 v6, v3;
	v12 =	vadd.f32 $-6.000000000e+00, v9;
	v8 =	vadd.f32 $-8.000000000e+00, v9  }
0xf1: {  	v18 =	vadd.f32 $-7.000000000e+00, v15;
	v6 =	vmax.f32 v7, v14;
	v7 =	vadd.f32 $-5.000000000e-01, v11  }
0xf2: {  	v2 =	vmul.f32 v10, v2;
	v36 =	vadd.f32 $-7.000000000e+00, v16;
	v10 =	vadd.f32 $-9.000000000e+00, v16  }
0xf3: {  	v11 =	vadd.f32 $-5.000000000e-01, v4;
	v21 =	vadd.f32 $-6.000000000e+00, v16;
	v1 =	vmax.f32 v12, $0.0e+00;
	v12 =	vld [tilespmem:s0+$0xC030]  }
0xf4: {  	v24 =	vadd.f32 $-9.000000000e+00, v15;
	v3 =	vmul.f32 $1.677721600e+07, v3;
	v2 =	vmul.f32 $1.677721600e+07, v2  }
0xf5: {  	v23 =	vmax.f32 v8, $0.0e+00;
	v7 =	vmul.f32 v7, v13;
	v13 =	vadd.f32 $-6.000000000e+00, v15  }
0xf6: {  	v18 =	vmax.f32 v18, $0.0e+00;
	v17 =	vmul.f32 $1.677721600e+07, v1;
	v8 =	vmul.f32 $1.677721600e+07, v23  }
0xf7: {  	v2 =	vmax.f32 v2, $0.0e+00;
	v3 =	vmax.f32 v3, $0.0e+00;
	v7 =	vmul.f32 $1.677721600e+07, v7  }
0xf8: {  	v2 =	vmin.f32 v2, $1.000000000e+00;
	v22 =	vmax.f32 v13, $0.0e+00;
	v12 =	vadd.f32 $-5.000000000e-01, v12  }
0xf9: {  	v20 =	vmin.f32 v17, $1.000000000e+00;
	v4 =	vmin.f32 v8, $1.000000000e+00;
	v2 =	vmul.f32 $4.096000000e+03, v2  }
0xfa: {  	v8 =	vadd.f32 $-8.000000000e+00, v16;
	v11 =	vmul.f32 v12, v11;
	v12 =	vmul.f32 $1.000000000e+01, v6  }
0xfb: {  	v17 =	vadd.f32 $-9.000000000e+00, v9;
	v6 =	vmax.f32 v7, $0.0e+00;
	v7 =	vadd.f32 $-7.000000000e+00, v9  }
0xfc: {  	v33 =	vmul.f32 $1.677721600e+07, v22;
	v6 =	vmin.f32 v6, $1.000000000e+00;
	v14 =	vadd.f32 v12, v5  }
0xfd: {  	v25 =	vmax.f32 v7, $0.0e+00;
	v11 =	vmul.f32 $1.677721600e+07, v11;
	v6 =	vmul.f32 $4.096000000e+03, v6  }
0xfe: {  	v7 =	vmax.f32 v17, $0.0e+00;
	v26 =	vadd.f32 $-6.000000000e+00, v12;
	v17 =	vmul.f32 $1.677721600e+07, v25  }
0xff: {  	v14 =	vadd.f32 v15, v14;
	v62 =	vmax.f32 v11, $0.0e+00;
	v19 =	vadd.f32 $1.000000000e+00, v6  }
0x100: {  	v6 =	vadd.f32 $1.000000000e+00, v2;
	v2 =	vmul.f32 $1.677721600e+07, v7;
	v15 =	vadd.f32 $-8.000000000e+00, v15  }
0x101: {  	v32 =	vmin.f32 v62, $1.000000000e+00;
	v13 =	vadd.f32 v9, v14;
	v14 =	vadd.f32 $-9.000000000e+00, v12  }
0x102: {  	v9 =	vmin.f32 v17, $1.000000000e+00;
	v11 =	vmin.f32 v2, $1.000000000e+00;
	v17 =	vmax.f32 v8, $0.0e+00  }
0x103: {  	v8 =	vmax.f32 v10, $0.0e+00;
	v10 =	vmax.f32 v26, $0.0e+00;
	v2 =	vadd.f32 $-7.000000000e+00, v12  }
0x104: {  	v12 =	vadd.f32 $-8.000000000e+00, v12;
	v15 =	vmax.f32 v15, $0.0e+00;
	v9 =	vmul.f32 v6, v9  }
0x105: {  	v37 =	vmul.f32 $1.677721600e+07, v8;
	v30 =	vmul.f32 $1.677721600e+07, v10;
	v34 =	vadd.f32 v10, v5  }
0x106: {  	v10 =	vimm.f32 $0.0e+00;
	v26 =	vmax.f32 v14, $0.0e+00;
	v14 =	vmax.f32 v24, $0.0e+00  }
0x107: {  	v2 =	vmax.f32 v2, $0.0e+00;
	v12 =	vmax.f32 v12, $0.0e+00;
	v24 =	vmul.f32 $1.677721600e+07, v14  }
0x108: {  	v28 =	vadd.f32 v2, v5;
	v27 =	vmul.f32 $1.677721600e+07, v2;
	v2 =	vadd.f32 v16, v13  }
0x109: {  	v13 =	vmul.f32 $1.677721600e+07, v26;
	v29 =	vadd.f32 v12, v5;
	v12 =	vmul.f32 $1.677721600e+07, v12  }
0x10a: {  	v30 =	vmin.f32 v30, $1.000000000e+00;
	v16 =	vmin.f32 v27, $1.000000000e+00;
	v27 =	vmul.f32 $1.677721600e+07, v18  }
0x10b: {  	v28 =	vadd.f32 v18, v28;
	v31 =	vmin.f32 v13, $1.000000000e+00;
	v13 =	vmax.f32 v21, $0.0e+00  }
0x10c: {  	v12 =	vmin.f32 v12, $1.000000000e+00;
	v29 =	vadd.f32 v15, v29;
	v18 =	vmul.f32 v6, v20  }
0x10d: {  	v20 =	vadd.f32 v26, v5;
	v15 =	vmul.f32 $1.677721600e+07, v15;
	v63 =	vmul.f32 v19, v31  }
0x10e: {  	v31 =	vmul.f32 v19, v16;
	v26 =	vmul.f32 $1.677721600e+07, v13;
	v16 =	vimm.f32 $0.0e+00  }
0x10f: {  	v21 =	vadd.f32 v25, v28;
	v23 =	vadd.f32 v23, v29;
	v28 =	vmul.f32 v19, v30  }
0x110: {  	v30 =	vmul.f32 v19, v12;
	v12 =	vmin.f32 v3, $1.000000000e+00;
	v29 =	vmin.f32 v15, $1.000000000e+00  }
0x111: {  	v15 =	vmax.f32 v36, $0.0e+00;
	v25 =	vadd.f32 v63, v5;
	v35 =	vmul.f32 $4.096000000e+03, v12  }
0x112: {  	s29 =	simm.s32 $0x0;
	s30 =	simm.s32 $0x0;
	v12 =	vimm.f32 $0.0e+00;
	v3 =	vadd.f32 v17, v23;
	v23 =	vmin.f32 v37, $1.000000000e+00  }
.LBB2_5:
0x113: {  	s29 =	sadd.s32 $0x4, s29;
	v35 =	vadd.f32 $1.000000000e+00, v35;
	v22 =	vadd.f32 v22, v34;
	v33 =	vmin.f32 v33, $1.000000000e+00;
	s28 =	sadd.s32 $0x200, s28;
	s30 =	sadd.s32 $0x40, s30  }
0x114: {  	v5 =	vadd.f32 v19, v5;
	v10 =	vadd.f32 v30, v10;
	v19 =	vmin.f32 v27, $1.000000000e+00;
	s0 =	sshll.u32 s29, $0x4;
	s31 =	sshll.u32 s29, $0x2;
	p2 =	slt.u32 s29, $0x3FC  }
0x115: {  	v12 =	vadd.f32 v31, v12;
	v24 =	vmin.f32 v24, $1.000000000e+00;
	s20 =	sand.u32 $0xC00, s28;
	s0 =	sand.u32 $0x3000, s0;
	v27 =	vmul.f32 v35, v29  }
0x116: {  	v16 =	vadd.f32 v28, v16;
	v17 =	vmul.f32 $1.677721600e+07, v17;
	v19 =	vmul.f32 v35, v19;
	s0 =	sor.u32 s20, s0;
	s20 =	sand.u32 $0x380, s31  }
0x117: {  	v24 =	vmul.f32 v35, v24;
	v1 =	vadd.f32 v1, v22;
	v22 =	vmul.f32 $4.096000000e+03, v32;
	s31 =	sand.u32 $0x40, s30;
	s0 =	sor.u32 s20, s0  }
0x118: {  	v14 =	vadd.f32 v14, v20;
	v20 =	vmul.f32 v35, v33;
	v12 =	vadd.f32 v19, v12;
	s0 =	sor.u32 s31, s0  }
0x119: {  	v11 =	vmul.f32 v6, v11;
	v10 =	vadd.f32 v27, v10;
	v27 =	vmul.f32 $1.677721600e+07, v15;
	v19 =	vld [tilespmem:s0+$0xC020]  }
0x11a: {  	v4 =	vmul.f32 v6, v4;
	v21 =	vadd.f32 v15, v21;
	v7 =	vadd.f32 v7, v14;
	v28 =	vld [tilespmem:s0+$0x4020]  }
0x11b: {  	v16 =	vadd.f32 v20, v16;
	v22 =	vadd.f32 $1.000000000e+00, v22;
	v27 =	vmin.f32 v27, $1.000000000e+00;
	v14 =	vld [tilespmem:s0+$0xC030]  }
0x11c: {  	v24 =	vadd.f32 v24, v25;
	v20 =	vadd.f32 v8, v7;
	v7 =	vmin.f32 v17, $1.000000000e+00;
	v29 =	vld [tilespmem:s0+$0x4030]  }
0x11d: {  	v15 =	vadd.f32 v13, v1;
	v4 =	vadd.f32 v4, v10;
	v1 =	vmul.f32 v22, v7;
	v8 =	vld [tilespmem:s0+$0xC010]  }
0x11e: {  	v5 =	vadd.f32 v35, v5;
	v11 =	vadd.f32 v11, v24;
	v13 =	vmul.f32 v22, v27;
	v7 =	vld [tilespmem:s0+$0x4010]  }
0x11f: {  	v24 =	vmin.f32 v26, $1.000000000e+00;
	v10 =	vadd.f32 v1, v4;
	v19 =	vadd.f32 $-5.000000000e-01, v19;
	v17 =	vld [tilespmem:s0+$0x4000]  }
0x120: {  	v9 =	vadd.f32 v9, v12;
	v23 =	vmul.f32 v22, v23;
	v1 =	vsub.f32 $1.000000000e+00, v28;
	v4 =	vld [tilespmem:s0+$0xC000]  }
0x121: {  	v5 =	vadd.f32 v6, v5;
	v25 =	vsub.f32 $1.000000000e+00, v29  }
0x122: {  	v12 =	vadd.f32 v13, v9;
	v1 =	vmax.f32 v28, v1;
	v6 =	vadd.f32 $-5.000000000e-01, v8  }
0x123: {  	v13 =	vmul.f32 v22, v24;
	v9 =	vmul.f32 $1.000000000e+01, v1;
	v8 =	vsub.f32 $1.000000000e+00, v7  }
0x124: {  	v16 =	vadd.f32 v18, v16;
	v1 =	vmax.f32 v29, v25;
	v24 =	vadd.f32 $-5.000000000e-01, v17  }
0x125: {  	v23 =	vadd.f32 v23, v11;
	v18 =	vadd.f32 $-6.000000000e+00, v9;
	v8 =	vmax.f32 v7, v8  }
0x126: {  	v26 =	vmul.f32 $1.000000000e+01, v1;
	v25 =	vmul.f32 $1.000000000e+01, v8;
	v8 =	vadd.f32 $-8.000000000e+00, v9  }
0x127: {  	v16 =	vadd.f32 v13, v16;
	v7 =	vadd.f32 $-5.000000000e-01, v7;
	v1 =	vmax.f32 v18, $0.0e+00  }
0x128: {  	v13 =	vadd.f32 $-5.000000000e-01, v28;
	v11 =	vsub.f32 $1.000000000e+00, v17;
	v18 =	vmul.f32 $1.677721600e+07, v1  }
0x129: {  	v5 =	vadd.f32 v22, v5;
	v6 =	vmul.f32 v6, v7;
	v27 =	vadd.f32 $-7.000000000e+00, v25  }
0x12a: {  	v4 =	vadd.f32 $-5.000000000e-01, v4;
	v7 =	vmax.f32 v17, v11;
	v18 =	vmin.f32 v18, $1.000000000e+00  }
0x12b: {  	v36 =	vadd.f32 $-7.000000000e+00, v26;
	v28 =	vmax.f32 v8, $0.0e+00;
	v31 =	vmul.f32 $1.677721600e+07, v6  }
0x12c: {  	v6 =	vmul.f32 v19, v13;
	v8 =	vmul.f32 $1.677721600e+07, v28;
	v13 =	vadd.f32 $-9.000000000e+00, v26  }
0x12d: {  	v14 =	vadd.f32 $-5.000000000e-01, v14;
	v11 =	vmul.f32 v4, v24;
	v17 =	vadd.f32 $-5.000000000e-01, v29  }
0x12e: {  	v6 =	vmul.f32 $1.677721600e+07, v6;
	v4 =	vmin.f32 v8, $1.000000000e+00;
	v8 =	vadd.f32 $-8.000000000e+00, v26  }
0x12f: {  	v22 =	vadd.f32 $-6.000000000e+00, v25;
	v11 =	vmul.f32 $1.677721600e+07, v11;
	v14 =	vmul.f32 v14, v17  }
0x130: {  	v29 =	vadd.f32 $-6.000000000e+00, v26;
	v24 =	vmul.f32 $1.000000000e+01, v7;
	v6 =	vmax.f32 v6, $0.0e+00  }
0x131: {  	v7 =	vmax.f32 v11, $0.0e+00;
	v11 =	vadd.f32 $-7.000000000e+00, v9;
	v6 =	vmin.f32 v6, $1.000000000e+00  }
0x132: {  	v17 =	vadd.f32 $-9.000000000e+00, v9;
	v2 =	vadd.f32 v24, v2;
	v6 =	vmul.f32 $4.096000000e+03, v6  }
0x133: {  	v7 =	vmin.f32 v7, $1.000000000e+00;
	v30 =	vmax.f32 v11, $0.0e+00;
	v11 =	vmul.f32 $1.677721600e+07, v14  }
0x134: {  	v14 =	vmul.f32 $4.096000000e+03, v7;
	v7 =	vmax.f32 v17, $0.0e+00;
	v17 =	vmul.f32 $1.677721600e+07, v30  }
0x135: {  	v32 =	vadd.f32 $-9.000000000e+00, v25;
	v2 =	vadd.f32 v25, v2;
	v37 =	vmax.f32 v11, $0.0e+00  }
0x136: {  	v19 =	vadd.f32 $1.000000000e+00, v14;
	v11 =	vmul.f32 $1.677721600e+07, v7;
	v6 =	vadd.f32 $1.000000000e+00, v6  }
0x137: {  	v22 =	vmax.f32 v22, $0.0e+00;
	v2 =	vadd.f32 v9, v2;
	v14 =	vadd.f32 $-6.000000000e+00, v24  }
0x138: {  	v33 =	vadd.f32 $-9.000000000e+00, v24;
	v9 =	vmin.f32 v17, $1.000000000e+00;
	v11 =	vmin.f32 v11, $1.000000000e+00  }
0x139: {  	v17 =	vmax.f32 v8, $0.0e+00;
	v8 =	vmax.f32 v13, $0.0e+00;
	v9 =	vmul.f32 v6, v9  }
0x13a: {  	v33 =	vmax.f32 v33, $0.0e+00;
	v13 =	vadd.f32 $-7.000000000e+00, v24;
	v34 =	vmax.f32 v14, $0.0e+00  }
0x13b: {  	v35 =	vmax.f32 v27, $0.0e+00;
	v25 =	vadd.f32 $-8.000000000e+00, v25;
	v14 =	vmax.f32 v32, $0.0e+00  }
0x13c: {  	v27 =	vadd.f32 $-8.000000000e+00, v24;
	v13 =	vmax.f32 v13, $0.0e+00;
	v24 =	vmul.f32 $1.677721600e+07, v14  }
0x13d: {  	v2 =	vadd.f32 v26, v2;
	v21 =	vadd.f32 v13, v21;
	v13 =	vmul.f32 $1.677721600e+07, v13  }
0x13e: {  	v25 =	vmax.f32 v25, $0.0e+00;
	v26 =	vmax.f32 v27, $0.0e+00;
	v32 =	vmul.f32 $1.677721600e+07, v33  }
0x13f: {  	v27 =	vmul.f32 $1.677721600e+07, v35;
	v39 =	vmul.f32 $1.677721600e+07, v8;
	v38 =	vmin.f32 v13, $1.000000000e+00  }
0x140: {  	v3 =	vadd.f32 v26, v3;
	v26 =	vmul.f32 $1.677721600e+07, v26;
	v21 =	vadd.f32 v35, v21  }
0x141: {  	v32 =	vmin.f32 v32, $1.000000000e+00;
	v35 =	vmul.f32 $1.677721600e+07, v34;
	v13 =	vmax.f32 v29, $0.0e+00  }
0x142: {  	v26 =	vmin.f32 v26, $1.000000000e+00;
	v3 =	vadd.f32 v25, v3;
	v18 =	vmul.f32 v6, v18  }
0x143: {  	v32 =	vmul.f32 v19, v32;
	v29 =	vmin.f32 v35, $1.000000000e+00;
	v21 =	vadd.f32 v30, v21  }
0x144: {  	v20 =	vadd.f32 v33, v20;
	v25 =	vmul.f32 $1.677721600e+07, v25;
	v3 =	vadd.f32 v28, v3  }
.Ltmp4:
0x145: {  	v30 =	vmul.f32 v19, v26;
	v26 =	vmax.f32 v31, $0.0e+00;
	v28 =	vmul.f32 v19, v29;
	(pc) =	sbr.rel @p2 .LBB2_5-.Ltmp4, $4  }
0x146: {  	v33 =	vmul.f32 $1.677721600e+07, v22;
	v35 =	vmin.f32 v26, $1.000000000e+00;
	v29 =	vmin.f32 v25, $1.000000000e+00  }
0x147: {  	v31 =	vmul.f32 v19, v38;
	v3 =	vadd.f32 v17, v3;
	v26 =	vmul.f32 $1.677721600e+07, v13  }
0x148: {  	v34 =	vadd.f32 v34, v15;
	v25 =	vadd.f32 v32, v23;
	v35 =	vmul.f32 $4.096000000e+03, v35  }
0x149: {  	v15 =	vmax.f32 v36, $0.0e+00;
	v32 =	vmin.f32 v37, $1.000000000e+00;
	v23 =	vmin.f32 v39, $1.000000000e+00  }
0x14a: {  	v35 =	vadd.f32 $1.000000000e+00, v35;
	v22 =	vadd.f32 v22, v34;
	v33 =	vmin.f32 v33, $1.000000000e+00  }
0x14b: {  	v16 =	vadd.f32 v28, v16;
	v51 =	vmul.f32 $4.096000000e+03, v32;
	v5 =	vadd.f32 v19, v5  }
0x14c: {  	v10 =	vadd.f32 v30, v10;
	v27 =	vmin.f32 v27, $1.000000000e+00;
	v12 =	vadd.f32 v31, v12  }
0x14d: {  	v26 =	vmin.f32 v26, $1.000000000e+00;
	v17 =	vmul.f32 $1.677721600e+07, v17;
	v57 =	vmul.f32 $1.677721600e+07, v15  }
0x14e: {  	v55 =	vmin.f32 v24, $1.000000000e+00;
	v11 =	vmul.f32 v6, v11;
	v4 =	vmul.f32 v6, v4  }
0x14f: {  	v52 =	vmul.f32 v35, v33;
	v53 =	vadd.f32 $1.000000000e+00, v51;
	v56 =	vmul.f32 v35, v27  }
0x150: {  	v54 =	vmul.f32 v35, v29;
	v58 =	vmin.f32 v57, $1.000000000e+00;
	v5 =	vadd.f32 v35, v5  }
0x151: {  	v17 =	vmin.f32 v17, $1.000000000e+00;
	v16 =	vadd.f32 v52, v16;
	v12 =	vadd.f32 v56, v12  }
0x152: {  	v26 =	vmul.f32 v53, v26;
	v10 =	vadd.f32 v54, v10;
	v5 =	vadd.f32 v6, v5  }
0x153: {  	v24 =	vmul.f32 v53, v58;
	v16 =	vadd.f32 v18, v16;
	v9 =	vadd.f32 v9, v12  }
0x154: {  	v59 =	vmul.f32 v53, v17;
	v4 =	vadd.f32 v4, v10;
	v5 =	vadd.f32 v53, v5  }
0x155: {  	v63 =	vmul.f32 v53, v23;
	v16 =	vadd.f32 v26, v16;
	v9 =	vadd.f32 v24, v9  }
0x156: {  	v18 =	vmul.f32 v35, v55;
	v4 =	vadd.f32 v59, v4;
	v5 =	vmul.f32 $2.441406250e-04, v5  }
0x157: {  	v14 =	vadd.f32 v14, v20;
	v26 =	vmul.f32 $2.441406250e-04, v16;
	v0 =	vmul.f32 $2.441406250e-04, v9  }
0x158: {  	v62 =	vadd.f32 v18, v25;
	v23 =	vmul.f32 $2.441406250e-04, v4;
	v5 =	vtrunc.f32 v5  }
0x159: {  	v28 =	vadd.f32 v15, v21;
	v5 =	vcvt.f32.s32 v5;
	v61 =	vtrunc.f32 v26  }
0x15a: {  	v11 =	vadd.f32 v11, v62;
	v17 =	vtrunc.f32 v0;
	v6 =	vtrunc.f32 v23  }
0x15b: {  	v1 =	vadd.f32 v1, v22;
	v12 =	vcvt.f32.s32 v61;
	v17 =	vcvt.f32.s32 v17  }
0x15c: {  	v10 =	vadd.f32 v63, v11;
	v6 =	vcvt.f32.s32 v6;
	v5 =	vcvt.s32.f32 v5  }
0x15d: {  	v38 =	vld [tilespmem:$0x10100];
	v7 =	vadd.f32 v7, v14;
	v12 =	vcvt.s32.f32 v12;
	v26 =	vcvt.s32.f32 v17  }
0x15e: {  	v33 =	vld [tilespmem:$0x100F0];
	v1 =	vadd.f32 v13, v1;
	v25 =	vmul.f32 $2.441406250e-04, v10;
	v6 =	vcvt.s32.f32 v6  }
0x15f: {  	v7 =	vadd.f32 v8, v7;
	v24 =	vmul.f32 $4.096000000e+03, v12;
	v17 =	vmul.f32 $4.096000000e+03, v26  }
0x160: {  	v29 =	vmul.f32 $4.096000000e+03, v6;
	v5 =	vsub.f32 v5, v12;
	v12 =	vsub.f32 v12, v26  }
0x161: {  	v48 =	vsub.f32 v26, v6;
	v11 =	vsub.f32 v16, v24  }
0x162: {  	v35 =	vld [tilespmem:$0x10190];
	v27 =	vtrunc.f32 v25;
	v9 =	vsub.f32 v9, v17;
	v4 =	vsub.f32 v4, v29  }
0x163: {  	v46 =	vld [tilespmem:$0x101B0];
	v16 =	vcvt.f32.s32 v27;
	v5 =	vadd.f32 v33, v5;
	v12 =	vadd.f32 v38, v12  }
0x164: {  	v53 =	vld [tilespmem:$0x10130];
	v30 =	vmul.f32 $6.000000000e+00, v11;
	v17 =	vmul.f32 $7.000000000e+00, v9;
	v39 =	vsub.f32 $1.024000000e+03, v11  }
0x165: {  	v34 =	vmul.f32 $8.000000000e+00, v4;
	v44 =	vsub.f32 v11, v9;
	v9 =	vsub.f32 v9, v4  }
0x166: {  	v49 =	vld [tilespmem:$0x10120];
	v16 =	vcvt.s32.f32 v16;
	v1 =	vadd.f32 v30, v1;
	v36 =	vadd.f32 v17, v28  }
0x167: {  	v56 =	vld [tilespmem:$0x101D0];
	v3 =	vadd.f32 v34, v3;
	v42 =	vadd.f32 v35, v39  }
0x168: {  	v31 =	vld [tilespmem:$0x10050];
	[tilespmem:$0x100F0] =	vst v5;
	v32 =	vmul.f32 $4.096000000e+03, v16;
	v5 =	vadd.f32 v46, v9;
	v6 =	vsub.f32 v6, v16  }
0x169: {  	v37 =	vld [tilespmem:$0x10060];
	[tilespmem:$0x10100] =	vst v12;
	v62 =	vadd.f32 v16, v53;
	v2 =	vsub.f32 v2, v1  }
0x16a: {  	v43 =	vld [tilespmem:$0x10070];
	v8 =	vsub.f32 v10, v32;
	v1 =	vsub.f32 v1, v36;
	[tilespmem:$0x10190] =	vst v42  }
0x16b: {  	v50 =	vld [tilespmem:$0x101C0];
	v10 =	vsub.f32 v36, v3;
	[tilespmem:$0x101B0] =	vst v5;
	v57 =	vadd.f32 v49, v6;
	v2 =	vmul.f32 $1.000000010e-01, v2  }
0x16c: {  	v40 =	vld [tilespmem:$0x101A0];
	[tilespmem:$0x10130] =	vst v62;
	v41 =	vmul.f32 $9.000000000e+00, v8;
	v1 =	vmul.f32 $1.000000010e-01, v1;
	v63 =	vadd.f32 v56, v8  }
0x16d: {  	v45 =	vld [tilespmem:$0x10110];
	v10 =	vmul.f32 $1.000000010e-01, v10;
	v55 =	vsub.f32 v4, v8;
	[tilespmem:$0x10120] =	vst v57;
	v2 =	vadd.f32 v31, v2  }
0x16e: {  	v52 =	vld [tilespmem:$0x10090];
	v7 =	vadd.f32 v41, v7;
	v1 =	vadd.f32 v37, v1;
	[tilespmem:$0x101D0] =	vst v63  }
0x16f: {  	v47 =	vld [tilespmem:$0x10080];
	v10 =	vadd.f32 v43, v10;
	[tilespmem:$0x10050] =	vst v2  }
0x170: {  	v59 =	vadd.f32 v50, v55;
	[tilespmem:$0x10060] =	vst v1;
	v3 =	vsub.f32 v3, v7  }
0x171: {  	v2 =	vadd.f32 v40, v44;
	[tilespmem:$0x10070] =	vst v10;
	v58 =	vmul.f32 $1.000000010e-01, v7  }
.Ltmp5:
0x172: {  	v1 =	vadd.f32 v45, v48;
	[tilespmem:$0x101C0] =	vst v59;
	v51 =	vmul.f32 $1.000000010e-01, v3;
	(pc) =	sbr.rel @p1 .LBB2_8-.Ltmp5, $4  }
0x173: {  	[tilespmem:$0x101A0] =	vst v2;
	v61 =	vadd.f32 v52, v58  }
0x174: {  	[tilespmem:$0x10110] =	vst v1;
	v54 =	vadd.f32 v47, v51  }
0x175: {  	[tilespmem:$0x10090] =	vst v61  }
0x176: {  	[tilespmem:$0x10080] =	vst v54  }
0x177: {  	s0 =	sadd.s32 $0x3, s26  }
0x178: {  	s20 =	sshrl.u32 s0, $0x4  }
0x179: {  	s0 =	sshll.u32 s0, $0xB;
	s20 =	sadd.s32 s5, s20  }
0x17a: {  	s0 =	sand.u32 $0x7800, s0;
	s20 =	sshll.u32 s20, $0xF  }
.Ltmp6:
0x17b: {  	s0 =	sor.u32 s0, s20;
	(pc) =	sbr.rel .LBB2_2-.Ltmp6, $4  }
0x17c: {  	s20 =	sadd.s32 s1, s0  }
0x17d: {  	[tilespmem:s14], [sflag:$0x2] =	stream.linear.gather [hbm4b:s20+s4], $0x4000, $0x38;
	[tilespmem:$0x123E0] =	vst v63  }
0x17e: {  	s25 =	sadd.s32 $0x1, s25;
	s0 =	sadd.s32 s2, s0  }
0x17f: {  	[tilespmem:s15], [sflag:$0x2] =	stream.linear.gather [hbm4b:s0+s4], $0x4000, $0x38;
	[tilespmem:$0x123E0] =	vst v63  }
.LBB2_9:
0x180: {  	s0 =	simm.s32 $0x10200  }
0x181: {  	[tilespmem:s0], [sflag:$0x3] =	stream.linear.gather [spmem:s3], $0x1E00, $0x38;
	[tilespmem:$0x123E0] =	vst v63  }
0x182: {  	_ =	swait.ge [sflag:s19], $0x1E00  }
0x183: {  	[sflag:s19] =	ssyncset.done $0x0  }
0x184: {  	[sflag:s19] =	ssyncadd.s32 $0xFFFFE200  }
0x185: {  	v16 =	vld [tilespmem:$0x10200]  }
0x186: {  	v13 =	vld [tilespmem:$0x103E0]  }
0x187: {  	v17 =	vld [tilespmem:$0x105C0]  }
0x188: {  	v21 =	vld [tilespmem:$0x107A0]  }
0x189: {  	v23 =	vld [tilespmem:$0x10980]  }
0x18a: {  	v28 =	vld [tilespmem:$0x10B60]  }
0x18b: {  	v34 =	vld [tilespmem:$0x10D40]  }
0x18c: {  	v39 =	vld [tilespmem:$0x10F20]  }
0x18d: {  	v43 =	vld [tilespmem:$0x11100]  }
0x18e: {  	v48 =	vld [tilespmem:$0x112E0]  }
0x18f: {  	v56 =	vld [tilespmem:$0x114C0]  }
0x190: {  	v62 =	vld [tilespmem:$0x116A0]  }
0x191: {  	v0 =	vld [tilespmem:$0x11880]  }
0x192: {  	v36 =	vld [tilespmem:$0x11A60]  }
0x193: {  	v37 =	vld [tilespmem:$0x11C40]  }
0x194: {  	v38 =	vld [tilespmem:$0x11E20]  }
0x195: {  	v3 =	vld [tilespmem:$0x10210]  }
0x196: {  	v1 =	vld [tilespmem:$0x103F0]  }
0x197: {  	v5 =	vld [tilespmem:$0x105D0]  }
0x198: {  	v7 =	vld [tilespmem:$0x107B0]  }
0x199: {  	v8 =	vld [tilespmem:$0x10990]  }
0x19a: {  	v10 =	vld [tilespmem:$0x10B70]  }
0x19b: {  	v14 =	vld [tilespmem:$0x10D50]  }
0x19c: {  	v19 =	vld [tilespmem:$0x10F30]  }
0x19d: {  	v22 =	vld [tilespmem:$0x11110]  }
0x19e: {  	v25 =	vld [tilespmem:$0x112F0]  }
0x19f: {  	v31 =	vld [tilespmem:$0x114D0]  }
0x1a0: {  	v41 =	vld [tilespmem:$0x11890]  }
0x1a1: {  	v46 =	vld [tilespmem:$0x11A70]  }
0x1a2: {  	v49 =	vld [tilespmem:$0x11C50]  }
0x1a3: {  	v2 =	vld [tilespmem:$0x107C0]  }
0x1a4: {  	v40 =	vld [tilespmem:$0x109A0];
	[tilespmem:$0x1EEE0] =	vst v0  }
0x1a5: {  	v42 =	vld [tilespmem:$0x10B80];
	[tilespmem:$0x1EEF0] =	vst v36  }
0x1a6: {  	v44 =	vld [tilespmem:$0x10D60];
	[tilespmem:$0x1EF00] =	vst v37  }
0x1a7: {  	v45 =	vld [tilespmem:$0x10F40];
	[tilespmem:$0x1EF10] =	vst v38  }
0x1a8: {  	v47 =	vld [tilespmem:$0x11120];
	[tilespmem:$0x1EF20] =	vst v2  }
0x1a9: {  	v51 =	vld [tilespmem:$0x11300];
	[tilespmem:$0x1EF30] =	vst v40  }
0x1aa: {  	v53 =	vld [tilespmem:$0x114E0];
	[tilespmem:$0x1EF40] =	vst v42  }
0x1ab: {  	v54 =	vld [tilespmem:$0x116C0];
	[tilespmem:$0x1EF60] =	vst v44  }
0x1ac: {  	v55 =	vld [tilespmem:$0x118A0];
	[tilespmem:$0x1EF80] =	vst v45  }
0x1ad: {  	v57 =	vld [tilespmem:$0x11A80];
	[tilespmem:$0x1EFA0] =	vst v47  }
0x1ae: {  	v59 =	vld [tilespmem:$0x11E30];
	[tilespmem:$0x1EFC0] =	vst v51  }
0x1af: {  	v52 =	vld [tilespmem:$0x10220];
	[tilespmem:$0x1EFF0] =	vst v53  }
0x1b0: {  	v50 =	vld [tilespmem:$0x10400];
	[tilespmem:$0x1F020] =	vst v54  }
0x1b1: {  	v37 =	vld [tilespmem:$0x116B0];
	[tilespmem:$0x1F060] =	vst v55  }
0x1b2: {  	v0 =	vld [tilespmem:$0x105E0];
	[tilespmem:$0x1F0A0] =	vst v57  }
0x1b3: {  	v2 =	vld [tilespmem:$0x11C60]  }
0x1b4: {  	v63 =	vld [tilespmem:$0x10D70];
	_ =	sdelay $0x4  }
0x1b5: {  	[tilespmem:$0x1EF70] =	vst v63;
	v63 =	vld [tilespmem:$0x11C90];
	_ =	sdelay $0x4  }
0x1b6: {  	[tilespmem:$0x1F150] =	vst v63;
	v63 =	vld [tilespmem:$0x10DA0];
	_ =	sdelay $0x4  }
0x1b7: {  	[tilespmem:$0x1F260] =	vst v63;
	v63 =	vld [tilespmem:$0x11CA0];
	_ =	sdelay $0x4  }
0x1b8: {  	[tilespmem:$0x1F460] =	vst v63;
	v63 =	vld [tilespmem:$0x10DB0];
	_ =	sdelay $0x4  }
0x1b9: {  	[tilespmem:$0x1F280] =	vst v63;
	v63 =	vld [tilespmem:$0x11CB0];
	_ =	sdelay $0x4  }
0x1ba: {  	[tilespmem:$0x1F480] =	vst v63;
	v63 =	vld [tilespmem:$0x10DC0];
	_ =	sdelay $0x4  }
0x1bb: {  	[tilespmem:$0x1F2B0] =	vst v63;
	v63 =	vld [tilespmem:$0x11720];
	_ =	sdelay $0x4  }
0x1bc: {  	[tilespmem:$0x1F3F0] =	vst v63;
	v63 =	vld [tilespmem:$0x10BF0];
	_ =	sdelay $0x4  }
0x1bd: {  	[tilespmem:$0x1F290] =	vst v63;
	v63 =	vld [tilespmem:$0x10DD0];
	_ =	sdelay $0x4  }
0x1be: {  	[tilespmem:$0x1F2D0] =	vst v63;
	v63 =	vld [tilespmem:$0x10FB0];
	_ =	sdelay $0x4  }
0x1bf: {  	[tilespmem:$0x1F310] =	vst v63;
	v63 =	vld [tilespmem:$0x11190];
	_ =	sdelay $0x4  }
0x1c0: {  	[tilespmem:$0x1F350] =	vst v63;
	v63 =	vld [tilespmem:$0x11370];
	_ =	sdelay $0x4  }
0x1c1: {  	[tilespmem:$0x1F390] =	vst v63;
	v63 =	vld [tilespmem:$0x11550];
	_ =	sdelay $0x4  }
0x1c2: {  	[tilespmem:$0x1F3D0] =	vst v63;
	v63 =	vld [tilespmem:$0x11730];
	_ =	sdelay $0x4  }
0x1c3: {  	[tilespmem:$0x1F410] =	vst v63;
	v63 =	vld [tilespmem:$0x11910];
	_ =	sdelay $0x4  }
0x1c4: {  	[tilespmem:$0x1F450] =	vst v63;
	v63 =	vld [tilespmem:$0x11AF0];
	_ =	sdelay $0x4  }
0x1c5: {  	[tilespmem:$0x1F490] =	vst v63;
	v63 =	vld [tilespmem:$0x11CD0];
	_ =	sdelay $0x4  }
0x1c6: {  	[tilespmem:$0x1F4D0] =	vst v63;
	v63 =	vld [tilespmem:$0x11EB0];
	_ =	sdelay $0x4  }
0x1c7: {  	[tilespmem:$0x1F510] =	vst v63;
	v63 =	vld [tilespmem:$0x102A0];
	_ =	sdelay $0x4  }
0x1c8: {  	[tilespmem:$0x1F4F0] =	vst v63;
	v63 =	vld [tilespmem:$0x10480];
	_ =	sdelay $0x4  }
0x1c9: {  	[tilespmem:$0x1F500] =	vst v63;
	v63 =	vld [tilespmem:$0x10660];
	_ =	sdelay $0x4  }
0x1ca: {  	[tilespmem:$0x1F540] =	vst v63;
	v63 =	vld [tilespmem:$0x10840];
	_ =	sdelay $0x4  }
0x1cb: {  	[tilespmem:$0x1F5A0] =	vst v63;
	v63 =	vld [tilespmem:$0x10A20];
	_ =	sdelay $0x4  }
0x1cc: {  	[tilespmem:$0x1F5E0] =	vst v63;
	v63 =	vld [tilespmem:$0x10C00];
	_ =	sdelay $0x4  }
0x1cd: {  	[tilespmem:$0x1F620] =	vst v63;
	v63 =	vld [tilespmem:$0x10DE0];
	_ =	sdelay $0x4  }
0x1ce: {  	[tilespmem:$0x1F660] =	vst v63;
	v63 =	vld [tilespmem:$0x10FC0];
	_ =	sdelay $0x4  }
0x1cf: {  	[tilespmem:$0x1F6A0] =	vst v63;
	v63 =	vld [tilespmem:$0x111A0];
	_ =	sdelay $0x4  }
0x1d0: {  	[tilespmem:$0x1F6E0] =	vst v63;
	v63 =	vld [tilespmem:$0x11380];
	_ =	sdelay $0x4  }
0x1d1: {  	[tilespmem:$0x1F720] =	vst v63;
	v63 =	vld [tilespmem:$0x11560];
	_ =	sdelay $0x4  }
0x1d2: {  	[tilespmem:$0x1F760] =	vst v63;
	v63 =	vld [tilespmem:$0x11740];
	_ =	sdelay $0x4  }
0x1d3: {  	[tilespmem:$0x1F7A0] =	vst v63;
	v63 =	vld [tilespmem:$0x11920];
	_ =	sdelay $0x4  }
0x1d4: {  	[tilespmem:$0x1F7E0] =	vst v63;
	v63 =	vld [tilespmem:$0x11B00];
	_ =	sdelay $0x4  }
0x1d5: {  	[tilespmem:$0x1F820] =	vst v63;
	v63 =	vld [tilespmem:$0x11CE0];
	_ =	sdelay $0x4  }
0x1d6: {  	[tilespmem:$0x1F860] =	vst v63;
	v63 =	vld [tilespmem:$0x11EC0];
	_ =	sdelay $0x4  }
0x1d7: {  	[tilespmem:$0x1F8A0] =	vst v63;
	v63 =	vld [tilespmem:$0x102B0];
	_ =	sdelay $0x4  }
0x1d8: {  	[tilespmem:$0x1F520] =	vst v63;
	v63 =	vld [tilespmem:$0x10490];
	_ =	sdelay $0x4  }
0x1d9: {  	[tilespmem:$0x1F530] =	vst v63;
	v63 =	vld [tilespmem:$0x10670];
	_ =	sdelay $0x4  }
0x1da: {  	[tilespmem:$0x1F570] =	vst v63;
	v63 =	vld [tilespmem:$0x10850];
	_ =	sdelay $0x4  }
0x1db: {  	[tilespmem:$0x1F5C0] =	vst v63;
	v63 =	vld [tilespmem:$0x10A30];
	_ =	sdelay $0x4  }
0x1dc: {  	[tilespmem:$0x1F600] =	vst v63;
	v63 =	vld [tilespmem:$0x10C10];
	_ =	sdelay $0x4  }
0x1dd: {  	[tilespmem:$0x1F640] =	vst v63;
	v63 =	vld [tilespmem:$0x10DF0];
	_ =	sdelay $0x4  }
0x1de: {  	[tilespmem:$0x1F680] =	vst v63;
	v63 =	vld [tilespmem:$0x10FD0];
	_ =	sdelay $0x4  }
0x1df: {  	[tilespmem:$0x1F6C0] =	vst v63;
	v63 =	vld [tilespmem:$0x111B0];
	_ =	sdelay $0x4  }
0x1e0: {  	[tilespmem:$0x1F700] =	vst v63;
	v63 =	vld [tilespmem:$0x11390];
	_ =	sdelay $0x4  }
0x1e1: {  	[tilespmem:$0x1F740] =	vst v63;
	v63 =	vld [tilespmem:$0x11570];
	_ =	sdelay $0x4  }
0x1e2: {  	[tilespmem:$0x1F780] =	vst v63;
	v63 =	vld [tilespmem:$0x11750];
	_ =	sdelay $0x4  }
0x1e3: {  	[tilespmem:$0x1F7C0] =	vst v63;
	v63 =	vld [tilespmem:$0x11930];
	_ =	sdelay $0x4  }
0x1e4: {  	[tilespmem:$0x1F800] =	vst v63;
	v63 =	vld [tilespmem:$0x11B10];
	_ =	sdelay $0x4  }
0x1e5: {  	[tilespmem:$0x1F840] =	vst v63;
	v63 =	vld [tilespmem:$0x11CF0];
	_ =	sdelay $0x4  }
0x1e6: {  	[tilespmem:$0x1F880] =	vst v63;
	v63 =	vld [tilespmem:$0x11ED0];
	_ =	sdelay $0x4  }
0x1e7: {  	[tilespmem:$0x1F8C0] =	vst v63;
	v63 =	vld [tilespmem:$0x102C0];
	_ =	sdelay $0x4  }
0x1e8: {  	[tilespmem:$0x1F550] =	vst v63;
	v63 =	vld [tilespmem:$0x104A0];
	_ =	sdelay $0x4  }
0x1e9: {  	[tilespmem:$0x1F560] =	vst v63;
	v63 =	vld [tilespmem:$0x10680];
	_ =	sdelay $0x4  }
0x1ea: {  	[tilespmem:$0x1F5B0] =	vst v63;
	v63 =	vld [tilespmem:$0x10860];
	_ =	sdelay $0x4  }
0x1eb: {  	[tilespmem:$0x1F5F0] =	vst v63;
	v63 =	vld [tilespmem:$0x10A40];
	_ =	sdelay $0x4  }
0x1ec: {  	[tilespmem:$0x1F630] =	vst v63;
	v63 =	vld [tilespmem:$0x10C20];
	_ =	sdelay $0x4  }
0x1ed: {  	[tilespmem:$0x1F670] =	vst v63;
	v63 =	vld [tilespmem:$0x10E00];
	_ =	sdelay $0x4  }
0x1ee: {  	[tilespmem:$0x1F6B0] =	vst v63;
	v63 =	vld [tilespmem:$0x10FE0];
	_ =	sdelay $0x4  }
0x1ef: {  	[tilespmem:$0x1F6F0] =	vst v63;
	v63 =	vld [tilespmem:$0x111C0];
	_ =	sdelay $0x4  }
0x1f0: {  	[tilespmem:$0x1F730] =	vst v63;
	v63 =	vld [tilespmem:$0x113A0];
	_ =	sdelay $0x4  }
0x1f1: {  	[tilespmem:$0x1F770] =	vst v63;
	v63 =	vld [tilespmem:$0x11580];
	_ =	sdelay $0x4  }
0x1f2: {  	[tilespmem:$0x1F7B0] =	vst v63;
	v63 =	vld [tilespmem:$0x11760];
	_ =	sdelay $0x4  }
0x1f3: {  	[tilespmem:$0x1F7F0] =	vst v63;
	v63 =	vld [tilespmem:$0x11940];
	_ =	sdelay $0x4  }
0x1f4: {  	[tilespmem:$0x1F830] =	vst v63;
	v63 =	vld [tilespmem:$0x11B20];
	_ =	sdelay $0x4  }
0x1f5: {  	[tilespmem:$0x1F870] =	vst v63;
	v63 =	vld [tilespmem:$0x11D00];
	_ =	sdelay $0x4  }
0x1f6: {  	[tilespmem:$0x1F8B0] =	vst v63;
	v63 =	vld [tilespmem:$0x11EE0];
	_ =	sdelay $0x4  }
0x1f7: {  	[tilespmem:$0x1F8E0] =	vst v63;
	v63 =	vld [tilespmem:$0x102D0];
	_ =	sdelay $0x4  }
0x1f8: {  	[tilespmem:$0x1F580] =	vst v63;
	v63 =	vld [tilespmem:$0x104B0];
	_ =	sdelay $0x4  }
0x1f9: {  	[tilespmem:$0x1F590] =	vst v63;
	v63 =	vld [tilespmem:$0x10690];
	_ =	sdelay $0x4  }
0x1fa: {  	[tilespmem:$0x1F5D0] =	vst v63;
	v63 =	vld [tilespmem:$0x10870];
	_ =	sdelay $0x4  }
0x1fb: {  	[tilespmem:$0x1F610] =	vst v63;
	v63 =	vld [tilespmem:$0x10A50];
	_ =	sdelay $0x3  }
0x1fc: {  	v58 =	vld [tilespmem:$0x11E40]  }
0x1fd: {  	[tilespmem:$0x1F650] =	vst v63;
	v63 =	vld [tilespmem:$0x10C30]  }
0x1fe: {  	v32 =	vld [tilespmem:$0x10230]  }
0x1ff: {  	v29 =	vld [tilespmem:$0x10410]  }
0x200: {  	v35 =	vld [tilespmem:$0x105F0]  }
0x201: {  	v44 =	vld [tilespmem:$0x107D0]  }
0x202: {  	[tilespmem:$0x1F690] =	vst v63;
	v63 =	vld [tilespmem:$0x10E10]  }
0x203: {  	v53 =	vld [tilespmem:$0x109B0]  }
0x204: {  	v61 =	vld [tilespmem:$0x10B90]  }
0x205: {  	v4 =	vld [tilespmem:$0x10F50]  }
0x206: {  	v6 =	vld [tilespmem:$0x11130]  }
0x207: {  	[tilespmem:$0x1F6D0] =	vst v63;
	v63 =	vld [tilespmem:$0x10FF0]  }
0x208: {  	v9 =	vld [tilespmem:$0x11310]  }
0x209: {  	v11 =	vld [tilespmem:$0x114F0]  }
0x20a: {  	v12 =	vld [tilespmem:$0x116D0]  }
0x20b: {  	v15 =	vld [tilespmem:$0x118B0]  }
0x20c: {  	[tilespmem:$0x1F710] =	vst v63;
	v63 =	vld [tilespmem:$0x111D0]  }
0x20d: {  	v18 =	vld [tilespmem:$0x11A90]  }
0x20e: {  	v20 =	vld [tilespmem:$0x11C70]  }
0x20f: {  	v24 =	vld [tilespmem:$0x11E50]  }
0x210: {  	v33 =	vld [tilespmem:$0x109C0]  }
0x211: {  	[tilespmem:$0x1F750] =	vst v63;
	v63 =	vld [tilespmem:$0x113B0]  }
0x212: {  	v40 =	vld [tilespmem:$0x10BA0]  }
0x213: {  	v47 =	vld [tilespmem:$0x10D80]  }
0x214: {  	v26 =	vld [tilespmem:$0x11140]  }
0x215: {  	v27 =	vld [tilespmem:$0x11320]  }
0x216: {  	[tilespmem:$0x1F790] =	vst v63;
	v63 =	vld [tilespmem:$0x11590]  }
0x217: {  	v30 =	vld [tilespmem:$0x11500]  }
0x218: {  	v36 =	vld [tilespmem:$0x116E0]  }
0x219: {  	v38 =	vld [tilespmem:$0x118C0]  }
0x21a: {  	v42 =	vld [tilespmem:$0x11AA0]  }
0x21b: {  	[tilespmem:$0x1F7D0] =	vst v63;
	v63 =	vld [tilespmem:$0x11770]  }
0x21c: {  	v45 =	vld [tilespmem:$0x11C80]  }
0x21d: {  	v51 =	vld [tilespmem:$0x11E60]  }
0x21e: {  	v55 =	vld [tilespmem:$0x11330]  }
0x21f: {  	v54 =	vld [tilespmem:$0x116F0]  }
0x220: {  	[tilespmem:$0x1F810] =	vst v63;
	v63 =	vld [tilespmem:$0x11950]  }
0x221: {  	v1 =	vadd.f32 v1, v3;
	v57 =	vld [tilespmem:$0x118D0]  }
0x222: {  	v13 =	vadd.f32 v13, v16;
	v16 =	vld [tilespmem:$0x10E30]  }
0x223: {  	v1 =	vadd.f32 v5, v1;
	v5 =	vld [tilespmem:$0x104F0]  }
0x224: {  	[tilespmem:$0x1F040] =	vst v12;
	v12 =	vld [tilespmem:$0x10240]  }
0x225: {  	[tilespmem:$0x1F850] =	vst v63;
	v63 =	vld [tilespmem:$0x11B30]  }
0x226: {  	[tilespmem:$0x1F010] =	vst v11;
	v11 =	vld [tilespmem:$0x10420]  }
0x227: {  	[tilespmem:$0x1F0C0] =	vst v18;
	v18 =	vld [tilespmem:$0x10600]  }
0x228: {  	[tilespmem:$0x1F140] =	vst v24;
	v24 =	vld [tilespmem:$0x107E0]  }
0x229: {  	[tilespmem:$0x1F120] =	vst v58;
	v58 =	vld [tilespmem:$0x10F60]  }
0x22a: {  	[tilespmem:$0x1F890] =	vst v63;
	v63 =	vld [tilespmem:$0x11D10]  }
0x22b: {  	[tilespmem:$0x1EF90] =	vst v4;
	v4 =	vld [tilespmem:$0x10250]  }
0x22c: {  	[tilespmem:$0x1F0E0] =	vst v2;
	v2 =	vld [tilespmem:$0x10430]  }
0x22d: {  	[tilespmem:$0x1EFB0] =	vst v6;
	v6 =	vld [tilespmem:$0x10610]  }
0x22e: {  	[tilespmem:$0x1EFE0] =	vst v9;
	v9 =	vld [tilespmem:$0x107F0]  }
0x22f: {  	[tilespmem:$0x1F8D0] =	vst v63;
	v63 =	vld [tilespmem:$0x11EF0]  }
0x230: {  	[tilespmem:$0x1F080] =	vst v15;
	v15 =	vld [tilespmem:$0x109D0]  }
0x231: {  	[tilespmem:$0x1F100] =	vst v20;
	v20 =	vld [tilespmem:$0x10BB0]  }
0x232: {  	[tilespmem:$0x1EFD0] =	vst v26;
	v26 =	vld [tilespmem:$0x10D90]  }
0x233: {  	[tilespmem:$0x1F070] =	vst v36;
	v36 =	vld [tilespmem:$0x10F70]  }
0x234: {  	[tilespmem:$0x1F910] =	vst v63;
	v63 =	vld [tilespmem:$0x102E0]  }
0x235: {  	[tilespmem:$0x1F0F0] =	vst v42;
	v42 =	vld [tilespmem:$0x11150]  }
0x236: {  	[tilespmem:$0x1F000] =	vst v27;
	v27 =	vld [tilespmem:$0x11510]  }
0x237: {  	[tilespmem:$0x1EF50] =	vst v61;
	v61 =	vld [tilespmem:$0x11AB0]  }
0x238: {  	[tilespmem:$0x1F030] =	vst v30;
	v30 =	vld [tilespmem:$0x11E70]  }
0x239: {  	[tilespmem:$0x1F8F0] =	vst v63;
	v63 =	vld [tilespmem:$0x104C0]  }
0x23a: {  	[tilespmem:$0x1F0B0] =	vst v38;
	v38 =	vld [tilespmem:$0x10260]  }
0x23b: {  	[tilespmem:$0x1F130] =	vst v45;
	v45 =	vld [tilespmem:$0x10440]  }
0x23c: {  	[tilespmem:$0x1F160] =	vst v51;
	v51 =	vld [tilespmem:$0x10620]  }
0x23d: {  	[tilespmem:$0x1F090] =	vst v54;
	v54 =	vld [tilespmem:$0x10800]  }
0x23e: {  	v1 =	vadd.f32 v7, v1;
	[tilespmem:$0x1F900] =	vst v63;
	v63 =	vld [tilespmem:$0x106A0]  }
0x23f: {  	[tilespmem:$0x1F0D0] =	vst v57;
	v57 =	vld [tilespmem:$0x109E0]  }
0x240: {  	[tilespmem:$0x1FA00] =	vst v16;
	v16 =	vld [tilespmem:$0x11010];
	v1 =	vadd.f32 v8, v1  }
0x241: {  	v8 =	vld [tilespmem:$0x108A0]  }
0x242: {  	v1 =	vadd.f32 v10, v1;
	v10 =	vld [tilespmem:$0x10E40]  }
0x243: {  	[tilespmem:$0x1F940] =	vst v63;
	v63 =	vld [tilespmem:$0x10880]  }
0x244: {  	v1 =	vadd.f32 v14, v1;
	v14 =	vld [tilespmem:$0x11200]  }
0x245: {  	[tilespmem:$0x1F110] =	vst v61;
	v61 =	vld [tilespmem:$0x10BC0]  }
0x246: {  	[tilespmem:$0x1F190] =	vst v30;
	v30 =	vld [tilespmem:$0x10F80]  }
0x247: {  	[tilespmem:$0x1F170] =	vst v38;
	v38 =	vld [tilespmem:$0x11160]  }
0x248: {  	[tilespmem:$0x1F980] =	vst v63;
	v63 =	vld [tilespmem:$0x10A60]  }
0x249: {  	[tilespmem:$0x1F180] =	vst v45;
	v45 =	vld [tilespmem:$0x11340]  }
0x24a: {  	[tilespmem:$0x1F1C0] =	vst v51;
	v51 =	vld [tilespmem:$0x11520]  }
0x24b: {  	[tilespmem:$0x1F1E0] =	vst v54;
	v54 =	vld [tilespmem:$0x11700]  }
0x24c: {  	[tilespmem:$0x1F200] =	vst v57;
	v57 =	vld [tilespmem:$0x118E0]  }
0x24d: {  	[tilespmem:$0x1F9A0] =	vst v63;
	v63 =	vld [tilespmem:$0x10C40]  }
0x24e: {  	[tilespmem:$0x1F050] =	vst v27;
	v27 =	vld [tilespmem:$0x10470]  }
0x24f: {  	[tilespmem:$0x1FA30] =	vst v16;
	v16 =	vld [tilespmem:$0x11B50]  }
0x250: {  	v4 =	vadd.f32 v2, v4;
	v2 =	vld [tilespmem:$0x10C70]  }
0x251: {  	v12 =	vadd.f32 v11, v12;
	v11 =	vld [tilespmem:$0x11990]  }
0x252: {  	[tilespmem:$0x1F9D0] =	vst v63;
	v63 =	vld [tilespmem:$0x10E20]  }
0x253: {  	v1 =	vadd.f32 v19, v1;
	v19 =	vld [tilespmem:$0x113E0]  }
0x254: {  	[tilespmem:$0x1FA20] =	vst v10;
	v10 =	vld [tilespmem:$0x108B0]  }
0x255: {  	[tilespmem:$0x1F9B0] =	vst v8;
	v8 =	vadd.f32 v18, v12;
	v12 =	vld [tilespmem:$0x115D0]  }
0x256: {  	v18 =	vld [tilespmem:$0x11B70]  }
0x257: {  	[tilespmem:$0x1F9F0] =	vst v63;
	v63 =	vld [tilespmem:$0x11000]  }
0x258: {  	v1 =	vadd.f32 v22, v1;
	v22 =	vld [tilespmem:$0x1EEE0]  }
0x259: {  	[tilespmem:$0x1FA70] =	vst v14;
	v14 =	vld [tilespmem:$0x117A0]  }
0x25a: {  	v8 =	vadd.f32 v24, v8;
	v24 =	vld [tilespmem:$0x11F30]  }
0x25b: {  	[tilespmem:$0x1F230] =	vst v61;
	v61 =	vld [tilespmem:$0x11AC0]  }
0x25c: {  	[tilespmem:$0x1FA10] =	vst v63;
	v63 =	vld [tilespmem:$0x111E0]  }
0x25d: {  	[tilespmem:$0x1F2A0] =	vst v30;
	v30 =	vld [tilespmem:$0x11E80]  }
0x25e: {  	[tilespmem:$0x1F2E0] =	vst v38;
	v38 =	vld [tilespmem:$0x10270]  }
0x25f: {  	[tilespmem:$0x1F320] =	vst v45;
	v45 =	vld [tilespmem:$0x10450]  }
0x260: {  	[tilespmem:$0x1F360] =	vst v51;
	v51 =	vld [tilespmem:$0x10630]  }
0x261: {  	[tilespmem:$0x1FA40] =	vst v63;
	v63 =	vld [tilespmem:$0x113C0]  }
0x262: {  	[tilespmem:$0x1F3A0] =	vst v54;
	v54 =	vld [tilespmem:$0x10810]  }
0x263: {  	[tilespmem:$0x1F3E0] =	vst v57;
	v57 =	vld [tilespmem:$0x109F0]  }
0x264: {  	v4 =	vadd.f32 v6, v4;
	v1 =	vadd.f32 v25, v1;
	v25 =	vld [tilespmem:$0x11980]  }
0x265: {  	[tilespmem:$0x1FAA0] =	vst v19;
	v19 =	vld [tilespmem:$0x11D40]  }
0x266: {  	v4 =	vadd.f32 v9, v4;
	[tilespmem:$0x1FA60] =	vst v63;
	v63 =	vld [tilespmem:$0x115A0]  }
0x267: {  	v8 =	vadd.f32 v33, v8;
	v33 =	vld [tilespmem:$0x1EF60]  }
0x268: {  	v4 =	vadd.f32 v15, v4;
	v15 =	vld [tilespmem:$0x117B0]  }
0x269: {  	v1 =	vadd.f32 v31, v1;
	v31 =	vld [tilespmem:$0x1EEF0]  }
0x26a: {  	v8 =	vadd.f32 v40, v8;
	v40 =	vld [tilespmem:$0x1EF80]  }
0x26b: {  	[tilespmem:$0x1FA90] =	vst v63;
	v63 =	vld [tilespmem:$0x11780]  }
0x26c: {  	v4 =	vadd.f32 v20, v4;
	v20 =	vld [tilespmem:$0x11D50]  }
0x26d: {  	v1 =	vadd.f32 v37, v1;
	v37 =	vld [tilespmem:$0x11B60]  }
0x26e: {  	[tilespmem:$0x1F420] =	vst v61;
	v61 =	vld [tilespmem:$0x10BD0]  }
0x26f: {  	[tilespmem:$0x1F4A0] =	vst v30;
	v30 =	vld [tilespmem:$0x10F90]  }
0x270: {  	[tilespmem:$0x1FAC0] =	vst v63;
	v63 =	vld [tilespmem:$0x11960]  }
0x271: {  	[tilespmem:$0x1F1A0] =	vst v38;
	v38 =	vld [tilespmem:$0x11170]  }
0x272: {  	[tilespmem:$0x1F1B0] =	vst v45;
	v45 =	vld [tilespmem:$0x11350]  }
0x273: {  	[tilespmem:$0x1F1D0] =	vst v51;
	v51 =	vld [tilespmem:$0x11530]  }
0x274: {  	[tilespmem:$0x1F1F0] =	vst v54;
	v54 =	vld [tilespmem:$0x11710]  }
0x275: {  	[tilespmem:$0x1FAE0] =	vst v63;
	v63 =	vld [tilespmem:$0x11B40]  }
0x276: {  	[tilespmem:$0x1F220] =	vst v57;
	v57 =	vld [tilespmem:$0x118F0]  }
0x277: {  	v8 =	vadd.f32 v47, v8;
	v47 =	vld [tilespmem:$0x10320]  }
0x278: {  	v4 =	vadd.f32 v26, v4;
	v26 =	vld [tilespmem:$0x10AA0]  }
0x279: {  	v1 =	vadd.f32 v41, v1;
	v41 =	vld [tilespmem:$0x1EF00]  }
0x27a: {  	[tilespmem:$0x1FAF0] =	vst v63;
	v63 =	vld [tilespmem:$0x11D20]  }
0x27b: {  	v8 =	vadd.f32 v58, v8;
	v58 =	vld [tilespmem:$0x106E0]  }
0x27c: {  	v4 =	vadd.f32 v36, v4;
	v36 =	vld [tilespmem:$0x10E60]  }
0x27d: {  	v1 =	vadd.f32 v46, v1;
	v46 =	vld [tilespmem:$0x11F20]  }
0x27e: {  	[tilespmem:$0x1FB20] =	vst v37;
	v37 =	vld [tilespmem:$0x10310]  }
0x27f: {  	[tilespmem:$0x1FB10] =	vst v63;
	v63 =	vld [tilespmem:$0x11F00]  }
0x280: {  	v4 =	vadd.f32 v42, v4;
	v42 =	vld [tilespmem:$0x11040]  }
0x281: {  	[tilespmem:$0x1F250] =	vst v61;
	v61 =	vld [tilespmem:$0x11AD0]  }
0x282: {  	[tilespmem:$0x1F2C0] =	vst v30;
	v30 =	vld [tilespmem:$0x11E90]  }
0x283: {  	[tilespmem:$0x1F3C0] =	vst v54;
	v54 =	vld [tilespmem:$0x10280]  }
0x284: {  	[tilespmem:$0x1FB30] =	vst v63;
	v63 =	vld [tilespmem:$0x102F0]  }
0x285: {  	[tilespmem:$0x1F380] =	vst v51;
	v51 =	vld [tilespmem:$0x10460]  }
0x286: {  	[tilespmem:$0x1F300] =	vst v38;
	v38 =	vld [tilespmem:$0x10820]  }
0x287: {  	[tilespmem:$0x1F340] =	vst v45;
	v45 =	vld [tilespmem:$0x10A00]  }
0x288: {  	[tilespmem:$0x1F400] =	vst v57;
	v57 =	vld [tilespmem:$0x10BE0]  }
0x289: {  	[tilespmem:$0x1F920] =	vst v63;
	v63 =	vld [tilespmem:$0x104D0]  }
0x28a: {  	v1 =	vadd.f32 v49, v1;
	v49 =	vld [tilespmem:$0x1EF10]  }
0x28b: {  	[tilespmem:$0x1FB50] =	vst v47;
	v47 =	vld [tilespmem:$0x11220]  }
0x28c: {  	[tilespmem:$0x1FBD0] =	vst v26;
	v26 =	vld [tilespmem:$0x1F110]  }
0x28d: {  	v4 =	vadd.f32 v55, v4;
	v55 =	vld [tilespmem:$0x1F0C0]  }
0x28e: {  	[tilespmem:$0x1F930] =	vst v63;
	v63 =	vld [tilespmem:$0x106B0]  }
0x28f: {  	v1 =	vadd.f32 v59, v1;
	v59 =	vld [tilespmem:$0x10A90];
	[tilespmem:$0x1FB90] =	vst v58  }
0x290: {  	[tilespmem:$0x1FC10] =	vst v36;
	v58 =	vld [tilespmem:$0x115E0]  }
0x291: {  	v36 =	vld [tilespmem:$0x1F150];
	[tilespmem:$0x1FB40] =	vst v46  }
0x292: {  	v46 =	vld [tilespmem:$0x1EFB0];
	[tilespmem:$0x1FEF0] =	vst v1  }
0x293: {  	[tilespmem:$0x1F970] =	vst v63;
	v63 =	vld [tilespmem:$0x10890]  }
0x294: {  	v1 =	vld [tilespmem:$0x106D0];
	[tilespmem:$0x1F440] =	vst v61  }
0x295: {  	[tilespmem:$0x1F4C0] =	vst v30;
	v30 =	vld [tilespmem:$0x10FA0]  }
0x296: {  	[tilespmem:$0x1F210] =	vst v38;
	v38 =	vld [tilespmem:$0x11180]  }
0x297: {  	[tilespmem:$0x1F240] =	vst v45;
	v45 =	vld [tilespmem:$0x11360]  }
0x298: {  	[tilespmem:$0x1F990] =	vst v63;
	v63 =	vld [tilespmem:$0x10A70]  }
0x299: {  	[tilespmem:$0x1F270] =	vst v57;
	v57 =	vld [tilespmem:$0x11540]  }
0x29a: {  	[tilespmem:$0x1F2F0] =	vst v30;
	v30 =	vld [tilespmem:$0x11900]  }
0x29b: {  	[tilespmem:$0x1F330] =	vst v38;
	v38 =	vld [tilespmem:$0x11AE0]  }
0x29c: {  	[tilespmem:$0x1F370] =	vst v45;
	v45 =	vld [tilespmem:$0x11CC0]  }
0x29d: {  	[tilespmem:$0x1F9C0] =	vst v63;
	v63 =	vld [tilespmem:$0x10C50]  }
0x29e: {  	[tilespmem:$0x1F3B0] =	vst v57;
	v57 =	vld [tilespmem:$0x11EA0]  }
0x29f: {  	v61 =	vld [tilespmem:$0x10640];
	[tilespmem:$0x1F430] =	vst v30  }
0x2a0: {  	[tilespmem:$0x1F470] =	vst v38;
	v30 =	vld [tilespmem:$0x10290]  }
0x2a1: {  	[tilespmem:$0x1F4B0] =	vst v45;
	v38 =	vld [tilespmem:$0x10650]  }
0x2a2: {  	v45 =	vld [tilespmem:$0x10830];
	[tilespmem:$0x1F9E0] =	vst v63;
	v63 =	vadd.f32 v17, v13  }
0x2a3: {  	[tilespmem:$0x1F4E0] =	vst v57;
	v57 =	vld [tilespmem:$0x10A10]  }
0x2a4: {  	v17 =	vld [tilespmem:$0x111F0];
	v3 =	vadd.f32 v21, v63  }
0x2a5: {  	v21 =	vld [tilespmem:$0x113D0]  }
0x2a6: {  	v13 =	vld [tilespmem:$0x11790];
	v3 =	vadd.f32 v23, v3  }
0x2a7: {  	v63 =	vld [tilespmem:$0x115B0]  }
0x2a8: {  	v23 =	vld [tilespmem:$0x11F10];
	v3 =	vadd.f32 v28, v3  }
0x2a9: {  	[tilespmem:$0x1FA50] =	vst v17;
	v17 =	vld [tilespmem:$0x11970]  }
0x2aa: {  	[tilespmem:$0x1FA80] =	vst v21;
	v21 =	vld [tilespmem:$0x115C0];
	v3 =	vadd.f32 v34, v3  }
0x2ab: {  	v34 =	vld [tilespmem:$0x10300]  }
0x2ac: {  	v28 =	vld [tilespmem:$0x11D30];
	v3 =	vadd.f32 v39, v3  }
0x2ad: {  	v39 =	vld [tilespmem:$0x104E0]  }
0x2ae: {  	v3 =	vadd.f32 v43, v3;
	v43 =	vld [tilespmem:$0x10C60]  }
0x2af: {  	[tilespmem:$0x1FAD0] =	vst v21;
	v21 =	vld [tilespmem:$0x1EF20]  }
0x2b0: {  	[tilespmem:$0x1F950] =	vst v34;
	v34 =	vld [tilespmem:$0x106C0]  }
0x2b1: {  	v3 =	vadd.f32 v48, v3;
	v48 =	vld [tilespmem:$0x11020]  }
0x2b2: {  	[tilespmem:$0x1F960] =	vst v39;
	v39 =	vld [tilespmem:$0x10A80]  }
0x2b3: {  	v3 =	vadd.f32 v56, v3;
	v56 =	vadd.f32 v50, v52;
	v52 =	vld [tilespmem:$0x10E50]  }
0x2b4: {  	v50 =	vld [tilespmem:$0x1EFD0]  }
0x2b5: {  	v3 =	vadd.f32 v62, v3;
	v62 =	vadd.f32 v29, v32;
	v29 =	vld [tilespmem:$0x1EF40]  }
0x2b6: {  	v32 =	vld [tilespmem:$0x1EF50]  }
0x2b7: {  	v3 =	vadd.f32 v22, v3;
	v22 =	vld [tilespmem:$0x1EF30]  }
0x2b8: {  	v7 =	vadd.f32 v35, v62;
	v35 =	vld [tilespmem:$0x1EF70]  }
0x2b9: {  	v62 =	vld [tilespmem:$0x1EFF0];
	v3 =	vadd.f32 v31, v3  }
0x2ba: {  	v8 =	vadd.f32 v50, v8;
	v50 =	vld [tilespmem:$0x1F0B0]  }
0x2bb: {  	v31 =	vld [tilespmem:$0x113F0];
	v3 =	vadd.f32 v41, v3  }
0x2bc: {  	v7 =	vadd.f32 v44, v7;
	v44 =	vld [tilespmem:$0x1EFA0]  }
0x2bd: {  	v41 =	vld [tilespmem:$0x1EF90];
	v3 =	vadd.f32 v49, v3  }
0x2be: {  	v7 =	vadd.f32 v53, v7;
	v53 =	vld [tilespmem:$0x10500]  }
0x2bf: {  	v49 =	vld [tilespmem:$0x1EFC0];
	[tilespmem:$0x1FEE0] =	vst v3;
	v3 =	vadd.f32 v0, v56  }
0x2c0: {  	v7 =	vadd.f32 v32, v7;
	v32 =	vld [tilespmem:$0x10C80]  }
0x2c1: {  	[tilespmem:$0x1FAB0] =	vst v31;
	v31 =	vld [tilespmem:$0x1F030];
	v3 =	vadd.f32 v21, v3  }
0x2c2: {  	v0 =	vld [tilespmem:$0x11030]  }
0x2c3: {  	[tilespmem:$0x1FB00] =	vst v25;
	v56 =	vld [tilespmem:$0x1EFE0];
	v25 =	vadd.f32 v22, v3  }
0x2c4: {  	v7 =	vadd.f32 v35, v7;
	v35 =	vld [tilespmem:$0x1F050]  }
0x2c5: {  	[tilespmem:$0x1FB60] =	vst v53;
	v53 =	vld [tilespmem:$0x11400];
	v6 =	vadd.f32 v29, v25  }
0x2c6: {  	v7 =	vadd.f32 v41, v7;
	v21 =	vld [tilespmem:$0x1F000]  }
0x2c7: {  	v22 =	vld [tilespmem:$0x108C0];
	v6 =	vadd.f32 v33, v6  }
0x2c8: {  	v7 =	vadd.f32 v46, v7;
	v25 =	vld [tilespmem:$0x1F010]  }
0x2c9: {  	v4 =	vadd.f32 v35, v4;
	v35 =	vld [tilespmem:$0x1F140];
	v6 =	vadd.f32 v40, v6  }
0x2ca: {  	v33 =	vld [tilespmem:$0x1F040]  }
0x2cb: {  	v7 =	vadd.f32 v56, v7;
	v29 =	vld [tilespmem:$0x1F020];
	v6 =	vadd.f32 v44, v6  }
0x2cc: {  	v44 =	vld [tilespmem:$0x1F080]  }
0x2cd: {  	[tilespmem:$0x1FBB0] =	vst v22;
	v22 =	vld [tilespmem:$0x117C0];
	v7 =	vadd.f32 v25, v7;
	v6 =	vadd.f32 v49, v6  }
0x2ce: {  	v40 =	vld [tilespmem:$0x1F060]  }
0x2cf: {  	v25 =	vld [tilespmem:$0x1F100];
	v7 =	vadd.f32 v33, v7;
	v6 =	vadd.f32 v62, v6  }
0x2d0: {  	v49 =	vld [tilespmem:$0x1F0A0]  }
0x2d1: {  	[tilespmem:$0x1FC30] =	vst v42;
	v33 =	vld [tilespmem:$0x11B80];
	v7 =	vadd.f32 v44, v7;
	v6 =	vadd.f32 v29, v6  }
0x2d2: {  	[tilespmem:$0x1FC60] =	vst v47;
	v8 =	vadd.f32 v21, v8;
	v62 =	vld [tilespmem:$0x1F0E0]  }
0x2d3: {  	[tilespmem:$0x1FCC0] =	vst v58;
	v29 =	vld [tilespmem:$0x119A0];
	v7 =	vadd.f32 v55, v7;
	v6 =	vadd.f32 v40, v6  }
0x2d4: {  	[tilespmem:$0x1FBF0] =	vst v32;
	v8 =	vadd.f32 v31, v8;
	v31 =	vld [tilespmem:$0x1F120]  }
0x2d5: {  	[tilespmem:$0x1FC90] =	vst v53;
	v40 =	vld [tilespmem:$0x11D60];
	v7 =	vadd.f32 v25, v7;
	v6 =	vadd.f32 v49, v6  }
0x2d6: {  	v41 =	vld [tilespmem:$0x1F070];
	[tilespmem:$0x1FCF0] =	vst v22  }
0x2d7: {  	v32 =	vld [tilespmem:$0x1F130];
	[tilespmem:$0x1FD50] =	vst v33;
	v7 =	vadd.f32 v35, v7;
	v6 =	vadd.f32 v62, v6  }
0x2d8: {  	v3 =	vld [tilespmem:$0x11210];
	[tilespmem:$0x1FD20] =	vst v29  }
0x2d9: {  	v46 =	vld [tilespmem:$0x1F090];
	[tilespmem:$0x1FF10] =	vst v7;
	v6 =	vadd.f32 v31, v6  }
0x2da: {  	v56 =	vld [tilespmem:$0x1F0D0];
	[tilespmem:$0x1FD80] =	vst v40  }
0x2db: {  	v21 =	vld [tilespmem:$0x1F0F0];
	[tilespmem:$0x1FF00] =	vst v6  }
0x2dc: {  	v7 =	vld [tilespmem:$0x1F160]  }
0x2dd: {  	v8 =	vadd.f32 v41, v8;
	v41 =	vld [tilespmem:$0x1F170]  }
0x2de: {  	v42 =	vld [tilespmem:$0x1F180]  }
0x2df: {  	v44 =	vld [tilespmem:$0x11F40]  }
0x2e0: {  	v4 =	vadd.f32 v46, v4;
	v46 =	vld [tilespmem:$0x1F190]  }
0x2e1: {  	v47 =	vld [tilespmem:$0x1F1A0]  }
0x2e2: {  	v49 =	vld [tilespmem:$0x1F1B0]  }
0x2e3: {  	v8 =	vadd.f32 v50, v8;
	v50 =	vld [tilespmem:$0x10330]  }
0x2e4: {  	v53 =	vld [tilespmem:$0x1F1C0]  }
0x2e5: {  	v55 =	vld [tilespmem:$0x10510]  }
0x2e6: {  	v4 =	vadd.f32 v56, v4;
	v56 =	vld [tilespmem:$0x1F1D0]  }
0x2e7: {  	v62 =	vld [tilespmem:$0x106F0]  }
0x2e8: {  	v8 =	vadd.f32 v21, v8;
	v21 =	vld [tilespmem:$0x1F1E0]  }
0x2e9: {  	v22 =	vld [tilespmem:$0x108D0]  }
0x2ea: {  	v25 =	vld [tilespmem:$0x1F1F0]  }
0x2eb: {  	v4 =	vadd.f32 v26, v4;
	v26 =	vld [tilespmem:$0x10AB0]  }
0x2ec: {  	v58 =	vadd.f32 v27, v30;
	v27 =	vld [tilespmem:$0x1F200]  }
0x2ed: {  	v29 =	vld [tilespmem:$0x1F210]  }
0x2ee: {  	v30 =	vld [tilespmem:$0x10C90]  }
0x2ef: {  	v31 =	vld [tilespmem:$0x1F220]  }
0x2f0: {  	v6 =	vadd.f32 v32, v8;
	v32 =	vld [tilespmem:$0x10E70]  }
0x2f1: {  	v33 =	vld [tilespmem:$0x1F230]  }
0x2f2: {  	v5 =	vadd.f32 v5, v37;
	v35 =	vld [tilespmem:$0x1F240]  }
0x2f3: {  	v4 =	vadd.f32 v36, v4;
	v36 =	vld [tilespmem:$0x11050]  }
0x2f4: {  	v1 =	vadd.f32 v1, v5;
	v8 =	vadd.f32 v38, v58;
	v38 =	vld [tilespmem:$0x1F250]  }
0x2f5: {  	v40 =	vld [tilespmem:$0x11230]  }
0x2f6: {  	v54 =	vadd.f32 v51, v54;
	v1 =	vadd.f32 v10, v1;
	v51 =	vld [tilespmem:$0x117D0]  }
0x2f7: {  	v58 =	vld [tilespmem:$0x11B90]  }
0x2f8: {  	v1 =	vadd.f32 v59, v1;
	v9 =	vld [tilespmem:$0x1F8B0]  }
0x2f9: {  	v37 =	vld [tilespmem:$0x11F80]  }
0x2fa: {  	v1 =	vadd.f32 v2, v1;
	v59 =	vld [tilespmem:$0x1F9F0]  }
0x2fb: {  	v10 =	vld [tilespmem:$0x1FA10]  }
0x2fc: {  	v1 =	vadd.f32 v52, v1;
	v52 =	vld [tilespmem:$0x1FA60];
	v8 =	vadd.f32 v45, v8  }
0x2fd: {  	v45 =	vld [tilespmem:$0x1F280]  }
0x2fe: {  	v8 =	vadd.f32 v57, v8;
	v57 =	vld [tilespmem:$0x1F2F0]  }
0x2ff: {  	[tilespmem:$0x1FDB0] =	vst v44;
	v44 =	vld [tilespmem:$0x11410]  }
0x300: {  	v4 =	vadd.f32 v46, v4;
	v46 =	vld [tilespmem:$0x1F290]  }
0x301: {  	[tilespmem:$0x1FB70] =	vst v50;
	v50 =	vld [tilespmem:$0x1F2B0]  }
0x302: {  	v6 =	vadd.f32 v7, v6;
	v7 =	vadd.f32 v61, v54;
	v54 =	vld [tilespmem:$0x1F2D0]  }
0x303: {  	[tilespmem:$0x1FB80] =	vst v55;
	v55 =	vld [tilespmem:$0x119B0]  }
0x304: {  	v61 =	vld [tilespmem:$0x1F300]  }
0x305: {  	[tilespmem:$0x1FBA0] =	vst v62;
	v62 =	vld [tilespmem:$0x1F310]  }
0x306: {  	[tilespmem:$0x1FBC0] =	vst v22;
	v22 =	vld [tilespmem:$0x1F320]  }
0x307: {  	[tilespmem:$0x1FBE0] =	vst v26;
	v26 =	vld [tilespmem:$0x11F50]  }
0x308: {  	[tilespmem:$0x1FC00] =	vst v30;
	v30 =	vld [tilespmem:$0x1F360]  }
0x309: {  	[tilespmem:$0x1FC20] =	vst v32;
	v32 =	vld [tilespmem:$0x1F380]  }
0x30a: {  	[tilespmem:$0x1FC50] =	vst v36;
	v36 =	vld [tilespmem:$0x1F3A0]  }
0x30b: {  	[tilespmem:$0x1FC80] =	vst v40;
	v40 =	vld [tilespmem:$0x1F3B0]  }
0x30c: {  	[tilespmem:$0x1FD10] =	vst v51;
	v51 =	vld [tilespmem:$0x1F420]  }
0x30d: {  	[tilespmem:$0x1FD70] =	vst v58;
	v58 =	vld [tilespmem:$0x1F450]  }
0x30e: {  	[tilespmem:$0x1FED0] =	vst v37;
	v37 =	vld [tilespmem:$0x10910]  }
0x30f: {  	[tilespmem:$0x1FF20] =	vst v6;
	v6 =	vadd.f32 v42, v41;
	v41 =	vld [tilespmem:$0x1F260]  }
0x310: {  	v42 =	vld [tilespmem:$0x1F270]  }
0x311: {  	[tilespmem:$0x1FF30] =	vst v4;
	v4 =	vadd.f32 v49, v47;
	v47 =	vld [tilespmem:$0x115F0]  }
0x312: {  	v49 =	vld [tilespmem:$0x1F2A0]  }
0x313: {  	v7 =	vadd.f32 v29, v7;
	v29 =	vld [tilespmem:$0x1F350]  }
0x314: {  	v6 =	vadd.f32 v53, v6;
	v53 =	vld [tilespmem:$0x1F2C0]  }
0x315: {  	v4 =	vadd.f32 v56, v4;
	v56 =	vld [tilespmem:$0x1F2E0]  }
0x316: {  	v7 =	vadd.f32 v35, v7;
	v35 =	vld [tilespmem:$0x10520]  }
0x317: {  	[tilespmem:$0x1FCB0] =	vst v44;
	v44 =	vld [tilespmem:$0x1F3E0]  }
0x318: {  	v8 =	vadd.f32 v46, v8;
	v46 =	vld [tilespmem:$0x1F400]  }
0x319: {  	[tilespmem:$0x1FD40] =	vst v55;
	v55 =	vld [tilespmem:$0x11060]  }
0x31a: {  	[tilespmem:$0x1FDD0] =	vst v26;
	v26 =	vld [tilespmem:$0x1F480]  }
0x31b: {  	v6 =	vadd.f32 v21, v6;
	v21 =	vld [tilespmem:$0x11D70]  }
0x31c: {  	v4 =	vadd.f32 v25, v4;
	v25 =	vld [tilespmem:$0x1F330]  }
0x31d: {  	v7 =	vadd.f32 v42, v7;
	v42 =	vld [tilespmem:$0x1F3D0]  }
0x31e: {  	v8 =	vadd.f32 v54, v8;
	v54 =	vld [tilespmem:$0x10CA0]  }
0x31f: {  	[tilespmem:$0x1FCE0] =	vst v47;
	v47 =	vld [tilespmem:$0x1F410]  }
0x320: {  	v6 =	vadd.f32 v27, v6;
	v27 =	vld [tilespmem:$0x1F340]  }
0x321: {  	v4 =	vadd.f32 v31, v4;
	v31 =	vld [tilespmem:$0x1F370]  }
0x322: {  	v8 =	vadd.f32 v62, v8;
	v62 =	vld [tilespmem:$0x10700]  }
0x323: {  	v7 =	vadd.f32 v50, v7;
	v50 =	vld [tilespmem:$0x10AC0]  }
0x324: {  	v4 =	vadd.f32 v38, v4;
	v38 =	vld [tilespmem:$0x10340]  }
0x325: {  	v6 =	vadd.f32 v33, v6;
	v33 =	vld [tilespmem:$0x1F390]  }
0x326: {  	[tilespmem:$0x1FC70] =	vst v55;
	v55 =	vld [tilespmem:$0x1F550]  }
0x327: {  	v7 =	vadd.f32 v57, v7;
	v57 =	vld [tilespmem:$0x108E0]  }
0x328: {  	[tilespmem:$0x1FDA0] =	vst v21;
	v21 =	vld [tilespmem:$0x1F460]  }
0x329: {  	v8 =	vadd.f32 v29, v8;
	v29 =	vld [tilespmem:$0x11600]  }
0x32a: {  	v6 =	vadd.f32 v41, v6;
	v41 =	vld [tilespmem:$0x1F3C0]  }
0x32b: {  	v4 =	vadd.f32 v45, v4;
	v45 =	vld [tilespmem:$0x1F3F0]  }
0x32c: {  	v7 =	vadd.f32 v25, v7;
	v25 =	vld [tilespmem:$0x11420]  }
0x32d: {  	v6 =	vadd.f32 v49, v6;
	v49 =	vld [tilespmem:$0x10E80]  }
0x32e: {  	v4 =	vadd.f32 v53, v4;
	v53 =	vld [tilespmem:$0x1F430]  }
0x32f: {  	v7 =	vadd.f32 v31, v7;
	v31 =	vld [tilespmem:$0x1F4B0]  }
0x330: {  	v8 =	vadd.f32 v33, v8;
	v33 =	vld [tilespmem:$0x1F4C0]  }
0x331: {  	v35 =	vadd.f32 v35, v38;
	v38 =	vld [tilespmem:$0x11820]  }
0x332: {  	v6 =	vadd.f32 v56, v6;
	v56 =	vld [tilespmem:$0x1F440]  }
0x333: {  	v4 =	vadd.f32 v61, v4;
	v61 =	vld [tilespmem:$0x11240]  }
0x334: {  	[tilespmem:$0x1FD00] =	vst v29;
	v29 =	vld [tilespmem:$0x1F5D0]  }
0x335: {  	v7 =	vadd.f32 v40, v7;
	v40 =	vld [tilespmem:$0x119C0]  }
0x336: {  	v8 =	vadd.f32 v42, v8;
	v42 =	vld [tilespmem:$0x1F4F0]  }
0x337: {  	v35 =	vadd.f32 v62, v35;
	v62 =	vld [tilespmem:$0x11BE0]  }
0x338: {  	v6 =	vadd.f32 v22, v6;
	v22 =	vld [tilespmem:$0x1F470]  }
0x339: {  	v4 =	vadd.f32 v27, v4;
	v27 =	vld [tilespmem:$0x1F490]  }
0x33a: {  	[tilespmem:$0x1FCD0] =	vst v25;
	v25 =	vld [tilespmem:$0x1F5A0]  }
0x33b: {  	v7 =	vadd.f32 v45, v7;
	v45 =	vld [tilespmem:$0x11BA0]  }
0x33c: {  	v8 =	vadd.f32 v47, v8;
	v47 =	vld [tilespmem:$0x1F520]  }
0x33d: {  	[tilespmem:$0x1FC40] =	vst v49;
	v49 =	vld [tilespmem:$0x1F530]  }
0x33e: {  	v57 =	vadd.f32 v57, v35;
	v35 =	vld [tilespmem:$0x11FA0]  }
0x33f: {  	v6 =	vadd.f32 v30, v6;
	v30 =	vld [tilespmem:$0x1F4A0]  }
0x340: {  	v4 =	vadd.f32 v32, v4;
	v32 =	vld [tilespmem:$0x117E0]  }
0x341: {  	v7 =	vadd.f32 v53, v7;
	v53 =	vld [tilespmem:$0x1F540]  }
0x342: {  	v8 =	vadd.f32 v58, v8;
	v58 =	vld [tilespmem:$0x11F60]  }
0x343: {  	[tilespmem:$0x1FCA0] =	vst v61;
	v61 =	vld [tilespmem:$0x1F570]  }
0x344: {  	v50 =	vadd.f32 v50, v57;
	v57 =	vld [tilespmem:$0x10570]  }
0x345: {  	v6 =	vadd.f32 v36, v6;
	v36 =	vld [tilespmem:$0x1F4D0]  }
0x346: {  	v4 =	vadd.f32 v41, v4;
	v41 =	vld [tilespmem:$0x1F4E0]  }
0x347: {  	[tilespmem:$0x1FD60] =	vst v40;
	v40 =	vld [tilespmem:$0x1F630]  }
0x348: {  	v7 =	vadd.f32 v22, v7;
	v22 =	vld [tilespmem:$0x1F590]  }
0x349: {  	v8 =	vadd.f32 v27, v8;
	v27 =	vld [tilespmem:$0x1F5C0]  }
0x34a: {  	v50 =	vadd.f32 v54, v50;
	v54 =	vld [tilespmem:$0x10930]  }
0x34b: {  	v6 =	vadd.f32 v44, v6;
	v44 =	vld [tilespmem:$0x1F500]  }
0x34c: {  	v4 =	vadd.f32 v46, v4;
	v46 =	vld [tilespmem:$0x1F510]  }
0x34d: {  	[tilespmem:$0x1FD90] =	vst v45;
	v45 =	vld [tilespmem:$0x1F670]  }
0x34e: {  	[tilespmem:$0x1FD30] =	vst v32;
	v32 =	vld [tilespmem:$0x1F600]  }
0x34f: {  	v6 =	vadd.f32 v51, v6;
	v51 =	vld [tilespmem:$0x11D80]  }
0x350: {  	v4 =	vadd.f32 v56, v4;
	v56 =	vld [tilespmem:$0x1F560]  }
0x351: {  	[tilespmem:$0x1FDF0] =	vst v58;
	v58 =	vld [tilespmem:$0x1F6F0]  }
0x352: {  	v6 =	vadd.f32 v21, v6;
	v21 =	vld [tilespmem:$0x1F580]  }
0x353: {  	v4 =	vadd.f32 v26, v4;
	v26 =	vld [tilespmem:$0x1F5B0]  }
0x354: {  	v6 =	vadd.f32 v30, v6;
	v30 =	vld [tilespmem:$0x1F5E0]  }
0x355: {  	v4 =	vadd.f32 v33, v4;
	v33 =	vld [tilespmem:$0x1F610]  }
0x356: {  	[tilespmem:$0x1FDC0] =	vst v51;
	v51 =	vld [tilespmem:$0x1F6B0]  }
0x357: {  	[tilespmem:$0x1FF40] =	vst v6;
	v6 =	vadd.f32 v31, v7;
	v31 =	vld [tilespmem:$0x1F5F0]  }
0x358: {  	[tilespmem:$0x1FF50] =	vst v4;
	v4 =	vadd.f32 v36, v8;
	v36 =	vld [tilespmem:$0x1F620]  }
0x359: {  	v7 =	vadd.f32 v56, v55;
	v55 =	vld [tilespmem:$0x1F6D0]  }
0x35a: {  	v56 =	vld [tilespmem:$0x1F6E0]  }
0x35b: {  	v8 =	vadd.f32 v22, v21;
	v22 =	vld [tilespmem:$0x10350]  }
0x35c: {  	v21 =	vld [tilespmem:$0x10710]  }
0x35d: {  	v6 =	vadd.f32 v41, v6;
	v41 =	vld [tilespmem:$0x1F640]  }
0x35e: {  	v4 =	vadd.f32 v46, v4;
	v46 =	vld [tilespmem:$0x1F680]  }
0x35f: {  	v7 =	vadd.f32 v26, v7;
	v26 =	vld [tilespmem:$0x1F700]  }
0x360: {  	v8 =	vadd.f32 v29, v8;
	v29 =	vld [tilespmem:$0x10CB0]  }
0x361: {  	[tilespmem:$0x1FF60] =	vst v6;
	v6 =	vadd.f32 v44, v42;
	v42 =	vld [tilespmem:$0x1F650]  }
0x362: {  	v44 =	vld [tilespmem:$0x1F660]  }
0x363: {  	[tilespmem:$0x1FF70] =	vst v4;
	v4 =	vadd.f32 v49, v47;
	v47 =	vld [tilespmem:$0x1F690]  }
0x364: {  	v49 =	vld [tilespmem:$0x1F6A0]  }
0x365: {  	v7 =	vadd.f32 v31, v7;
	v31 =	vld [tilespmem:$0x10E90]  }
0x366: {  	v8 =	vadd.f32 v33, v8;
	v33 =	vld [tilespmem:$0x11250]  }
0x367: {  	v4 =	vadd.f32 v61, v4;
	v61 =	vld [tilespmem:$0x10530]  }
0x368: {  	v6 =	vadd.f32 v53, v6;
	v53 =	vld [tilespmem:$0x1F6C0]  }
0x369: {  	v7 =	vadd.f32 v40, v7;
	v40 =	vld [tilespmem:$0x11610]  }
0x36a: {  	v6 =	vadd.f32 v25, v6;
	v25 =	vld [tilespmem:$0x108F0]  }
0x36b: {  	v4 =	vadd.f32 v27, v4;
	v27 =	vld [tilespmem:$0x10AD0]  }
0x36c: {  	v8 =	vadd.f32 v42, v8;
	v42 =	vld [tilespmem:$0x117F0]  }
0x36d: {  	v7 =	vadd.f32 v45, v7;
	v45 =	vld [tilespmem:$0x119D0]  }
0x36e: {  	v4 =	vadd.f32 v32, v4;
	v32 =	vld [tilespmem:$0x11070]  }
0x36f: {  	v6 =	vadd.f32 v30, v6;
	v30 =	vld [tilespmem:$0x1F710]  }
0x370: {  	v8 =	vadd.f32 v47, v8;
	v47 =	vld [tilespmem:$0x1F750]  }
0x371: {  	v7 =	vadd.f32 v51, v7;
	v51 =	vld [tilespmem:$0x11D90]  }
0x372: {  	v61 =	vadd.f32 v61, v22;
	v22 =	vld [tilespmem:$0x10390]  }
0x373: {  	v6 =	vadd.f32 v36, v6;
	v36 =	vld [tilespmem:$0x11430]  }
0x374: {  	v4 =	vadd.f32 v41, v4;
	v41 =	vld [tilespmem:$0x1F720]  }
0x375: {  	v8 =	vadd.f32 v55, v8;
	v55 =	vld [tilespmem:$0x1F770]  }
0x376: {  	v7 =	vadd.f32 v58, v7;
	v58 =	vld [tilespmem:$0x1F780]  }
0x377: {  	v21 =	vadd.f32 v21, v61;
	v61 =	vld [tilespmem:$0x11DC0]  }
0x378: {  	v6 =	vadd.f32 v44, v6;
	v44 =	vld [tilespmem:$0x1F730]  }
0x379: {  	v4 =	vadd.f32 v46, v4;
	v46 =	vld [tilespmem:$0x1F740]  }
0x37a: {  	v8 =	vadd.f32 v30, v8;
	v30 =	vld [tilespmem:$0x1F7A0]  }
0x37b: {  	v21 =	vadd.f32 v25, v21;
	v25 =	vld [tilespmem:$0x10750]  }
0x37c: {  	v6 =	vadd.f32 v49, v6;
	v49 =	vld [tilespmem:$0x11BB0]  }
0x37d: {  	v4 =	vadd.f32 v53, v4;
	v53 =	vld [tilespmem:$0x1F760]  }
0x37e: {  	[tilespmem:$0x1FDE0] =	vst v51;
	v51 =	vld [tilespmem:$0x1F7F0]  }
0x37f: {  	v8 =	vadd.f32 v47, v8;
	v47 =	vld [tilespmem:$0x1F7E0]  }
0x380: {  	v21 =	vadd.f32 v27, v21;
	v27 =	vld [tilespmem:$0x1FC20]  }
0x381: {  	v6 =	vadd.f32 v56, v6;
	v56 =	vld [tilespmem:$0x11F70]  }
0x382: {  	v4 =	vadd.f32 v26, v4;
	v26 =	vld [tilespmem:$0x1F790]  }
0x383: {  	v7 =	vadd.f32 v44, v7;
	v44 =	vld [tilespmem:$0x1F7C0]  }
0x384: {  	v21 =	vadd.f32 v29, v21;
	v29 =	vld [tilespmem:$0x1FC30]  }
0x385: {  	v6 =	vadd.f32 v41, v6;
	v41 =	vld [tilespmem:$0x1F7B0]  }
0x386: {  	v4 =	vadd.f32 v46, v4;
	v46 =	vld [tilespmem:$0x1F7D0]  }
0x387: {  	v7 =	vadd.f32 v55, v7;
	v55 =	vld [tilespmem:$0x10900]  }
0x388: {  	v21 =	vadd.f32 v31, v21;
	v31 =	vld [tilespmem:$0x11290]  }
0x389: {  	v4 =	vadd.f32 v58, v4;
	v58 =	vld [tilespmem:$0x10360]  }
0x38a: {  	v6 =	vadd.f32 v53, v6;
	v53 =	vld [tilespmem:$0x10540]  }
0x38b: {  	[tilespmem:$0x1FE00] =	vst v56;
	v56 =	vld [tilespmem:$0x10720]  }
0x38c: {  	v8 =	vadd.f32 v26, v8;
	v26 =	vld [tilespmem:$0x1F800]  }
0x38d: {  	v21 =	vadd.f32 v32, v21;
	v32 =	vld [tilespmem:$0x1FCB0]  }
0x38e: {  	v6 =	vadd.f32 v30, v6;
	v30 =	vld [tilespmem:$0x1F810]  }
0x38f: {  	v4 =	vadd.f32 v44, v4;
	v44 =	vld [tilespmem:$0x1F820]  }
0x390: {  	v7 =	vadd.f32 v41, v7;
	v41 =	vld [tilespmem:$0x10AE0]  }
0x391: {  	v8 =	vadd.f32 v46, v8;
	v46 =	vld [tilespmem:$0x1F830]  }
0x392: {  	v21 =	vadd.f32 v33, v21;
	v33 =	vld [tilespmem:$0x1FCC0]  }
0x393: {  	v6 =	vadd.f32 v47, v6;
	v47 =	vld [tilespmem:$0x10CC0]  }
0x394: {  	[tilespmem:$0x1FE10] =	vst v55;
	v55 =	vld [tilespmem:$0x1F850]  }
0x395: {  	v7 =	vadd.f32 v51, v7;
	v51 =	vld [tilespmem:$0x1F840]  }
0x396: {  	v21 =	vadd.f32 v36, v21;
	v36 =	vld [tilespmem:$0x1FD00]  }
0x397: {  	v4 =	vadd.f32 v26, v4;
	v26 =	vld [tilespmem:$0x10EA0]  }
0x398: {  	v8 =	vadd.f32 v30, v8;
	v30 =	vld [tilespmem:$0x1F860]  }
0x399: {  	v6 =	vadd.f32 v44, v6;
	v44 =	vld [tilespmem:$0x11080]  }
0x39a: {  	v21 =	vadd.f32 v40, v21;
	v40 =	vld [tilespmem:$0x1FD40]  }
0x39b: {  	[tilespmem:$0x1FE20] =	vst v41;
	v41 =	vld [tilespmem:$0x1F870]  }
0x39c: {  	v7 =	vadd.f32 v46, v7;
	v46 =	vld [tilespmem:$0x1F880]  }
0x39d: {  	[tilespmem:$0x1FE30] =	vst v47;
	v47 =	vld [tilespmem:$0x1F890]  }
0x39e: {  	v8 =	vadd.f32 v55, v8;
	v55 =	vld [tilespmem:$0x1F8A0]  }
0x39f: {  	v21 =	vadd.f32 v42, v21;
	v42 =	vld [tilespmem:$0x1FD70]  }
0x3a0: {  	v4 =	vadd.f32 v51, v4;
	v51 =	vld [tilespmem:$0x11260]  }
0x3a1: {  	[tilespmem:$0x1FE40] =	vst v26;
	v26 =	vld [tilespmem:$0x11440]  }
0x3a2: {  	v21 =	vadd.f32 v45, v21;
	v45 =	vld [tilespmem:$0x10760]  }
0x3a3: {  	v6 =	vadd.f32 v30, v6;
	v30 =	vld [tilespmem:$0x1F8C0]  }
0x3a4: {  	[tilespmem:$0x1FE50] =	vst v44;
	v44 =	vld [tilespmem:$0x11620]  }
0x3a5: {  	v7 =	vadd.f32 v41, v7;
	v41 =	vld [tilespmem:$0x1F8D0]  }
0x3a6: {  	v4 =	vadd.f32 v46, v4;
	v46 =	vld [tilespmem:$0x1F8E0]  }
0x3a7: {  	v8 =	vadd.f32 v47, v8;
	v47 =	vld [tilespmem:$0x1F8F0]  }
0x3a8: {  	v6 =	vadd.f32 v55, v6;
	v55 =	vld [tilespmem:$0x11800]  }
0x3a9: {  	[tilespmem:$0x1FE60] =	vst v51;
	v51 =	vld [tilespmem:$0x1F900]  }
0x3aa: {  	[tilespmem:$0x1FF80] =	vst v6;
	v6 =	vadd.f32 v9, v7;
	v9 =	vld [tilespmem:$0x1F910]  }
0x3ab: {  	[tilespmem:$0x1FE70] =	vst v26;
	v26 =	vld [tilespmem:$0x1F920]  }
0x3ac: {  	v4 =	vadd.f32 v30, v4;
	v30 =	vld [tilespmem:$0x1F930]  }
0x3ad: {  	[tilespmem:$0x1FE80] =	vst v44;
	v44 =	vld [tilespmem:$0x1F940]  }
0x3ae: {  	v6 =	vadd.f32 v46, v6;
	v46 =	vld [tilespmem:$0x1F950]  }
0x3af: {  	[tilespmem:$0x1FF90] =	vst v4;
	v4 =	vadd.f32 v41, v8;
	v41 =	vld [tilespmem:$0x119E0]  }
0x3b0: {  	[tilespmem:$0x1FE90] =	vst v55;
	v55 =	vld [tilespmem:$0x1F970]  }
0x3b1: {  	v8 =	vld [tilespmem:$0x1FAB0]  }
0x3b2: {  	[tilespmem:$0x1FFA0] =	vst v6;
	v6 =	vadd.f32 v51, v47;
	v47 =	vld [tilespmem:$0x1F960]  }
0x3b3: {  	v51 =	vld [tilespmem:$0x11BC0]  }
0x3b4: {  	v4 =	vadd.f32 v9, v4;
	v9 =	vld [tilespmem:$0x1FA00]  }
0x3b5: {  	v1 =	vadd.f32 v0, v1;
	v6 =	vadd.f32 v44, v6;
	v44 =	vld [tilespmem:$0x1F9A0]  }
0x3b6: {  	[tilespmem:$0x1FFB0] =	vst v4;
	v4 =	vadd.f32 v30, v26;
	v26 =	vld [tilespmem:$0x11DA0]  }
0x3b7: {  	v1 =	vadd.f32 v3, v1;
	v30 =	vld [tilespmem:$0x1F980]  }
0x3b8: {  	[tilespmem:$0x1FEA0] =	vst v41;
	v41 =	vld [tilespmem:$0x1F990]  }
0x3b9: {  	v1 =	vadd.f32 v8, v1;
	v8 =	vld [tilespmem:$0x1FB70]  }
0x3ba: {  	v7 =	vadd.f32 v47, v46;
	v46 =	vld [tilespmem:$0x1F9B0]  }
0x3bb: {  	v47 =	vld [tilespmem:$0x1F9C0]  }
0x3bc: {  	[tilespmem:$0x1FEB0] =	vst v51;
	v51 =	vld [tilespmem:$0x1F9D0]  }
0x3bd: {  	v4 =	vadd.f32 v55, v4;
	v55 =	vld [tilespmem:$0x1F9E0]  }
0x3be: {  	v1 =	vadd.f32 v12, v1;
	v12 =	vld [tilespmem:$0x1FAE0]  }
0x3bf: {  	v7 =	vadd.f32 v34, v7;
	v34 =	vld [tilespmem:$0x10370]  }
0x3c0: {  	[tilespmem:$0x1FEC0] =	vst v26;
	v26 =	vld [tilespmem:$0x10550]  }
0x3c1: {  	v6 =	vadd.f32 v30, v6;
	v30 =	vld [tilespmem:$0x10730]  }
0x3c2: {  	v1 =	vadd.f32 v15, v1;
	v15 =	vld [tilespmem:$0x1FAF0]  }
0x3c3: {  	v4 =	vadd.f32 v41, v4;
	v41 =	vld [tilespmem:$0x10CD0]  }
0x3c4: {  	v5 =	vadd.f32 v44, v6;
	v44 =	vld [tilespmem:$0x1FA20]  }
0x3c5: {  	v6 =	vadd.f32 v46, v7;
	v46 =	vld [tilespmem:$0x1FA30]  }
0x3c6: {  	v7 =	vld [tilespmem:$0x1FAA0]  }
0x3c7: {  	v4 =	vadd.f32 v47, v4;
	v47 =	vld [tilespmem:$0x1FA40]  }
0x3c8: {  	v6 =	vadd.f32 v39, v6;
	v39 =	vld [tilespmem:$0x10AF0]  }
0x3c9: {  	v5 =	vadd.f32 v51, v5;
	v51 =	vld [tilespmem:$0x1FA50]  }
0x3ca: {  	v4 =	vadd.f32 v55, v4;
	v55 =	vld [tilespmem:$0x1FA70]  }
0x3cb: {  	v6 =	vadd.f32 v43, v6;
	v43 =	vld [tilespmem:$0x10EB0]  }
0x3cc: {  	v5 =	vadd.f32 v59, v5;
	v59 =	vld [tilespmem:$0x1FA80]  }
0x3cd: {  	v4 =	vadd.f32 v9, v4;
	v9 =	vld [tilespmem:$0x1FAC0]  }
0x3ce: {  	v2 =	vadd.f32 v10, v5;
	v5 =	vadd.f32 v44, v6;
	v44 =	vld [tilespmem:$0x11090]  }
0x3cf: {  	v6 =	vld [tilespmem:$0x1FA90]  }
0x3d0: {  	v10 =	vld [tilespmem:$0x1FAD0]  }
0x3d1: {  	v4 =	vadd.f32 v46, v4;
	v46 =	vld [tilespmem:$0x11270]  }
0x3d2: {  	v2 =	vadd.f32 v47, v2;
	v47 =	vld [tilespmem:$0x11450]  }
0x3d3: {  	v5 =	vadd.f32 v48, v5;
	v48 =	vld [tilespmem:$0x11630]  }
0x3d4: {  	v4 =	vadd.f32 v51, v4;
	v51 =	vld [tilespmem:$0x11810]  }
0x3d5: {  	v2 =	vadd.f32 v52, v2;
	v52 =	vld [tilespmem:$0x11BD0]  }
0x3d6: {  	v5 =	vadd.f32 v55, v5;
	v55 =	vld [tilespmem:$0x11DB0]  }
0x3d7: {  	v4 =	vadd.f32 v59, v4;
	v59 =	vld [tilespmem:$0x119F0]  }
0x3d8: {  	v2 =	vadd.f32 v6, v2;
	v3 =	vadd.f32 v7, v5;
	v5 =	vld [tilespmem:$0x1FB10]  }
0x3d9: {  	v6 =	vld [tilespmem:$0x1FB20];
	v4 =	vadd.f32 v63, v4  }
0x3da: {  	v63 =	vld [tilespmem:$0x11F90];
	v2 =	vadd.f32 v9, v2  }
0x3db: {  	v3 =	vadd.f32 v10, v3;
	v4 =	vadd.f32 v13, v4;
	v13 =	vld [tilespmem:$0x10380]  }
0x3dc: {  	v9 =	vadd.f32 v11, v1;
	v2 =	vadd.f32 v12, v2;
	v12 =	vld [tilespmem:$0x10560]  }
0x3dd: {  	v3 =	vadd.f32 v14, v3;
	v14 =	vld [tilespmem:$0x10740]  }
0x3de: {  	v9 =	vadd.f32 v18, v9;
	v18 =	vld [tilespmem:$0x10EC0]  }
0x3df: {  	v4 =	vadd.f32 v17, v4;
	v17 =	vld [tilespmem:$0x1FB00]  }
0x3e0: {  	v2 =	vadd.f32 v15, v2;
	v15 =	vld [tilespmem:$0x10920]  }
0x3e1: {  	v4 =	vadd.f32 v16, v4;
	v16 =	vld [tilespmem:$0x10B00]  }
0x3e2: {  	v10 =	vadd.f32 v5, v2;
	v2 =	vld [tilespmem:$0x110B0]  }
0x3e3: {  	v5 =	vadd.f32 v28, v4;
	v28 =	vadd.f32 v20, v9;
	v20 =	vld [tilespmem:$0x11280]  }
0x3e4: {  	v4 =	vld [tilespmem:$0x1FB40]  }
0x3e5: {  	v9 =	vld [tilespmem:$0x1FB80]  }
0x3e6: {  	v3 =	vadd.f32 v17, v3;
	v17 =	vld [tilespmem:$0x10CE0]  }
0x3e7: {  	v12 =	vadd.f32 v12, v13;
	v0 =	vadd.f32 v23, v5;
	v5 =	vld [tilespmem:$0x1FB50]  }
0x3e8: {  	v23 =	vld [tilespmem:$0x11460]  }
0x3e9: {  	v12 =	vadd.f32 v14, v12;
	v14 =	vld [tilespmem:$0x11DE0]  }
0x3ea: {  	v7 =	vadd.f32 v6, v3;
	v6 =	vld [tilespmem:$0x1FB30]  }
0x3eb: {  	v3 =	vld [tilespmem:$0x11470]  }
0x3ec: {  	[tilespmem:$0x1FFD0] =	vst v0;
	v0 =	vadd.f32 v24, v28;
	v24 =	vld [tilespmem:$0x11640]  }
0x3ed: {  	v28 =	vld [tilespmem:$0x1FBA0]  }
0x3ee: {  	v15 =	vadd.f32 v15, v12;
	v12 =	vld [tilespmem:$0x11C00]  }
0x3ef: {  	v7 =	vadd.f32 v19, v7;
	v19 =	vld [tilespmem:$0x110A0]  }
0x3f0: {  	[tilespmem:$0x1FFF0] =	vst v0;
	v0 =	vadd.f32 v9, v8;
	v8 =	vld [tilespmem:$0x1FBF0]  }
0x3f1: {  	v9 =	vld [tilespmem:$0x1FC00]  }
0x3f2: {  	v15 =	vadd.f32 v16, v15;
	v1 =	vadd.f32 v6, v10;
	v6 =	vld [tilespmem:$0x1FB60]  }
0x3f3: {  	v10 =	vld [tilespmem:$0x1FB90]  }
0x3f4: {  	v15 =	vadd.f32 v17, v15;
	v17 =	vld [tilespmem:$0x10590]  }
0x3f5: {  	v0 =	vadd.f32 v28, v0;
	v28 =	vld [tilespmem:$0x11A00]  }
0x3f6: {  	[tilespmem:$0x1FFC0] =	vst v1;
	v1 =	vadd.f32 v4, v7;
	v4 =	vld [tilespmem:$0x1FBB0]  }
0x3f7: {  	v15 =	vadd.f32 v18, v15;
	v18 =	vld [tilespmem:$0x10950]  }
0x3f8: {  	[tilespmem:$0x1FFE0] =	vst v1;
	v1 =	vld [tilespmem:$0x10CF0]  }
0x3f9: {  	v7 =	vadd.f32 v6, v5;
	v5 =	vld [tilespmem:$0x1FBC0]  }
0x3fa: {  	v15 =	vadd.f32 v19, v15;
	v19 =	vld [tilespmem:$0x10D10]  }
0x3fb: {  	v11 =	vadd.f32 v10, v7;
	v7 =	vld [tilespmem:$0x1FBE0]  }
0x3fc: {  	v6 =	vld [tilespmem:$0x1FBD0]  }
0x3fd: {  	v15 =	vadd.f32 v20, v15;
	v20 =	vld [tilespmem:$0x110D0]  }
0x3fe: {  	v10 =	vld [tilespmem:$0x1FC10];
	v0 =	vadd.f32 v5, v0  }
0x3ff: {  	v15 =	vadd.f32 v23, v15;
	v23 =	vld [tilespmem:$0x11490];
	v11 =	vadd.f32 v4, v11  }
0x400: {  	v4 =	vld [tilespmem:$0x1FC40];
	v0 =	vadd.f32 v7, v0  }
0x401: {  	v5 =	vld [tilespmem:$0x1FC50];
	v11 =	vadd.f32 v6, v11  }
0x402: {  	v7 =	vld [tilespmem:$0x1FC70];
	v0 =	vadd.f32 v9, v0  }
0x403: {  	v11 =	vadd.f32 v8, v11;
	v8 =	vld [tilespmem:$0x1FC80]  }
0x404: {  	v6 =	vld [tilespmem:$0x1FC60];
	v0 =	vadd.f32 v27, v0  }
0x405: {  	v11 =	vadd.f32 v10, v11;
	v10 =	vld [tilespmem:$0x1FCA0]  }
0x406: {  	v50 =	vadd.f32 v4, v50;
	v9 =	vld [tilespmem:$0x1FC90];
	v0 =	vadd.f32 v5, v0  }
0x407: {  	v15 =	vadd.f32 v24, v15;
	v24 =	vld [tilespmem:$0x11850];
	v11 =	vadd.f32 v29, v11  }
0x408: {  	v50 =	vadd.f32 v7, v50;
	v0 =	vadd.f32 v8, v0;
	v8 =	vld [tilespmem:$0x1FCD0]  }
0x409: {  	v15 =	vadd.f32 v38, v15;
	v38 =	vld [tilespmem:$0x11690];
	v11 =	vadd.f32 v6, v11  }
0x40a: {  	v50 =	vadd.f32 v10, v50;
	v10 =	vld [tilespmem:$0x1FCF0]  }
0x40b: {  	v11 =	vadd.f32 v9, v11;
	v9 =	vld [tilespmem:$0x1FCE0]  }
0x40c: {  	v4 =	vld [tilespmem:$0x11830]  }
0x40d: {  	v11 =	vadd.f32 v33, v11;
	v50 =	vadd.f32 v8, v50;
	v8 =	vld [tilespmem:$0x1FD10]  }
0x40e: {  	v15 =	vadd.f32 v28, v15;
	v28 =	vld [tilespmem:$0x11FD0];
	v0 =	vadd.f32 v32, v0  }
0x40f: {  	v11 =	vadd.f32 v10, v11;
	v10 =	vld [tilespmem:$0x1FD30]  }
0x410: {  	v0 =	vadd.f32 v9, v0;
	v9 =	vld [tilespmem:$0x1FD20]  }
0x411: {  	v27 =	vld [tilespmem:$0x10B10];
	v15 =	vadd.f32 v62, v15  }
0x412: {  	v62 =	vld [tilespmem:$0x1FEE0];
	v50 =	vadd.f32 v36, v50;
	v0 =	vadd.f32 v8, v0  }
0x413: {  	v29 =	vld [tilespmem:$0x10ED0]  }
0x414: {  	v50 =	vadd.f32 v10, v50;
	v10 =	vld [tilespmem:$0x1FD60];
	v0 =	vadd.f32 v40, v0  }
0x415: {  	v11 =	vadd.f32 v9, v11;
	v9 =	vld [tilespmem:$0x1FD50]  }
0x416: {  	v0 =	vadd.f32 v42, v0;
	v42 =	vld [tilespmem:$0x1FDA0]  }
0x417: {  	v7 =	vld [tilespmem:$0x10940]  }
0x418: {  	v5 =	vld [tilespmem:$0x10580]  }
0x419: {  	v50 =	vadd.f32 v10, v50;
	v10 =	vld [tilespmem:$0x1FD90]  }
0x41a: {  	v11 =	vadd.f32 v9, v11;
	v9 =	vld [tilespmem:$0x1FD80]  }
0x41b: {  	v0 =	vadd.f32 v42, v0;
	v42 =	vadd.f32 v49, v21;
	v21 =	vld [tilespmem:$0x1FDB0]  }
0x41c: {  	v49 =	vld [tilespmem:$0x1FDC0]  }
0x41d: {  	v15 =	vadd.f32 v61, v15;
	v61 =	vld [tilespmem:$0x10B40]  }
0x41e: {  	v6 =	vld [tilespmem:$0x11BF0]  }
0x41f: {  	v40 =	vld [tilespmem:$0x103A0];
	v50 =	vadd.f32 v10, v50;
	v11 =	vadd.f32 v9, v11  }
0x420: {  	v15 =	vadd.f32 v35, v15;
	v35 =	vld [tilespmem:$0x11680]  }
0x421: {  	v21 =	vadd.f32 v21, v11;
	v11 =	vadd.f32 v49, v50;
	v49 =	vld [tilespmem:$0x1FDD0]  }
0x422: {  	v50 =	vld [tilespmem:$0x1FDE0]  }
0x423: {  	[tilespmem:$0x12000] =	vst v62;
	v62 =	vld [tilespmem:$0x112D0]  }
0x424: {  	v32 =	vld [tilespmem:$0x11650];
	v5 =	vadd.f32 v5, v40  }
0x425: {  	v33 =	vld [tilespmem:$0x11A10]  }
0x426: {  	v5 =	vadd.f32 v45, v5;
	v9 =	vld [tilespmem:$0x10B20]  }
0x427: {  	v49 =	vadd.f32 v49, v0;
	v0 =	vadd.f32 v50, v42;
	v50 =	vld [tilespmem:$0x1FDF0]  }
0x428: {  	v36 =	vld [tilespmem:$0x11DD0]  }
0x429: {  	v10 =	vld [tilespmem:$0x10D00];
	v5 =	vadd.f32 v7, v5  }
0x42a: {  	v8 =	vld [tilespmem:$0x11FB0]  }
0x42b: {  	v5 =	vadd.f32 v9, v5;
	v42 =	vld [tilespmem:$0x10EE0]  }
0x42c: {  	v50 =	vadd.f32 v50, v11;
	v11 =	vadd.f32 v53, v58;
	v58 =	vld [tilespmem:$0x1FE00]  }
0x42d: {  	v40 =	vld [tilespmem:$0x10B50]  }
0x42e: {  	v45 =	vld [tilespmem:$0x10D30];
	v5 =	vadd.f32 v10, v5  }
0x42f: {  	v53 =	vld [tilespmem:$0x110C0]  }
0x430: {  	v5 =	vadd.f32 v42, v5;
	v42 =	vld [tilespmem:$0x11870]  }
0x431: {  	v58 =	vadd.f32 v58, v0;
	v0 =	vadd.f32 v26, v34;
	v26 =	vld [tilespmem:$0x112A0]  }
0x432: {  	v34 =	vadd.f32 v56, v11;
	v11 =	vld [tilespmem:$0x11480]  }
0x433: {  	v56 =	vadd.f32 v57, v22;
	v22 =	vld [tilespmem:$0x11660]  }
0x434: {  	v57 =	vld [tilespmem:$0x1FE10]  }
0x435: {  	v5 =	vadd.f32 v53, v5;
	v53 =	vld [tilespmem:$0x11C30];
	v13 =	vadd.f32 v30, v0  }
0x436: {  	v0 =	vld [tilespmem:$0x11840]  }
0x437: {  	v13 =	vadd.f32 v37, v13;
	v37 =	vadd.f32 v25, v56;
	v25 =	vld [tilespmem:$0x11A20]  }
0x438: {  	v56 =	vld [tilespmem:$0x1FE20]  }
0x439: {  	v34 =	vadd.f32 v57, v34;
	v57 =	vadd.f32 v39, v13;
	v13 =	vld [tilespmem:$0x11FC0]  }
0x43a: {  	v54 =	vadd.f32 v54, v37;
	v37 =	vld [tilespmem:$0x11C10]  }
0x43b: {  	v39 =	vld [tilespmem:$0x1FFB0]  }
0x43c: {  	v57 =	vadd.f32 v41, v57;
	v41 =	vld [tilespmem:$0x1FE40]  }
0x43d: {  	v27 =	vadd.f32 v27, v54;
	v54 =	vld [tilespmem:$0x1FE70]  }
0x43e: {  	v30 =	vadd.f32 v56, v34;
	v56 =	vld [tilespmem:$0x1FE30]  }
0x43f: {  	v34 =	vld [tilespmem:$0x103B0]  }
0x440: {  	v1 =	vadd.f32 v1, v27;
	v27 =	vld [tilespmem:$0x10770]  }
0x441: {  	v16 =	vadd.f32 v43, v57;
	v43 =	vld [tilespmem:$0x1FE50]  }
0x442: {  	v57 =	vld [tilespmem:$0x1FE90]  }
0x443: {  	v1 =	vadd.f32 v29, v1;
	v29 =	vld [tilespmem:$0x10B30]  }
0x444: {  	v16 =	vadd.f32 v44, v16;
	v44 =	vld [tilespmem:$0x1FE60]  }
0x445: {  	v1 =	vadd.f32 v2, v1;
	v2 =	vld [tilespmem:$0x10EF0]  }
0x446: {  	v30 =	vadd.f32 v56, v30;
	v56 =	vld [tilespmem:$0x1FE80]  }
0x447: {  	v16 =	vadd.f32 v46, v16;
	v46 =	vld [tilespmem:$0x1FEC0]  }
0x448: {  	v1 =	vadd.f32 v31, v1;
	v31 =	vld [tilespmem:$0x112B0]  }
0x449: {  	v30 =	vadd.f32 v41, v30;
	v41 =	vld [tilespmem:$0x1FEA0]  }
0x44a: {  	v16 =	vadd.f32 v47, v16;
	v47 =	vld [tilespmem:$0x105A0]  }
0x44b: {  	v1 =	vadd.f32 v3, v1;
	v3 =	vld [tilespmem:$0x11670]  }
0x44c: {  	v30 =	vadd.f32 v43, v30;
	v43 =	vld [tilespmem:$0x1FEB0]  }
0x44d: {  	v5 =	vadd.f32 v26, v5;
	v16 =	vadd.f32 v48, v16;
	v48 =	vld [tilespmem:$0x103D0]  }
0x44e: {  	v1 =	vadd.f32 v32, v1;
	v32 =	vld [tilespmem:$0x11A30]  }
0x44f: {  	v5 =	vadd.f32 v11, v5;
	v30 =	vadd.f32 v44, v30;
	v44 =	vld [tilespmem:$0x103C0]  }
0x450: {  	v16 =	vadd.f32 v51, v16;
	v51 =	vld [tilespmem:$0x1FED0]  }
0x451: {  	v5 =	vadd.f32 v22, v5;
	v1 =	vadd.f32 v4, v1;
	v4 =	vld [tilespmem:$0x11DF0]  }
0x452: {  	v30 =	vadd.f32 v54, v30;
	v16 =	vadd.f32 v59, v16;
	v54 =	vld [tilespmem:$0x10780]  }
0x453: {  	v59 =	vld [tilespmem:$0x10970]  }
0x454: {  	v0 =	vadd.f32 v0, v5;
	v16 =	vadd.f32 v52, v16;
	v52 =	vld [tilespmem:$0x105B0]  }
0x455: {  	v30 =	vadd.f32 v56, v30;
	v56 =	vadd.f32 v17, v34;
	v34 =	vld [tilespmem:$0x1FF90]  }
0x456: {  	v1 =	vadd.f32 v33, v1;
	v33 =	vadd.f32 v47, v44;
	v44 =	vld [tilespmem:$0x1FF00]  }
0x457: {  	v0 =	vadd.f32 v25, v0;
	v47 =	vld [tilespmem:$0x10F00]  }
0x458: {  	v30 =	vadd.f32 v57, v30;
	v16 =	vadd.f32 v55, v16;
	v55 =	vld [tilespmem:$0x10790]  }
0x459: {  	v0 =	vadd.f32 v12, v0;
	v57 =	vld [tilespmem:$0x10960]  }
0x45a: {  	v1 =	vadd.f32 v6, v1;
	v30 =	vadd.f32 v41, v30;
	v41 =	vld [tilespmem:$0x1FEF0]  }
0x45b: {  	v16 =	vadd.f32 v63, v16;
	v63 =	vadd.f32 v54, v33;
	v54 =	vld [tilespmem:$0x110E0]  }
0x45c: {  	v33 =	vld [tilespmem:$0x114B0]  }
0x45d: {  	v0 =	vadd.f32 v14, v0;
	v1 =	vadd.f32 v36, v1;
	v36 =	vld [tilespmem:$0x1FFA0]  }
0x45e: {  	v6 =	vadd.f32 v52, v48;
	v48 =	vld [tilespmem:$0x1FF20]  }
0x45f: {  	v0 =	vadd.f32 v13, v0;
	v52 =	vld [tilespmem:$0x1FF30];
	v30 =	vadd.f32 v43, v30  }
0x460: {  	v1 =	vadd.f32 v8, v1;
	v8 =	vadd.f32 v27, v56;
	v43 =	vld [tilespmem:$0x10D20]  }
0x461: {  	[tilespmem:$0x12180] =	vst v15;
	v56 =	vld [tilespmem:$0x110F0];
	v6 =	vadd.f32 v55, v6;
	v7 =	vadd.f32 v57, v63  }
0x462: {  	[tilespmem:$0x12120] =	vst v21;
	v27 =	vld [tilespmem:$0x114A0];
	v30 =	vadd.f32 v46, v30;
	v8 =	vadd.f32 v18, v8  }
0x463: {  	[tilespmem:$0x12130] =	vst v49;
	v55 =	vld [tilespmem:$0x1FF40];
	v6 =	vadd.f32 v59, v6;
	v7 =	vadd.f32 v61, v7  }
0x464: {  	[tilespmem:$0x12140] =	vst v50;
	v30 =	vadd.f32 v51, v30;
	v8 =	vadd.f32 v29, v8;
	v51 =	vld [tilespmem:$0x10F10]  }
0x465: {  	[tilespmem:$0x12150] =	vst v58;
	v57 =	vld [tilespmem:$0x1FF50];
	v6 =	vadd.f32 v40, v6;
	v7 =	vadd.f32 v43, v7  }
0x466: {  	[tilespmem:$0x120D0] =	vst v39;
	v59 =	vld [tilespmem:$0x112C0];
	v8 =	vadd.f32 v19, v8  }
0x467: {  	[tilespmem:$0x121A0] =	vst v0;
	v63 =	vld [tilespmem:$0x1FF70];
	v6 =	vadd.f32 v45, v6;
	v7 =	vadd.f32 v47, v7  }
0x468: {  	[tilespmem:$0x120B0] =	vst v34;
	v46 =	vld [tilespmem:$0x1FF10];
	v2 =	vadd.f32 v2, v8  }
0x469: {  	[tilespmem:$0x12020] =	vst v44;
	v61 =	vld [tilespmem:$0x1FF60];
	v6 =	vadd.f32 v51, v6;
	v7 =	vadd.f32 v54, v7  }
0x46a: {  	[tilespmem:$0x12010] =	vst v41;
	v41 =	vld [tilespmem:$0x1FFC0];
	v2 =	vadd.f32 v20, v2  }
0x46b: {  	[tilespmem:$0x12170] =	vst v16;
	v29 =	vld [tilespmem:$0x1FF80];
	v6 =	vadd.f32 v56, v6;
	v7 =	vadd.f32 v59, v7  }
0x46c: {  	[tilespmem:$0x12190] =	vst v1;
	v40 =	vld [tilespmem:$0x11860];
	v2 =	vadd.f32 v31, v2  }
0x46d: {  	[tilespmem:$0x12040] =	vst v48;
	v48 =	vld [tilespmem:$0x11A50];
	v6 =	vadd.f32 v62, v6;
	v7 =	vadd.f32 v27, v7  }
0x46e: {  	[tilespmem:$0x120C0] =	vst v36;
	v45 =	vld [tilespmem:$0x11A40];
	v2 =	vadd.f32 v23, v2  }
0x46f: {  	[tilespmem:$0x12050] =	vst v52;
	v52 =	vld [tilespmem:$0x11C20];
	v44 =	vadd.f32 v33, v6;
	v47 =	vadd.f32 v35, v7  }
0x470: {  	v43 =	vld [tilespmem:$0x1FFD0];
	[tilespmem:$0x12060] =	vst v55;
	v2 =	vadd.f32 v3, v2  }
0x471: {  	[tilespmem:$0x12070] =	vst v57;
	v55 =	vld [tilespmem:$0x11E10];
	v3 =	vadd.f32 v38, v44;
	v5 =	vadd.f32 v40, v47  }
0x472: {  	[tilespmem:$0x12090] =	vst v63;
	v54 =	vld [tilespmem:$0x11E00];
	v2 =	vadd.f32 v24, v2  }
0x473: {  	[tilespmem:$0x12030] =	vst v46;
	v46 =	vld [tilespmem:$0x1FFE0];
	v3 =	vadd.f32 v42, v3;
	v5 =	vadd.f32 v45, v5  }
0x474: {  	[tilespmem:$0x12160] =	vst v30;
	v56 =	vld [tilespmem:$0x11FE0];
	v2 =	vadd.f32 v32, v2  }
0x475: {  	[tilespmem:$0x12080] =	vst v61;
	v51 =	vld [tilespmem:$0x1FFF0];
	v3 =	vadd.f32 v48, v3;
	v5 =	vadd.f32 v52, v5  }
0x476: {  	v57 =	vld [tilespmem:$0x11FF0];
	[tilespmem:$0x120E0] =	vst v41;
	v2 =	vadd.f32 v37, v2  }
0x477: {  	[tilespmem:$0x120A0] =	vst v29;
	v3 =	vadd.f32 v53, v3;
	v58 =	vadd.f32 v54, v5  }
0x478: {  	[tilespmem:$0x120F0] =	vst v43;
	v2 =	vadd.f32 v4, v2  }
0x479: {  	[tilespmem:$0x12100] =	vst v46;
	v61 =	vadd.f32 v55, v3;
	v62 =	vadd.f32 v56, v58  }
0x47a: {  	[tilespmem:$0x12110] =	vst v51;
	v59 =	vadd.f32 v28, v2  }
0x47b: {  	v63 =	vadd.f32 v57, v61;
	[tilespmem:$0x121C0] =	vst v62  }
0x47c: {  	[tilespmem:$0x121B0] =	vst v59  }
.Ltmp7:
0x47d: {  	[tilespmem:$0x121D0] =	vst v63;
	(pc) =	sbr.rel .LBB2_10-.Ltmp7, $4  }
0x47e: {  	[hbm4b:s11+s21] =	stream.strided.scatter [tilespmem:s23], [sflag:$0x3], $0x200, s22, s21, $0x38;
	[tilespmem:$0x123E0] =	vst v63  }
0x47f: {  	_ =	swait.ge [sflag:s19], $0x200  }
0x480: {  	[sflag:s19] =	ssyncset.done $0x0  }
0x481: {  	[sflag:s19] =	ssyncadd.s32 $0xFFFFFE00  }
.LBB2_11:
0x482: {  	_ =	sfence.sel $0x180000  }
0x483: {  	[bflag:$0x0] =	sbarrier.arrive $0xFFFF  }
0x484: {  	_ =	strace $0x90000047  }
0x485: {  	[bflag:$0x2] =	sbarrier.arrive $0xFFFF  }
0x486: {  	s0 =	rddreg [dreg:$0x4]  }
0x487: {  	s0 =	sadd.s32 @!p0 $0x100000, s0  }
0x488: {  	[sflag:s0] =	ssyncadd.tile.s32 @!p0 $0x1;
	_ =	shalt  }
.Lfunc_end2:
_tile_overlayer_lowered:
.L_overlay_start_2:
0x489: {  	(tag) =	ssettag $0x2  }
0x48a: {  	s0 =	rddreg [dreg:$0x0];
	s2 =	stileid.u32  }
0x48b: {  	s1 =	rddreg [dreg:$0x1];
	p0 =	sne.s32 s2, $0x0  }
0x48c: {  	s3 =	rddreg [dreg:$0x2];
	[bflag:$0x3] =	sbarrier.arrive $0xFFFF;
	s2 =	simm.s32 @!p0 $0x1C03  }
0x48d: {  	[timem:s3], [sflag:s2] =	dma.local @!p0 [hbm:s0], s1  }
0x48e: {  	s0 =	simm.s32 @!p0 $0x3  }
0x48f: {  	_ =	swait.ge @!p0 [sflag:s0], s1  }
0x490: {  	s1 =	ssub.s32 @!p0 $0x0, s1;
	[sflag:s0] =	ssyncset.done @!p0 $0x0  }
0x491: {  	[sflag:s0] =	ssyncadd.s32 @!p0 s1  }
0x492: {  	[bflag:$0x3] =	sbarrier.arrive $0xFFFF  }
0x493: {  	_ =	shalt  }

</sc_bundles>
